<compile_context>
chip_gen: v7x
topology: tpu7x:2x2x1
jax: 0.10.2.dev20260603
libtpu: 0.0.44.dev20260713+nightly
codegen_flags: <defaults>
</compile_context>

<pallas_src>
import functools

import jax
import jax.numpy as jnp
from jax import lax
from jax.experimental import pallas as pl
from jax.experimental.pallas import tpu as pltpu
from jax.experimental.pallas import tpu_sc as plsc

NC = 2
NS = 16
NW = NC * NS
L = 16
D = 128
B = 128

BITREV = [0, 8, 4, 12, 2, 10, 6, 14, 1, 9, 5, 13, 3, 11, 7, 15]


def _make_sc_call(ept, n_chunks):
    mesh = plsc.VectorSubcoreMesh(core_axis_name="c", subcore_axis_name="s")

    @functools.partial(
        pl.kernel,
        mesh=mesh,
        compiler_params=pltpu.CompilerParams(needs_layout_passes=False,
                                             disable_bounds_checks=True,
                                             use_tc_tiling_on_sc=False),
        out_type=jax.ShapeDtypeStruct((NW * ept,), jnp.float32),
        scratch_types=[
            pltpu.VMEM((ept,), jnp.int32),
            pltpu.VMEM((ept,), jnp.int32),
            pltpu.VMEM((B, D // 2), jnp.int32),
            pltpu.VMEM((B, D // 2), jnp.int32),
            pltpu.VMEM((B, D // 2), jnp.int32),
            pltpu.VMEM((B, D // 2), jnp.int32),
            pltpu.VMEM((ept,), jnp.float32),
            pltpu.SemaphoreType.DMA,
            pltpu.SemaphoreType.DMA,
            pltpu.SemaphoreType.DMA,
            pltpu.SemaphoreType.DMA,
        ],
    )
    def sc_kernel(team_hbm, expert_hbm, tidx_hbm, eidx_hbm, out_hbm,
                  tidx_v, eidx_v, rows_t0, rows_e0, rows_t1, rows_e1,
                  out_v, sem0, sem1, sem2, sem3):
        wid = lax.axis_index("s") * NC + lax.axis_index("c")
        base = wid * ept
        pltpu.sync_copy(tidx_hbm.at[pl.ds(base, ept)], tidx_v)
        pltpu.sync_copy(eidx_hbm.at[pl.ds(base, ept)], eidx_v)

        lanes = lax.iota(jnp.int32, L)
        perm_idx = {}
        half_mask = {}
        g = L
        while g > 1:
            perm_idx[g] = (lanes & ~(g - 1)) | ((lanes + g // 2) & (g - 1))
            half_mask[g] = (lanes & (g // 2)) == 0
            g //= 2

        def lane_perm(v, idx):
            return jnp.take_along_axis(v, idx, axis=0,
                                       mode="promise_in_bounds")

        def compute_chunk(g, rows_t, rows_e):
            off = g * B

            def group_body(grp, _):
                regs = []
                for j in BITREV:
                    e = grp * L + j
                    prods = []
                    for k in range(D // (2 * L)):
                        tk = plsc.bitcast(rows_t[e, pl.ds(k * L, L)],
                                          jnp.bfloat16)
                        ek = plsc.bitcast(rows_e[e, pl.ds(k * L, L)],
                                          jnp.bfloat16)
                        ta, tb = plsc.unpack(
                            tk, format=plsc.PackFormat.INTERLEAVED)
                        ea, eb = plsc.unpack(
                            ek, format=plsc.PackFormat.INTERLEAVED)
                        prods.append(ta * ea)
                        prods.append(tb * eb)
                    while len(prods) > 1:
                        prods = [a + b for a, b in
                                 zip(prods[::2], prods[1::2])]
                    regs.append(prods[0])
                gg = L
                while len(regs) > 1:
                    nregs = []
                    for i in range(0, len(regs), 2):
                        ru = regs[i] + lane_perm(regs[i], perm_idx[gg])
                        rv = regs[i + 1] + lane_perm(regs[i + 1],
                                                     perm_idx[gg])
                        nregs.append(jnp.where(half_mask[gg], ru, rv))
                    regs = nregs
                    gg //= 2
                out_v[pl.ds(off + grp * L, L)] = regs[0]
                return 0

            lax.fori_loop(0, B // L, group_body, 0)

        bufs = ((rows_t0, rows_e0, sem0), (rows_t1, rows_e1, sem1))

        def start_chunk(off, rt, re, st, se):
            pltpu.async_copy(team_hbm.at[tidx_v.at[pl.ds(off, B)]], rt, st)
            pltpu.async_copy(expert_hbm.at[eidx_v.at[pl.ds(off, B)]], re, se)

        def wait_chunk(off, rt, re, st, se):
            pltpu.make_async_copy(team_hbm.at[tidx_v.at[pl.ds(off, B)]],
                                  rt, st).wait()
            pltpu.make_async_copy(expert_hbm.at[eidx_v.at[pl.ds(off, B)]],
                                  re, se).wait()

        start_chunk(0, rows_t0, rows_e0, sem0, sem1)

        def chunk_body(g, _):
            off = g * B
            noff = jnp.minimum(off + B, (n_chunks - 1) * B)
            rt0, re0, st0, se0 = rows_t0, rows_e0, sem0, sem1
            rt1, re1, st1, se1 = rows_t1, rows_e1, sem2, sem3
            is_even = g % 2 == 0

            @pl.when(is_even)
            def _():
                wait_chunk(off, rt0, re0, st0, se0)
                start_chunk(noff, rt1, re1, st1, se1)
                compute_chunk(g, rt0, re0)

            @pl.when(jnp.logical_not(is_even))
            def _():
                wait_chunk(off, rt1, re1, st1, se1)
                start_chunk(noff, rt0, re0, st0, se0)
                compute_chunk(g, rt1, re1)

            return 0

        lax.fori_loop(0, n_chunks, chunk_body, 0)
        pltpu.sync_copy(out_v, out_hbm.at[pl.ds(base, ept)])

    return sc_kernel


def kernel(x_expert, x_team, edge_label_index_team_experts):
    n_edges = edge_label_index_team_experts.shape[1]
    grain = NW * B
    n_pad = (n_edges + grain - 1) // grain * grain
    ept = n_pad // NW

    tidx = edge_label_index_team_experts[0]
    eidx = edge_label_index_team_experts[1]
    if n_pad != n_edges:
        pad = (0, n_pad - n_edges)
        tidx = jnp.pad(tidx, pad)
        eidx = jnp.pad(eidx, pad)

    def pack_bf16(x):
        xi = lax.bitcast_convert_type(x, jnp.int32)
        a = xi[:, :x.shape[1] // 2]
        b = xi[:, x.shape[1] // 2:]

        def rnd(v):
            return (v + 0x7FFF + ((v >> 16) & 1)) >> 16

        return (rnd(a) & 0xFFFF) | (rnd(b) << 16)

    out = _make_sc_call(ept, ept // B)(
        pack_bf16(x_team), pack_bf16(x_expert), tidx, eidx)
    return out[:n_edges]

# --- scband reference (transcript-rebuilt; emitter-appended) ---
"""Pipeline reference for scband-classifier-53876069761096 (READ-ONLY COPY).

The authoritative reference and input builder live on the scoring server;
editing this copy changes nothing except your own understanding.
"""

import jax, jax.numpy as jnp
import numpy as np

def setup_inputs(seed: int = 0) -> dict:
    key = jax.random.key(seed)
    k1, k2, k3 = jax.random.split(key, 3)
    x_expert = jax.random.normal(k1, (100000, 128), dtype=jnp.float32)
    x_team = jax.random.normal(k2, (50000, 128), dtype=jnp.float32)
    edge_label_index_team_experts = jax.random.randint(k3, (2, 500000), 0, 50000, dtype=jnp.int64 if jax.config.read('jax_enable_x64') else jnp.int32).astype(jnp.int32)
    return {
        "x_expert": x_expert,
        "x_team": x_team,
        "edge_label_index_team_experts": edge_label_index_team_experts,
    }

def reference(x_expert, x_team, edge_label_index_team_experts):
    # Gather team features for edge source (row 0) and expert features for edge target (row 1)
    edge_feat_team = jnp.take(x_team, edge_label_index_team_experts[0], axis=0)
    edge_feat_expert = jnp.take(x_expert, edge_label_index_team_experts[1], axis=0)
    # Elementwise product + reduce over feature dim -> per-edge dot-product score
    return (edge_feat_expert * edge_feat_team).sum(axis=-1)

if __name__ == "__main__":
    import jax
    _d = setup_inputs()
    print(jax.jit(kernel)(*tuple(_d.values())))

</pallas_src>

<mosaic_0001>
#map = affine_map<(d0, d1) -> (0, 0)>
#map1 = affine_map<(d0, d1) -> (0)>
module attributes {stable_mosaic.version = 14 : i64} {
  func.func @sc_kernel(%arg0: i32, %arg1: i32, %arg2: memref<50000x64xi32, #tpu.memory_space<hbm>>, %arg3: memref<100000x64xi32, #tpu.memory_space<hbm>>, %arg4: memref<503808xi32, #tpu.memory_space<hbm>>, %arg5: memref<503808xi32, #tpu.memory_space<hbm>>, %arg6: memref<503808xf32, #tpu.memory_space<hbm>>, %arg7: memref<15744xi32, #tpu.memory_space<vmem>>, %arg8: memref<15744xi32, #tpu.memory_space<vmem>>, %arg9: memref<128x64xi32, #tpu.memory_space<vmem>>, %arg10: memref<128x64xi32, #tpu.memory_space<vmem>>, %arg11: memref<128x64xi32, #tpu.memory_space<vmem>>, %arg12: memref<128x64xi32, #tpu.memory_space<vmem>>, %arg13: memref<15744xf32, #tpu.memory_space<vmem>>, %arg14: memref<!tpu.dma_semaphore, #tpu.memory_space<semaphore_mem>>, %arg15: memref<!tpu.dma_semaphore, #tpu.memory_space<semaphore_mem>>, %arg16: memref<!tpu.dma_semaphore, #tpu.memory_space<semaphore_mem>>, %arg17: memref<!tpu.dma_semaphore, #tpu.memory_space<semaphore_mem>>) attributes {dimension_semantics = [#tpu.dimension_semantics<core_parallel>, #tpu.dimension_semantics<subcore_parallel>], iteration_bounds = array<i64: 2, 16>, scalar_prefetch = 0 : i64, scratch_operands = 11 : i64, tpu.core_type = #tpu.core_type<sc_vector_subcore>, window_params = [{transform_indices = #map}, {transform_indices = #map}, {transform_indices = #map1}, {transform_indices = #map1}, {transform_indices = #map1}]} {
    %mul3A = arith.constant 2 : i32
    %mul3A_0 = arith.muli %arg1, %mul3A : i32
    %add3A = arith.addi %mul3A_0, %arg0 : i32
    %mul3A_1 = arith.constant 15744 : i32
    %mul3A_2 = arith.muli %add3A, %mul3A_1 : i32
    "tpu.region"() ({
      %run_scoped3A = tpu.sem_alloc : memref<!tpu.dma_semaphore, #tpu.memory_space<semaphore_mem>>
      %dma_start3A_79 = tpu.memref_slice %arg4[%mul3A_2] : memref<503808xi32, #tpu.memory_space<hbm>> -> memref<15744xi32, #tpu.memory_space<hbm>>
      %dma_start3A_80 = tpu.memref_slice %arg4[%mul3A_2] : memref<503808xi32, #tpu.memory_space<hbm>> -> memref<15744xi32, #tpu.memory_space<hbm>>
      tpu.enqueue_dma source(%dma_start3A_80 : memref<15744xi32, #tpu.memory_space<hbm>>) target(%arg7 : memref<15744xi32, #tpu.memory_space<vmem>>) target_semaphore(%run_scoped3A : memref<!tpu.dma_semaphore, #tpu.memory_space<semaphore_mem>>)
      %dma_wait3A = tpu.memref_slice %arg4[%mul3A_2] : memref<503808xi32, #tpu.memory_space<hbm>> -> memref<15744xi32, #tpu.memory_space<hbm>>
      %dma_wait3A_81 = tpu.memref_slice %arg4[%mul3A_2] : memref<503808xi32, #tpu.memory_space<hbm>> -> memref<15744xi32, #tpu.memory_space<hbm>>
      tpu.wait_dma2 semaphore(%run_scoped3A : memref<!tpu.dma_semaphore, #tpu.memory_space<semaphore_mem>>) src(%dma_wait3A_81 : memref<15744xi32, #tpu.memory_space<hbm>>) dst(%arg7 : memref<15744xi32, #tpu.memory_space<vmem>>)
      tpu.yield
    }) : () -> ()
    "tpu.region"() ({
      %run_scoped3A = tpu.sem_alloc : memref<!tpu.dma_semaphore, #tpu.memory_space<semaphore_mem>>
      %dma_start3A_79 = tpu.memref_slice %arg5[%mul3A_2] : memref<503808xi32, #tpu.memory_space<hbm>> -> memref<15744xi32, #tpu.memory_space<hbm>>
      %dma_start3A_80 = tpu.memref_slice %arg5[%mul3A_2] : memref<503808xi32, #tpu.memory_space<hbm>> -> memref<15744xi32, #tpu.memory_space<hbm>>
      tpu.enqueue_dma source(%dma_start3A_80 : memref<15744xi32, #tpu.memory_space<hbm>>) target(%arg8 : memref<15744xi32, #tpu.memory_space<vmem>>) target_semaphore(%run_scoped3A : memref<!tpu.dma_semaphore, #tpu.memory_space<semaphore_mem>>)
      %dma_wait3A = tpu.memref_slice %arg5[%mul3A_2] : memref<503808xi32, #tpu.memory_space<hbm>> -> memref<15744xi32, #tpu.memory_space<hbm>>
      %dma_wait3A_81 = tpu.memref_slice %arg5[%mul3A_2] : memref<503808xi32, #tpu.memory_space<hbm>> -> memref<15744xi32, #tpu.memory_space<hbm>>
      tpu.wait_dma2 semaphore(%run_scoped3A : memref<!tpu.dma_semaphore, #tpu.memory_space<semaphore_mem>>) src(%dma_wait3A_81 : memref<15744xi32, #tpu.memory_space<hbm>>) dst(%arg8 : memref<15744xi32, #tpu.memory_space<vmem>>)
      tpu.yield
    }) : () -> ()
    %iota3A = tpu.iota {dimensions = array<i32: 0>} : vector<16xi32>
    %and3A = arith.constant -16 : i32
    %and3A_3 = vector.broadcast %and3A : i32 to vector<16xi32>
    %and3A_4 = arith.andi %iota3A, %and3A_3 : vector<16xi32>
    %add3A_5 = arith.constant 8 : i32
    %add3A_6 = vector.broadcast %add3A_5 : i32 to vector<16xi32>
    %add3A_7 = arith.addi %iota3A, %add3A_6 : vector<16xi32>
    %and3A_8 = arith.constant 15 : i32
    %and3A_9 = vector.broadcast %and3A_8 : i32 to vector<16xi32>
    %and3A_10 = arith.andi %add3A_7, %and3A_9 : vector<16xi32>
    %or3A = arith.ori %and3A_4, %and3A_10 : vector<16xi32>
    %and3A_11 = arith.constant 8 : i32
    %and3A_12 = vector.broadcast %and3A_11 : i32 to vector<16xi32>
    %and3A_13 = arith.andi %iota3A, %and3A_12 : vector<16xi32>
    %eq3A = arith.constant 0 : i32
    %eq3A_14 = vector.broadcast %eq3A : i32 to vector<16xi32>
    %eq3A_15 = arith.cmpi eq, %and3A_13, %eq3A_14 : vector<16xi32>
    %and3A_16 = arith.constant -8 : i32
    %and3A_17 = vector.broadcast %and3A_16 : i32 to vector<16xi32>
    %and3A_18 = arith.andi %iota3A, %and3A_17 : vector<16xi32>
    %add3A_19 = arith.constant 4 : i32
    %add3A_20 = vector.broadcast %add3A_19 : i32 to vector<16xi32>
    %add3A_21 = arith.addi %iota3A, %add3A_20 : vector<16xi32>
    %and3A_22 = arith.constant 7 : i32
    %and3A_23 = vector.broadcast %and3A_22 : i32 to vector<16xi32>
    %and3A_24 = arith.andi %add3A_21, %and3A_23 : vector<16xi32>
    %or3A_25 = arith.ori %and3A_18, %and3A_24 : vector<16xi32>
    %and3A_26 = arith.constant 4 : i32
    %and3A_27 = vector.broadcast %and3A_26 : i32 to vector<16xi32>
    %and3A_28 = arith.andi %iota3A, %and3A_27 : vector<16xi32>
    %eq3A_29 = arith.constant 0 : i32
    %eq3A_30 = vector.broadcast %eq3A_29 : i32 to vector<16xi32>
    %eq3A_31 = arith.cmpi eq, %and3A_28, %eq3A_30 : vector<16xi32>
    %and3A_32 = arith.constant -4 : i32
    %and3A_33 = vector.broadcast %and3A_32 : i32 to vector<16xi32>
    %and3A_34 = arith.andi %iota3A, %and3A_33 : vector<16xi32>
    %add3A_35 = arith.constant 2 : i32
    %add3A_36 = vector.broadcast %add3A_35 : i32 to vector<16xi32>
    %add3A_37 = arith.addi %iota3A, %add3A_36 : vector<16xi32>
    %and3A_38 = arith.constant 3 : i32
    %and3A_39 = vector.broadcast %and3A_38 : i32 to vector<16xi32>
    %and3A_40 = arith.andi %add3A_37, %and3A_39 : vector<16xi32>
    %or3A_41 = arith.ori %and3A_34, %and3A_40 : vector<16xi32>
    %and3A_42 = arith.constant 2 : i32
    %and3A_43 = vector.broadcast %and3A_42 : i32 to vector<16xi32>
    %and3A_44 = arith.andi %iota3A, %and3A_43 : vector<16xi32>
    %eq3A_45 = arith.constant 0 : i32
    %eq3A_46 = vector.broadcast %eq3A_45 : i32 to vector<16xi32>
    %eq3A_47 = arith.cmpi eq, %and3A_44, %eq3A_46 : vector<16xi32>
    %and3A_48 = arith.constant -2 : i32
    %and3A_49 = vector.broadcast %and3A_48 : i32 to vector<16xi32>
    %and3A_50 = arith.andi %iota3A, %and3A_49 : vector<16xi32>
    %add3A_51 = arith.constant 1 : i32
    %add3A_52 = vector.broadcast %add3A_51 : i32 to vector<16xi32>
    %add3A_53 = arith.addi %iota3A, %add3A_52 : vector<16xi32>
    %and3A_54 = arith.constant 1 : i32
    %and3A_55 = vector.broadcast %and3A_54 : i32 to vector<16xi32>
    %and3A_56 = arith.andi %add3A_53, %and3A_55 : vector<16xi32>
    %or3A_57 = arith.ori %and3A_50, %and3A_56 : vector<16xi32>
    %and3A_58 = arith.constant 1 : i32
    %and3A_59 = vector.broadcast %and3A_58 : i32 to vector<16xi32>
    %and3A_60 = arith.andi %iota3A, %and3A_59 : vector<16xi32>
    %eq3A_61 = arith.constant 0 : i32
    %eq3A_62 = vector.broadcast %eq3A_61 : i32 to vector<16xi32>
    %eq3A_63 = arith.cmpi eq, %and3A_60, %eq3A_62 : vector<16xi32>
    %dma_start3A = arith.constant 0 : i32
    %dma_start3A_64 = tpu.memref_slice %arg7[%dma_start3A] : memref<15744xi32, #tpu.memory_space<vmem>> -> memref<128xi32, #tpu.memory_space<vmem>>
    %dma_start3A_65 = arith.constant 0 : i32
    %dma_start3A_66 = arith.constant 0 : i32
    %dma_start3A_67 = tpu.memref_slice %arg2[%dma_start3A_65, %dma_start3A_66] : memref<50000x64xi32, #tpu.memory_space<hbm>> -> memref<50000x64xi32, #tpu.memory_space<hbm>>
    tpu.enqueue_indirect_dma source(%dma_start3A_67 : memref<50000x64xi32, #tpu.memory_space<hbm>>) target(%arg9 : memref<128x64xi32, #tpu.memory_space<vmem>>) offsets(%dma_start3A_64 : memref<128xi32, #tpu.memory_space<vmem>>) semaphore(%arg14 : memref<!tpu.dma_semaphore, #tpu.memory_space<semaphore_mem>>)
    %dma_start3A_68 = arith.constant 0 : i32
    %dma_start3A_69 = tpu.memref_slice %arg8[%dma_start3A_68] : memref<15744xi32, #tpu.memory_space<vmem>> -> memref<128xi32, #tpu.memory_space<vmem>>
    %dma_start3A_70 = arith.constant 0 : i32
    %dma_start3A_71 = arith.constant 0 : i32
    %dma_start3A_72 = tpu.memref_slice %arg3[%dma_start3A_70, %dma_start3A_71] : memref<100000x64xi32, #tpu.memory_space<hbm>> -> memref<100000x64xi32, #tpu.memory_space<hbm>>
    tpu.enqueue_indirect_dma source(%dma_start3A_72 : memref<100000x64xi32, #tpu.memory_space<hbm>>) target(%arg10 : memref<128x64xi32, #tpu.memory_space<vmem>>) offsets(%dma_start3A_69 : memref<128xi32, #tpu.memory_space<vmem>>) semaphore(%arg15 : memref<!tpu.dma_semaphore, #tpu.memory_space<semaphore_mem>>)
    %scan3A = arith.constant 0 : i32
    %scan3A_73 = arith.constant 0 : i32
    %scan3A_74 = arith.constant 123 : i32
    %scan3A_75 = arith.addi %scan3A_73, %scan3A_74 : i32
    %scan3A_76 = arith.constant 1 : i32
    %scan3A_77 = scf.for %scan3A_79 = %scan3A_73 to %scan3A_75 step %scan3A_76 iter_args(%scan3A_80 = %scan3A) -> (i32)  : i32 {
      %mul3A_81 = arith.constant 128 : i32
      %mul3A_82 = arith.muli %scan3A_79, %mul3A_81 : i32
      %add3A_83 = arith.constant 128 : i32
      %add3A_84 = arith.addi %mul3A_82, %add3A_83 : i32
      %min3A = arith.constant 15616 : i32
      %min3A_85 = arith.minsi %add3A_84, %min3A : i32
      %jit3A = arith.constant 2 : i32
      %eq3A_86 = arith.constant 0 : i32
      %eq3A_87 = arith.cmpi eq, %jit3A, %eq3A_86 : i32
      %jit3A_88 = arith.constant 1 : i32
      %select_n3A = arith.select %eq3A_87, %jit3A_88, %jit3A : i32
      %rem3A = arith.remsi %scan3A_79, %select_n3A : i32
      %ne3A = arith.constant 0 : i32
      %ne3A_89 = arith.cmpi ne, %rem3A, %ne3A : i32
      %lt3A = arith.constant 0 : i32
      %lt3A_90 = arith.cmpi slt, %rem3A, %lt3A : i32
      %lt3A_91 = arith.constant 0 : i32
      %lt3A_92 = arith.cmpi slt, %select_n3A, %lt3A_91 : i32
      %ne3A_93 = arith.xori %lt3A_90, %lt3A_92 : i1
      %and3A_94 = arith.andi %ne3A_93, %ne3A_89 : i1
      %add3A_95 = arith.addi %rem3A, %select_n3A : i32
      %select_n3A_96 = arith.select %and3A_94, %add3A_95, %rem3A : i32
      %eq3A_97 = arith.constant 0 : i32
      %eq3A_98 = arith.cmpi eq, %select_n3A_96, %eq3A_97 : i32
      %convert_element_type3A = arith.extui %eq3A_98 : i1 to i32
      %cond3A = arith.constant 0 : i32
      %cond3A_99 = arith.cmpi ne, %convert_element_type3A, %cond3A : i32
      scf.if %cond3A_99 {
        %dma_wait3A = tpu.memref_slice %arg7[%mul3A_82] : memref<15744xi32, #tpu.memory_space<vmem>> -> memref<128xi32, #tpu.memory_space<vmem>>
        %dma_wait3A_105 = arith.constant 0 : i32
        %dma_wait3A_106 = arith.constant 0 : i32
        %dma_wait3A_107 = tpu.memref_slice %arg2[%dma_wait3A_105, %dma_wait3A_106] : memref<50000x64xi32, #tpu.memory_space<hbm>> -> memref<50000x64xi32, #tpu.memory_space<hbm>>
        tpu.wait_indirect_dma semaphore(%arg14 : memref<!tpu.dma_semaphore, #tpu.memory_space<semaphore_mem>>) src(%dma_wait3A_107 : memref<50000x64xi32, #tpu.memory_space<hbm>>) dst(%arg9 : memref<128x64xi32, #tpu.memory_space<vmem>>)
        %dma_wait3A_108 = tpu.memref_slice %arg8[%mul3A_82] : memref<15744xi32, #tpu.memory_space<vmem>> -> memref<128xi32, #tpu.memory_space<vmem>>
        %dma_wait3A_109 = arith.constant 0 : i32
        %dma_wait3A_110 = arith.constant 0 : i32
        %dma_wait3A_111 = tpu.memref_slice %arg3[%dma_wait3A_109, %dma_wait3A_110] : memref<100000x64xi32, #tpu.memory_space<hbm>> -> memref<100000x64xi32, #tpu.memory_space<hbm>>
        tpu.wait_indirect_dma semaphore(%arg15 : memref<!tpu.dma_semaphore, #tpu.memory_space<semaphore_mem>>) src(%dma_wait3A_111 : memref<100000x64xi32, #tpu.memory_space<hbm>>) dst(%arg10 : memref<128x64xi32, #tpu.memory_space<vmem>>)
        %dma_start3A_112 = tpu.memref_slice %arg7[%min3A_85] : memref<15744xi32, #tpu.memory_space<vmem>> -> memref<128xi32, #tpu.memory_space<vmem>>
        %dma_start3A_113 = arith.constant 0 : i32
        %dma_start3A_114 = arith.constant 0 : i32
        %dma_start3A_115 = tpu.memref_slice %arg2[%dma_start3A_113, %dma_start3A_114] : memref<50000x64xi32, #tpu.memory_space<hbm>> -> memref<50000x64xi32, #tpu.memory_space<hbm>>
        tpu.enqueue_indirect_dma source(%dma_start3A_115 : memref<50000x64xi32, #tpu.memory_space<hbm>>) target(%arg11 : memref<128x64xi32, #tpu.memory_space<vmem>>) offsets(%dma_start3A_112 : memref<128xi32, #tpu.memory_space<vmem>>) semaphore(%arg16 : memref<!tpu.dma_semaphore, #tpu.memory_space<semaphore_mem>>)
        %dma_start3A_116 = tpu.memref_slice %arg8[%min3A_85] : memref<15744xi32, #tpu.memory_space<vmem>> -> memref<128xi32, #tpu.memory_space<vmem>>
        %dma_start3A_117 = arith.constant 0 : i32
        %dma_start3A_118 = arith.constant 0 : i32
        %dma_start3A_119 = tpu.memref_slice %arg3[%dma_start3A_117, %dma_start3A_118] : memref<100000x64xi32, #tpu.memory_space<hbm>> -> memref<100000x64xi32, #tpu.memory_space<hbm>>
        tpu.enqueue_indirect_dma source(%dma_start3A_119 : memref<100000x64xi32, #tpu.memory_space<hbm>>) target(%arg12 : memref<128x64xi32, #tpu.memory_space<vmem>>) offsets(%dma_start3A_116 : memref<128xi32, #tpu.memory_space<vmem>>) semaphore(%arg17 : memref<!tpu.dma_semaphore, #tpu.memory_space<semaphore_mem>>)
        %mul3A_120 = arith.constant 128 : i32
        %mul3A_121 = arith.muli %scan3A_79, %mul3A_120 : i32
        %scan3A_122 = arith.constant 0 : i32
        %scan3A_123 = arith.constant 0 : i32
        %scan3A_124 = arith.constant 8 : i32
        %scan3A_125 = arith.addi %scan3A_123, %scan3A_124 : i32
        %scan3A_126 = arith.constant 1 : i32
        %scan3A_127 = scf.for %scan3A_129 = %scan3A_123 to %scan3A_125 step %scan3A_126 iter_args(%scan3A_130 = %scan3A_122) -> (i32)  : i32 {
          %mul3A_131 = arith.constant 16 : i32
          %mul3A_132 = arith.muli %scan3A_129, %mul3A_131 : i32
          %add3A_133 = arith.constant 0 : i32
          %add3A_134 = arith.addi %mul3A_132, %add3A_133 : i32
          %get3A = arith.index_cast %add3A_134 : i32 to index
          %get3A_135 = arith.constant 0 : index
          %get3A_136 = tpu.vector_load %arg9[%get3A, %get3A_135] {strides = array<i32>} : memref<128x64xi32, #tpu.memory_space<vmem>>, vector<16xi32>,
          %bitcast3A = vector.bitcast %get3A_136 : vector<16xi32> to vector<32xbf16>
          %get3A_137 = arith.index_cast %add3A_134 : i32 to index
          %get3A_138 = arith.constant 0 : index
          %get3A_139 = tpu.vector_load %arg10[%get3A_137, %get3A_138] {strides = array<i32>} : memref<128x64xi32, #tpu.memory_space<vmem>>, vector<16xi32>,
          %bitcast3A_140 = vector.bitcast %get3A_139 : vector<16xi32> to vector<32xbf16>
          %unpack3A = tpu.unpack_subelements %bitcast3A, 0 {pack_format = #tpu.pack_format<interleaved>} : vector<32xbf16> -> vector<16xf32>
          %unpack3A_141 = tpu.unpack_subelements %bitcast3A, 1 {pack_format = #tpu.pack_format<interleaved>} : vector<32xbf16> -> vector<16xf32>
          %unpack3A_142 = tpu.unpack_subelements %bitcast3A_140, 0 {pack_format = #tpu.pack_format<interleaved>} : vector<32xbf16> -> vector<16xf32>
          %unpack3A_143 = tpu.unpack_subelements %bitcast3A_140, 1 {pack_format = #tpu.pack_format<interleaved>} : vector<32xbf16> -> vector<16xf32>
          %mul3A_144 = arith.mulf %unpack3A, %unpack3A_142 : vector<16xf32>
          %mul3A_145 = arith.mulf %unpack3A_141, %unpack3A_143 : vector<16xf32>
          %get3A_146 = arith.index_cast %add3A_134 : i32 to index
          %get3A_147 = arith.constant 16 : index
          %get3A_148 = tpu.vector_load %arg9[%get3A_146, %get3A_147] {strides = array<i32>} : memref<128x64xi32, #tpu.memory_space<vmem>>, vector<16xi32>,
          %bitcast3A_149 = vector.bitcast %get3A_148 : vector<16xi32> to vector<32xbf16>
          %get3A_150 = arith.index_cast %add3A_134 : i32 to index
          %get3A_151 = arith.constant 16 : index
          %get3A_152 = tpu.vector_load %arg10[%get3A_150, %get3A_151] {strides = array<i32>} : memref<128x64xi32, #tpu.memory_space<vmem>>, vector<16xi32>,
          %bitcast3A_153 = vector.bitcast %get3A_152 : vector<16xi32> to vector<32xbf16>
          %unpack3A_154 = tpu.unpack_subelements %bitcast3A_149, 0 {pack_format = #tpu.pack_format<interleaved>} : vector<32xbf16> -> vector<16xf32>
          %unpack3A_155 = tpu.unpack_subelements %bitcast3A_149, 1 {pack_format = #tpu.pack_format<interleaved>} : vector<32xbf16> -> vector<16xf32>
          %unpack3A_156 = tpu.unpack_subelements %bitcast3A_153, 0 {pack_format = #tpu.pack_format<interleaved>} : vector<32xbf16> -> vector<16xf32>
          %unpack3A_157 = tpu.unpack_subelements %bitcast3A_153, 1 {pack_format = #tpu.pack_format<interleaved>} : vector<32xbf16> -> vector<16xf32>
          %mul3A_158 = arith.mulf %unpack3A_154, %unpack3A_156 : vector<16xf32>
          %mul3A_159 = arith.mulf %unpack3A_155, %unpack3A_157 : vector<16xf32>
          %get3A_160 = arith.index_cast %add3A_134 : i32 to index
          %get3A_161 = arith.constant 32 : index
          %get3A_162 = tpu.vector_load %arg9[%get3A_160, %get3A_161] {strides = array<i32>} : memref<128x64xi32, #tpu.memory_space<vmem>>, vector<16xi32>,
          %bitcast3A_163 = vector.bitcast %get3A_162 : vector<16xi32> to vector<32xbf16>
          %get3A_164 = arith.index_cast %add3A_134 : i32 to index
          %get3A_165 = arith.constant 32 : index
          %get3A_166 = tpu.vector_load %arg10[%get3A_164, %get3A_165] {strides = array<i32>} : memref<128x64xi32, #tpu.memory_space<vmem>>, vector<16xi32>,
          %bitcast3A_167 = vector.bitcast %get3A_166 : vector<16xi32> to vector<32xbf16>
          %unpack3A_168 = tpu.unpack_subelements %bitcast3A_163, 0 {pack_format = #tpu.pack_format<interleaved>} : vector<32xbf16> -> vector<16xf32>
          %unpack3A_169 = tpu.unpack_subelements %bitcast3A_163, 1 {pack_format = #tpu.pack_format<interleaved>} : vector<32xbf16> -> vector<16xf32>
          %unpack3A_170 = tpu.unpack_subelements %bitcast3A_167, 0 {pack_format = #tpu.pack_format<interleaved>} : vector<32xbf16> -> vector<16xf32>
          %unpack3A_171 = tpu.unpack_subelements %bitcast3A_167, 1 {pack_format = #tpu.pack_format<interleaved>} : vector<32xbf16> -> vector<16xf32>
          %mul3A_172 = arith.mulf %unpack3A_168, %unpack3A_170 : vector<16xf32>
          %mul3A_173 = arith.mulf %unpack3A_169, %unpack3A_171 : vector<16xf32>
          %get3A_174 = arith.index_cast %add3A_134 : i32 to index
          %get3A_175 = arith.constant 48 : index
          %get3A_176 = tpu.vector_load %arg9[%get3A_174, %get3A_175] {strides = array<i32>} : memref<128x64xi32, #tpu.memory_space<vmem>>, vector<16xi32>,
          %bitcast3A_177 = vector.bitcast %get3A_176 : vector<16xi32> to vector<32xbf16>
          %get3A_178 = arith.index_cast %add3A_134 : i32 to index
          %get3A_179 = arith.constant 48 : index
          %get3A_180 = tpu.vector_load %arg10[%get3A_178, %get3A_179] {strides = array<i32>} : memref<128x64xi32, #tpu.memory_space<vmem>>, vector<16xi32>,
          %bitcast3A_181 = vector.bitcast %get3A_180 : vector<16xi32> to vector<32xbf16>
          %unpack3A_182 = tpu.unpack_subelements %bitcast3A_177, 0 {pack_format = #tpu.pack_format<interleaved>} : vector<32xbf16> -> vector<16xf32>
          %unpack3A_183 = tpu.unpack_subelements %bitcast3A_177, 1 {pack_format = #tpu.pack_format<interleaved>} : vector<32xbf16> -> vector<16xf32>
          %unpack3A_184 = tpu.unpack_subelements %bitcast3A_181, 0 {pack_format = #tpu.pack_format<interleaved>} : vector<32xbf16> -> vector<16xf32>
          %unpack3A_185 = tpu.unpack_subelements %bitcast3A_181, 1 {pack_format = #tpu.pack_format<interleaved>} : vector<32xbf16> -> vector<16xf32>
          %mul3A_186 = arith.mulf %unpack3A_182, %unpack3A_184 : vector<16xf32>
          %mul3A_187 = arith.mulf %unpack3A_183, %unpack3A_185 : vector<16xf32>
          %add3A_188 = arith.addf %mul3A_144, %mul3A_145 : vector<16xf32>
          %add3A_189 = arith.addf %mul3A_158, %mul3A_159 : vector<16xf32>
          %add3A_190 = arith.addf %mul3A_172, %mul3A_173 : vector<16xf32>
          %add3A_191 = arith.addf %mul3A_186, %mul3A_187 : vector<16xf32>
          %add3A_192 = arith.addf %add3A_188, %add3A_189 : vector<16xf32>
          %add3A_193 = arith.addf %add3A_190, %add3A_191 : vector<16xf32>
          %add3A_194 = arith.addf %add3A_192, %add3A_193 : vector<16xf32>
          %mul3A_195 = arith.constant 16 : i32
          %mul3A_196 = arith.muli %scan3A_129, %mul3A_195 : i32
          %add3A_197 = arith.constant 8 : i32
          %add3A_198 = arith.addi %mul3A_196, %add3A_197 : i32
          %get3A_199 = arith.index_cast %add3A_198 : i32 to index
          %get3A_200 = arith.constant 0 : index
          %get3A_201 = tpu.vector_load %arg9[%get3A_199, %get3A_200] {strides = array<i32>} : memref<128x64xi32, #tpu.memory_space<vmem>>, vector<16xi32>,
          %bitcast3A_202 = vector.bitcast %get3A_201 : vector<16xi32> to vector<32xbf16>
          %get3A_203 = arith.index_cast %add3A_198 : i32 to index
          %get3A_204 = arith.constant 0 : index
          %get3A_205 = tpu.vector_load %arg10[%get3A_203, %get3A_204] {strides = array<i32>} : memref<128x64xi32, #tpu.memory_space<vmem>>, vector<16xi32>,
          %bitcast3A_206 = vector.bitcast %get3A_205 : vector<16xi32> to vector<32xbf16>
          %unpack3A_207 = tpu.unpack_subelements %bitcast3A_202, 0 {pack_format = #tpu.pack_format<interleaved>} : vector<32xbf16> -> vector<16xf32>
          %unpack3A_208 = tpu.unpack_subelements %bitcast3A_202, 1 {pack_format = #tpu.pack_format<interleaved>} : vector<32xbf16> -> vector<16xf32>
          %unpack3A_209 = tpu.unpack_subelements %bitcast3A_206, 0 {pack_format = #tpu.pack_format<interleaved>} : vector<32xbf16> -> vector<16xf32>
          %unpack3A_210 = tpu.unpack_subelements %bitcast3A_206, 1 {pack_format = #tpu.pack_format<interleaved>} : vector<32xbf16> -> vector<16xf32>
          %mul3A_211 = arith.mulf %unpack3A_207, %unpack3A_209 : vector<16xf32>
          %mul3A_212 = arith.mulf %unpack3A_208, %unpack3A_210 : vector<16xf32>
          %get3A_213 = arith.index_cast %add3A_198 : i32 to index
          %get3A_214 = arith.constant 16 : index
          %get3A_215 = tpu.vector_load %arg9[%get3A_213, %get3A_214] {strides = array<i32>} : memref<128x64xi32, #tpu.memory_space<vmem>>, vector<16xi32>,
          %bitcast3A_216 = vector.bitcast %get3A_215 : vector<16xi32> to vector<32xbf16>
          %get3A_217 = arith.index_cast %add3A_198 : i32 to index
          %get3A_218 = arith.constant 16 : index
          %get3A_219 = tpu.vector_load %arg10[%get3A_217, %get3A_218] {strides = array<i32>} : memref<128x64xi32, #tpu.memory_space<vmem>>, vector<16xi32>,
          %bitcast3A_220 = vector.bitcast %get3A_219 : vector<16xi32> to vector<32xbf16>
          %unpack3A_221 = tpu.unpack_subelements %bitcast3A_216, 0 {pack_format = #tpu.pack_format<interleaved>} : vector<32xbf16> -> vector<16xf32>
          %unpack3A_222 = tpu.unpack_subelements %bitcast3A_216, 1 {pack_format = #tpu.pack_format<interleaved>} : vector<32xbf16> -> vector<16xf32>
          %unpack3A_223 = tpu.unpack_subelements %bitcast3A_220, 0 {pack_format = #tpu.pack_format<interleaved>} : vector<32xbf16> -> vector<16xf32>
          %unpack3A_224 = tpu.unpack_subelements %bitcast3A_220, 1 {pack_format = #tpu.pack_format<interleaved>} : vector<32xbf16> -> vector<16xf32>
          %mul3A_225 = arith.mulf %unpack3A_221, %unpack3A_223 : vector<16xf32>
          %mul3A_226 = arith.mulf %unpack3A_222, %unpack3A_224 : vector<16xf32>
          %get3A_227 = arith.index_cast %add3A_198 : i32 to index
          %get3A_228 = arith.constant 32 : index
          %get3A_229 = tpu.vector_load %arg9[%get3A_227, %get3A_228] {strides = array<i32>} : memref<128x64xi32, #tpu.memory_space<vmem>>, vector<16xi32>,
          %bitcast3A_230 = vector.bitcast %get3A_229 : vector<16xi32> to vector<32xbf16>
          %get3A_231 = arith.index_cast %add3A_198 : i32 to index
          %get3A_232 = arith.constant 32 : index
          %get3A_233 = tpu.vector_load %arg10[%get3A_231, %get3A_232] {strides = array<i32>} : memref<128x64xi32, #tpu.memory_space<vmem>>, vector<16xi32>,
          %bitcast3A_234 = vector.bitcast %get3A_233 : vector<16xi32> to vector<32xbf16>
          %unpack3A_235 = tpu.unpack_subelements %bitcast3A_230, 0 {pack_format = #tpu.pack_format<interleaved>} : vector<32xbf16> -> vector<16xf32>
          %unpack3A_236 = tpu.unpack_subelements %bitcast3A_230, 1 {pack_format = #tpu.pack_format<interleaved>} : vector<32xbf16> -> vector<16xf32>
          %unpack3A_237 = tpu.unpack_subelements %bitcast3A_234, 0 {pack_format = #tpu.pack_format<interleaved>} : vector<32xbf16> -> vector<16xf32>
          %unpack3A_238 = tpu.unpack_subelements %bitcast3A_234, 1 {pack_format = #tpu.pack_format<interleaved>} : vector<32xbf16> -> vector<16xf32>
          %mul3A_239 = arith.mulf %unpack3A_235, %unpack3A_237 : vector<16xf32>
          %mul3A_240 = arith.mulf %unpack3A_236, %unpack3A_238 : vector<16xf32>
          %get3A_241 = arith.index_cast %add3A_198 : i32 to index
          %get3A_242 = arith.constant 48 : index
          %get3A_243 = tpu.vector_load %arg9[%get3A_241, %get3A_242] {strides = array<i32>} : memref<128x64xi32, #tpu.memory_space<vmem>>, vector<16xi32>,
          %bitcast3A_244 = vector.bitcast %get3A_243 : vector<16xi32> to vector<32xbf16>
          %get3A_245 = arith.index_cast %add3A_198 : i32 to index
          %get3A_246 = arith.constant 48 : index
          %get3A_247 = tpu.vector_load %arg10[%get3A_245, %get3A_246] {strides = array<i32>} : memref<128x64xi32, #tpu.memory_space<vmem>>, vector<16xi32>,
          %bitcast3A_248 = vector.bitcast %get3A_247 : vector<16xi32> to vector<32xbf16>
          %unpack3A_249 = tpu.unpack_subelements %bitcast3A_244, 0 {pack_format = #tpu.pack_format<interleaved>} : vector<32xbf16> -> vector<16xf32>
          %unpack3A_250 = tpu.unpack_subelements %bitcast3A_244, 1 {pack_format = #tpu.pack_format<interleaved>} : vector<32xbf16> -> vector<16xf32>
          %unpack3A_251 = tpu.unpack_subelements %bitcast3A_248, 0 {pack_format = #tpu.pack_format<interleaved>} : vector<32xbf16> -> vector<16xf32>
          %unpack3A_252 = tpu.unpack_subelements %bitcast3A_248, 1 {pack_format = #tpu.pack_format<interleaved>} : vector<32xbf16> -> vector<16xf32>
          %mul3A_253 = arith.mulf %unpack3A_249, %unpack3A_251 : vector<16xf32>
          %mul3A_254 = arith.mulf %unpack3A_250, %unpack3A_252 : vector<16xf32>
          %add3A_255 = arith.addf %mul3A_211, %mul3A_212 : vector<16xf32>
          %add3A_256 = arith.addf %mul3A_225, %mul3A_226 : vector<16xf32>
          %add3A_257 = arith.addf %mul3A_239, %mul3A_240 : vector<16xf32>
          %add3A_258 = arith.addf %mul3A_253, %mul3A_254 : vector<16xf32>
          %add3A_259 = arith.addf %add3A_255, %add3A_256 : vector<16xf32>
          %add3A_260 = arith.addf %add3A_257, %add3A_258 : vector<16xf32>
          %add3A_261 = arith.addf %add3A_259, %add3A_260 : vector<16xf32>
          %mul3A_262 = arith.constant 16 : i32
          %mul3A_263 = arith.muli %scan3A_129, %mul3A_262 : i32
          %add3A_264 = arith.constant 4 : i32
          %add3A_265 = arith.addi %mul3A_263, %add3A_264 : i32
          %get3A_266 = arith.index_cast %add3A_265 : i32 to index
          %get3A_267 = arith.constant 0 : index
          %get3A_268 = tpu.vector_load %arg9[%get3A_266, %get3A_267] {strides = array<i32>} : memref<128x64xi32, #tpu.memory_space<vmem>>, vector<16xi32>,
          %bitcast3A_269 = vector.bitcast %get3A_268 : vector<16xi32> to vector<32xbf16>
          %get3A_270 = arith.index_cast %add3A_265 : i32 to index
          %get3A_271 = arith.constant 0 : index
          %get3A_272 = tpu.vector_load %arg10[%get3A_270, %get3A_271] {strides = array<i32>} : memref<128x64xi32, #tpu.memory_space<vmem>>, vector<16xi32>,
          %bitcast3A_273 = vector.bitcast %get3A_272 : vector<16xi32> to vector<32xbf16>
          %unpack3A_274 = tpu.unpack_subelements %bitcast3A_269, 0 {pack_format = #tpu.pack_format<interleaved>} : vector<32xbf16> -> vector<16xf32>
          %unpack3A_275 = tpu.unpack_subelements %bitcast3A_269, 1 {pack_format = #tpu.pack_format<interleaved>} : vector<32xbf16> -> vector<16xf32>
          %unpack3A_276 = tpu.unpack_subelements %bitcast3A_273, 0 {pack_format = #tpu.pack_format<interleaved>} : vector<32xbf16> -> vector<16xf32>
          %unpack3A_277 = tpu.unpack_subelements %bitcast3A_273, 1 {pack_format = #tpu.pack_format<interleaved>} : vector<32xbf16> -> vector<16xf32>
          %mul3A_278 = arith.mulf %unpack3A_274, %unpack3A_276 : vector<16xf32>
          %mul3A_279 = arith.mulf %unpack3A_275, %unpack3A_277 : vector<16xf32>
          %get3A_280 = arith.index_cast %add3A_265 : i32 to index
          %get3A_281 = arith.constant 16 : index
          %get3A_282 = tpu.vector_load %arg9[%get3A_280, %get3A_281] {strides = array<i32>} : memref<128x64xi32, #tpu.memory_space<vmem>>, vector<16xi32>,
          %bitcast3A_283 = vector.bitcast %get3A_282 : vector<16xi32> to vector<32xbf16>
          %get3A_284 = arith.index_cast %add3A_265 : i32 to index
          %get3A_285 = arith.constant 16 : index
          %get3A_286 = tpu.vector_load %arg10[%get3A_284, %get3A_285] {strides = array<i32>} : memref<128x64xi32, #tpu.memory_space<vmem>>, vector<16xi32>,
          %bitcast3A_287 = vector.bitcast %get3A_286 : vector<16xi32> to vector<32xbf16>
          %unpack3A_288 = tpu.unpack_subelements %bitcast3A_283, 0 {pack_format = #tpu.pack_format<interleaved>} : vector<32xbf16> -> vector<16xf32>
          %unpack3A_289 = tpu.unpack_subelements %bitcast3A_283, 1 {pack_format = #tpu.pack_format<interleaved>} : vector<32xbf16> -> vector<16xf32>
          %unpack3A_290 = tpu.unpack_subelements %bitcast3A_287, 0 {pack_format = #tpu.pack_format<interleaved>} : vector<32xbf16> -> vector<16xf32>
          %unpack3A_291 = tpu.unpack_subelements %bitcast3A_287, 1 {pack_format = #tpu.pack_format<interleaved>} : vector<32xbf16> -> vector<16xf32>
          %mul3A_292 = arith.mulf %unpack3A_288, %unpack3A_290 : vector<16xf32>
          %mul3A_293 = arith.mulf %unpack3A_289, %unpack3A_291 : vector<16xf32>
          %get3A_294 = arith.index_cast %add3A_265 : i32 to index
          %get3A_295 = arith.constant 32 : index
          %get3A_296 = tpu.vector_load %arg9[%get3A_294, %get3A_295] {strides = array<i32>} : memref<128x64xi32, #tpu.memory_space<vmem>>, vector<16xi32>,
          %bitcast3A_297 = vector.bitcast %get3A_296 : vector<16xi32> to vector<32xbf16>
          %get3A_298 = arith.index_cast %add3A_265 : i32 to index
          %get3A_299 = arith.constant 32 : index
          %get3A_300 = tpu.vector_load %arg10[%get3A_298, %get3A_299] {strides = array<i32>} : memref<128x64xi32, #tpu.memory_space<vmem>>, vector<16xi32>,
          %bitcast3A_301 = vector.bitcast %get3A_300 : vector<16xi32> to vector<32xbf16>
          %unpack3A_302 = tpu.unpack_subelements %bitcast3A_297, 0 {pack_format = #tpu.pack_format<interleaved>} : vector<32xbf16> -> vector<16xf32>
          %unpack3A_303 = tpu.unpack_subelements %bitcast3A_297, 1 {pack_format = #tpu.pack_format<interleaved>} : vector<32xbf16> -> vector<16xf32>
          %unpack3A_304 = tpu.unpack_subelements %bitcast3A_301, 0 {pack_format = #tpu.pack_format<interleaved>} : vector<32xbf16> -> vector<16xf32>
          %unpack3A_305 = tpu.unpack_subelements %bitcast3A_301, 1 {pack_format = #tpu.pack_format<interleaved>} : vector<32xbf16> -> vector<16xf32>
          %mul3A_306 = arith.mulf %unpack3A_302, %unpack3A_304 : vector<16xf32>
          %mul3A_307 = arith.mulf %unpack3A_303, %unpack3A_305 : vector<16xf32>
          %get3A_308 = arith.index_cast %add3A_265 : i32 to index
          %get3A_309 = arith.constant 48 : index
          %get3A_310 = tpu.vector_load %arg9[%get3A_308, %get3A_309] {strides = array<i32>} : memref<128x64xi32, #tpu.memory_space<vmem>>, vector<16xi32>,
          %bitcast3A_311 = vector.bitcast %get3A_310 : vector<16xi32> to vector<32xbf16>
          %get3A_312 = arith.index_cast %add3A_265 : i32 to index
          %get3A_313 = arith.constant 48 : index
          %get3A_314 = tpu.vector_load %arg10[%get3A_312, %get3A_313] {strides = array<i32>} : memref<128x64xi32, #tpu.memory_space<vmem>>, vector<16xi32>,
          %bitcast3A_315 = vector.bitcast %get3A_314 : vector<16xi32> to vector<32xbf16>
          %unpack3A_316 = tpu.unpack_subelements %bitcast3A_311, 0 {pack_format = #tpu.pack_format<interleaved>} : vector<32xbf16> -> vector<16xf32>
          %unpack3A_317 = tpu.unpack_subelements %bitcast3A_311, 1 {pack_format = #tpu.pack_format<interleaved>} : vector<32xbf16> -> vector<16xf32>
          %unpack3A_318 = tpu.unpack_subelements %bitcast3A_315, 0 {pack_format = #tpu.pack_format<interleaved>} : vector<32xbf16> -> vector<16xf32>
          %unpack3A_319 = tpu.unpack_subelements %bitcast3A_315, 1 {pack_format = #tpu.pack_format<interleaved>} : vector<32xbf16> -> vector<16xf32>
          %mul3A_320 = arith.mulf %unpack3A_316, %unpack3A_318 : vector<16xf32>
          %mul3A_321 = arith.mulf %unpack3A_317, %unpack3A_319 : vector<16xf32>
          %add3A_322 = arith.addf %mul3A_278, %mul3A_279 : vector<16xf32>
          %add3A_323 = arith.addf %mul3A_292, %mul3A_293 : vector<16xf32>
          %add3A_324 = arith.addf %mul3A_306, %mul3A_307 : vector<16xf32>
          %add3A_325 = arith.addf %mul3A_320, %mul3A_321 : vector<16xf32>
          %add3A_326 = arith.addf %add3A_322, %add3A_323 : vector<16xf32>
          %add3A_327 = arith.addf %add3A_324, %add3A_325 : vector<16xf32>
          %add3A_328 = arith.addf %add3A_326, %add3A_327 : vector<16xf32>
          %mul3A_329 = arith.constant 16 : i32
          %mul3A_330 = arith.muli %scan3A_129, %mul3A_329 : i32
          %add3A_331 = arith.constant 12 : i32
          %add3A_332 = arith.addi %mul3A_330, %add3A_331 : i32
          %get3A_333 = arith.index_cast %add3A_332 : i32 to index
          %get3A_334 = arith.constant 0 : index
          %get3A_335 = tpu.vector_load %arg9[%get3A_333, %get3A_334] {strides = array<i32>} : memref<128x64xi32, #tpu.memory_space<vmem>>, vector<16xi32>,
          %bitcast3A_336 = vector.bitcast %get3A_335 : vector<16xi32> to vector<32xbf16>
          %get3A_337 = arith.index_cast %add3A_332 : i32 to index
          %get3A_338 = arith.constant 0 : index
          %get3A_339 = tpu.vector_load %arg10[%get3A_337, %get3A_338] {strides = array<i32>} : memref<128x64xi32, #tpu.memory_space<vmem>>, vector<16xi32>,
          %bitcast3A_340 = vector.bitcast %get3A_339 : vector<16xi32> to vector<32xbf16>
          %unpack3A_341 = tpu.unpack_subelements %bitcast3A_336, 0 {pack_format = #tpu.pack_format<interleaved>} : vector<32xbf16> -> vector<16xf32>
          %unpack3A_342 = tpu.unpack_subelements %bitcast3A_336, 1 {pack_format = #tpu.pack_format<interleaved>} : vector<32xbf16> -> vector<16xf32>
          %unpack3A_343 = tpu.unpack_subelements %bitcast3A_340, 0 {pack_format = #tpu.pack_format<interleaved>} : vector<32xbf16> -> vector<16xf32>
          %unpack3A_344 = tpu.unpack_subelements %bitcast3A_340, 1 {pack_format = #tpu.pack_format<interleaved>} : vector<32xbf16> -> vector<16xf32>
          %mul3A_345 = arith.mulf %unpack3A_341, %unpack3A_343 : vector<16xf32>
          %mul3A_346 = arith.mulf %unpack3A_342, %unpack3A_344 : vector<16xf32>
          %get3A_347 = arith.index_cast %add3A_332 : i32 to index
          %get3A_348 = arith.constant 16 : index
          %get3A_349 = tpu.vector_load %arg9[%get3A_347, %get3A_348] {strides = array<i32>} : memref<128x64xi32, #tpu.memory_space<vmem>>, vector<16xi32>,
          %bitcast3A_350 = vector.bitcast %get3A_349 : vector<16xi32> to vector<32xbf16>
          %get3A_351 = arith.index_cast %add3A_332 : i32 to index
          %get3A_352 = arith.constant 16 : index
          %get3A_353 = tpu.vector_load %arg10[%get3A_351, %get3A_352] {strides = array<i32>} : memref<128x64xi32, #tpu.memory_space<vmem>>, vector<16xi32>,
          %bitcast3A_354 = vector.bitcast %get3A_353 : vector<16xi32> to vector<32xbf16>
          %unpack3A_355 = tpu.unpack_subelements %bitcast3A_350, 0 {pack_format = #tpu.pack_format<interleaved>} : vector<32xbf16> -> vector<16xf32>
          %unpack3A_356 = tpu.unpack_subelements %bitcast3A_350, 1 {pack_format = #tpu.pack_format<interleaved>} : vector<32xbf16> -> vector<16xf32>
          %unpack3A_357 = tpu.unpack_subelements %bitcast3A_354, 0 {pack_format = #tpu.pack_format<interleaved>} : vector<32xbf16> -> vector<16xf32>
          %unpack3A_358 = tpu.unpack_subelements %bitcast3A_354, 1 {pack_format = #tpu.pack_format<interleaved>} : vector<32xbf16> -> vector<16xf32>
          %mul3A_359 = arith.mulf %unpack3A_355, %unpack3A_357 : vector<16xf32>
          %mul3A_360 = arith.mulf %unpack3A_356, %unpack3A_358 : vector<16xf32>
          %get3A_361 = arith.index_cast %add3A_332 : i32 to index
          %get3A_362 = arith.constant 32 : index
          %get3A_363 = tpu.vector_load %arg9[%get3A_361, %get3A_362] {strides = array<i32>} : memref<128x64xi32, #tpu.memory_space<vmem>>, vector<16xi32>,
          %bitcast3A_364 = vector.bitcast %get3A_363 : vector<16xi32> to vector<32xbf16>
          %get3A_365 = arith.index_cast %add3A_332 : i32 to index
          %get3A_366 = arith.constant 32 : index
          %get3A_367 = tpu.vector_load %arg10[%get3A_365, %get3A_366] {strides = array<i32>} : memref<128x64xi32, #tpu.memory_space<vmem>>, vector<16xi32>,
          %bitcast3A_368 = vector.bitcast %get3A_367 : vector<16xi32> to vector<32xbf16>
          %unpack3A_369 = tpu.unpack_subelements %bitcast3A_364, 0 {pack_format = #tpu.pack_format<interleaved>} : vector<32xbf16> -> vector<16xf32>
          %unpack3A_370 = tpu.unpack_subelements %bitcast3A_364, 1 {pack_format = #tpu.pack_format<interleaved>} : vector<32xbf16> -> vector<16xf32>
          %unpack3A_371 = tpu.unpack_subelements %bitcast3A_368, 0 {pack_format = #tpu.pack_format<interleaved>} : vector<32xbf16> -> vector<16xf32>
          %unpack3A_372 = tpu.unpack_subelements %bitcast3A_368, 1 {pack_format = #tpu.pack_format<interleaved>} : vector<32xbf16> -> vector<16xf32>
          %mul3A_373 = arith.mulf %unpack3A_369, %unpack3A_371 : vector<16xf32>
          %mul3A_374 = arith.mulf %unpack3A_370, %unpack3A_372 : vector<16xf32>
          %get3A_375 = arith.index_cast %add3A_332 : i32 to index
          %get3A_376 = arith.constant 48 : index
          %get3A_377 = tpu.vector_load %arg9[%get3A_375, %get3A_376] {strides = array<i32>} : memref<128x64xi32, #tpu.memory_space<vmem>>, vector<16xi32>,
          %bitcast3A_378 = vector.bitcast %get3A_377 : vector<16xi32> to vector<32xbf16>
          %get3A_379 = arith.index_cast %add3A_332 : i32 to index
          %get3A_380 = arith.constant 48 : index
          %get3A_381 = tpu.vector_load %arg10[%get3A_379, %get3A_380] {strides = array<i32>} : memref<128x64xi32, #tpu.memory_space<vmem>>, vector<16xi32>,
          %bitcast3A_382 = vector.bitcast %get3A_381 : vector<16xi32> to vector<32xbf16>
          %unpack3A_383 = tpu.unpack_subelements %bitcast3A_378, 0 {pack_format = #tpu.pack_format<interleaved>} : vector<32xbf16> -> vector<16xf32>
          %unpack3A_384 = tpu.unpack_subelements %bitcast3A_378, 1 {pack_format = #tpu.pack_format<interleaved>} : vector<32xbf16> -> vector<16xf32>
          %unpack3A_385 = tpu.unpack_subelements %bitcast3A_382, 0 {pack_format = #tpu.pack_format<interleaved>} : vector<32xbf16> -> vector<16xf32>
          %unpack3A_386 = tpu.unpack_subelements %bitcast3A_382, 1 {pack_format = #tpu.pack_format<interleaved>} : vector<32xbf16> -> vector<16xf32>
          %mul3A_387 = arith.mulf %unpack3A_383, %unpack3A_385 : vector<16xf32>
          %mul3A_388 = arith.mulf %unpack3A_384, %unpack3A_386 : vector<16xf32>
          %add3A_389 = arith.addf %mul3A_345, %mul3A_346 : vector<16xf32>
          %add3A_390 = arith.addf %mul3A_359, %mul3A_360 : vector<16xf32>
          %add3A_391 = arith.addf %mul3A_373, %mul3A_374 : vector<16xf32>
          %add3A_392 = arith.addf %mul3A_387, %mul3A_388 : vector<16xf32>
          %add3A_393 = arith.addf %add3A_389, %add3A_390 : vector<16xf32>
          %add3A_394 = arith.addf %add3A_391, %add3A_392 : vector<16xf32>
          %add3A_395 = arith.addf %add3A_393, %add3A_394 : vector<16xf32>
          %mul3A_396 = arith.constant 16 : i32
          %mul3A_397 = arith.muli %scan3A_129, %mul3A_396 : i32
          %add3A_398 = arith.constant 2 : i32
          %add3A_399 = arith.addi %mul3A_397, %add3A_398 : i32
          %get3A_400 = arith.index_cast %add3A_399 : i32 to index
          %get3A_401 = arith.constant 0 : index
          %get3A_402 = tpu.vector_load %arg9[%get3A_400, %get3A_401] {strides = array<i32>} : memref<128x64xi32, #tpu.memory_space<vmem>>, vector<16xi32>,
          %bitcast3A_403 = vector.bitcast %get3A_402 : vector<16xi32> to vector<32xbf16>
          %get3A_404 = arith.index_cast %add3A_399 : i32 to index
          %get3A_405 = arith.constant 0 : index
          %get3A_406 = tpu.vector_load %arg10[%get3A_404, %get3A_405] {strides = array<i32>} : memref<128x64xi32, #tpu.memory_space<vmem>>, vector<16xi32>,
          %bitcast3A_407 = vector.bitcast %get3A_406 : vector<16xi32> to vector<32xbf16>
          %unpack3A_408 = tpu.unpack_subelements %bitcast3A_403, 0 {pack_format = #tpu.pack_format<interleaved>} : vector<32xbf16> -> vector<16xf32>
          %unpack3A_409 = tpu.unpack_subelements %bitcast3A_403, 1 {pack_format = #tpu.pack_format<interleaved>} : vector<32xbf16> -> vector<16xf32>
          %unpack3A_410 = tpu.unpack_subelements %bitcast3A_407, 0 {pack_format = #tpu.pack_format<interleaved>} : vector<32xbf16> -> vector<16xf32>
          %unpack3A_411 = tpu.unpack_subelements %bitcast3A_407, 1 {pack_format = #tpu.pack_format<interleaved>} : vector<32xbf16> -> vector<16xf32>
          %mul3A_412 = arith.mulf %unpack3A_408, %unpack3A_410 : vector<16xf32>
          %mul3A_413 = arith.mulf %unpack3A_409, %unpack3A_411 : vector<16xf32>
          %get3A_414 = arith.index_cast %add3A_399 : i32 to index
          %get3A_415 = arith.constant 16 : index
          %get3A_416 = tpu.vector_load %arg9[%get3A_414, %get3A_415] {strides = array<i32>} : memref<128x64xi32, #tpu.memory_space<vmem>>, vector<16xi32>,
          %bitcast3A_417 = vector.bitcast %get3A_416 : vector<16xi32> to vector<32xbf16>
          %get3A_418 = arith.index_cast %add3A_399 : i32 to index
          %get3A_419 = arith.constant 16 : index
          %get3A_420 = tpu.vector_load %arg10[%get3A_418, %get3A_419] {strides = array<i32>} : memref<128x64xi32, #tpu.memory_space<vmem>>, vector<16xi32>,
          %bitcast3A_421 = vector.bitcast %get3A_420 : vector<16xi32> to vector<32xbf16>
          %unpack3A_422 = tpu.unpack_subelements %bitcast3A_417, 0 {pack_format = #tpu.pack_format<interleaved>} : vector<32xbf16> -> vector<16xf32>
          %unpack3A_423 = tpu.unpack_subelements %bitcast3A_417, 1 {pack_format = #tpu.pack_format<interleaved>} : vector<32xbf16> -> vector<16xf32>
          %unpack3A_424 = tpu.unpack_subelements %bitcast3A_421, 0 {pack_format = #tpu.pack_format<interleaved>} : vector<32xbf16> -> vector<16xf32>
          %unpack3A_425 = tpu.unpack_subelements %bitcast3A_421, 1 {pack_format = #tpu.pack_format<interleaved>} : vector<32xbf16> -> vector<16xf32>
          %mul3A_426 = arith.mulf %unpack3A_422, %unpack3A_424 : vector<16xf32>
          %mul3A_427 = arith.mulf %unpack3A_423, %unpack3A_425 : vector<16xf32>
          %get3A_428 = arith.index_cast %add3A_399 : i32 to index
          %get3A_429 = arith.constant 32 : index
          %get3A_430 = tpu.vector_load %arg9[%get3A_428, %get3A_429] {strides = array<i32>} : memref<128x64xi32, #tpu.memory_space<vmem>>, vector<16xi32>,
          %bitcast3A_431 = vector.bitcast %get3A_430 : vector<16xi32> to vector<32xbf16>
          %get3A_432 = arith.index_cast %add3A_399 : i32 to index
          %get3A_433 = arith.constant 32 : index
          %get3A_434 = tpu.vector_load %arg10[%get3A_432, %get3A_433] {strides = array<i32>} : memref<128x64xi32, #tpu.memory_space<vmem>>, vector<16xi32>,
          %bitcast3A_435 = vector.bitcast %get3A_434 : vector<16xi32> to vector<32xbf16>
          %unpack3A_436 = tpu.unpack_subelements %bitcast3A_431, 0 {pack_format = #tpu.pack_format<interleaved>} : vector<32xbf16> -> vector<16xf32>
          %unpack3A_437 = tpu.unpack_subelements %bitcast3A_431, 1 {pack_format = #tpu.pack_format<interleaved>} : vector<32xbf16> -> vector<16xf32>
          %unpack3A_438 = tpu.unpack_subelements %bitcast3A_435, 0 {pack_format = #tpu.pack_format<interleaved>} : vector<32xbf16> -> vector<16xf32>
          %unpack3A_439 = tpu.unpack_subelements %bitcast3A_435, 1 {pack_format = #tpu.pack_format<interleaved>} : vector<32xbf16> -> vector<16xf32>
          %mul3A_440 = arith.mulf %unpack3A_436, %unpack3A_438 : vector<16xf32>
          %mul3A_441 = arith.mulf %unpack3A_437, %unpack3A_439 : vector<16xf32>
          %get3A_442 = arith.index_cast %add3A_399 : i32 to index
          %get3A_443 = arith.constant 48 : index
          %get3A_444 = tpu.vector_load %arg9[%get3A_442, %get3A_443] {strides = array<i32>} : memref<128x64xi32, #tpu.memory_space<vmem>>, vector<16xi32>,
          %bitcast3A_445 = vector.bitcast %get3A_444 : vector<16xi32> to vector<32xbf16>
          %get3A_446 = arith.index_cast %add3A_399 : i32 to index
          %get3A_447 = arith.constant 48 : index
          %get3A_448 = tpu.vector_load %arg10[%get3A_446, %get3A_447] {strides = array<i32>} : memref<128x64xi32, #tpu.memory_space<vmem>>, vector<16xi32>,
          %bitcast3A_449 = vector.bitcast %get3A_448 : vector<16xi32> to vector<32xbf16>
          %unpack3A_450 = tpu.unpack_subelements %bitcast3A_445, 0 {pack_format = #tpu.pack_format<interleaved>} : vector<32xbf16> -> vector<16xf32>
          %unpack3A_451 = tpu.unpack_subelements %bitcast3A_445, 1 {pack_format = #tpu.pack_format<interleaved>} : vector<32xbf16> -> vector<16xf32>
          %unpack3A_452 = tpu.unpack_subelements %bitcast3A_449, 0 {pack_format = #tpu.pack_format<interleaved>} : vector<32xbf16> -> vector<16xf32>
          %unpack3A_453 = tpu.unpack_subelements %bitcast3A_449, 1 {pack_format = #tpu.pack_format<interleaved>} : vector<32xbf16> -> vector<16xf32>
          %mul3A_454 = arith.mulf %unpack3A_450, %unpack3A_452 : vector<16xf32>
          %mul3A_455 = arith.mulf %unpack3A_451, %unpack3A_453 : vector<16xf32>
          %add3A_456 = arith.addf %mul3A_412, %mul3A_413 : vector<16xf32>
          %add3A_457 = arith.addf %mul3A_426, %mul3A_427 : vector<16xf32>
          %add3A_458 = arith.addf %mul3A_440, %mul3A_441 : vector<16xf32>
          %add3A_459 = arith.addf %mul3A_454, %mul3A_455 : vector<16xf32>
          %add3A_460 = arith.addf %add3A_456, %add3A_457 : vector<16xf32>
          %add3A_461 = arith.addf %add3A_458, %add3A_459 : vector<16xf32>
          %add3A_462 = arith.addf %add3A_460, %add3A_461 : vector<16xf32>
          %mul3A_463 = arith.constant 16 : i32
          %mul3A_464 = arith.muli %scan3A_129, %mul3A_463 : i32
          %add3A_465 = arith.constant 10 : i32
          %add3A_466 = arith.addi %mul3A_464, %add3A_465 : i32
          %get3A_467 = arith.index_cast %add3A_466 : i32 to index
          %get3A_468 = arith.constant 0 : index
          %get3A_469 = tpu.vector_load %arg9[%get3A_467, %get3A_468] {strides = array<i32>} : memref<128x64xi32, #tpu.memory_space<vmem>>, vector<16xi32>,
          %bitcast3A_470 = vector.bitcast %get3A_469 : vector<16xi32> to vector<32xbf16>
          %get3A_471 = arith.index_cast %add3A_466 : i32 to index
          %get3A_472 = arith.constant 0 : index
          %get3A_473 = tpu.vector_load %arg10[%get3A_471, %get3A_472] {strides = array<i32>} : memref<128x64xi32, #tpu.memory_space<vmem>>, vector<16xi32>,
          %bitcast3A_474 = vector.bitcast %get3A_473 : vector<16xi32> to vector<32xbf16>
          %unpack3A_475 = tpu.unpack_subelements %bitcast3A_470, 0 {pack_format = #tpu.pack_format<interleaved>} : vector<32xbf16> -> vector<16xf32>
          %unpack3A_476 = tpu.unpack_subelements %bitcast3A_470, 1 {pack_format = #tpu.pack_format<interleaved>} : vector<32xbf16> -> vector<16xf32>
          %unpack3A_477 = tpu.unpack_subelements %bitcast3A_474, 0 {pack_format = #tpu.pack_format<interleaved>} : vector<32xbf16> -> vector<16xf32>
          %unpack3A_478 = tpu.unpack_subelements %bitcast3A_474, 1 {pack_format = #tpu.pack_format<interleaved>} : vector<32xbf16> -> vector<16xf32>
          %mul3A_479 = arith.mulf %unpack3A_475, %unpack3A_477 : vector<16xf32>
          %mul3A_480 = arith.mulf %unpack3A_476, %unpack3A_478 : vector<16xf32>
          %get3A_481 = arith.index_cast %add3A_466 : i32 to index
          %get3A_482 = arith.constant 16 : index
          %get3A_483 = tpu.vector_load %arg9[%get3A_481, %get3A_482] {strides = array<i32>} : memref<128x64xi32, #tpu.memory_space<vmem>>, vector<16xi32>,
          %bitcast3A_484 = vector.bitcast %get3A_483 : vector<16xi32> to vector<32xbf16>
          %get3A_485 = arith.index_cast %add3A_466 : i32 to index
          %get3A_486 = arith.constant 16 : index
          %get3A_487 = tpu.vector_load %arg10[%get3A_485, %get3A_486] {strides = array<i32>} : memref<128x64xi32, #tpu.memory_space<vmem>>, vector<16xi32>,
          %bitcast3A_488 = vector.bitcast %get3A_487 : vector<16xi32> to vector<32xbf16>
          %unpack3A_489 = tpu.unpack_subelements %bitcast3A_484, 0 {pack_format = #tpu.pack_format<interleaved>} : vector<32xbf16> -> vector<16xf32>
          %unpack3A_490 = tpu.unpack_subelements %bitcast3A_484, 1 {pack_format = #tpu.pack_format<interleaved>} : vector<32xbf16> -> vector<16xf32>
          %unpack3A_491 = tpu.unpack_subelements %bitcast3A_488, 0 {pack_format = #tpu.pack_format<interleaved>} : vector<32xbf16> -> vector<16xf32>
          %unpack3A_492 = tpu.unpack_subelements %bitcast3A_488, 1 {pack_format = #tpu.pack_format<interleaved>} : vector<32xbf16> -> vector<16xf32>
          %mul3A_493 = arith.mulf %unpack3A_489, %unpack3A_491 : vector<16xf32>
          %mul3A_494 = arith.mulf %unpack3A_490, %unpack3A_492 : vector<16xf32>
          %get3A_495 = arith.index_cast %add3A_466 : i32 to index
          %get3A_496 = arith.constant 32 : index
          %get3A_497 = tpu.vector_load %arg9[%get3A_495, %get3A_496] {strides = array<i32>} : memref<128x64xi32, #tpu.memory_space<vmem>>, vector<16xi32>,
          %bitcast3A_498 = vector.bitcast %get3A_497 : vector<16xi32> to vector<32xbf16>
          %get3A_499 = arith.index_cast %add3A_466 : i32 to index
          %get3A_500 = arith.constant 32 : index
          %get3A_501 = tpu.vector_load %arg10[%get3A_499, %get3A_500] {strides = array<i32>} : memref<128x64xi32, #tpu.memory_space<vmem>>, vector<16xi32>,
          %bitcast3A_502 = vector.bitcast %get3A_501 : vector<16xi32> to vector<32xbf16>
          %unpack3A_503 = tpu.unpack_subelements %bitcast3A_498, 0 {pack_format = #tpu.pack_format<interleaved>} : vector<32xbf16> -> vector<16xf32>
          %unpack3A_504 = tpu.unpack_subelements %bitcast3A_498, 1 {pack_format = #tpu.pack_format<interleaved>} : vector<32xbf16> -> vector<16xf32>
          %unpack3A_505 = tpu.unpack_subelements %bitcast3A_502, 0 {pack_format = #tpu.pack_format<interleaved>} : vector<32xbf16> -> vector<16xf32>
          %unpack3A_506 = tpu.unpack_subelements %bitcast3A_502, 1 {pack_format = #tpu.pack_format<interleaved>} : vector<32xbf16> -> vector<16xf32>
          %mul3A_507 = arith.mulf %unpack3A_503, %unpack3A_505 : vector<16xf32>
          %mul3A_508 = arith.mulf %unpack3A_504, %unpack3A_506 : vector<16xf32>
          %get3A_509 = arith.index_cast %add3A_466 : i32 to index
          %get3A_510 = arith.constant 48 : index
          %get3A_511 = tpu.vector_load %arg9[%get3A_509, %get3A_510] {strides = array<i32>} : memref<128x64xi32, #tpu.memory_space<vmem>>, vector<16xi32>,
          %bitcast3A_512 = vector.bitcast %get3A_511 : vector<16xi32> to vector<32xbf16>
          %get3A_513 = arith.index_cast %add3A_466 : i32 to index
          %get3A_514 = arith.constant 48 : index
          %get3A_515 = tpu.vector_load %arg10[%get3A_513, %get3A_514] {strides = array<i32>} : memref<128x64xi32, #tpu.memory_space<vmem>>, vector<16xi32>,
          %bitcast3A_516 = vector.bitcast %get3A_515 : vector<16xi32> to vector<32xbf16>
          %unpack3A_517 = tpu.unpack_subelements %bitcast3A_512, 0 {pack_format = #tpu.pack_format<interleaved>} : vector<32xbf16> -> vector<16xf32>
          %unpack3A_518 = tpu.unpack_subelements %bitcast3A_512, 1 {pack_format = #tpu.pack_format<interleaved>} : vector<32xbf16> -> vector<16xf32>
          %unpack3A_519 = tpu.unpack_subelements %bitcast3A_516, 0 {pack_format = #tpu.pack_format<interleaved>} : vector<32xbf16> -> vector<16xf32>
          %unpack3A_520 = tpu.unpack_subelements %bitcast3A_516, 1 {pack_format = #tpu.pack_format<interleaved>} : vector<32xbf16> -> vector<16xf32>
          %mul3A_521 = arith.mulf %unpack3A_517, %unpack3A_519 : vector<16xf32>
          %mul3A_522 = arith.mulf %unpack3A_518, %unpack3A_520 : vector<16xf32>
          %add3A_523 = arith.addf %mul3A_479, %mul3A_480 : vector<16xf32>
          %add3A_524 = arith.addf %mul3A_493, %mul3A_494 : vector<16xf32>
          %add3A_525 = arith.addf %mul3A_507, %mul3A_508 : vector<16xf32>
          %add3A_526 = arith.addf %mul3A_521, %mul3A_522 : vector<16xf32>
          %add3A_527 = arith.addf %add3A_523, %add3A_524 : vector<16xf32>
          %add3A_528 = arith.addf %add3A_525, %add3A_526 : vector<16xf32>
          %add3A_529 = arith.addf %add3A_527, %add3A_528 : vector<16xf32>
          %mul3A_530 = arith.constant 16 : i32
          %mul3A_531 = arith.muli %scan3A_129, %mul3A_530 : i32
          %add3A_532 = arith.constant 6 : i32
          %add3A_533 = arith.addi %mul3A_531, %add3A_532 : i32
          %get3A_534 = arith.index_cast %add3A_533 : i32 to index
          %get3A_535 = arith.constant 0 : index
          %get3A_536 = tpu.vector_load %arg9[%get3A_534, %get3A_535] {strides = array<i32>} : memref<128x64xi32, #tpu.memory_space<vmem>>, vector<16xi32>,
          %bitcast3A_537 = vector.bitcast %get3A_536 : vector<16xi32> to vector<32xbf16>
          %get3A_538 = arith.index_cast %add3A_533 : i32 to index
          %get3A_539 = arith.constant 0 : index
          %get3A_540 = tpu.vector_load %arg10[%get3A_538, %get3A_539] {strides = array<i32>} : memref<128x64xi32, #tpu.memory_space<vmem>>, vector<16xi32>,
          %bitcast3A_541 = vector.bitcast %get3A_540 : vector<16xi32> to vector<32xbf16>
          %unpack3A_542 = tpu.unpack_subelements %bitcast3A_537, 0 {pack_format = #tpu.pack_format<interleaved>} : vector<32xbf16> -> vector<16xf32>
          %unpack3A_543 = tpu.unpack_subelements %bitcast3A_537, 1 {pack_format = #tpu.pack_format<interleaved>} : vector<32xbf16> -> vector<16xf32>
          %unpack3A_544 = tpu.unpack_subelements %bitcast3A_541, 0 {pack_format = #tpu.pack_format<interleaved>} : vector<32xbf16> -> vector<16xf32>
          %unpack3A_545 = tpu.unpack_subelements %bitcast3A_541, 1 {pack_format = #tpu.pack_format<interleaved>} : vector<32xbf16> -> vector<16xf32>
          %mul3A_546 = arith.mulf %unpack3A_542, %unpack3A_544 : vector<16xf32>
          %mul3A_547 = arith.mulf %unpack3A_543, %unpack3A_545 : vector<16xf32>
          %get3A_548 = arith.index_cast %add3A_533 : i32 to index
          %get3A_549 = arith.constant 16 : index
          %get3A_550 = tpu.vector_load %arg9[%get3A_548, %get3A_549] {strides = array<i32>} : memref<128x64xi32, #tpu.memory_space<vmem>>, vector<16xi32>,
          %bitcast3A_551 = vector.bitcast %get3A_550 : vector<16xi32> to vector<32xbf16>
          %get3A_552 = arith.index_cast %add3A_533 : i32 to index
          %get3A_553 = arith.constant 16 : index
          %get3A_554 = tpu.vector_load %arg10[%get3A_552, %get3A_553] {strides = array<i32>} : memref<128x64xi32, #tpu.memory_space<vmem>>, vector<16xi32>,
          %bitcast3A_555 = vector.bitcast %get3A_554 : vector<16xi32> to vector<32xbf16>
          %unpack3A_556 = tpu.unpack_subelements %bitcast3A_551, 0 {pack_format = #tpu.pack_format<interleaved>} : vector<32xbf16> -> vector<16xf32>
          %unpack3A_557 = tpu.unpack_subelements %bitcast3A_551, 1 {pack_format = #tpu.pack_format<interleaved>} : vector<32xbf16> -> vector<16xf32>
          %unpack3A_558 = tpu.unpack_subelements %bitcast3A_555, 0 {pack_format = #tpu.pack_format<interleaved>} : vector<32xbf16> -> vector<16xf32>
          %unpack3A_559 = tpu.unpack_subelements %bitcast3A_555, 1 {pack_format = #tpu.pack_format<interleaved>} : vector<32xbf16> -> vector<16xf32>
          %mul3A_560 = arith.mulf %unpack3A_556, %unpack3A_558 : vector<16xf32>
          %mul3A_561 = arith.mulf %unpack3A_557, %unpack3A_559 : vector<16xf32>
          %get3A_562 = arith.index_cast %add3A_533 : i32 to index
          %get3A_563 = arith.constant 32 : index
          %get3A_564 = tpu.vector_load %arg9[%get3A_562, %get3A_563] {strides = array<i32>} : memref<128x64xi32, #tpu.memory_space<vmem>>, vector<16xi32>,
          %bitcast3A_565 = vector.bitcast %get3A_564 : vector<16xi32> to vector<32xbf16>
          %get3A_566 = arith.index_cast %add3A_533 : i32 to index
          %get3A_567 = arith.constant 32 : index
          %get3A_568 = tpu.vector_load %arg10[%get3A_566, %get3A_567] {strides = array<i32>} : memref<128x64xi32, #tpu.memory_space<vmem>>, vector<16xi32>,
          %bitcast3A_569 = vector.bitcast %get3A_568 : vector<16xi32> to vector<32xbf16>
          %unpack3A_570 = tpu.unpack_subelements %bitcast3A_565, 0 {pack_format = #tpu.pack_format<interleaved>} : vector<32xbf16> -> vector<16xf32>
          %unpack3A_571 = tpu.unpack_subelements %bitcast3A_565, 1 {pack_format = #tpu.pack_format<interleaved>} : vector<32xbf16> -> vector<16xf32>
          %unpack3A_572 = tpu.unpack_subelements %bitcast3A_569, 0 {pack_format = #tpu.pack_format<interleaved>} : vector<32xbf16> -> vector<16xf32>
          %unpack3A_573 = tpu.unpack_subelements %bitcast3A_569, 1 {pack_format = #tpu.pack_format<interleaved>} : vector<32xbf16> -> vector<16xf32>
          %mul3A_574 = arith.mulf %unpack3A_570, %unpack3A_572 : vector<16xf32>
          %mul3A_575 = arith.mulf %unpack3A_571, %unpack3A_573 : vector<16xf32>
          %get3A_576 = arith.index_cast %add3A_533 : i32 to index
          %get3A_577 = arith.constant 48 : index
          %get3A_578 = tpu.vector_load %arg9[%get3A_576, %get3A_577] {strides = array<i32>} : memref<128x64xi32, #tpu.memory_space<vmem>>, vector<16xi32>,
          %bitcast3A_579 = vector.bitcast %get3A_578 : vector<16xi32> to vector<32xbf16>
          %get3A_580 = arith.index_cast %add3A_533 : i32 to index
          %get3A_581 = arith.constant 48 : index
          %get3A_582 = tpu.vector_load %arg10[%get3A_580, %get3A_581] {strides = array<i32>} : memref<128x64xi32, #tpu.memory_space<vmem>>, vector<16xi32>,
          %bitcast3A_583 = vector.bitcast %get3A_582 : vector<16xi32> to vector<32xbf16>
          %unpack3A_584 = tpu.unpack_subelements %bitcast3A_579, 0 {pack_format = #tpu.pack_format<interleaved>} : vector<32xbf16> -> vector<16xf32>
          %unpack3A_585 = tpu.unpack_subelements %bitcast3A_579, 1 {pack_format = #tpu.pack_format<interleaved>} : vector<32xbf16> -> vector<16xf32>
          %unpack3A_586 = tpu.unpack_subelements %bitcast3A_583, 0 {pack_format = #tpu.pack_format<interleaved>} : vector<32xbf16> -> vector<16xf32>
          %unpack3A_587 = tpu.unpack_subelements %bitcast3A_583, 1 {pack_format = #tpu.pack_format<interleaved>} : vector<32xbf16> -> vector<16xf32>
          %mul3A_588 = arith.mulf %unpack3A_584, %unpack3A_586 : vector<16xf32>
          %mul3A_589 = arith.mulf %unpack3A_585, %unpack3A_587 : vector<16xf32>
          %add3A_590 = arith.addf %mul3A_546, %mul3A_547 : vector<16xf32>
          %add3A_591 = arith.addf %mul3A_560, %mul3A_561 : vector<16xf32>
          %add3A_592 = arith.addf %mul3A_574, %mul3A_575 : vector<16xf32>
          %add3A_593 = arith.addf %mul3A_588, %mul3A_589 : vector<16xf32>
          %add3A_594 = arith.addf %add3A_590, %add3A_591 : vector<16xf32>
          %add3A_595 = arith.addf %add3A_592, %add3A_593 : vector<16xf32>
          %add3A_596 = arith.addf %add3A_594, %add3A_595 : vector<16xf32>
          %mul3A_597 = arith.constant 16 : i32
          %mul3A_598 = arith.muli %scan3A_129, %mul3A_597 : i32
          %add3A_599 = arith.constant 14 : i32
          %add3A_600 = arith.addi %mul3A_598, %add3A_599 : i32
          %get3A_601 = arith.index_cast %add3A_600 : i32 to index
          %get3A_602 = arith.constant 0 : index
          %get3A_603 = tpu.vector_load %arg9[%get3A_601, %get3A_602] {strides = array<i32>} : memref<128x64xi32, #tpu.memory_space<vmem>>, vector<16xi32>,
          %bitcast3A_604 = vector.bitcast %get3A_603 : vector<16xi32> to vector<32xbf16>
          %get3A_605 = arith.index_cast %add3A_600 : i32 to index
          %get3A_606 = arith.constant 0 : index
          %get3A_607 = tpu.vector_load %arg10[%get3A_605, %get3A_606] {strides = array<i32>} : memref<128x64xi32, #tpu.memory_space<vmem>>, vector<16xi32>,
          %bitcast3A_608 = vector.bitcast %get3A_607 : vector<16xi32> to vector<32xbf16>
          %unpack3A_609 = tpu.unpack_subelements %bitcast3A_604, 0 {pack_format = #tpu.pack_format<interleaved>} : vector<32xbf16> -> vector<16xf32>
          %unpack3A_610 = tpu.unpack_subelements %bitcast3A_604, 1 {pack_format = #tpu.pack_format<interleaved>} : vector<32xbf16> -> vector<16xf32>
          %unpack3A_611 = tpu.unpack_subelements %bitcast3A_608, 0 {pack_format = #tpu.pack_format<interleaved>} : vector<32xbf16> -> vector<16xf32>
          %unpack3A_612 = tpu.unpack_subelements %bitcast3A_608, 1 {pack_format = #tpu.pack_format<interleaved>} : vector<32xbf16> -> vector<16xf32>
          %mul3A_613 = arith.mulf %unpack3A_609, %unpack3A_611 : vector<16xf32>
          %mul3A_614 = arith.mulf %unpack3A_610, %unpack3A_612 : vector<16xf32>
          %get3A_615 = arith.index_cast %add3A_600 : i32 to index
          %get3A_616 = arith.constant 16 : index
          %get3A_617 = tpu.vector_load %arg9[%get3A_615, %get3A_616] {strides = array<i32>} : memref<128x64xi32, #tpu.memory_space<vmem>>, vector<16xi32>,
          %bitcast3A_618 = vector.bitcast %get3A_617 : vector<16xi32> to vector<32xbf16>
          %get3A_619 = arith.index_cast %add3A_600 : i32 to index
          %get3A_620 = arith.constant 16 : index
          %get3A_621 = tpu.vector_load %arg10[%get3A_619, %get3A_620] {strides = array<i32>} : memref<128x64xi32, #tpu.memory_space<vmem>>, vector<16xi32>,
          %bitcast3A_622 = vector.bitcast %get3A_621 : vector<16xi32> to vector<32xbf16>
          %unpack3A_623 = tpu.unpack_subelements %bitcast3A_618, 0 {pack_format = #tpu.pack_format<interleaved>} : vector<32xbf16> -> vector<16xf32>
          %unpack3A_624 = tpu.unpack_subelements %bitcast3A_618, 1 {pack_format = #tpu.pack_format<interleaved>} : vector<32xbf16> -> vector<16xf32>
          %unpack3A_625 = tpu.unpack_subelements %bitcast3A_622, 0 {pack_format = #tpu.pack_format<interleaved>} : vector<32xbf16> -> vector<16xf32>
          %unpack3A_626 = tpu.unpack_subelements %bitcast3A_622, 1 {pack_format = #tpu.pack_format<interleaved>} : vector<32xbf16> -> vector<16xf32>
          %mul3A_627 = arith.mulf %unpack3A_623, %unpack3A_625 : vector<16xf32>
          %mul3A_628 = arith.mulf %unpack3A_624, %unpack3A_626 : vector<16xf32>
          %get3A_629 = arith.index_cast %add3A_600 : i32 to index
          %get3A_630 = arith.constant 32 : index
          %get3A_631 = tpu.vector_load %arg9[%get3A_629, %get3A_630] {strides = array<i32>} : memref<128x64xi32, #tpu.memory_space<vmem>>, vector<16xi32>,
          %bitcast3A_632 = vector.bitcast %get3A_631 : vector<16xi32> to vector<32xbf16>
          %get3A_633 = arith.index_cast %add3A_600 : i32 to index
          %get3A_634 = arith.constant 32 : index
          %get3A_635 = tpu.vector_load %arg10[%get3A_633, %get3A_634] {strides = array<i32>} : memref<128x64xi32, #tpu.memory_space<vmem>>, vector<16xi32>,
          %bitcast3A_636 = vector.bitcast %get3A_635 : vector<16xi32> to vector<32xbf16>
          %unpack3A_637 = tpu.unpack_subelements %bitcast3A_632, 0 {pack_format = #tpu.pack_format<interleaved>} : vector<32xbf16> -> vector<16xf32>
          %unpack3A_638 = tpu.unpack_subelements %bitcast3A_632, 1 {pack_format = #tpu.pack_format<interleaved>} : vector<32xbf16> -> vector<16xf32>
          %unpack3A_639 = tpu.unpack_subelements %bitcast3A_636, 0 {pack_format = #tpu.pack_format<interleaved>} : vector<32xbf16> -> vector<16xf32>
          %unpack3A_640 = tpu.unpack_subelements %bitcast3A_636, 1 {pack_format = #tpu.pack_format<interleaved>} : vector<32xbf16> -> vector<16xf32>
          %mul3A_641 = arith.mulf %unpack3A_637, %unpack3A_639 : vector<16xf32>
          %mul3A_642 = arith.mulf %unpack3A_638, %unpack3A_640 : vector<16xf32>
          %get3A_643 = arith.index_cast %add3A_600 : i32 to index
          %get3A_644 = arith.constant 48 : index
          %get3A_645 = tpu.vector_load %arg9[%get3A_643, %get3A_644] {strides = array<i32>} : memref<128x64xi32, #tpu.memory_space<vmem>>, vector<16xi32>,
          %bitcast3A_646 = vector.bitcast %get3A_645 : vector<16xi32> to vector<32xbf16>
          %get3A_647 = arith.index_cast %add3A_600 : i32 to index
          %get3A_648 = arith.constant 48 : index
          %get3A_649 = tpu.vector_load %arg10[%get3A_647, %get3A_648] {strides = array<i32>} : memref<128x64xi32, #tpu.memory_space<vmem>>, vector<16xi32>,
          %bitcast3A_650 = vector.bitcast %get3A_649 : vector<16xi32> to vector<32xbf16>
          %unpack3A_651 = tpu.unpack_subelements %bitcast3A_646, 0 {pack_format = #tpu.pack_format<interleaved>} : vector<32xbf16> -> vector<16xf32>
          %unpack3A_652 = tpu.unpack_subelements %bitcast3A_646, 1 {pack_format = #tpu.pack_format<interleaved>} : vector<32xbf16> -> vector<16xf32>
          %unpack3A_653 = tpu.unpack_subelements %bitcast3A_650, 0 {pack_format = #tpu.pack_format<interleaved>} : vector<32xbf16> -> vector<16xf32>
          %unpack3A_654 = tpu.unpack_subelements %bitcast3A_650, 1 {pack_format = #tpu.pack_format<interleaved>} : vector<32xbf16> -> vector<16xf32>
          %mul3A_655 = arith.mulf %unpack3A_651, %unpack3A_653 : vector<16xf32>
          %mul3A_656 = arith.mulf %unpack3A_652, %unpack3A_654 : vector<16xf32>
          %add3A_657 = arith.addf %mul3A_613, %mul3A_614 : vector<16xf32>
          %add3A_658 = arith.addf %mul3A_627, %mul3A_628 : vector<16xf32>
          %add3A_659 = arith.addf %mul3A_641, %mul3A_642 : vector<16xf32>
          %add3A_660 = arith.addf %mul3A_655, %mul3A_656 : vector<16xf32>
          %add3A_661 = arith.addf %add3A_657, %add3A_658 : vector<16xf32>
          %add3A_662 = arith.addf %add3A_659, %add3A_660 : vector<16xf32>
          %add3A_663 = arith.addf %add3A_661, %add3A_662 : vector<16xf32>
          %mul3A_664 = arith.constant 16 : i32
          %mul3A_665 = arith.muli %scan3A_129, %mul3A_664 : i32
          %add3A_666 = arith.constant 1 : i32
          %add3A_667 = arith.addi %mul3A_665, %add3A_666 : i32
          %get3A_668 = arith.index_cast %add3A_667 : i32 to index
          %get3A_669 = arith.constant 0 : index
          %get3A_670 = tpu.vector_load %arg9[%get3A_668, %get3A_669] {strides = array<i32>} : memref<128x64xi32, #tpu.memory_space<vmem>>, vector<16xi32>,
          %bitcast3A_671 = vector.bitcast %get3A_670 : vector<16xi32> to vector<32xbf16>
          %get3A_672 = arith.index_cast %add3A_667 : i32 to index
          %get3A_673 = arith.constant 0 : index
          %get3A_674 = tpu.vector_load %arg10[%get3A_672, %get3A_673] {strides = array<i32>} : memref<128x64xi32, #tpu.memory_space<vmem>>, vector<16xi32>,
          %bitcast3A_675 = vector.bitcast %get3A_674 : vector<16xi32> to vector<32xbf16>
          %unpack3A_676 = tpu.unpack_subelements %bitcast3A_671, 0 {pack_format = #tpu.pack_format<interleaved>} : vector<32xbf16> -> vector<16xf32>
          %unpack3A_677 = tpu.unpack_subelements %bitcast3A_671, 1 {pack_format = #tpu.pack_format<interleaved>} : vector<32xbf16> -> vector<16xf32>
          %unpack3A_678 = tpu.unpack_subelements %bitcast3A_675, 0 {pack_format = #tpu.pack_format<interleaved>} : vector<32xbf16> -> vector<16xf32>
          %unpack3A_679 = tpu.unpack_subelements %bitcast3A_675, 1 {pack_format = #tpu.pack_format<interleaved>} : vector<32xbf16> -> vector<16xf32>
          %mul3A_680 = arith.mulf %unpack3A_676, %unpack3A_678 : vector<16xf32>
          %mul3A_681 = arith.mulf %unpack3A_677, %unpack3A_679 : vector<16xf32>
          %get3A_682 = arith.index_cast %add3A_667 : i32 to index
          %get3A_683 = arith.constant 16 : index
          %get3A_684 = tpu.vector_load %arg9[%get3A_682, %get3A_683] {strides = array<i32>} : memref<128x64xi32, #tpu.memory_space<vmem>>, vector<16xi32>,
          %bitcast3A_685 = vector.bitcast %get3A_684 : vector<16xi32> to vector<32xbf16>
          %get3A_686 = arith.index_cast %add3A_667 : i32 to index
          %get3A_687 = arith.constant 16 : index
          %get3A_688 = tpu.vector_load %arg10[%get3A_686, %get3A_687] {strides = array<i32>} : memref<128x64xi32, #tpu.memory_space<vmem>>, vector<16xi32>,
          %bitcast3A_689 = vector.bitcast %get3A_688 : vector<16xi32> to vector<32xbf16>
          %unpack3A_690 = tpu.unpack_subelements %bitcast3A_685, 0 {pack_format = #tpu.pack_format<interleaved>} : vector<32xbf16> -> vector<16xf32>
          %unpack3A_691 = tpu.unpack_subelements %bitcast3A_685, 1 {pack_format = #tpu.pack_format<interleaved>} : vector<32xbf16> -> vector<16xf32>
          %unpack3A_692 = tpu.unpack_subelements %bitcast3A_689, 0 {pack_format = #tpu.pack_format<interleaved>} : vector<32xbf16> -> vector<16xf32>
          %unpack3A_693 = tpu.unpack_subelements %bitcast3A_689, 1 {pack_format = #tpu.pack_format<interleaved>} : vector<32xbf16> -> vector<16xf32>
          %mul3A_694 = arith.mulf %unpack3A_690, %unpack3A_692 : vector<16xf32>
          %mul3A_695 = arith.mulf %unpack3A_691, %unpack3A_693 : vector<16xf32>
          %get3A_696 = arith.index_cast %add3A_667 : i32 to index
          %get3A_697 = arith.constant 32 : index
          %get3A_698 = tpu.vector_load %arg9[%get3A_696, %get3A_697] {strides = array<i32>} : memref<128x64xi32, #tpu.memory_space<vmem>>, vector<16xi32>,
          %bitcast3A_699 = vector.bitcast %get3A_698 : vector<16xi32> to vector<32xbf16>
          %get3A_700 = arith.index_cast %add3A_667 : i32 to index
          %get3A_701 = arith.constant 32 : index
          %get3A_702 = tpu.vector_load %arg10[%get3A_700, %get3A_701] {strides = array<i32>} : memref<128x64xi32, #tpu.memory_space<vmem>>, vector<16xi32>,
          %bitcast3A_703 = vector.bitcast %get3A_702 : vector<16xi32> to vector<32xbf16>
          %unpack3A_704 = tpu.unpack_subelements %bitcast3A_699, 0 {pack_format = #tpu.pack_format<interleaved>} : vector<32xbf16> -> vector<16xf32>
          %unpack3A_705 = tpu.unpack_subelements %bitcast3A_699, 1 {pack_format = #tpu.pack_format<interleaved>} : vector<32xbf16> -> vector<16xf32>
          %unpack3A_706 = tpu.unpack_subelements %bitcast3A_703, 0 {pack_format = #tpu.pack_format<interleaved>} : vector<32xbf16> -> vector<16xf32>
          %unpack3A_707 = tpu.unpack_subelements %bitcast3A_703, 1 {pack_format = #tpu.pack_format<interleaved>} : vector<32xbf16> -> vector<16xf32>
          %mul3A_708 = arith.mulf %unpack3A_704, %unpack3A_706 : vector<16xf32>
          %mul3A_709 = arith.mulf %unpack3A_705, %unpack3A_707 : vector<16xf32>
          %get3A_710 = arith.index_cast %add3A_667 : i32 to index
          %get3A_711 = arith.constant 48 : index
          %get3A_712 = tpu.vector_load %arg9[%get3A_710, %get3A_711] {strides = array<i32>} : memref<128x64xi32, #tpu.memory_space<vmem>>, vector<16xi32>,
          %bitcast3A_713 = vector.bitcast %get3A_712 : vector<16xi32> to vector<32xbf16>
          %get3A_714 = arith.index_cast %add3A_667 : i32 to index
          %get3A_715 = arith.constant 48 : index
          %get3A_716 = tpu.vector_load %arg10[%get3A_714, %get3A_715] {strides = array<i32>} : memref<128x64xi32, #tpu.memory_space<vmem>>, vector<16xi32>,
          %bitcast3A_717 = vector.bitcast %get3A_716 : vector<16xi32> to vector<32xbf16>
          %unpack3A_718 = tpu.unpack_subelements %bitcast3A_713, 0 {pack_format = #tpu.pack_format<interleaved>} : vector<32xbf16> -> vector<16xf32>
          %unpack3A_719 = tpu.unpack_subelements %bitcast3A_713, 1 {pack_format = #tpu.pack_format<interleaved>} : vector<32xbf16> -> vector<16xf32>
          %unpack3A_720 = tpu.unpack_subelements %bitcast3A_717, 0 {pack_format = #tpu.pack_format<interleaved>} : vector<32xbf16> -> vector<16xf32>
          %unpack3A_721 = tpu.unpack_subelements %bitcast3A_717, 1 {pack_format = #tpu.pack_format<interleaved>} : vector<32xbf16> -> vector<16xf32>
          %mul3A_722 = arith.mulf %unpack3A_718, %unpack3A_720 : vector<16xf32>
          %mul3A_723 = arith.mulf %unpack3A_719, %unpack3A_721 : vector<16xf32>
          %add3A_724 = arith.addf %mul3A_680, %mul3A_681 : vector<16xf32>
          %add3A_725 = arith.addf %mul3A_694, %mul3A_695 : vector<16xf32>
          %add3A_726 = arith.addf %mul3A_708, %mul3A_709 : vector<16xf32>
          %add3A_727 = arith.addf %mul3A_722, %mul3A_723 : vector<16xf32>
          %add3A_728 = arith.addf %add3A_724, %add3A_725 : vector<16xf32>
          %add3A_729 = arith.addf %add3A_726, %add3A_727 : vector<16xf32>
          %add3A_730 = arith.addf %add3A_728, %add3A_729 : vector<16xf32>
          %mul3A_731 = arith.constant 16 : i32
          %mul3A_732 = arith.muli %scan3A_129, %mul3A_731 : i32
          %add3A_733 = arith.constant 9 : i32
          %add3A_734 = arith.addi %mul3A_732, %add3A_733 : i32
          %get3A_735 = arith.index_cast %add3A_734 : i32 to index
          %get3A_736 = arith.constant 0 : index
          %get3A_737 = tpu.vector_load %arg9[%get3A_735, %get3A_736] {strides = array<i32>} : memref<128x64xi32, #tpu.memory_space<vmem>>, vector<16xi32>,
          %bitcast3A_738 = vector.bitcast %get3A_737 : vector<16xi32> to vector<32xbf16>
          %get3A_739 = arith.index_cast %add3A_734 : i32 to index
          %get3A_740 = arith.constant 0 : index
          %get3A_741 = tpu.vector_load %arg10[%get3A_739, %get3A_740] {strides = array<i32>} : memref<128x64xi32, #tpu.memory_space<vmem>>, vector<16xi32>,
          %bitcast3A_742 = vector.bitcast %get3A_741 : vector<16xi32> to vector<32xbf16>
          %unpack3A_743 = tpu.unpack_subelements %bitcast3A_738, 0 {pack_format = #tpu.pack_format<interleaved>} : vector<32xbf16> -> vector<16xf32>
          %unpack3A_744 = tpu.unpack_subelements %bitcast3A_738, 1 {pack_format = #tpu.pack_format<interleaved>} : vector<32xbf16> -> vector<16xf32>
          %unpack3A_745 = tpu.unpack_subelements %bitcast3A_742, 0 {pack_format = #tpu.pack_format<interleaved>} : vector<32xbf16> -> vector<16xf32>
          %unpack3A_746 = tpu.unpack_subelements %bitcast3A_742, 1 {pack_format = #tpu.pack_format<interleaved>} : vector<32xbf16> -> vector<16xf32>
          %mul3A_747 = arith.mulf %unpack3A_743, %unpack3A_745 : vector<16xf32>
          %mul3A_748 = arith.mulf %unpack3A_744, %unpack3A_746 : vector<16xf32>
          %get3A_749 = arith.index_cast %add3A_734 : i32 to index
          %get3A_750 = arith.constant 16 : index
          %get3A_751 = tpu.vector_load %arg9[%get3A_749, %get3A_750] {strides = array<i32>} : memref<128x64xi32, #tpu.memory_space<vmem>>, vector<16xi32>,
          %bitcast3A_752 = vector.bitcast %get3A_751 : vector<16xi32> to vector<32xbf16>
          %get3A_753 = arith.index_cast %add3A_734 : i32 to index
          %get3A_754 = arith.constant 16 : index
          %get3A_755 = tpu.vector_load %arg10[%get3A_753, %get3A_754] {strides = array<i32>} : memref<128x64xi32, #tpu.memory_space<vmem>>, vector<16xi32>,
          %bitcast3A_756 = vector.bitcast %get3A_755 : vector<16xi32> to vector<32xbf16>
          %unpack3A_757 = tpu.unpack_subelements %bitcast3A_752, 0 {pack_format = #tpu.pack_format<interleaved>} : vector<32xbf16> -> vector<16xf32>
          %unpack3A_758 = tpu.unpack_subelements %bitcast3A_752, 1 {pack_format = #tpu.pack_format<interleaved>} : vector<32xbf16> -> vector<16xf32>
          %unpack3A_759 = tpu.unpack_subelements %bitcast3A_756, 0 {pack_format = #tpu.pack_format<interleaved>} : vector<32xbf16> -> vector<16xf32>
          %unpack3A_760 = tpu.unpack_subelements %bitcast3A_756, 1 {pack_format = #tpu.pack_format<interleaved>} : vector<32xbf16> -> vector<16xf32>
          %mul3A_761 = arith.mulf %unpack3A_757, %unpack3A_759 : vector<16xf32>
          %mul3A_762 = arith.mulf %unpack3A_758, %unpack3A_760 : vector<16xf32>
          %get3A_763 = arith.index_cast %add3A_734 : i32 to index
          %get3A_764 = arith.constant 32 : index
          %get3A_765 = tpu.vector_load %arg9[%get3A_763, %get3A_764] {strides = array<i32>} : memref<128x64xi32, #tpu.memory_space<vmem>>, vector<16xi32>,
          %bitcast3A_766 = vector.bitcast %get3A_765 : vector<16xi32> to vector<32xbf16>
          %get3A_767 = arith.index_cast %add3A_734 : i32 to index
          %get3A_768 = arith.constant 32 : index
          %get3A_769 = tpu.vector_load %arg10[%get3A_767, %get3A_768] {strides = array<i32>} : memref<128x64xi32, #tpu.memory_space<vmem>>, vector<16xi32>,
          %bitcast3A_770 = vector.bitcast %get3A_769 : vector<16xi32> to vector<32xbf16>
          %unpack3A_771 = tpu.unpack_subelements %bitcast3A_766, 0 {pack_format = #tpu.pack_format<interleaved>} : vector<32xbf16> -> vector<16xf32>
          %unpack3A_772 = tpu.unpack_subelements %bitcast3A_766, 1 {pack_format = #tpu.pack_format<interleaved>} : vector<32xbf16> -> vector<16xf32>
          %unpack3A_773 = tpu.unpack_subelements %bitcast3A_770, 0 {pack_format = #tpu.pack_format<interleaved>} : vector<32xbf16> -> vector<16xf32>
          %unpack3A_774 = tpu.unpack_subelements %bitcast3A_770, 1 {pack_format = #tpu.pack_format<interleaved>} : vector<32xbf16> -> vector<16xf32>
          %mul3A_775 = arith.mulf %unpack3A_771, %unpack3A_773 : vector<16xf32>
          %mul3A_776 = arith.mulf %unpack3A_772, %unpack3A_774 : vector<16xf32>
          %get3A_777 = arith.index_cast %add3A_734 : i32 to index
          %get3A_778 = arith.constant 48 : index
          %get3A_779 = tpu.vector_load %arg9[%get3A_777, %get3A_778] {strides = array<i32>} : memref<128x64xi32, #tpu.memory_space<vmem>>, vector<16xi32>,
          %bitcast3A_780 = vector.bitcast %get3A_779 : vector<16xi32> to vector<32xbf16>
          %get3A_781 = arith.index_cast %add3A_734 : i32 to index
          %get3A_782 = arith.constant 48 : index
          %get3A_783 = tpu.vector_load %arg10[%get3A_781, %get3A_782] {strides = array<i32>} : memref<128x64xi32, #tpu.memory_space<vmem>>, vector<16xi32>,
          %bitcast3A_784 = vector.bitcast %get3A_783 : vector<16xi32> to vector<32xbf16>
          %unpack3A_785 = tpu.unpack_subelements %bitcast3A_780, 0 {pack_format = #tpu.pack_format<interleaved>} : vector<32xbf16> -> vector<16xf32>
          %unpack3A_786 = tpu.unpack_subelements %bitcast3A_780, 1 {pack_format = #tpu.pack_format<interleaved>} : vector<32xbf16> -> vector<16xf32>
          %unpack3A_787 = tpu.unpack_subelements %bitcast3A_784, 0 {pack_format = #tpu.pack_format<interleaved>} : vector<32xbf16> -> vector<16xf32>
          %unpack3A_788 = tpu.unpack_subelements %bitcast3A_784, 1 {pack_format = #tpu.pack_format<interleaved>} : vector<32xbf16> -> vector<16xf32>
          %mul3A_789 = arith.mulf %unpack3A_785, %unpack3A_787 : vector<16xf32>
          %mul3A_790 = arith.mulf %unpack3A_786, %unpack3A_788 : vector<16xf32>
          %add3A_791 = arith.addf %mul3A_747, %mul3A_748 : vector<16xf32>
          %add3A_792 = arith.addf %mul3A_761, %mul3A_762 : vector<16xf32>
          %add3A_793 = arith.addf %mul3A_775, %mul3A_776 : vector<16xf32>
          %add3A_794 = arith.addf %mul3A_789, %mul3A_790 : vector<16xf32>
          %add3A_795 = arith.addf %add3A_791, %add3A_792 : vector<16xf32>
          %add3A_796 = arith.addf %add3A_793, %add3A_794 : vector<16xf32>
          %add3A_797 = arith.addf %add3A_795, %add3A_796 : vector<16xf32>
          %mul3A_798 = arith.constant 16 : i32
          %mul3A_799 = arith.muli %scan3A_129, %mul3A_798 : i32
          %add3A_800 = arith.constant 5 : i32
          %add3A_801 = arith.addi %mul3A_799, %add3A_800 : i32
          %get3A_802 = arith.index_cast %add3A_801 : i32 to index
          %get3A_803 = arith.constant 0 : index
          %get3A_804 = tpu.vector_load %arg9[%get3A_802, %get3A_803] {strides = array<i32>} : memref<128x64xi32, #tpu.memory_space<vmem>>, vector<16xi32>,
          %bitcast3A_805 = vector.bitcast %get3A_804 : vector<16xi32> to vector<32xbf16>
          %get3A_806 = arith.index_cast %add3A_801 : i32 to index
          %get3A_807 = arith.constant 0 : index
          %get3A_808 = tpu.vector_load %arg10[%get3A_806, %get3A_807] {strides = array<i32>} : memref<128x64xi32, #tpu.memory_space<vmem>>, vector<16xi32>,
          %bitcast3A_809 = vector.bitcast %get3A_808 : vector<16xi32> to vector<32xbf16>
          %unpack3A_810 = tpu.unpack_subelements %bitcast3A_805, 0 {pack_format = #tpu.pack_format<interleaved>} : vector<32xbf16> -> vector<16xf32>
          %unpack3A_811 = tpu.unpack_subelements %bitcast3A_805, 1 {pack_format = #tpu.pack_format<interleaved>} : vector<32xbf16> -> vector<16xf32>
          %unpack3A_812 = tpu.unpack_subelements %bitcast3A_809, 0 {pack_format = #tpu.pack_format<interleaved>} : vector<32xbf16> -> vector<16xf32>
          %unpack3A_813 = tpu.unpack_subelements %bitcast3A_809, 1 {pack_format = #tpu.pack_format<interleaved>} : vector<32xbf16> -> vector<16xf32>
          %mul3A_814 = arith.mulf %unpack3A_810, %unpack3A_812 : vector<16xf32>
          %mul3A_815 = arith.mulf %unpack3A_811, %unpack3A_813 : vector<16xf32>
          %get3A_816 = arith.index_cast %add3A_801 : i32 to index
          %get3A_817 = arith.constant 16 : index
          %get3A_818 = tpu.vector_load %arg9[%get3A_816, %get3A_817] {strides = array<i32>} : memref<128x64xi32, #tpu.memory_space<vmem>>, vector<16xi32>,
          %bitcast3A_819 = vector.bitcast %get3A_818 : vector<16xi32> to vector<32xbf16>
          %get3A_820 = arith.index_cast %add3A_801 : i32 to index
          %get3A_821 = arith.constant 16 : index
          %get3A_822 = tpu.vector_load %arg10[%get3A_820, %get3A_821] {strides = array<i32>} : memref<128x64xi32, #tpu.memory_space<vmem>>, vector<16xi32>,
          %bitcast3A_823 = vector.bitcast %get3A_822 : vector<16xi32> to vector<32xbf16>
          %unpack3A_824 = tpu.unpack_subelements %bitcast3A_819, 0 {pack_format = #tpu.pack_format<interleaved>} : vector<32xbf16> -> vector<16xf32>
          %unpack3A_825 = tpu.unpack_subelements %bitcast3A_819, 1 {pack_format = #tpu.pack_format<interleaved>} : vector<32xbf16> -> vector<16xf32>
          %unpack3A_826 = tpu.unpack_subelements %bitcast3A_823, 0 {pack_format = #tpu.pack_format<interleaved>} : vector<32xbf16> -> vector<16xf32>
          %unpack3A_827 = tpu.unpack_subelements %bitcast3A_823, 1 {pack_format = #tpu.pack_format<interleaved>} : vector<32xbf16> -> vector<16xf32>
          %mul3A_828 = arith.mulf %unpack3A_824, %unpack3A_826 : vector<16xf32>
          %mul3A_829 = arith.mulf %unpack3A_825, %unpack3A_827 : vector<16xf32>
          %get3A_830 = arith.index_cast %add3A_801 : i32 to index
          %get3A_831 = arith.constant 32 : index
          %get3A_832 = tpu.vector_load %arg9[%get3A_830, %get3A_831] {strides = array<i32>} : memref<128x64xi32, #tpu.memory_space<vmem>>, vector<16xi32>,
          %bitcast3A_833 = vector.bitcast %get3A_832 : vector<16xi32> to vector<32xbf16>
          %get3A_834 = arith.index_cast %add3A_801 : i32 to index
          %get3A_835 = arith.constant 32 : index
          %get3A_836 = tpu.vector_load %arg10[%get3A_834, %get3A_835] {strides = array<i32>} : memref<128x64xi32, #tpu.memory_space<vmem>>, vector<16xi32>,
          %bitcast3A_837 = vector.bitcast %get3A_836 : vector<16xi32> to vector<32xbf16>
          %unpack3A_838 = tpu.unpack_subelements %bitcast3A_833, 0 {pack_format = #tpu.pack_format<interleaved>} : vector<32xbf16> -> vector<16xf32>
          %unpack3A_839 = tpu.unpack_subelements %bitcast3A_833, 1 {pack_format = #tpu.pack_format<interleaved>} : vector<32xbf16> -> vector<16xf32>
          %unpack3A_840 = tpu.unpack_subelements %bitcast3A_837, 0 {pack_format = #tpu.pack_format<interleaved>} : vector<32xbf16> -> vector<16xf32>
          %unpack3A_841 = tpu.unpack_subelements %bitcast3A_837, 1 {pack_format = #tpu.pack_format<interleaved>} : vector<32xbf16> -> vector<16xf32>
          %mul3A_842 = arith.mulf %unpack3A_838, %unpack3A_840 : vector<16xf32>
          %mul3A_843 = arith.mulf %unpack3A_839, %unpack3A_841 : vector<16xf32>
          %get3A_844 = arith.index_cast %add3A_801 : i32 to index
          %get3A_845 = arith.constant 48 : index
          %get3A_846 = tpu.vector_load %arg9[%get3A_844, %get3A_845] {strides = array<i32>} : memref<128x64xi32, #tpu.memory_space<vmem>>, vector<16xi32>,
          %bitcast3A_847 = vector.bitcast %get3A_846 : vector<16xi32> to vector<32xbf16>
          %get3A_848 = arith.index_cast %add3A_801 : i32 to index
          %get3A_849 = arith.constant 48 : index
          %get3A_850 = tpu.vector_load %arg10[%get3A_848, %get3A_849] {strides = array<i32>} : memref<128x64xi32, #tpu.memory_space<vmem>>, vector<16xi32>,
          %bitcast3A_851 = vector.bitcast %get3A_850 : vector<16xi32> to vector<32xbf16>
          %unpack3A_852 = tpu.unpack_subelements %bitcast3A_847, 0 {pack_format = #tpu.pack_format<interleaved>} : vector<32xbf16> -> vector<16xf32>
          %unpack3A_853 = tpu.unpack_subelements %bitcast3A_847, 1 {pack_format = #tpu.pack_format<interleaved>} : vector<32xbf16> -> vector<16xf32>
          %unpack3A_854 = tpu.unpack_subelements %bitcast3A_851, 0 {pack_format = #tpu.pack_format<interleaved>} : vector<32xbf16> -> vector<16xf32>
          %unpack3A_855 = tpu.unpack_subelements %bitcast3A_851, 1 {pack_format = #tpu.pack_format<interleaved>} : vector<32xbf16> -> vector<16xf32>
          %mul3A_856 = arith.mulf %unpack3A_852, %unpack3A_854 : vector<16xf32>
          %mul3A_857 = arith.mulf %unpack3A_853, %unpack3A_855 : vector<16xf32>
          %add3A_858 = arith.addf %mul3A_814, %mul3A_815 : vector<16xf32>
          %add3A_859 = arith.addf %mul3A_828, %mul3A_829 : vector<16xf32>
          %add3A_860 = arith.addf %mul3A_842, %mul3A_843 : vector<16xf32>
          %add3A_861 = arith.addf %mul3A_856, %mul3A_857 : vector<16xf32>
          %add3A_862 = arith.addf %add3A_858, %add3A_859 : vector<16xf32>
          %add3A_863 = arith.addf %add3A_860, %add3A_861 : vector<16xf32>
          %add3A_864 = arith.addf %add3A_862, %add3A_863 : vector<16xf32>
          %mul3A_865 = arith.constant 16 : i32
          %mul3A_866 = arith.muli %scan3A_129, %mul3A_865 : i32
          %add3A_867 = arith.constant 13 : i32
          %add3A_868 = arith.addi %mul3A_866, %add3A_867 : i32
          %get3A_869 = arith.index_cast %add3A_868 : i32 to index
          %get3A_870 = arith.constant 0 : index
          %get3A_871 = tpu.vector_load %arg9[%get3A_869, %get3A_870] {strides = array<i32>} : memref<128x64xi32, #tpu.memory_space<vmem>>, vector<16xi32>,
          %bitcast3A_872 = vector.bitcast %get3A_871 : vector<16xi32> to vector<32xbf16>
          %get3A_873 = arith.index_cast %add3A_868 : i32 to index
          %get3A_874 = arith.constant 0 : index
          %get3A_875 = tpu.vector_load %arg10[%get3A_873, %get3A_874] {strides = array<i32>} : memref<128x64xi32, #tpu.memory_space<vmem>>, vector<16xi32>,
          %bitcast3A_876 = vector.bitcast %get3A_875 : vector<16xi32> to vector<32xbf16>
          %unpack3A_877 = tpu.unpack_subelements %bitcast3A_872, 0 {pack_format = #tpu.pack_format<interleaved>} : vector<32xbf16> -> vector<16xf32>
          %unpack3A_878 = tpu.unpack_subelements %bitcast3A_872, 1 {pack_format = #tpu.pack_format<interleaved>} : vector<32xbf16> -> vector<16xf32>
          %unpack3A_879 = tpu.unpack_subelements %bitcast3A_876, 0 {pack_format = #tpu.pack_format<interleaved>} : vector<32xbf16> -> vector<16xf32>
          %unpack3A_880 = tpu.unpack_subelements %bitcast3A_876, 1 {pack_format = #tpu.pack_format<interleaved>} : vector<32xbf16> -> vector<16xf32>
          %mul3A_881 = arith.mulf %unpack3A_877, %unpack3A_879 : vector<16xf32>
          %mul3A_882 = arith.mulf %unpack3A_878, %unpack3A_880 : vector<16xf32>
          %get3A_883 = arith.index_cast %add3A_868 : i32 to index
          %get3A_884 = arith.constant 16 : index
          %get3A_885 = tpu.vector_load %arg9[%get3A_883, %get3A_884] {strides = array<i32>} : memref<128x64xi32, #tpu.memory_space<vmem>>, vector<16xi32>,
          %bitcast3A_886 = vector.bitcast %get3A_885 : vector<16xi32> to vector<32xbf16>
          %get3A_887 = arith.index_cast %add3A_868 : i32 to index
          %get3A_888 = arith.constant 16 : index
          %get3A_889 = tpu.vector_load %arg10[%get3A_887, %get3A_888] {strides = array<i32>} : memref<128x64xi32, #tpu.memory_space<vmem>>, vector<16xi32>,
          %bitcast3A_890 = vector.bitcast %get3A_889 : vector<16xi32> to vector<32xbf16>
          %unpack3A_891 = tpu.unpack_subelements %bitcast3A_886, 0 {pack_format = #tpu.pack_format<interleaved>} : vector<32xbf16> -> vector<16xf32>
          %unpack3A_892 = tpu.unpack_subelements %bitcast3A_886, 1 {pack_format = #tpu.pack_format<interleaved>} : vector<32xbf16> -> vector<16xf32>
          %unpack3A_893 = tpu.unpack_subelements %bitcast3A_890, 0 {pack_format = #tpu.pack_format<interleaved>} : vector<32xbf16> -> vector<16xf32>
          %unpack3A_894 = tpu.unpack_subelements %bitcast3A_890, 1 {pack_format = #tpu.pack_format<interleaved>} : vector<32xbf16> -> vector<16xf32>
          %mul3A_895 = arith.mulf %unpack3A_891, %unpack3A_893 : vector<16xf32>
          %mul3A_896 = arith.mulf %unpack3A_892, %unpack3A_894 : vector<16xf32>
          %get3A_897 = arith.index_cast %add3A_868 : i32 to index
          %get3A_898 = arith.constant 32 : index
          %get3A_899 = tpu.vector_load %arg9[%get3A_897, %get3A_898] {strides = array<i32>} : memref<128x64xi32, #tpu.memory_space<vmem>>, vector<16xi32>,
          %bitcast3A_900 = vector.bitcast %get3A_899 : vector<16xi32> to vector<32xbf16>
          %get3A_901 = arith.index_cast %add3A_868 : i32 to index
          %get3A_902 = arith.constant 32 : index
          %get3A_903 = tpu.vector_load %arg10[%get3A_901, %get3A_902] {strides = array<i32>} : memref<128x64xi32, #tpu.memory_space<vmem>>, vector<16xi32>,
          %bitcast3A_904 = vector.bitcast %get3A_903 : vector<16xi32> to vector<32xbf16>
          %unpack3A_905 = tpu.unpack_subelements %bitcast3A_900, 0 {pack_format = #tpu.pack_format<interleaved>} : vector<32xbf16> -> vector<16xf32>
          %unpack3A_906 = tpu.unpack_subelements %bitcast3A_900, 1 {pack_format = #tpu.pack_format<interleaved>} : vector<32xbf16> -> vector<16xf32>
          %unpack3A_907 = tpu.unpack_subelements %bitcast3A_904, 0 {pack_format = #tpu.pack_format<interleaved>} : vector<32xbf16> -> vector<16xf32>
          %unpack3A_908 = tpu.unpack_subelements %bitcast3A_904, 1 {pack_format = #tpu.pack_format<interleaved>} : vector<32xbf16> -> vector<16xf32>
          %mul3A_909 = arith.mulf %unpack3A_905, %unpack3A_907 : vector<16xf32>
          %mul3A_910 = arith.mulf %unpack3A_906, %unpack3A_908 : vector<16xf32>
          %get3A_911 = arith.index_cast %add3A_868 : i32 to index
          %get3A_912 = arith.constant 48 : index
          %get3A_913 = tpu.vector_load %arg9[%get3A_911, %get3A_912] {strides = array<i32>} : memref<128x64xi32, #tpu.memory_space<vmem>>, vector<16xi32>,
          %bitcast3A_914 = vector.bitcast %get3A_913 : vector<16xi32> to vector<32xbf16>
          %get3A_915 = arith.index_cast %add3A_868 : i32 to index
          %get3A_916 = arith.constant 48 : index
          %get3A_917 = tpu.vector_load %arg10[%get3A_915, %get3A_916] {strides = array<i32>} : memref<128x64xi32, #tpu.memory_space<vmem>>, vector<16xi32>,
          %bitcast3A_918 = vector.bitcast %get3A_917 : vector<16xi32> to vector<32xbf16>
          %unpack3A_919 = tpu.unpack_subelements %bitcast3A_914, 0 {pack_format = #tpu.pack_format<interleaved>} : vector<32xbf16> -> vector<16xf32>
          %unpack3A_920 = tpu.unpack_subelements %bitcast3A_914, 1 {pack_format = #tpu.pack_format<interleaved>} : vector<32xbf16> -> vector<16xf32>
          %unpack3A_921 = tpu.unpack_subelements %bitcast3A_918, 0 {pack_format = #tpu.pack_format<interleaved>} : vector<32xbf16> -> vector<16xf32>
          %unpack3A_922 = tpu.unpack_subelements %bitcast3A_918, 1 {pack_format = #tpu.pack_format<interleaved>} : vector<32xbf16> -> vector<16xf32>
          %mul3A_923 = arith.mulf %unpack3A_919, %unpack3A_921 : vector<16xf32>
          %mul3A_924 = arith.mulf %unpack3A_920, %unpack3A_922 : vector<16xf32>
          %add3A_925 = arith.addf %mul3A_881, %mul3A_882 : vector<16xf32>
          %add3A_926 = arith.addf %mul3A_895, %mul3A_896 : vector<16xf32>
          %add3A_927 = arith.addf %mul3A_909, %mul3A_910 : vector<16xf32>
          %add3A_928 = arith.addf %mul3A_923, %mul3A_924 : vector<16xf32>
          %add3A_929 = arith.addf %add3A_925, %add3A_926 : vector<16xf32>
          %add3A_930 = arith.addf %add3A_927, %add3A_928 : vector<16xf32>
          %add3A_931 = arith.addf %add3A_929, %add3A_930 : vector<16xf32>
          %mul3A_932 = arith.constant 16 : i32
          %mul3A_933 = arith.muli %scan3A_129, %mul3A_932 : i32
          %add3A_934 = arith.constant 3 : i32
          %add3A_935 = arith.addi %mul3A_933, %add3A_934 : i32
          %get3A_936 = arith.index_cast %add3A_935 : i32 to index
          %get3A_937 = arith.constant 0 : index
          %get3A_938 = tpu.vector_load %arg9[%get3A_936, %get3A_937] {strides = array<i32>} : memref<128x64xi32, #tpu.memory_space<vmem>>, vector<16xi32>,
          %bitcast3A_939 = vector.bitcast %get3A_938 : vector<16xi32> to vector<32xbf16>
          %get3A_940 = arith.index_cast %add3A_935 : i32 to index
          %get3A_941 = arith.constant 0 : index
          %get3A_942 = tpu.vector_load %arg10[%get3A_940, %get3A_941] {strides = array<i32>} : memref<128x64xi32, #tpu.memory_space<vmem>>, vector<16xi32>,
          %bitcast3A_943 = vector.bitcast %get3A_942 : vector<16xi32> to vector<32xbf16>
          %unpack3A_944 = tpu.unpack_subelements %bitcast3A_939, 0 {pack_format = #tpu.pack_format<interleaved>} : vector<32xbf16> -> vector<16xf32>
          %unpack3A_945 = tpu.unpack_subelements %bitcast3A_939, 1 {pack_format = #tpu.pack_format<interleaved>} : vector<32xbf16> -> vector<16xf32>
          %unpack3A_946 = tpu.unpack_subelements %bitcast3A_943, 0 {pack_format = #tpu.pack_format<interleaved>} : vector<32xbf16> -> vector<16xf32>
          %unpack3A_947 = tpu.unpack_subelements %bitcast3A_943, 1 {pack_format = #tpu.pack_format<interleaved>} : vector<32xbf16> -> vector<16xf32>
          %mul3A_948 = arith.mulf %unpack3A_944, %unpack3A_946 : vector<16xf32>
          %mul3A_949 = arith.mulf %unpack3A_945, %unpack3A_947 : vector<16xf32>
          %get3A_950 = arith.index_cast %add3A_935 : i32 to index
          %get3A_951 = arith.constant 16 : index
          %get3A_952 = tpu.vector_load %arg9[%get3A_950, %get3A_951] {strides = array<i32>} : memref<128x64xi32, #tpu.memory_space<vmem>>, vector<16xi32>,
          %bitcast3A_953 = vector.bitcast %get3A_952 : vector<16xi32> to vector<32xbf16>
          %get3A_954 = arith.index_cast %add3A_935 : i32 to index
          %get3A_955 = arith.constant 16 : index
          %get3A_956 = tpu.vector_load %arg10[%get3A_954, %get3A_955] {strides = array<i32>} : memref<128x64xi32, #tpu.memory_space<vmem>>, vector<16xi32>,
          %bitcast3A_957 = vector.bitcast %get3A_956 : vector<16xi32> to vector<32xbf16>
          %unpack3A_958 = tpu.unpack_subelements %bitcast3A_953, 0 {pack_format = #tpu.pack_format<interleaved>} : vector<32xbf16> -> vector<16xf32>
          %unpack3A_959 = tpu.unpack_subelements %bitcast3A_953, 1 {pack_format = #tpu.pack_format<interleaved>} : vector<32xbf16> -> vector<16xf32>
          %unpack3A_960 = tpu.unpack_subelements %bitcast3A_957, 0 {pack_format = #tpu.pack_format<interleaved>} : vector<32xbf16> -> vector<16xf32>
          %unpack3A_961 = tpu.unpack_subelements %bitcast3A_957, 1 {pack_format = #tpu.pack_format<interleaved>} : vector<32xbf16> -> vector<16xf32>
          %mul3A_962 = arith.mulf %unpack3A_958, %unpack3A_960 : vector<16xf32>
          %mul3A_963 = arith.mulf %unpack3A_959, %unpack3A_961 : vector<16xf32>
          %get3A_964 = arith.index_cast %add3A_935 : i32 to index
          %get3A_965 = arith.constant 32 : index
          %get3A_966 = tpu.vector_load %arg9[%get3A_964, %get3A_965] {strides = array<i32>} : memref<128x64xi32, #tpu.memory_space<vmem>>, vector<16xi32>,
          %bitcast3A_967 = vector.bitcast %get3A_966 : vector<16xi32> to vector<32xbf16>
          %get3A_968 = arith.index_cast %add3A_935 : i32 to index
          %get3A_969 = arith.constant 32 : index
          %get3A_970 = tpu.vector_load %arg10[%get3A_968, %get3A_969] {strides = array<i32>} : memref<128x64xi32, #tpu.memory_space<vmem>>, vector<16xi32>,
          %bitcast3A_971 = vector.bitcast %get3A_970 : vector<16xi32> to vector<32xbf16>
          %unpack3A_972 = tpu.unpack_subelements %bitcast3A_967, 0 {pack_format = #tpu.pack_format<interleaved>} : vector<32xbf16> -> vector<16xf32>
          %unpack3A_973 = tpu.unpack_subelements %bitcast3A_967, 1 {pack_format = #tpu.pack_format<interleaved>} : vector<32xbf16> -> vector<16xf32>
          %unpack3A_974 = tpu.unpack_subelements %bitcast3A_971, 0 {pack_format = #tpu.pack_format<interleaved>} : vector<32xbf16> -> vector<16xf32>
          %unpack3A_975 = tpu.unpack_subelements %bitcast3A_971, 1 {pack_format = #tpu.pack_format<interleaved>} : vector<32xbf16> -> vector<16xf32>
          %mul3A_976 = arith.mulf %unpack3A_972, %unpack3A_974 : vector<16xf32>
          %mul3A_977 = arith.mulf %unpack3A_973, %unpack3A_975 : vector<16xf32>
          %get3A_978 = arith.index_cast %add3A_935 : i32 to index
          %get3A_979 = arith.constant 48 : index
          %get3A_980 = tpu.vector_load %arg9[%get3A_978, %get3A_979] {strides = array<i32>} : memref<128x64xi32, #tpu.memory_space<vmem>>, vector<16xi32>,
          %bitcast3A_981 = vector.bitcast %get3A_980 : vector<16xi32> to vector<32xbf16>
          %get3A_982 = arith.index_cast %add3A_935 : i32 to index
          %get3A_983 = arith.constant 48 : index
          %get3A_984 = tpu.vector_load %arg10[%get3A_982, %get3A_983] {strides = array<i32>} : memref<128x64xi32, #tpu.memory_space<vmem>>, vector<16xi32>,
          %bitcast3A_985 = vector.bitcast %get3A_984 : vector<16xi32> to vector<32xbf16>
          %unpack3A_986 = tpu.unpack_subelements %bitcast3A_981, 0 {pack_format = #tpu.pack_format<interleaved>} : vector<32xbf16> -> vector<16xf32>
          %unpack3A_987 = tpu.unpack_subelements %bitcast3A_981, 1 {pack_format = #tpu.pack_format<interleaved>} : vector<32xbf16> -> vector<16xf32>
          %unpack3A_988 = tpu.unpack_subelements %bitcast3A_985, 0 {pack_format = #tpu.pack_format<interleaved>} : vector<32xbf16> -> vector<16xf32>
          %unpack3A_989 = tpu.unpack_subelements %bitcast3A_985, 1 {pack_format = #tpu.pack_format<interleaved>} : vector<32xbf16> -> vector<16xf32>
          %mul3A_990 = arith.mulf %unpack3A_986, %unpack3A_988 : vector<16xf32>
          %mul3A_991 = arith.mulf %unpack3A_987, %unpack3A_989 : vector<16xf32>
          %add3A_992 = arith.addf %mul3A_948, %mul3A_949 : vector<16xf32>
          %add3A_993 = arith.addf %mul3A_962, %mul3A_963 : vector<16xf32>
          %add3A_994 = arith.addf %mul3A_976, %mul3A_977 : vector<16xf32>
          %add3A_995 = arith.addf %mul3A_990, %mul3A_991 : vector<16xf32>
          %add3A_996 = arith.addf %add3A_992, %add3A_993 : vector<16xf32>
          %add3A_997 = arith.addf %add3A_994, %add3A_995 : vector<16xf32>
          %add3A_998 = arith.addf %add3A_996, %add3A_997 : vector<16xf32>
          %mul3A_999 = arith.constant 16 : i32
          %mul3A_1000 = arith.muli %scan3A_129, %mul3A_999 : i32
          %add3A_1001 = arith.constant 11 : i32
          %add3A_1002 = arith.addi %mul3A_1000, %add3A_1001 : i32
          %get3A_1003 = arith.index_cast %add3A_1002 : i32 to index
          %get3A_1004 = arith.constant 0 : index
          %get3A_1005 = tpu.vector_load %arg9[%get3A_1003, %get3A_1004] {strides = array<i32>} : memref<128x64xi32, #tpu.memory_space<vmem>>, vector<16xi32>,
          %bitcast3A_1006 = vector.bitcast %get3A_1005 : vector<16xi32> to vector<32xbf16>
          %get3A_1007 = arith.index_cast %add3A_1002 : i32 to index
          %get3A_1008 = arith.constant 0 : index
          %get3A_1009 = tpu.vector_load %arg10[%get3A_1007, %get3A_1008] {strides = array<i32>} : memref<128x64xi32, #tpu.memory_space<vmem>>, vector<16xi32>,
          %bitcast3A_1010 = vector.bitcast %get3A_1009 : vector<16xi32> to vector<32xbf16>
          %unpack3A_1011 = tpu.unpack_subelements %bitcast3A_1006, 0 {pack_format = #tpu.pack_format<interleaved>} : vector<32xbf16> -> vector<16xf32>
          %unpack3A_1012 = tpu.unpack_subelements %bitcast3A_1006, 1 {pack_format = #tpu.pack_format<interleaved>} : vector<32xbf16> -> vector<16xf32>
          %unpack3A_1013 = tpu.unpack_subelements %bitcast3A_1010, 0 {pack_format = #tpu.pack_format<interleaved>} : vector<32xbf16> -> vector<16xf32>
          %unpack3A_1014 = tpu.unpack_subelements %bitcast3A_1010, 1 {pack_format = #tpu.pack_format<interleaved>} : vector<32xbf16> -> vector<16xf32>
          %mul3A_1015 = arith.mulf %unpack3A_1011, %unpack3A_1013 : vector<16xf32>
          %mul3A_1016 = arith.mulf %unpack3A_1012, %unpack3A_1014 : vector<16xf32>
          %get3A_1017 = arith.index_cast %add3A_1002 : i32 to index
          %get3A_1018 = arith.constant 16 : index
          %get3A_1019 = tpu.vector_load %arg9[%get3A_1017, %get3A_1018] {strides = array<i32>} : memref<128x64xi32, #tpu.memory_space<vmem>>, vector<16xi32>,
          %bitcast3A_1020 = vector.bitcast %get3A_1019 : vector<16xi32> to vector<32xbf16>
          %get3A_1021 = arith.index_cast %add3A_1002 : i32 to index
          %get3A_1022 = arith.constant 16 : index
          %get3A_1023 = tpu.vector_load %arg10[%get3A_1021, %get3A_1022] {strides = array<i32>} : memref<128x64xi32, #tpu.memory_space<vmem>>, vector<16xi32>,
          %bitcast3A_1024 = vector.bitcast %get3A_1023 : vector<16xi32> to vector<32xbf16>
          %unpack3A_1025 = tpu.unpack_subelements %bitcast3A_1020, 0 {pack_format = #tpu.pack_format<interleaved>} : vector<32xbf16> -> vector<16xf32>
          %unpack3A_1026 = tpu.unpack_subelements %bitcast3A_1020, 1 {pack_format = #tpu.pack_format<interleaved>} : vector<32xbf16> -> vector<16xf32>
          %unpack3A_1027 = tpu.unpack_subelements %bitcast3A_1024, 0 {pack_format = #tpu.pack_format<interleaved>} : vector<32xbf16> -> vector<16xf32>
          %unpack3A_1028 = tpu.unpack_subelements %bitcast3A_1024, 1 {pack_format = #tpu.pack_format<interleaved>} : vector<32xbf16> -> vector<16xf32>
          %mul3A_1029 = arith.mulf %unpack3A_1025, %unpack3A_1027 : vector<16xf32>
          %mul3A_1030 = arith.mulf %unpack3A_1026, %unpack3A_1028 : vector<16xf32>
          %get3A_1031 = arith.index_cast %add3A_1002 : i32 to index
          %get3A_1032 = arith.constant 32 : index
          %get3A_1033 = tpu.vector_load %arg9[%get3A_1031, %get3A_1032] {strides = array<i32>} : memref<128x64xi32, #tpu.memory_space<vmem>>, vector<16xi32>,
          %bitcast3A_1034 = vector.bitcast %get3A_1033 : vector<16xi32> to vector<32xbf16>
          %get3A_1035 = arith.index_cast %add3A_1002 : i32 to index
          %get3A_1036 = arith.constant 32 : index
          %get3A_1037 = tpu.vector_load %arg10[%get3A_1035, %get3A_1036] {strides = array<i32>} : memref<128x64xi32, #tpu.memory_space<vmem>>, vector<16xi32>,
          %bitcast3A_1038 = vector.bitcast %get3A_1037 : vector<16xi32> to vector<32xbf16>
          %unpack3A_1039 = tpu.unpack_subelements %bitcast3A_1034, 0 {pack_format = #tpu.pack_format<interleaved>} : vector<32xbf16> -> vector<16xf32>
          %unpack3A_1040 = tpu.unpack_subelements %bitcast3A_1034, 1 {pack_format = #tpu.pack_format<interleaved>} : vector<32xbf16> -> vector<16xf32>
          %unpack3A_1041 = tpu.unpack_subelements %bitcast3A_1038, 0 {pack_format = #tpu.pack_format<interleaved>} : vector<32xbf16> -> vector<16xf32>
          %unpack3A_1042 = tpu.unpack_subelements %bitcast3A_1038, 1 {pack_format = #tpu.pack_format<interleaved>} : vector<32xbf16> -> vector<16xf32>
          %mul3A_1043 = arith.mulf %unpack3A_1039, %unpack3A_1041 : vector<16xf32>
          %mul3A_1044 = arith.mulf %unpack3A_1040, %unpack3A_1042 : vector<16xf32>
          %get3A_1045 = arith.index_cast %add3A_1002 : i32 to index
          %get3A_1046 = arith.constant 48 : index
          %get3A_1047 = tpu.vector_load %arg9[%get3A_1045, %get3A_1046] {strides = array<i32>} : memref<128x64xi32, #tpu.memory_space<vmem>>, vector<16xi32>,
          %bitcast3A_1048 = vector.bitcast %get3A_1047 : vector<16xi32> to vector<32xbf16>
          %get3A_1049 = arith.index_cast %add3A_1002 : i32 to index
          %get3A_1050 = arith.constant 48 : index
          %get3A_1051 = tpu.vector_load %arg10[%get3A_1049, %get3A_1050] {strides = array<i32>} : memref<128x64xi32, #tpu.memory_space<vmem>>, vector<16xi32>,
          %bitcast3A_1052 = vector.bitcast %get3A_1051 : vector<16xi32> to vector<32xbf16>
          %unpack3A_1053 = tpu.unpack_subelements %bitcast3A_1048, 0 {pack_format = #tpu.pack_format<interleaved>} : vector<32xbf16> -> vector<16xf32>
          %unpack3A_1054 = tpu.unpack_subelements %bitcast3A_1048, 1 {pack_format = #tpu.pack_format<interleaved>} : vector<32xbf16> -> vector<16xf32>
          %unpack3A_1055 = tpu.unpack_subelements %bitcast3A_1052, 0 {pack_format = #tpu.pack_format<interleaved>} : vector<32xbf16> -> vector<16xf32>
          %unpack3A_1056 = tpu.unpack_subelements %bitcast3A_1052, 1 {pack_format = #tpu.pack_format<interleaved>} : vector<32xbf16> -> vector<16xf32>
          %mul3A_1057 = arith.mulf %unpack3A_1053, %unpack3A_1055 : vector<16xf32>
          %mul3A_1058 = arith.mulf %unpack3A_1054, %unpack3A_1056 : vector<16xf32>
          %add3A_1059 = arith.addf %mul3A_1015, %mul3A_1016 : vector<16xf32>
          %add3A_1060 = arith.addf %mul3A_1029, %mul3A_1030 : vector<16xf32>
          %add3A_1061 = arith.addf %mul3A_1043, %mul3A_1044 : vector<16xf32>
          %add3A_1062 = arith.addf %mul3A_1057, %mul3A_1058 : vector<16xf32>
          %add3A_1063 = arith.addf %add3A_1059, %add3A_1060 : vector<16xf32>
          %add3A_1064 = arith.addf %add3A_1061, %add3A_1062 : vector<16xf32>
          %add3A_1065 = arith.addf %add3A_1063, %add3A_1064 : vector<16xf32>
          %mul3A_1066 = arith.constant 16 : i32
          %mul3A_1067 = arith.muli %scan3A_129, %mul3A_1066 : i32
          %add3A_1068 = arith.constant 7 : i32
          %add3A_1069 = arith.addi %mul3A_1067, %add3A_1068 : i32
          %get3A_1070 = arith.index_cast %add3A_1069 : i32 to index
          %get3A_1071 = arith.constant 0 : index
          %get3A_1072 = tpu.vector_load %arg9[%get3A_1070, %get3A_1071] {strides = array<i32>} : memref<128x64xi32, #tpu.memory_space<vmem>>, vector<16xi32>,
          %bitcast3A_1073 = vector.bitcast %get3A_1072 : vector<16xi32> to vector<32xbf16>
          %get3A_1074 = arith.index_cast %add3A_1069 : i32 to index
          %get3A_1075 = arith.constant 0 : index
          %get3A_1076 = tpu.vector_load %arg10[%get3A_1074, %get3A_1075] {strides = array<i32>} : memref<128x64xi32, #tpu.memory_space<vmem>>, vector<16xi32>,
          %bitcast3A_1077 = vector.bitcast %get3A_1076 : vector<16xi32> to vector<32xbf16>
          %unpack3A_1078 = tpu.unpack_subelements %bitcast3A_1073, 0 {pack_format = #tpu.pack_format<interleaved>} : vector<32xbf16> -> vector<16xf32>
          %unpack3A_1079 = tpu.unpack_subelements %bitcast3A_1073, 1 {pack_format = #tpu.pack_format<interleaved>} : vector<32xbf16> -> vector<16xf32>
          %unpack3A_1080 = tpu.unpack_subelements %bitcast3A_1077, 0 {pack_format = #tpu.pack_format<interleaved>} : vector<32xbf16> -> vector<16xf32>
          %unpack3A_1081 = tpu.unpack_subelements %bitcast3A_1077, 1 {pack_format = #tpu.pack_format<interleaved>} : vector<32xbf16> -> vector<16xf32>
          %mul3A_1082 = arith.mulf %unpack3A_1078, %unpack3A_1080 : vector<16xf32>
          %mul3A_1083 = arith.mulf %unpack3A_1079, %unpack3A_1081 : vector<16xf32>
          %get3A_1084 = arith.index_cast %add3A_1069 : i32 to index
          %get3A_1085 = arith.constant 16 : index
          %get3A_1086 = tpu.vector_load %arg9[%get3A_1084, %get3A_1085] {strides = array<i32>} : memref<128x64xi32, #tpu.memory_space<vmem>>, vector<16xi32>,
          %bitcast3A_1087 = vector.bitcast %get3A_1086 : vector<16xi32> to vector<32xbf16>
          %get3A_1088 = arith.index_cast %add3A_1069 : i32 to index
          %get3A_1089 = arith.constant 16 : index
          %get3A_1090 = tpu.vector_load %arg10[%get3A_1088, %get3A_1089] {strides = array<i32>} : memref<128x64xi32, #tpu.memory_space<vmem>>, vector<16xi32>,
          %bitcast3A_1091 = vector.bitcast %get3A_1090 : vector<16xi32> to vector<32xbf16>
          %unpack3A_1092 = tpu.unpack_subelements %bitcast3A_1087, 0 {pack_format = #tpu.pack_format<interleaved>} : vector<32xbf16> -> vector<16xf32>
          %unpack3A_1093 = tpu.unpack_subelements %bitcast3A_1087, 1 {pack_format = #tpu.pack_format<interleaved>} : vector<32xbf16> -> vector<16xf32>
          %unpack3A_1094 = tpu.unpack_subelements %bitcast3A_1091, 0 {pack_format = #tpu.pack_format<interleaved>} : vector<32xbf16> -> vector<16xf32>
          %unpack3A_1095 = tpu.unpack_subelements %bitcast3A_1091, 1 {pack_format = #tpu.pack_format<interleaved>} : vector<32xbf16> -> vector<16xf32>
          %mul3A_1096 = arith.mulf %unpack3A_1092, %unpack3A_1094 : vector<16xf32>
          %mul3A_1097 = arith.mulf %unpack3A_1093, %unpack3A_1095 : vector<16xf32>
          %get3A_1098 = arith.index_cast %add3A_1069 : i32 to index
          %get3A_1099 = arith.constant 32 : index
          %get3A_1100 = tpu.vector_load %arg9[%get3A_1098, %get3A_1099] {strides = array<i32>} : memref<128x64xi32, #tpu.memory_space<vmem>>, vector<16xi32>,
          %bitcast3A_1101 = vector.bitcast %get3A_1100 : vector<16xi32> to vector<32xbf16>
          %get3A_1102 = arith.index_cast %add3A_1069 : i32 to index
          %get3A_1103 = arith.constant 32 : index
          %get3A_1104 = tpu.vector_load %arg10[%get3A_1102, %get3A_1103] {strides = array<i32>} : memref<128x64xi32, #tpu.memory_space<vmem>>, vector<16xi32>,
          %bitcast3A_1105 = vector.bitcast %get3A_1104 : vector<16xi32> to vector<32xbf16>
          %unpack3A_1106 = tpu.unpack_subelements %bitcast3A_1101, 0 {pack_format = #tpu.pack_format<interleaved>} : vector<32xbf16> -> vector<16xf32>
          %unpack3A_1107 = tpu.unpack_subelements %bitcast3A_1101, 1 {pack_format = #tpu.pack_format<interleaved>} : vector<32xbf16> -> vector<16xf32>
          %unpack3A_1108 = tpu.unpack_subelements %bitcast3A_1105, 0 {pack_format = #tpu.pack_format<interleaved>} : vector<32xbf16> -> vector<16xf32>
          %unpack3A_1109 = tpu.unpack_subelements %bitcast3A_1105, 1 {pack_format = #tpu.pack_format<interleaved>} : vector<32xbf16> -> vector<16xf32>
          %mul3A_1110 = arith.mulf %unpack3A_1106, %unpack3A_1108 : vector<16xf32>
          %mul3A_1111 = arith.mulf %unpack3A_1107, %unpack3A_1109 : vector<16xf32>
          %get3A_1112 = arith.index_cast %add3A_1069 : i32 to index
          %get3A_1113 = arith.constant 48 : index
          %get3A_1114 = tpu.vector_load %arg9[%get3A_1112, %get3A_1113] {strides = array<i32>} : memref<128x64xi32, #tpu.memory_space<vmem>>, vector<16xi32>,
          %bitcast3A_1115 = vector.bitcast %get3A_1114 : vector<16xi32> to vector<32xbf16>
          %get3A_1116 = arith.index_cast %add3A_1069 : i32 to index
          %get3A_1117 = arith.constant 48 : index
          %get3A_1118 = tpu.vector_load %arg10[%get3A_1116, %get3A_1117] {strides = array<i32>} : memref<128x64xi32, #tpu.memory_space<vmem>>, vector<16xi32>,
          %bitcast3A_1119 = vector.bitcast %get3A_1118 : vector<16xi32> to vector<32xbf16>
          %unpack3A_1120 = tpu.unpack_subelements %bitcast3A_1115, 0 {pack_format = #tpu.pack_format<interleaved>} : vector<32xbf16> -> vector<16xf32>
          %unpack3A_1121 = tpu.unpack_subelements %bitcast3A_1115, 1 {pack_format = #tpu.pack_format<interleaved>} : vector<32xbf16> -> vector<16xf32>
          %unpack3A_1122 = tpu.unpack_subelements %bitcast3A_1119, 0 {pack_format = #tpu.pack_format<interleaved>} : vector<32xbf16> -> vector<16xf32>
          %unpack3A_1123 = tpu.unpack_subelements %bitcast3A_1119, 1 {pack_format = #tpu.pack_format<interleaved>} : vector<32xbf16> -> vector<16xf32>
          %mul3A_1124 = arith.mulf %unpack3A_1120, %unpack3A_1122 : vector<16xf32>
          %mul3A_1125 = arith.mulf %unpack3A_1121, %unpack3A_1123 : vector<16xf32>
          %add3A_1126 = arith.addf %mul3A_1082, %mul3A_1083 : vector<16xf32>
          %add3A_1127 = arith.addf %mul3A_1096, %mul3A_1097 : vector<16xf32>
          %add3A_1128 = arith.addf %mul3A_1110, %mul3A_1111 : vector<16xf32>
          %add3A_1129 = arith.addf %mul3A_1124, %mul3A_1125 : vector<16xf32>
          %add3A_1130 = arith.addf %add3A_1126, %add3A_1127 : vector<16xf32>
          %add3A_1131 = arith.addf %add3A_1128, %add3A_1129 : vector<16xf32>
          %add3A_1132 = arith.addf %add3A_1130, %add3A_1131 : vector<16xf32>
          %mul3A_1133 = arith.constant 16 : i32
          %mul3A_1134 = arith.muli %scan3A_129, %mul3A_1133 : i32
          %add3A_1135 = arith.constant 15 : i32
          %add3A_1136 = arith.addi %mul3A_1134, %add3A_1135 : i32
          %get3A_1137 = arith.index_cast %add3A_1136 : i32 to index
          %get3A_1138 = arith.constant 0 : index
          %get3A_1139 = tpu.vector_load %arg9[%get3A_1137, %get3A_1138] {strides = array<i32>} : memref<128x64xi32, #tpu.memory_space<vmem>>, vector<16xi32>,
          %bitcast3A_1140 = vector.bitcast %get3A_1139 : vector<16xi32> to vector<32xbf16>
          %get3A_1141 = arith.index_cast %add3A_1136 : i32 to index
          %get3A_1142 = arith.constant 0 : index
          %get3A_1143 = tpu.vector_load %arg10[%get3A_1141, %get3A_1142] {strides = array<i32>} : memref<128x64xi32, #tpu.memory_space<vmem>>, vector<16xi32>,
          %bitcast3A_1144 = vector.bitcast %get3A_1143 : vector<16xi32> to vector<32xbf16>
          %unpack3A_1145 = tpu.unpack_subelements %bitcast3A_1140, 0 {pack_format = #tpu.pack_format<interleaved>} : vector<32xbf16> -> vector<16xf32>
          %unpack3A_1146 = tpu.unpack_subelements %bitcast3A_1140, 1 {pack_format = #tpu.pack_format<interleaved>} : vector<32xbf16> -> vector<16xf32>
          %unpack3A_1147 = tpu.unpack_subelements %bitcast3A_1144, 0 {pack_format = #tpu.pack_format<interleaved>} : vector<32xbf16> -> vector<16xf32>
          %unpack3A_1148 = tpu.unpack_subelements %bitcast3A_1144, 1 {pack_format = #tpu.pack_format<interleaved>} : vector<32xbf16> -> vector<16xf32>
          %mul3A_1149 = arith.mulf %unpack3A_1145, %unpack3A_1147 : vector<16xf32>
          %mul3A_1150 = arith.mulf %unpack3A_1146, %unpack3A_1148 : vector<16xf32>
          %get3A_1151 = arith.index_cast %add3A_1136 : i32 to index
          %get3A_1152 = arith.constant 16 : index
          %get3A_1153 = tpu.vector_load %arg9[%get3A_1151, %get3A_1152] {strides = array<i32>} : memref<128x64xi32, #tpu.memory_space<vmem>>, vector<16xi32>,
          %bitcast3A_1154 = vector.bitcast %get3A_1153 : vector<16xi32> to vector<32xbf16>
          %get3A_1155 = arith.index_cast %add3A_1136 : i32 to index
          %get3A_1156 = arith.constant 16 : index
          %get3A_1157 = tpu.vector_load %arg10[%get3A_1155, %get3A_1156] {strides = array<i32>} : memref<128x64xi32, #tpu.memory_space<vmem>>, vector<16xi32>,
          %bitcast3A_1158 = vector.bitcast %get3A_1157 : vector<16xi32> to vector<32xbf16>
          %unpack3A_1159 = tpu.unpack_subelements %bitcast3A_1154, 0 {pack_format = #tpu.pack_format<interleaved>} : vector<32xbf16> -> vector<16xf32>
          %unpack3A_1160 = tpu.unpack_subelements %bitcast3A_1154, 1 {pack_format = #tpu.pack_format<interleaved>} : vector<32xbf16> -> vector<16xf32>
          %unpack3A_1161 = tpu.unpack_subelements %bitcast3A_1158, 0 {pack_format = #tpu.pack_format<interleaved>} : vector<32xbf16> -> vector<16xf32>
          %unpack3A_1162 = tpu.unpack_subelements %bitcast3A_1158, 1 {pack_format = #tpu.pack_format<interleaved>} : vector<32xbf16> -> vector<16xf32>
          %mul3A_1163 = arith.mulf %unpack3A_1159, %unpack3A_1161 : vector<16xf32>
          %mul3A_1164 = arith.mulf %unpack3A_1160, %unpack3A_1162 : vector<16xf32>
          %get3A_1165 = arith.index_cast %add3A_1136 : i32 to index
          %get3A_1166 = arith.constant 32 : index
          %get3A_1167 = tpu.vector_load %arg9[%get3A_1165, %get3A_1166] {strides = array<i32>} : memref<128x64xi32, #tpu.memory_space<vmem>>, vector<16xi32>,
          %bitcast3A_1168 = vector.bitcast %get3A_1167 : vector<16xi32> to vector<32xbf16>
          %get3A_1169 = arith.index_cast %add3A_1136 : i32 to index
          %get3A_1170 = arith.constant 32 : index
          %get3A_1171 = tpu.vector_load %arg10[%get3A_1169, %get3A_1170] {strides = array<i32>} : memref<128x64xi32, #tpu.memory_space<vmem>>, vector<16xi32>,
          %bitcast3A_1172 = vector.bitcast %get3A_1171 : vector<16xi32> to vector<32xbf16>
          %unpack3A_1173 = tpu.unpack_subelements %bitcast3A_1168, 0 {pack_format = #tpu.pack_format<interleaved>} : vector<32xbf16> -> vector<16xf32>
          %unpack3A_1174 = tpu.unpack_subelements %bitcast3A_1168, 1 {pack_format = #tpu.pack_format<interleaved>} : vector<32xbf16> -> vector<16xf32>
          %unpack3A_1175 = tpu.unpack_subelements %bitcast3A_1172, 0 {pack_format = #tpu.pack_format<interleaved>} : vector<32xbf16> -> vector<16xf32>
          %unpack3A_1176 = tpu.unpack_subelements %bitcast3A_1172, 1 {pack_format = #tpu.pack_format<interleaved>} : vector<32xbf16> -> vector<16xf32>
          %mul3A_1177 = arith.mulf %unpack3A_1173, %unpack3A_1175 : vector<16xf32>
          %mul3A_1178 = arith.mulf %unpack3A_1174, %unpack3A_1176 : vector<16xf32>
          %get3A_1179 = arith.index_cast %add3A_1136 : i32 to index
          %get3A_1180 = arith.constant 48 : index
          %get3A_1181 = tpu.vector_load %arg9[%get3A_1179, %get3A_1180] {strides = array<i32>} : memref<128x64xi32, #tpu.memory_space<vmem>>, vector<16xi32>,
          %bitcast3A_1182 = vector.bitcast %get3A_1181 : vector<16xi32> to vector<32xbf16>
          %get3A_1183 = arith.index_cast %add3A_1136 : i32 to index
          %get3A_1184 = arith.constant 48 : index
          %get3A_1185 = tpu.vector_load %arg10[%get3A_1183, %get3A_1184] {strides = array<i32>} : memref<128x64xi32, #tpu.memory_space<vmem>>, vector<16xi32>,
          %bitcast3A_1186 = vector.bitcast %get3A_1185 : vector<16xi32> to vector<32xbf16>
          %unpack3A_1187 = tpu.unpack_subelements %bitcast3A_1182, 0 {pack_format = #tpu.pack_format<interleaved>} : vector<32xbf16> -> vector<16xf32>
          %unpack3A_1188 = tpu.unpack_subelements %bitcast3A_1182, 1 {pack_format = #tpu.pack_format<interleaved>} : vector<32xbf16> -> vector<16xf32>
          %unpack3A_1189 = tpu.unpack_subelements %bitcast3A_1186, 0 {pack_format = #tpu.pack_format<interleaved>} : vector<32xbf16> -> vector<16xf32>
          %unpack3A_1190 = tpu.unpack_subelements %bitcast3A_1186, 1 {pack_format = #tpu.pack_format<interleaved>} : vector<32xbf16> -> vector<16xf32>
          %mul3A_1191 = arith.mulf %unpack3A_1187, %unpack3A_1189 : vector<16xf32>
          %mul3A_1192 = arith.mulf %unpack3A_1188, %unpack3A_1190 : vector<16xf32>
          %add3A_1193 = arith.addf %mul3A_1149, %mul3A_1150 : vector<16xf32>
          %add3A_1194 = arith.addf %mul3A_1163, %mul3A_1164 : vector<16xf32>
          %add3A_1195 = arith.addf %mul3A_1177, %mul3A_1178 : vector<16xf32>
          %add3A_1196 = arith.addf %mul3A_1191, %mul3A_1192 : vector<16xf32>
          %add3A_1197 = arith.addf %add3A_1193, %add3A_1194 : vector<16xf32>
          %add3A_1198 = arith.addf %add3A_1195, %add3A_1196 : vector<16xf32>
          %add3A_1199 = arith.addf %add3A_1197, %add3A_1198 : vector<16xf32>
          %reshape3A = vector.shape_cast %or3A : vector<16xi32> to vector<16x1xi32>
          %gather3A = vector.shape_cast %reshape3A : vector<16x1xi32> to vector<16xi32>
          %gather3A_1200 = tpu.dynamic_gather %add3A_194[%gather3A] in [0] : vector<16xf32>, vector<16xi32> -> vector<16xf32>
          %add3A_1201 = arith.addf %add3A_194, %gather3A_1200 : vector<16xf32>
          %reshape3A_1202 = vector.shape_cast %or3A : vector<16xi32> to vector<16x1xi32>
          %gather3A_1203 = vector.shape_cast %reshape3A_1202 : vector<16x1xi32> to vector<16xi32>
          %gather3A_1204 = tpu.dynamic_gather %add3A_261[%gather3A_1203] in [0] : vector<16xf32>, vector<16xi32> -> vector<16xf32>
          %add3A_1205 = arith.addf %add3A_261, %gather3A_1204 : vector<16xf32>
          %select_n3A_1206 = arith.select %eq3A_15, %add3A_1201, %add3A_1205 : vector<16xi1>, vector<16xf32>
          %reshape3A_1207 = vector.shape_cast %or3A : vector<16xi32> to vector<16x1xi32>
          %gather3A_1208 = vector.shape_cast %reshape3A_1207 : vector<16x1xi32> to vector<16xi32>
          %gather3A_1209 = tpu.dynamic_gather %add3A_328[%gather3A_1208] in [0] : vector<16xf32>, vector<16xi32> -> vector<16xf32>
          %add3A_1210 = arith.addf %add3A_328, %gather3A_1209 : vector<16xf32>
          %reshape3A_1211 = vector.shape_cast %or3A : vector<16xi32> to vector<16x1xi32>
          %gather3A_1212 = vector.shape_cast %reshape3A_1211 : vector<16x1xi32> to vector<16xi32>
          %gather3A_1213 = tpu.dynamic_gather %add3A_395[%gather3A_1212] in [0] : vector<16xf32>, vector<16xi32> -> vector<16xf32>
          %add3A_1214 = arith.addf %add3A_395, %gather3A_1213 : vector<16xf32>
          %select_n3A_1215 = arith.select %eq3A_15, %add3A_1210, %add3A_1214 : vector<16xi1>, vector<16xf32>
          %reshape3A_1216 = vector.shape_cast %or3A : vector<16xi32> to vector<16x1xi32>
          %gather3A_1217 = vector.shape_cast %reshape3A_1216 : vector<16x1xi32> to vector<16xi32>
          %gather3A_1218 = tpu.dynamic_gather %add3A_462[%gather3A_1217] in [0] : vector<16xf32>, vector<16xi32> -> vector<16xf32>
          %add3A_1219 = arith.addf %add3A_462, %gather3A_1218 : vector<16xf32>
          %reshape3A_1220 = vector.shape_cast %or3A : vector<16xi32> to vector<16x1xi32>
          %gather3A_1221 = vector.shape_cast %reshape3A_1220 : vector<16x1xi32> to vector<16xi32>
          %gather3A_1222 = tpu.dynamic_gather %add3A_529[%gather3A_1221] in [0] : vector<16xf32>, vector<16xi32> -> vector<16xf32>
          %add3A_1223 = arith.addf %add3A_529, %gather3A_1222 : vector<16xf32>
          %select_n3A_1224 = arith.select %eq3A_15, %add3A_1219, %add3A_1223 : vector<16xi1>, vector<16xf32>
          %reshape3A_1225 = vector.shape_cast %or3A : vector<16xi32> to vector<16x1xi32>
          %gather3A_1226 = vector.shape_cast %reshape3A_1225 : vector<16x1xi32> to vector<16xi32>
          %gather3A_1227 = tpu.dynamic_gather %add3A_596[%gather3A_1226] in [0] : vector<16xf32>, vector<16xi32> -> vector<16xf32>
          %add3A_1228 = arith.addf %add3A_596, %gather3A_1227 : vector<16xf32>
          %reshape3A_1229 = vector.shape_cast %or3A : vector<16xi32> to vector<16x1xi32>
          %gather3A_1230 = vector.shape_cast %reshape3A_1229 : vector<16x1xi32> to vector<16xi32>
          %gather3A_1231 = tpu.dynamic_gather %add3A_663[%gather3A_1230] in [0] : vector<16xf32>, vector<16xi32> -> vector<16xf32>
          %add3A_1232 = arith.addf %add3A_663, %gather3A_1231 : vector<16xf32>
          %select_n3A_1233 = arith.select %eq3A_15, %add3A_1228, %add3A_1232 : vector<16xi1>, vector<16xf32>
          %reshape3A_1234 = vector.shape_cast %or3A : vector<16xi32> to vector<16x1xi32>
          %gather3A_1235 = vector.shape_cast %reshape3A_1234 : vector<16x1xi32> to vector<16xi32>
          %gather3A_1236 = tpu.dynamic_gather %add3A_730[%gather3A_1235] in [0] : vector<16xf32>, vector<16xi32> -> vector<16xf32>
          %add3A_1237 = arith.addf %add3A_730, %gather3A_1236 : vector<16xf32>
          %reshape3A_1238 = vector.shape_cast %or3A : vector<16xi32> to vector<16x1xi32>
          %gather3A_1239 = vector.shape_cast %reshape3A_1238 : vector<16x1xi32> to vector<16xi32>
          %gather3A_1240 = tpu.dynamic_gather %add3A_797[%gather3A_1239] in [0] : vector<16xf32>, vector<16xi32> -> vector<16xf32>
          %add3A_1241 = arith.addf %add3A_797, %gather3A_1240 : vector<16xf32>
          %select_n3A_1242 = arith.select %eq3A_15, %add3A_1237, %add3A_1241 : vector<16xi1>, vector<16xf32>
          %reshape3A_1243 = vector.shape_cast %or3A : vector<16xi32> to vector<16x1xi32>
          %gather3A_1244 = vector.shape_cast %reshape3A_1243 : vector<16x1xi32> to vector<16xi32>
          %gather3A_1245 = tpu.dynamic_gather %add3A_864[%gather3A_1244] in [0] : vector<16xf32>, vector<16xi32> -> vector<16xf32>
          %add3A_1246 = arith.addf %add3A_864, %gather3A_1245 : vector<16xf32>
          %reshape3A_1247 = vector.shape_cast %or3A : vector<16xi32> to vector<16x1xi32>
          %gather3A_1248 = vector.shape_cast %reshape3A_1247 : vector<16x1xi32> to vector<16xi32>
          %gather3A_1249 = tpu.dynamic_gather %add3A_931[%gather3A_1248] in [0] : vector<16xf32>, vector<16xi32> -> vector<16xf32>
          %add3A_1250 = arith.addf %add3A_931, %gather3A_1249 : vector<16xf32>
          %select_n3A_1251 = arith.select %eq3A_15, %add3A_1246, %add3A_1250 : vector<16xi1>, vector<16xf32>
          %reshape3A_1252 = vector.shape_cast %or3A : vector<16xi32> to vector<16x1xi32>
          %gather3A_1253 = vector.shape_cast %reshape3A_1252 : vector<16x1xi32> to vector<16xi32>
          %gather3A_1254 = tpu.dynamic_gather %add3A_998[%gather3A_1253] in [0] : vector<16xf32>, vector<16xi32> -> vector<16xf32>
          %add3A_1255 = arith.addf %add3A_998, %gather3A_1254 : vector<16xf32>
          %reshape3A_1256 = vector.shape_cast %or3A : vector<16xi32> to vector<16x1xi32>
          %gather3A_1257 = vector.shape_cast %reshape3A_1256 : vector<16x1xi32> to vector<16xi32>
          %gather3A_1258 = tpu.dynamic_gather %add3A_1065[%gather3A_1257] in [0] : vector<16xf32>, vector<16xi32> -> vector<16xf32>
          %add3A_1259 = arith.addf %add3A_1065, %gather3A_1258 : vector<16xf32>
          %select_n3A_1260 = arith.select %eq3A_15, %add3A_1255, %add3A_1259 : vector<16xi1>, vector<16xf32>
          %reshape3A_1261 = vector.shape_cast %or3A : vector<16xi32> to vector<16x1xi32>
          %gather3A_1262 = vector.shape_cast %reshape3A_1261 : vector<16x1xi32> to vector<16xi32>
          %gather3A_1263 = tpu.dynamic_gather %add3A_1132[%gather3A_1262] in [0] : vector<16xf32>, vector<16xi32> -> vector<16xf32>
          %add3A_1264 = arith.addf %add3A_1132, %gather3A_1263 : vector<16xf32>
          %reshape3A_1265 = vector.shape_cast %or3A : vector<16xi32> to vector<16x1xi32>
          %gather3A_1266 = vector.shape_cast %reshape3A_1265 : vector<16x1xi32> to vector<16xi32>
          %gather3A_1267 = tpu.dynamic_gather %add3A_1199[%gather3A_1266] in [0] : vector<16xf32>, vector<16xi32> -> vector<16xf32>
          %add3A_1268 = arith.addf %add3A_1199, %gather3A_1267 : vector<16xf32>
          %select_n3A_1269 = arith.select %eq3A_15, %add3A_1264, %add3A_1268 : vector<16xi1>, vector<16xf32>
          %reshape3A_1270 = vector.shape_cast %or3A_25 : vector<16xi32> to vector<16x1xi32>
          %gather3A_1271 = vector.shape_cast %reshape3A_1270 : vector<16x1xi32> to vector<16xi32>
          %gather3A_1272 = tpu.dynamic_gather %select_n3A_1206[%gather3A_1271] in [0] : vector<16xf32>, vector<16xi32> -> vector<16xf32>
          %add3A_1273 = arith.addf %select_n3A_1206, %gather3A_1272 : vector<16xf32>
          %reshape3A_1274 = vector.shape_cast %or3A_25 : vector<16xi32> to vector<16x1xi32>
          %gather3A_1275 = vector.shape_cast %reshape3A_1274 : vector<16x1xi32> to vector<16xi32>
          %gather3A_1276 = tpu.dynamic_gather %select_n3A_1215[%gather3A_1275] in [0] : vector<16xf32>, vector<16xi32> -> vector<16xf32>
          %add3A_1277 = arith.addf %select_n3A_1215, %gather3A_1276 : vector<16xf32>
          %select_n3A_1278 = arith.select %eq3A_31, %add3A_1273, %add3A_1277 : vector<16xi1>, vector<16xf32>
          %reshape3A_1279 = vector.shape_cast %or3A_25 : vector<16xi32> to vector<16x1xi32>
          %gather3A_1280 = vector.shape_cast %reshape3A_1279 : vector<16x1xi32> to vector<16xi32>
          %gather3A_1281 = tpu.dynamic_gather %select_n3A_1224[%gather3A_1280] in [0] : vector<16xf32>, vector<16xi32> -> vector<16xf32>
          %add3A_1282 = arith.addf %select_n3A_1224, %gather3A_1281 : vector<16xf32>
          %reshape3A_1283 = vector.shape_cast %or3A_25 : vector<16xi32> to vector<16x1xi32>
          %gather3A_1284 = vector.shape_cast %reshape3A_1283 : vector<16x1xi32> to vector<16xi32>
          %gather3A_1285 = tpu.dynamic_gather %select_n3A_1233[%gather3A_1284] in [0] : vector<16xf32>, vector<16xi32> -> vector<16xf32>
          %add3A_1286 = arith.addf %select_n3A_1233, %gather3A_1285 : vector<16xf32>
          %select_n3A_1287 = arith.select %eq3A_31, %add3A_1282, %add3A_1286 : vector<16xi1>, vector<16xf32>
          %reshape3A_1288 = vector.shape_cast %or3A_25 : vector<16xi32> to vector<16x1xi32>
          %gather3A_1289 = vector.shape_cast %reshape3A_1288 : vector<16x1xi32> to vector<16xi32>
          %gather3A_1290 = tpu.dynamic_gather %select_n3A_1242[%gather3A_1289] in [0] : vector<16xf32>, vector<16xi32> -> vector<16xf32>
          %add3A_1291 = arith.addf %select_n3A_1242, %gather3A_1290 : vector<16xf32>
          %reshape3A_1292 = vector.shape_cast %or3A_25 : vector<16xi32> to vector<16x1xi32>
          %gather3A_1293 = vector.shape_cast %reshape3A_1292 : vector<16x1xi32> to vector<16xi32>
          %gather3A_1294 = tpu.dynamic_gather %select_n3A_1251[%gather3A_1293] in [0] : vector<16xf32>, vector<16xi32> -> vector<16xf32>
          %add3A_1295 = arith.addf %select_n3A_1251, %gather3A_1294 : vector<16xf32>
          %select_n3A_1296 = arith.select %eq3A_31, %add3A_1291, %add3A_1295 : vector<16xi1>, vector<16xf32>
          %reshape3A_1297 = vector.shape_cast %or3A_25 : vector<16xi32> to vector<16x1xi32>
          %gather3A_1298 = vector.shape_cast %reshape3A_1297 : vector<16x1xi32> to vector<16xi32>
          %gather3A_1299 = tpu.dynamic_gather %select_n3A_1260[%gather3A_1298] in [0] : vector<16xf32>, vector<16xi32> -> vector<16xf32>
          %add3A_1300 = arith.addf %select_n3A_1260, %gather3A_1299 : vector<16xf32>
          %reshape3A_1301 = vector.shape_cast %or3A_25 : vector<16xi32> to vector<16x1xi32>
          %gather3A_1302 = vector.shape_cast %reshape3A_1301 : vector<16x1xi32> to vector<16xi32>
          %gather3A_1303 = tpu.dynamic_gather %select_n3A_1269[%gather3A_1302] in [0] : vector<16xf32>, vector<16xi32> -> vector<16xf32>
          %add3A_1304 = arith.addf %select_n3A_1269, %gather3A_1303 : vector<16xf32>
          %select_n3A_1305 = arith.select %eq3A_31, %add3A_1300, %add3A_1304 : vector<16xi1>, vector<16xf32>
          %reshape3A_1306 = vector.shape_cast %or3A_41 : vector<16xi32> to vector<16x1xi32>
          %gather3A_1307 = vector.shape_cast %reshape3A_1306 : vector<16x1xi32> to vector<16xi32>
          %gather3A_1308 = tpu.dynamic_gather %select_n3A_1278[%gather3A_1307] in [0] : vector<16xf32>, vector<16xi32> -> vector<16xf32>
          %add3A_1309 = arith.addf %select_n3A_1278, %gather3A_1308 : vector<16xf32>
          %reshape3A_1310 = vector.shape_cast %or3A_41 : vector<16xi32> to vector<16x1xi32>
          %gather3A_1311 = vector.shape_cast %reshape3A_1310 : vector<16x1xi32> to vector<16xi32>
          %gather3A_1312 = tpu.dynamic_gather %select_n3A_1287[%gather3A_1311] in [0] : vector<16xf32>, vector<16xi32> -> vector<16xf32>
          %add3A_1313 = arith.addf %select_n3A_1287, %gather3A_1312 : vector<16xf32>
          %select_n3A_1314 = arith.select %eq3A_47, %add3A_1309, %add3A_1313 : vector<16xi1>, vector<16xf32>
          %reshape3A_1315 = vector.shape_cast %or3A_41 : vector<16xi32> to vector<16x1xi32>
          %gather3A_1316 = vector.shape_cast %reshape3A_1315 : vector<16x1xi32> to vector<16xi32>
          %gather3A_1317 = tpu.dynamic_gather %select_n3A_1296[%gather3A_1316] in [0] : vector<16xf32>, vector<16xi32> -> vector<16xf32>
          %add3A_1318 = arith.addf %select_n3A_1296, %gather3A_1317 : vector<16xf32>
          %reshape3A_1319 = vector.shape_cast %or3A_41 : vector<16xi32> to vector<16x1xi32>
          %gather3A_1320 = vector.shape_cast %reshape3A_1319 : vector<16x1xi32> to vector<16xi32>
          %gather3A_1321 = tpu.dynamic_gather %select_n3A_1305[%gather3A_1320] in [0] : vector<16xf32>, vector<16xi32> -> vector<16xf32>
          %add3A_1322 = arith.addf %select_n3A_1305, %gather3A_1321 : vector<16xf32>
          %select_n3A_1323 = arith.select %eq3A_47, %add3A_1318, %add3A_1322 : vector<16xi1>, vector<16xf32>
          %reshape3A_1324 = vector.shape_cast %or3A_57 : vector<16xi32> to vector<16x1xi32>
          %gather3A_1325 = vector.shape_cast %reshape3A_1324 : vector<16x1xi32> to vector<16xi32>
          %gather3A_1326 = tpu.dynamic_gather %select_n3A_1314[%gather3A_1325] in [0] : vector<16xf32>, vector<16xi32> -> vector<16xf32>
          %add3A_1327 = arith.addf %select_n3A_1314, %gather3A_1326 : vector<16xf32>
          %reshape3A_1328 = vector.shape_cast %or3A_57 : vector<16xi32> to vector<16x1xi32>
          %gather3A_1329 = vector.shape_cast %reshape3A_1328 : vector<16x1xi32> to vector<16xi32>
          %gather3A_1330 = tpu.dynamic_gather %select_n3A_1323[%gather3A_1329] in [0] : vector<16xf32>, vector<16xi32> -> vector<16xf32>
          %add3A_1331 = arith.addf %select_n3A_1323, %gather3A_1330 : vector<16xf32>
          %select_n3A_1332 = arith.select %eq3A_63, %add3A_1327, %add3A_1331 : vector<16xi1>, vector<16xf32>
          %mul3A_1333 = arith.constant 16 : i32
          %mul3A_1334 = arith.muli %scan3A_129, %mul3A_1333 : i32
          %add3A_1335 = arith.addi %mul3A_121, %mul3A_1334 : i32
          %swap3A = arith.index_cast %add3A_1335 : i32 to index
          %swap3A_1336 = tpu.vector_load %arg13[%swap3A] {strides = array<i32>} : memref<15744xf32, #tpu.memory_space<vmem>>, vector<16xf32>,
          tpu.vector_store %arg13[%swap3A], %select_n3A_1332 {strides = array<i32>} : memref<15744xf32, #tpu.memory_space<vmem>>, vector<16xf32>,
          %scan3A_1337 = arith.constant 0 : i32
          scf.yield %scan3A_1337 : i32
        }
        %scan3A_128 = arith.constant 8 : i32
      } else {
      }
      %not3A = arith.constant true
      %not3A_100 = arith.xori %eq3A_98, %not3A : i1
      %convert_element_type3A_101 = arith.extui %not3A_100 : i1 to i32
      %cond3A_102 = arith.constant 0 : i32
      %cond3A_103 = arith.cmpi ne, %convert_element_type3A_101, %cond3A_102 : i32
      scf.if %cond3A_103 {
        %dma_wait3A = tpu.memref_slice %arg7[%mul3A_82] : memref<15744xi32, #tpu.memory_space<vmem>> -> memref<128xi32, #tpu.memory_space<vmem>>
        %dma_wait3A_105 = arith.constant 0 : i32
        %dma_wait3A_106 = arith.constant 0 : i32
        %dma_wait3A_107 = tpu.memref_slice %arg2[%dma_wait3A_105, %dma_wait3A_106] : memref<50000x64xi32, #tpu.memory_space<hbm>> -> memref<50000x64xi32, #tpu.memory_space<hbm>>
        tpu.wait_indirect_dma semaphore(%arg16 : memref<!tpu.dma_semaphore, #tpu.memory_space<semaphore_mem>>) src(%dma_wait3A_107 : memref<50000x64xi32, #tpu.memory_space<hbm>>) dst(%arg11 : memref<128x64xi32, #tpu.memory_space<vmem>>)
        %dma_wait3A_108 = tpu.memref_slice %arg8[%mul3A_82] : memref<15744xi32, #tpu.memory_space<vmem>> -> memref<128xi32, #tpu.memory_space<vmem>>
        %dma_wait3A_109 = arith.constant 0 : i32
        %dma_wait3A_110 = arith.constant 0 : i32
        %dma_wait3A_111 = tpu.memref_slice %arg3[%dma_wait3A_109, %dma_wait3A_110] : memref<100000x64xi32, #tpu.memory_space<hbm>> -> memref<100000x64xi32, #tpu.memory_space<hbm>>
        tpu.wait_indirect_dma semaphore(%arg17 : memref<!tpu.dma_semaphore, #tpu.memory_space<semaphore_mem>>) src(%dma_wait3A_111 : memref<100000x64xi32, #tpu.memory_space<hbm>>) dst(%arg12 : memref<128x64xi32, #tpu.memory_space<vmem>>)
        %dma_start3A_112 = tpu.memref_slice %arg7[%min3A_85] : memref<15744xi32, #tpu.memory_space<vmem>> -> memref<128xi32, #tpu.memory_space<vmem>>
        %dma_start3A_113 = arith.constant 0 : i32
        %dma_start3A_114 = arith.constant 0 : i32
        %dma_start3A_115 = tpu.memref_slice %arg2[%dma_start3A_113, %dma_start3A_114] : memref<50000x64xi32, #tpu.memory_space<hbm>> -> memref<50000x64xi32, #tpu.memory_space<hbm>>
        tpu.enqueue_indirect_dma source(%dma_start3A_115 : memref<50000x64xi32, #tpu.memory_space<hbm>>) target(%arg9 : memref<128x64xi32, #tpu.memory_space<vmem>>) offsets(%dma_start3A_112 : memref<128xi32, #tpu.memory_space<vmem>>) semaphore(%arg14 : memref<!tpu.dma_semaphore, #tpu.memory_space<semaphore_mem>>)
        %dma_start3A_116 = tpu.memref_slice %arg8[%min3A_85] : memref<15744xi32, #tpu.memory_space<vmem>> -> memref<128xi32, #tpu.memory_space<vmem>>
        %dma_start3A_117 = arith.constant 0 : i32
        %dma_start3A_118 = arith.constant 0 : i32
        %dma_start3A_119 = tpu.memref_slice %arg3[%dma_start3A_117, %dma_start3A_118] : memref<100000x64xi32, #tpu.memory_space<hbm>> -> memref<100000x64xi32, #tpu.memory_space<hbm>>
        tpu.enqueue_indirect_dma source(%dma_start3A_119 : memref<100000x64xi32, #tpu.memory_space<hbm>>) target(%arg10 : memref<128x64xi32, #tpu.memory_space<vmem>>) offsets(%dma_start3A_116 : memref<128xi32, #tpu.memory_space<vmem>>) semaphore(%arg15 : memref<!tpu.dma_semaphore, #tpu.memory_space<semaphore_mem>>)
        %mul3A_120 = arith.constant 128 : i32
        %mul3A_121 = arith.muli %scan3A_79, %mul3A_120 : i32
        %scan3A_122 = arith.constant 0 : i32
        %scan3A_123 = arith.constant 0 : i32
        %scan3A_124 = arith.constant 8 : i32
        %scan3A_125 = arith.addi %scan3A_123, %scan3A_124 : i32
        %scan3A_126 = arith.constant 1 : i32
        %scan3A_127 = scf.for %scan3A_129 = %scan3A_123 to %scan3A_125 step %scan3A_126 iter_args(%scan3A_130 = %scan3A_122) -> (i32)  : i32 {
          %mul3A_131 = arith.constant 16 : i32
          %mul3A_132 = arith.muli %scan3A_129, %mul3A_131 : i32
          %add3A_133 = arith.constant 0 : i32
          %add3A_134 = arith.addi %mul3A_132, %add3A_133 : i32
          %get3A = arith.index_cast %add3A_134 : i32 to index
          %get3A_135 = arith.constant 0 : index
          %get3A_136 = tpu.vector_load %arg11[%get3A, %get3A_135] {strides = array<i32>} : memref<128x64xi32, #tpu.memory_space<vmem>>, vector<16xi32>,
          %bitcast3A = vector.bitcast %get3A_136 : vector<16xi32> to vector<32xbf16>
          %get3A_137 = arith.index_cast %add3A_134 : i32 to index
          %get3A_138 = arith.constant 0 : index
          %get3A_139 = tpu.vector_load %arg12[%get3A_137, %get3A_138] {strides = array<i32>} : memref<128x64xi32, #tpu.memory_space<vmem>>, vector<16xi32>,
          %bitcast3A_140 = vector.bitcast %get3A_139 : vector<16xi32> to vector<32xbf16>
          %unpack3A = tpu.unpack_subelements %bitcast3A, 0 {pack_format = #tpu.pack_format<interleaved>} : vector<32xbf16> -> vector<16xf32>
          %unpack3A_141 = tpu.unpack_subelements %bitcast3A, 1 {pack_format = #tpu.pack_format<interleaved>} : vector<32xbf16> -> vector<16xf32>
          %unpack3A_142 = tpu.unpack_subelements %bitcast3A_140, 0 {pack_format = #tpu.pack_format<interleaved>} : vector<32xbf16> -> vector<16xf32>
          %unpack3A_143 = tpu.unpack_subelements %bitcast3A_140, 1 {pack_format = #tpu.pack_format<interleaved>} : vector<32xbf16> -> vector<16xf32>
          %mul3A_144 = arith.mulf %unpack3A, %unpack3A_142 : vector<16xf32>
          %mul3A_145 = arith.mulf %unpack3A_141, %unpack3A_143 : vector<16xf32>
          %get3A_146 = arith.index_cast %add3A_134 : i32 to index
          %get3A_147 = arith.constant 16 : index
          %get3A_148 = tpu.vector_load %arg11[%get3A_146, %get3A_147] {strides = array<i32>} : memref<128x64xi32, #tpu.memory_space<vmem>>, vector<16xi32>,
          %bitcast3A_149 = vector.bitcast %get3A_148 : vector<16xi32> to vector<32xbf16>
          %get3A_150 = arith.index_cast %add3A_134 : i32 to index
          %get3A_151 = arith.constant 16 : index
          %get3A_152 = tpu.vector_load %arg12[%get3A_150, %get3A_151] {strides = array<i32>} : memref<128x64xi32, #tpu.memory_space<vmem>>, vector<16xi32>,
          %bitcast3A_153 = vector.bitcast %get3A_152 : vector<16xi32> to vector<32xbf16>
          %unpack3A_154 = tpu.unpack_subelements %bitcast3A_149, 0 {pack_format = #tpu.pack_format<interleaved>} : vector<32xbf16> -> vector<16xf32>
          %unpack3A_155 = tpu.unpack_subelements %bitcast3A_149, 1 {pack_format = #tpu.pack_format<interleaved>} : vector<32xbf16> -> vector<16xf32>
          %unpack3A_156 = tpu.unpack_subelements %bitcast3A_153, 0 {pack_format = #tpu.pack_format<interleaved>} : vector<32xbf16> -> vector<16xf32>
          %unpack3A_157 = tpu.unpack_subelements %bitcast3A_153, 1 {pack_format = #tpu.pack_format<interleaved>} : vector<32xbf16> -> vector<16xf32>
          %mul3A_158 = arith.mulf %unpack3A_154, %unpack3A_156 : vector<16xf32>
          %mul3A_159 = arith.mulf %unpack3A_155, %unpack3A_157 : vector<16xf32>
          %get3A_160 = arith.index_cast %add3A_134 : i32 to index
          %get3A_161 = arith.constant 32 : index
          %get3A_162 = tpu.vector_load %arg11[%get3A_160, %get3A_161] {strides = array<i32>} : memref<128x64xi32, #tpu.memory_space<vmem>>, vector<16xi32>,
          %bitcast3A_163 = vector.bitcast %get3A_162 : vector<16xi32> to vector<32xbf16>
          %get3A_164 = arith.index_cast %add3A_134 : i32 to index
          %get3A_165 = arith.constant 32 : index
          %get3A_166 = tpu.vector_load %arg12[%get3A_164, %get3A_165] {strides = array<i32>} : memref<128x64xi32, #tpu.memory_space<vmem>>, vector<16xi32>,
          %bitcast3A_167 = vector.bitcast %get3A_166 : vector<16xi32> to vector<32xbf16>
          %unpack3A_168 = tpu.unpack_subelements %bitcast3A_163, 0 {pack_format = #tpu.pack_format<interleaved>} : vector<32xbf16> -> vector<16xf32>
          %unpack3A_169 = tpu.unpack_subelements %bitcast3A_163, 1 {pack_format = #tpu.pack_format<interleaved>} : vector<32xbf16> -> vector<16xf32>
          %unpack3A_170 = tpu.unpack_subelements %bitcast3A_167, 0 {pack_format = #tpu.pack_format<interleaved>} : vector<32xbf16> -> vector<16xf32>
          %unpack3A_171 = tpu.unpack_subelements %bitcast3A_167, 1 {pack_format = #tpu.pack_format<interleaved>} : vector<32xbf16> -> vector<16xf32>
          %mul3A_172 = arith.mulf %unpack3A_168, %unpack3A_170 : vector<16xf32>
          %mul3A_173 = arith.mulf %unpack3A_169, %unpack3A_171 : vector<16xf32>
          %get3A_174 = arith.index_cast %add3A_134 : i32 to index
          %get3A_175 = arith.constant 48 : index
          %get3A_176 = tpu.vector_load %arg11[%get3A_174, %get3A_175] {strides = array<i32>} : memref<128x64xi32, #tpu.memory_space<vmem>>, vector<16xi32>,
          %bitcast3A_177 = vector.bitcast %get3A_176 : vector<16xi32> to vector<32xbf16>
          %get3A_178 = arith.index_cast %add3A_134 : i32 to index
          %get3A_179 = arith.constant 48 : index
          %get3A_180 = tpu.vector_load %arg12[%get3A_178, %get3A_179] {strides = array<i32>} : memref<128x64xi32, #tpu.memory_space<vmem>>, vector<16xi32>,
          %bitcast3A_181 = vector.bitcast %get3A_180 : vector<16xi32> to vector<32xbf16>
          %unpack3A_182 = tpu.unpack_subelements %bitcast3A_177, 0 {pack_format = #tpu.pack_format<interleaved>} : vector<32xbf16> -> vector<16xf32>
          %unpack3A_183 = tpu.unpack_subelements %bitcast3A_177, 1 {pack_format = #tpu.pack_format<interleaved>} : vector<32xbf16> -> vector<16xf32>
          %unpack3A_184 = tpu.unpack_subelements %bitcast3A_181, 0 {pack_format = #tpu.pack_format<interleaved>} : vector<32xbf16> -> vector<16xf32>
          %unpack3A_185 = tpu.unpack_subelements %bitcast3A_181, 1 {pack_format = #tpu.pack_format<interleaved>} : vector<32xbf16> -> vector<16xf32>
          %mul3A_186 = arith.mulf %unpack3A_182, %unpack3A_184 : vector<16xf32>
          %mul3A_187 = arith.mulf %unpack3A_183, %unpack3A_185 : vector<16xf32>
          %add3A_188 = arith.addf %mul3A_144, %mul3A_145 : vector<16xf32>
          %add3A_189 = arith.addf %mul3A_158, %mul3A_159 : vector<16xf32>
          %add3A_190 = arith.addf %mul3A_172, %mul3A_173 : vector<16xf32>
          %add3A_191 = arith.addf %mul3A_186, %mul3A_187 : vector<16xf32>
          %add3A_192 = arith.addf %add3A_188, %add3A_189 : vector<16xf32>
          %add3A_193 = arith.addf %add3A_190, %add3A_191 : vector<16xf32>
          %add3A_194 = arith.addf %add3A_192, %add3A_193 : vector<16xf32>
          %mul3A_195 = arith.constant 16 : i32
          %mul3A_196 = arith.muli %scan3A_129, %mul3A_195 : i32
          %add3A_197 = arith.constant 8 : i32
          %add3A_198 = arith.addi %mul3A_196, %add3A_197 : i32
          %get3A_199 = arith.index_cast %add3A_198 : i32 to index
          %get3A_200 = arith.constant 0 : index
          %get3A_201 = tpu.vector_load %arg11[%get3A_199, %get3A_200] {strides = array<i32>} : memref<128x64xi32, #tpu.memory_space<vmem>>, vector<16xi32>,
          %bitcast3A_202 = vector.bitcast %get3A_201 : vector<16xi32> to vector<32xbf16>
          %get3A_203 = arith.index_cast %add3A_198 : i32 to index
          %get3A_204 = arith.constant 0 : index
          %get3A_205 = tpu.vector_load %arg12[%get3A_203, %get3A_204] {strides = array<i32>} : memref<128x64xi32, #tpu.memory_space<vmem>>, vector<16xi32>,
          %bitcast3A_206 = vector.bitcast %get3A_205 : vector<16xi32> to vector<32xbf16>
          %unpack3A_207 = tpu.unpack_subelements %bitcast3A_202, 0 {pack_format = #tpu.pack_format<interleaved>} : vector<32xbf16> -> vector<16xf32>
          %unpack3A_208 = tpu.unpack_subelements %bitcast3A_202, 1 {pack_format = #tpu.pack_format<interleaved>} : vector<32xbf16> -> vector<16xf32>
          %unpack3A_209 = tpu.unpack_subelements %bitcast3A_206, 0 {pack_format = #tpu.pack_format<interleaved>} : vector<32xbf16> -> vector<16xf32>
          %unpack3A_210 = tpu.unpack_subelements %bitcast3A_206, 1 {pack_format = #tpu.pack_format<interleaved>} : vector<32xbf16> -> vector<16xf32>
          %mul3A_211 = arith.mulf %unpack3A_207, %unpack3A_209 : vector<16xf32>
          %mul3A_212 = arith.mulf %unpack3A_208, %unpack3A_210 : vector<16xf32>
          %get3A_213 = arith.index_cast %add3A_198 : i32 to index
          %get3A_214 = arith.constant 16 : index
          %get3A_215 = tpu.vector_load %arg11[%get3A_213, %get3A_214] {strides = array<i32>} : memref<128x64xi32, #tpu.memory_space<vmem>>, vector<16xi32>,
          %bitcast3A_216 = vector.bitcast %get3A_215 : vector<16xi32> to vector<32xbf16>
          %get3A_217 = arith.index_cast %add3A_198 : i32 to index
          %get3A_218 = arith.constant 16 : index
          %get3A_219 = tpu.vector_load %arg12[%get3A_217, %get3A_218] {strides = array<i32>} : memref<128x64xi32, #tpu.memory_space<vmem>>, vector<16xi32>,
          %bitcast3A_220 = vector.bitcast %get3A_219 : vector<16xi32> to vector<32xbf16>
          %unpack3A_221 = tpu.unpack_subelements %bitcast3A_216, 0 {pack_format = #tpu.pack_format<interleaved>} : vector<32xbf16> -> vector<16xf32>
          %unpack3A_222 = tpu.unpack_subelements %bitcast3A_216, 1 {pack_format = #tpu.pack_format<interleaved>} : vector<32xbf16> -> vector<16xf32>
          %unpack3A_223 = tpu.unpack_subelements %bitcast3A_220, 0 {pack_format = #tpu.pack_format<interleaved>} : vector<32xbf16> -> vector<16xf32>
          %unpack3A_224 = tpu.unpack_subelements %bitcast3A_220, 1 {pack_format = #tpu.pack_format<interleaved>} : vector<32xbf16> -> vector<16xf32>
          %mul3A_225 = arith.mulf %unpack3A_221, %unpack3A_223 : vector<16xf32>
          %mul3A_226 = arith.mulf %unpack3A_222, %unpack3A_224 : vector<16xf32>
          %get3A_227 = arith.index_cast %add3A_198 : i32 to index
          %get3A_228 = arith.constant 32 : index
          %get3A_229 = tpu.vector_load %arg11[%get3A_227, %get3A_228] {strides = array<i32>} : memref<128x64xi32, #tpu.memory_space<vmem>>, vector<16xi32>,
          %bitcast3A_230 = vector.bitcast %get3A_229 : vector<16xi32> to vector<32xbf16>
          %get3A_231 = arith.index_cast %add3A_198 : i32 to index
          %get3A_232 = arith.constant 32 : index
          %get3A_233 = tpu.vector_load %arg12[%get3A_231, %get3A_232] {strides = array<i32>} : memref<128x64xi32, #tpu.memory_space<vmem>>, vector<16xi32>,
          %bitcast3A_234 = vector.bitcast %get3A_233 : vector<16xi32> to vector<32xbf16>
          %unpack3A_235 = tpu.unpack_subelements %bitcast3A_230, 0 {pack_format = #tpu.pack_format<interleaved>} : vector<32xbf16> -> vector<16xf32>
          %unpack3A_236 = tpu.unpack_subelements %bitcast3A_230, 1 {pack_format = #tpu.pack_format<interleaved>} : vector<32xbf16> -> vector<16xf32>
          %unpack3A_237 = tpu.unpack_subelements %bitcast3A_234, 0 {pack_format = #tpu.pack_format<interleaved>} : vector<32xbf16> -> vector<16xf32>
          %unpack3A_238 = tpu.unpack_subelements %bitcast3A_234, 1 {pack_format = #tpu.pack_format<interleaved>} : vector<32xbf16> -> vector<16xf32>
          %mul3A_239 = arith.mulf %unpack3A_235, %unpack3A_237 : vector<16xf32>
          %mul3A_240 = arith.mulf %unpack3A_236, %unpack3A_238 : vector<16xf32>
          %get3A_241 = arith.index_cast %add3A_198 : i32 to index
          %get3A_242 = arith.constant 48 : index
          %get3A_243 = tpu.vector_load %arg11[%get3A_241, %get3A_242] {strides = array<i32>} : memref<128x64xi32, #tpu.memory_space<vmem>>, vector<16xi32>,
          %bitcast3A_244 = vector.bitcast %get3A_243 : vector<16xi32> to vector<32xbf16>
          %get3A_245 = arith.index_cast %add3A_198 : i32 to index
          %get3A_246 = arith.constant 48 : index
          %get3A_247 = tpu.vector_load %arg12[%get3A_245, %get3A_246] {strides = array<i32>} : memref<128x64xi32, #tpu.memory_space<vmem>>, vector<16xi32>,
          %bitcast3A_248 = vector.bitcast %get3A_247 : vector<16xi32> to vector<32xbf16>
          %unpack3A_249 = tpu.unpack_subelements %bitcast3A_244, 0 {pack_format = #tpu.pack_format<interleaved>} : vector<32xbf16> -> vector<16xf32>
          %unpack3A_250 = tpu.unpack_subelements %bitcast3A_244, 1 {pack_format = #tpu.pack_format<interleaved>} : vector<32xbf16> -> vector<16xf32>
          %unpack3A_251 = tpu.unpack_subelements %bitcast3A_248, 0 {pack_format = #tpu.pack_format<interleaved>} : vector<32xbf16> -> vector<16xf32>
          %unpack3A_252 = tpu.unpack_subelements %bitcast3A_248, 1 {pack_format = #tpu.pack_format<interleaved>} : vector<32xbf16> -> vector<16xf32>
          %mul3A_253 = arith.mulf %unpack3A_249, %unpack3A_251 : vector<16xf32>
          %mul3A_254 = arith.mulf %unpack3A_250, %unpack3A_252 : vector<16xf32>
          %add3A_255 = arith.addf %mul3A_211, %mul3A_212 : vector<16xf32>
          %add3A_256 = arith.addf %mul3A_225, %mul3A_226 : vector<16xf32>
          %add3A_257 = arith.addf %mul3A_239, %mul3A_240 : vector<16xf32>
          %add3A_258 = arith.addf %mul3A_253, %mul3A_254 : vector<16xf32>
          %add3A_259 = arith.addf %add3A_255, %add3A_256 : vector<16xf32>
          %add3A_260 = arith.addf %add3A_257, %add3A_258 : vector<16xf32>
          %add3A_261 = arith.addf %add3A_259, %add3A_260 : vector<16xf32>
          %mul3A_262 = arith.constant 16 : i32
          %mul3A_263 = arith.muli %scan3A_129, %mul3A_262 : i32
          %add3A_264 = arith.constant 4 : i32
          %add3A_265 = arith.addi %mul3A_263, %add3A_264 : i32
          %get3A_266 = arith.index_cast %add3A_265 : i32 to index
          %get3A_267 = arith.constant 0 : index
          %get3A_268 = tpu.vector_load %arg11[%get3A_266, %get3A_267] {strides = array<i32>} : memref<128x64xi32, #tpu.memory_space<vmem>>, vector<16xi32>,
          %bitcast3A_269 = vector.bitcast %get3A_268 : vector<16xi32> to vector<32xbf16>
          %get3A_270 = arith.index_cast %add3A_265 : i32 to index
          %get3A_271 = arith.constant 0 : index
          %get3A_272 = tpu.vector_load %arg12[%get3A_270, %get3A_271] {strides = array<i32>} : memref<128x64xi32, #tpu.memory_space<vmem>>, vector<16xi32>,
          %bitcast3A_273 = vector.bitcast %get3A_272 : vector<16xi32> to vector<32xbf16>
          %unpack3A_274 = tpu.unpack_subelements %bitcast3A_269, 0 {pack_format = #tpu.pack_format<interleaved>} : vector<32xbf16> -> vector<16xf32>
          %unpack3A_275 = tpu.unpack_subelements %bitcast3A_269, 1 {pack_format = #tpu.pack_format<interleaved>} : vector<32xbf16> -> vector<16xf32>
          %unpack3A_276 = tpu.unpack_subelements %bitcast3A_273, 0 {pack_format = #tpu.pack_format<interleaved>} : vector<32xbf16> -> vector<16xf32>
          %unpack3A_277 = tpu.unpack_subelements %bitcast3A_273, 1 {pack_format = #tpu.pack_format<interleaved>} : vector<32xbf16> -> vector<16xf32>
          %mul3A_278 = arith.mulf %unpack3A_274, %unpack3A_276 : vector<16xf32>
          %mul3A_279 = arith.mulf %unpack3A_275, %unpack3A_277 : vector<16xf32>
          %get3A_280 = arith.index_cast %add3A_265 : i32 to index
          %get3A_281 = arith.constant 16 : index
          %get3A_282 = tpu.vector_load %arg11[%get3A_280, %get3A_281] {strides = array<i32>} : memref<128x64xi32, #tpu.memory_space<vmem>>, vector<16xi32>,
          %bitcast3A_283 = vector.bitcast %get3A_282 : vector<16xi32> to vector<32xbf16>
          %get3A_284 = arith.index_cast %add3A_265 : i32 to index
          %get3A_285 = arith.constant 16 : index
          %get3A_286 = tpu.vector_load %arg12[%get3A_284, %get3A_285] {strides = array<i32>} : memref<128x64xi32, #tpu.memory_space<vmem>>, vector<16xi32>,
          %bitcast3A_287 = vector.bitcast %get3A_286 : vector<16xi32> to vector<32xbf16>
          %unpack3A_288 = tpu.unpack_subelements %bitcast3A_283, 0 {pack_format = #tpu.pack_format<interleaved>} : vector<32xbf16> -> vector<16xf32>
          %unpack3A_289 = tpu.unpack_subelements %bitcast3A_283, 1 {pack_format = #tpu.pack_format<interleaved>} : vector<32xbf16> -> vector<16xf32>
          %unpack3A_290 = tpu.unpack_subelements %bitcast3A_287, 0 {pack_format = #tpu.pack_format<interleaved>} : vector<32xbf16> -> vector<16xf32>
          %unpack3A_291 = tpu.unpack_subelements %bitcast3A_287, 1 {pack_format = #tpu.pack_format<interleaved>} : vector<32xbf16> -> vector<16xf32>
          %mul3A_292 = arith.mulf %unpack3A_288, %unpack3A_290 : vector<16xf32>
          %mul3A_293 = arith.mulf %unpack3A_289, %unpack3A_291 : vector<16xf32>
          %get3A_294 = arith.index_cast %add3A_265 : i32 to index
          %get3A_295 = arith.constant 32 : index
          %get3A_296 = tpu.vector_load %arg11[%get3A_294, %get3A_295] {strides = array<i32>} : memref<128x64xi32, #tpu.memory_space<vmem>>, vector<16xi32>,
          %bitcast3A_297 = vector.bitcast %get3A_296 : vector<16xi32> to vector<32xbf16>
          %get3A_298 = arith.index_cast %add3A_265 : i32 to index
          %get3A_299 = arith.constant 32 : index
          %get3A_300 = tpu.vector_load %arg12[%get3A_298, %get3A_299] {strides = array<i32>} : memref<128x64xi32, #tpu.memory_space<vmem>>, vector<16xi32>,
          %bitcast3A_301 = vector.bitcast %get3A_300 : vector<16xi32> to vector<32xbf16>
          %unpack3A_302 = tpu.unpack_subelements %bitcast3A_297, 0 {pack_format = #tpu.pack_format<interleaved>} : vector<32xbf16> -> vector<16xf32>
          %unpack3A_303 = tpu.unpack_subelements %bitcast3A_297, 1 {pack_format = #tpu.pack_format<interleaved>} : vector<32xbf16> -> vector<16xf32>
          %unpack3A_304 = tpu.unpack_subelements %bitcast3A_301, 0 {pack_format = #tpu.pack_format<interleaved>} : vector<32xbf16> -> vector<16xf32>
          %unpack3A_305 = tpu.unpack_subelements %bitcast3A_301, 1 {pack_format = #tpu.pack_format<interleaved>} : vector<32xbf16> -> vector<16xf32>
          %mul3A_306 = arith.mulf %unpack3A_302, %unpack3A_304 : vector<16xf32>
          %mul3A_307 = arith.mulf %unpack3A_303, %unpack3A_305 : vector<16xf32>
          %get3A_308 = arith.index_cast %add3A_265 : i32 to index
          %get3A_309 = arith.constant 48 : index
          %get3A_310 = tpu.vector_load %arg11[%get3A_308, %get3A_309] {strides = array<i32>} : memref<128x64xi32, #tpu.memory_space<vmem>>, vector<16xi32>,
          %bitcast3A_311 = vector.bitcast %get3A_310 : vector<16xi32> to vector<32xbf16>
          %get3A_312 = arith.index_cast %add3A_265 : i32 to index
          %get3A_313 = arith.constant 48 : index
          %get3A_314 = tpu.vector_load %arg12[%get3A_312, %get3A_313] {strides = array<i32>} : memref<128x64xi32, #tpu.memory_space<vmem>>, vector<16xi32>,
          %bitcast3A_315 = vector.bitcast %get3A_314 : vector<16xi32> to vector<32xbf16>
          %unpack3A_316 = tpu.unpack_subelements %bitcast3A_311, 0 {pack_format = #tpu.pack_format<interleaved>} : vector<32xbf16> -> vector<16xf32>
          %unpack3A_317 = tpu.unpack_subelements %bitcast3A_311, 1 {pack_format = #tpu.pack_format<interleaved>} : vector<32xbf16> -> vector<16xf32>
          %unpack3A_318 = tpu.unpack_subelements %bitcast3A_315, 0 {pack_format = #tpu.pack_format<interleaved>} : vector<32xbf16> -> vector<16xf32>
          %unpack3A_319 = tpu.unpack_subelements %bitcast3A_315, 1 {pack_format = #tpu.pack_format<interleaved>} : vector<32xbf16> -> vector<16xf32>
          %mul3A_320 = arith.mulf %unpack3A_316, %unpack3A_318 : vector<16xf32>
          %mul3A_321 = arith.mulf %unpack3A_317, %unpack3A_319 : vector<16xf32>
          %add3A_322 = arith.addf %mul3A_278, %mul3A_279 : vector<16xf32>
          %add3A_323 = arith.addf %mul3A_292, %mul3A_293 : vector<16xf32>
          %add3A_324 = arith.addf %mul3A_306, %mul3A_307 : vector<16xf32>
          %add3A_325 = arith.addf %mul3A_320, %mul3A_321 : vector<16xf32>
          %add3A_326 = arith.addf %add3A_322, %add3A_323 : vector<16xf32>
          %add3A_327 = arith.addf %add3A_324, %add3A_325 : vector<16xf32>
          %add3A_328 = arith.addf %add3A_326, %add3A_327 : vector<16xf32>
          %mul3A_329 = arith.constant 16 : i32
          %mul3A_330 = arith.muli %scan3A_129, %mul3A_329 : i32
          %add3A_331 = arith.constant 12 : i32
          %add3A_332 = arith.addi %mul3A_330, %add3A_331 : i32
          %get3A_333 = arith.index_cast %add3A_332 : i32 to index
          %get3A_334 = arith.constant 0 : index
          %get3A_335 = tpu.vector_load %arg11[%get3A_333, %get3A_334] {strides = array<i32>} : memref<128x64xi32, #tpu.memory_space<vmem>>, vector<16xi32>,
          %bitcast3A_336 = vector.bitcast %get3A_335 : vector<16xi32> to vector<32xbf16>
          %get3A_337 = arith.index_cast %add3A_332 : i32 to index
          %get3A_338 = arith.constant 0 : index
          %get3A_339 = tpu.vector_load %arg12[%get3A_337, %get3A_338] {strides = array<i32>} : memref<128x64xi32, #tpu.memory_space<vmem>>, vector<16xi32>,
          %bitcast3A_340 = vector.bitcast %get3A_339 : vector<16xi32> to vector<32xbf16>
          %unpack3A_341 = tpu.unpack_subelements %bitcast3A_336, 0 {pack_format = #tpu.pack_format<interleaved>} : vector<32xbf16> -> vector<16xf32>
          %unpack3A_342 = tpu.unpack_subelements %bitcast3A_336, 1 {pack_format = #tpu.pack_format<interleaved>} : vector<32xbf16> -> vector<16xf32>
          %unpack3A_343 = tpu.unpack_subelements %bitcast3A_340, 0 {pack_format = #tpu.pack_format<interleaved>} : vector<32xbf16> -> vector<16xf32>
          %unpack3A_344 = tpu.unpack_subelements %bitcast3A_340, 1 {pack_format = #tpu.pack_format<interleaved>} : vector<32xbf16> -> vector<16xf32>
          %mul3A_345 = arith.mulf %unpack3A_341, %unpack3A_343 : vector<16xf32>
          %mul3A_346 = arith.mulf %unpack3A_342, %unpack3A_344 : vector<16xf32>
          %get3A_347 = arith.index_cast %add3A_332 : i32 to index
          %get3A_348 = arith.constant 16 : index
          %get3A_349 = tpu.vector_load %arg11[%get3A_347, %get3A_348] {strides = array<i32>} : memref<128x64xi32, #tpu.memory_space<vmem>>, vector<16xi32>,
          %bitcast3A_350 = vector.bitcast %get3A_349 : vector<16xi32> to vector<32xbf16>
          %get3A_351 = arith.index_cast %add3A_332 : i32 to index
          %get3A_352 = arith.constant 16 : index
          %get3A_353 = tpu.vector_load %arg12[%get3A_351, %get3A_352] {strides = array<i32>} : memref<128x64xi32, #tpu.memory_space<vmem>>, vector<16xi32>,
          %bitcast3A_354 = vector.bitcast %get3A_353 : vector<16xi32> to vector<32xbf16>
          %unpack3A_355 = tpu.unpack_subelements %bitcast3A_350, 0 {pack_format = #tpu.pack_format<interleaved>} : vector<32xbf16> -> vector<16xf32>
          %unpack3A_356 = tpu.unpack_subelements %bitcast3A_350, 1 {pack_format = #tpu.pack_format<interleaved>} : vector<32xbf16> -> vector<16xf32>
          %unpack3A_357 = tpu.unpack_subelements %bitcast3A_354, 0 {pack_format = #tpu.pack_format<interleaved>} : vector<32xbf16> -> vector<16xf32>
          %unpack3A_358 = tpu.unpack_subelements %bitcast3A_354, 1 {pack_format = #tpu.pack_format<interleaved>} : vector<32xbf16> -> vector<16xf32>
          %mul3A_359 = arith.mulf %unpack3A_355, %unpack3A_357 : vector<16xf32>
          %mul3A_360 = arith.mulf %unpack3A_356, %unpack3A_358 : vector<16xf32>
          %get3A_361 = arith.index_cast %add3A_332 : i32 to index
          %get3A_362 = arith.constant 32 : index
          %get3A_363 = tpu.vector_load %arg11[%get3A_361, %get3A_362] {strides = array<i32>} : memref<128x64xi32, #tpu.memory_space<vmem>>, vector<16xi32>,
          %bitcast3A_364 = vector.bitcast %get3A_363 : vector<16xi32> to vector<32xbf16>
          %get3A_365 = arith.index_cast %add3A_332 : i32 to index
          %get3A_366 = arith.constant 32 : index
          %get3A_367 = tpu.vector_load %arg12[%get3A_365, %get3A_366] {strides = array<i32>} : memref<128x64xi32, #tpu.memory_space<vmem>>, vector<16xi32>,
          %bitcast3A_368 = vector.bitcast %get3A_367 : vector<16xi32> to vector<32xbf16>
          %unpack3A_369 = tpu.unpack_subelements %bitcast3A_364, 0 {pack_format = #tpu.pack_format<interleaved>} : vector<32xbf16> -> vector<16xf32>
          %unpack3A_370 = tpu.unpack_subelements %bitcast3A_364, 1 {pack_format = #tpu.pack_format<interleaved>} : vector<32xbf16> -> vector<16xf32>
          %unpack3A_371 = tpu.unpack_subelements %bitcast3A_368, 0 {pack_format = #tpu.pack_format<interleaved>} : vector<32xbf16> -> vector<16xf32>
          %unpack3A_372 = tpu.unpack_subelements %bitcast3A_368, 1 {pack_format = #tpu.pack_format<interleaved>} : vector<32xbf16> -> vector<16xf32>
          %mul3A_373 = arith.mulf %unpack3A_369, %unpack3A_371 : vector<16xf32>
          %mul3A_374 = arith.mulf %unpack3A_370, %unpack3A_372 : vector<16xf32>
          %get3A_375 = arith.index_cast %add3A_332 : i32 to index
          %get3A_376 = arith.constant 48 : index
          %get3A_377 = tpu.vector_load %arg11[%get3A_375, %get3A_376] {strides = array<i32>} : memref<128x64xi32, #tpu.memory_space<vmem>>, vector<16xi32>,
          %bitcast3A_378 = vector.bitcast %get3A_377 : vector<16xi32> to vector<32xbf16>
          %get3A_379 = arith.index_cast %add3A_332 : i32 to index
          %get3A_380 = arith.constant 48 : index
          %get3A_381 = tpu.vector_load %arg12[%get3A_379, %get3A_380] {strides = array<i32>} : memref<128x64xi32, #tpu.memory_space<vmem>>, vector<16xi32>,
          %bitcast3A_382 = vector.bitcast %get3A_381 : vector<16xi32> to vector<32xbf16>
          %unpack3A_383 = tpu.unpack_subelements %bitcast3A_378, 0 {pack_format = #tpu.pack_format<interleaved>} : vector<32xbf16> -> vector<16xf32>
          %unpack3A_384 = tpu.unpack_subelements %bitcast3A_378, 1 {pack_format = #tpu.pack_format<interleaved>} : vector<32xbf16> -> vector<16xf32>
          %unpack3A_385 = tpu.unpack_subelements %bitcast3A_382, 0 {pack_format = #tpu.pack_format<interleaved>} : vector<32xbf16> -> vector<16xf32>
          %unpack3A_386 = tpu.unpack_subelements %bitcast3A_382, 1 {pack_format = #tpu.pack_format<interleaved>} : vector<32xbf16> -> vector<16xf32>
          %mul3A_387 = arith.mulf %unpack3A_383, %unpack3A_385 : vector<16xf32>
          %mul3A_388 = arith.mulf %unpack3A_384, %unpack3A_386 : vector<16xf32>
          %add3A_389 = arith.addf %mul3A_345, %mul3A_346 : vector<16xf32>
          %add3A_390 = arith.addf %mul3A_359, %mul3A_360 : vector<16xf32>
          %add3A_391 = arith.addf %mul3A_373, %mul3A_374 : vector<16xf32>
          %add3A_392 = arith.addf %mul3A_387, %mul3A_388 : vector<16xf32>
          %add3A_393 = arith.addf %add3A_389, %add3A_390 : vector<16xf32>
          %add3A_394 = arith.addf %add3A_391, %add3A_392 : vector<16xf32>
          %add3A_395 = arith.addf %add3A_393, %add3A_394 : vector<16xf32>
          %mul3A_396 = arith.constant 16 : i32
          %mul3A_397 = arith.muli %scan3A_129, %mul3A_396 : i32
          %add3A_398 = arith.constant 2 : i32
          %add3A_399 = arith.addi %mul3A_397, %add3A_398 : i32
          %get3A_400 = arith.index_cast %add3A_399 : i32 to index
          %get3A_401 = arith.constant 0 : index
          %get3A_402 = tpu.vector_load %arg11[%get3A_400, %get3A_401] {strides = array<i32>} : memref<128x64xi32, #tpu.memory_space<vmem>>, vector<16xi32>,
          %bitcast3A_403 = vector.bitcast %get3A_402 : vector<16xi32> to vector<32xbf16>
          %get3A_404 = arith.index_cast %add3A_399 : i32 to index
          %get3A_405 = arith.constant 0 : index
          %get3A_406 = tpu.vector_load %arg12[%get3A_404, %get3A_405] {strides = array<i32>} : memref<128x64xi32, #tpu.memory_space<vmem>>, vector<16xi32>,
          %bitcast3A_407 = vector.bitcast %get3A_406 : vector<16xi32> to vector<32xbf16>
          %unpack3A_408 = tpu.unpack_subelements %bitcast3A_403, 0 {pack_format = #tpu.pack_format<interleaved>} : vector<32xbf16> -> vector<16xf32>
          %unpack3A_409 = tpu.unpack_subelements %bitcast3A_403, 1 {pack_format = #tpu.pack_format<interleaved>} : vector<32xbf16> -> vector<16xf32>
          %unpack3A_410 = tpu.unpack_subelements %bitcast3A_407, 0 {pack_format = #tpu.pack_format<interleaved>} : vector<32xbf16> -> vector<16xf32>
          %unpack3A_411 = tpu.unpack_subelements %bitcast3A_407, 1 {pack_format = #tpu.pack_format<interleaved>} : vector<32xbf16> -> vector<16xf32>
          %mul3A_412 = arith.mulf %unpack3A_408, %unpack3A_410 : vector<16xf32>
          %mul3A_413 = arith.mulf %unpack3A_409, %unpack3A_411 : vector<16xf32>
          %get3A_414 = arith.index_cast %add3A_399 : i32 to index
          %get3A_415 = arith.constant 16 : index
          %get3A_416 = tpu.vector_load %arg11[%get3A_414, %get3A_415] {strides = array<i32>} : memref<128x64xi32, #tpu.memory_space<vmem>>, vector<16xi32>,
          %bitcast3A_417 = vector.bitcast %get3A_416 : vector<16xi32> to vector<32xbf16>
          %get3A_418 = arith.index_cast %add3A_399 : i32 to index
          %get3A_419 = arith.constant 16 : index
          %get3A_420 = tpu.vector_load %arg12[%get3A_418, %get3A_419] {strides = array<i32>} : memref<128x64xi32, #tpu.memory_space<vmem>>, vector<16xi32>,
          %bitcast3A_421 = vector.bitcast %get3A_420 : vector<16xi32> to vector<32xbf16>
          %unpack3A_422 = tpu.unpack_subelements %bitcast3A_417, 0 {pack_format = #tpu.pack_format<interleaved>} : vector<32xbf16> -> vector<16xf32>
          %unpack3A_423 = tpu.unpack_subelements %bitcast3A_417, 1 {pack_format = #tpu.pack_format<interleaved>} : vector<32xbf16> -> vector<16xf32>
          %unpack3A_424 = tpu.unpack_subelements %bitcast3A_421, 0 {pack_format = #tpu.pack_format<interleaved>} : vector<32xbf16> -> vector<16xf32>
          %unpack3A_425 = tpu.unpack_subelements %bitcast3A_421, 1 {pack_format = #tpu.pack_format<interleaved>} : vector<32xbf16> -> vector<16xf32>
          %mul3A_426 = arith.mulf %unpack3A_422, %unpack3A_424 : vector<16xf32>
          %mul3A_427 = arith.mulf %unpack3A_423, %unpack3A_425 : vector<16xf32>
          %get3A_428 = arith.index_cast %add3A_399 : i32 to index
          %get3A_429 = arith.constant 32 : index
          %get3A_430 = tpu.vector_load %arg11[%get3A_428, %get3A_429] {strides = array<i32>} : memref<128x64xi32, #tpu.memory_space<vmem>>, vector<16xi32>,
          %bitcast3A_431 = vector.bitcast %get3A_430 : vector<16xi32> to vector<32xbf16>
          %get3A_432 = arith.index_cast %add3A_399 : i32 to index
          %get3A_433 = arith.constant 32 : index
          %get3A_434 = tpu.vector_load %arg12[%get3A_432, %get3A_433] {strides = array<i32>} : memref<128x64xi32, #tpu.memory_space<vmem>>, vector<16xi32>,
          %bitcast3A_435 = vector.bitcast %get3A_434 : vector<16xi32> to vector<32xbf16>
          %unpack3A_436 = tpu.unpack_subelements %bitcast3A_431, 0 {pack_format = #tpu.pack_format<interleaved>} : vector<32xbf16> -> vector<16xf32>
          %unpack3A_437 = tpu.unpack_subelements %bitcast3A_431, 1 {pack_format = #tpu.pack_format<interleaved>} : vector<32xbf16> -> vector<16xf32>
          %unpack3A_438 = tpu.unpack_subelements %bitcast3A_435, 0 {pack_format = #tpu.pack_format<interleaved>} : vector<32xbf16> -> vector<16xf32>
          %unpack3A_439 = tpu.unpack_subelements %bitcast3A_435, 1 {pack_format = #tpu.pack_format<interleaved>} : vector<32xbf16> -> vector<16xf32>
          %mul3A_440 = arith.mulf %unpack3A_436, %unpack3A_438 : vector<16xf32>
          %mul3A_441 = arith.mulf %unpack3A_437, %unpack3A_439 : vector<16xf32>
          %get3A_442 = arith.index_cast %add3A_399 : i32 to index
          %get3A_443 = arith.constant 48 : index
          %get3A_444 = tpu.vector_load %arg11[%get3A_442, %get3A_443] {strides = array<i32>} : memref<128x64xi32, #tpu.memory_space<vmem>>, vector<16xi32>,
          %bitcast3A_445 = vector.bitcast %get3A_444 : vector<16xi32> to vector<32xbf16>
          %get3A_446 = arith.index_cast %add3A_399 : i32 to index
          %get3A_447 = arith.constant 48 : index
          %get3A_448 = tpu.vector_load %arg12[%get3A_446, %get3A_447] {strides = array<i32>} : memref<128x64xi32, #tpu.memory_space<vmem>>, vector<16xi32>,
          %bitcast3A_449 = vector.bitcast %get3A_448 : vector<16xi32> to vector<32xbf16>
          %unpack3A_450 = tpu.unpack_subelements %bitcast3A_445, 0 {pack_format = #tpu.pack_format<interleaved>} : vector<32xbf16> -> vector<16xf32>
          %unpack3A_451 = tpu.unpack_subelements %bitcast3A_445, 1 {pack_format = #tpu.pack_format<interleaved>} : vector<32xbf16> -> vector<16xf32>
          %unpack3A_452 = tpu.unpack_subelements %bitcast3A_449, 0 {pack_format = #tpu.pack_format<interleaved>} : vector<32xbf16> -> vector<16xf32>
          %unpack3A_453 = tpu.unpack_subelements %bitcast3A_449, 1 {pack_format = #tpu.pack_format<interleaved>} : vector<32xbf16> -> vector<16xf32>
          %mul3A_454 = arith.mulf %unpack3A_450, %unpack3A_452 : vector<16xf32>
          %mul3A_455 = arith.mulf %unpack3A_451, %unpack3A_453 : vector<16xf32>
          %add3A_456 = arith.addf %mul3A_412, %mul3A_413 : vector<16xf32>
          %add3A_457 = arith.addf %mul3A_426, %mul3A_427 : vector<16xf32>
          %add3A_458 = arith.addf %mul3A_440, %mul3A_441 : vector<16xf32>
          %add3A_459 = arith.addf %mul3A_454, %mul3A_455 : vector<16xf32>
          %add3A_460 = arith.addf %add3A_456, %add3A_457 : vector<16xf32>
          %add3A_461 = arith.addf %add3A_458, %add3A_459 : vector<16xf32>
          %add3A_462 = arith.addf %add3A_460, %add3A_461 : vector<16xf32>
          %mul3A_463 = arith.constant 16 : i32
          %mul3A_464 = arith.muli %scan3A_129, %mul3A_463 : i32
          %add3A_465 = arith.constant 10 : i32
          %add3A_466 = arith.addi %mul3A_464, %add3A_465 : i32
          %get3A_467 = arith.index_cast %add3A_466 : i32 to index
          %get3A_468 = arith.constant 0 : index
          %get3A_469 = tpu.vector_load %arg11[%get3A_467, %get3A_468] {strides = array<i32>} : memref<128x64xi32, #tpu.memory_space<vmem>>, vector<16xi32>,
          %bitcast3A_470 = vector.bitcast %get3A_469 : vector<16xi32> to vector<32xbf16>
          %get3A_471 = arith.index_cast %add3A_466 : i32 to index
          %get3A_472 = arith.constant 0 : index
          %get3A_473 = tpu.vector_load %arg12[%get3A_471, %get3A_472] {strides = array<i32>} : memref<128x64xi32, #tpu.memory_space<vmem>>, vector<16xi32>,
          %bitcast3A_474 = vector.bitcast %get3A_473 : vector<16xi32> to vector<32xbf16>
          %unpack3A_475 = tpu.unpack_subelements %bitcast3A_470, 0 {pack_format = #tpu.pack_format<interleaved>} : vector<32xbf16> -> vector<16xf32>
          %unpack3A_476 = tpu.unpack_subelements %bitcast3A_470, 1 {pack_format = #tpu.pack_format<interleaved>} : vector<32xbf16> -> vector<16xf32>
          %unpack3A_477 = tpu.unpack_subelements %bitcast3A_474, 0 {pack_format = #tpu.pack_format<interleaved>} : vector<32xbf16> -> vector<16xf32>
          %unpack3A_478 = tpu.unpack_subelements %bitcast3A_474, 1 {pack_format = #tpu.pack_format<interleaved>} : vector<32xbf16> -> vector<16xf32>
          %mul3A_479 = arith.mulf %unpack3A_475, %unpack3A_477 : vector<16xf32>
          %mul3A_480 = arith.mulf %unpack3A_476, %unpack3A_478 : vector<16xf32>
          %get3A_481 = arith.index_cast %add3A_466 : i32 to index
          %get3A_482 = arith.constant 16 : index
          %get3A_483 = tpu.vector_load %arg11[%get3A_481, %get3A_482] {strides = array<i32>} : memref<128x64xi32, #tpu.memory_space<vmem>>, vector<16xi32>,
          %bitcast3A_484 = vector.bitcast %get3A_483 : vector<16xi32> to vector<32xbf16>
          %get3A_485 = arith.index_cast %add3A_466 : i32 to index
          %get3A_486 = arith.constant 16 : index
          %get3A_487 = tpu.vector_load %arg12[%get3A_485, %get3A_486] {strides = array<i32>} : memref<128x64xi32, #tpu.memory_space<vmem>>, vector<16xi32>,
          %bitcast3A_488 = vector.bitcast %get3A_487 : vector<16xi32> to vector<32xbf16>
          %unpack3A_489 = tpu.unpack_subelements %bitcast3A_484, 0 {pack_format = #tpu.pack_format<interleaved>} : vector<32xbf16> -> vector<16xf32>
          %unpack3A_490 = tpu.unpack_subelements %bitcast3A_484, 1 {pack_format = #tpu.pack_format<interleaved>} : vector<32xbf16> -> vector<16xf32>
          %unpack3A_491 = tpu.unpack_subelements %bitcast3A_488, 0 {pack_format = #tpu.pack_format<interleaved>} : vector<32xbf16> -> vector<16xf32>
          %unpack3A_492 = tpu.unpack_subelements %bitcast3A_488, 1 {pack_format = #tpu.pack_format<interleaved>} : vector<32xbf16> -> vector<16xf32>
          %mul3A_493 = arith.mulf %unpack3A_489, %unpack3A_491 : vector<16xf32>
          %mul3A_494 = arith.mulf %unpack3A_490, %unpack3A_492 : vector<16xf32>
          %get3A_495 = arith.index_cast %add3A_466 : i32 to index
          %get3A_496 = arith.constant 32 : index
          %get3A_497 = tpu.vector_load %arg11[%get3A_495, %get3A_496] {strides = array<i32>} : memref<128x64xi32, #tpu.memory_space<vmem>>, vector<16xi32>,
          %bitcast3A_498 = vector.bitcast %get3A_497 : vector<16xi32> to vector<32xbf16>
          %get3A_499 = arith.index_cast %add3A_466 : i32 to index
          %get3A_500 = arith.constant 32 : index
          %get3A_501 = tpu.vector_load %arg12[%get3A_499, %get3A_500] {strides = array<i32>} : memref<128x64xi32, #tpu.memory_space<vmem>>, vector<16xi32>,
          %bitcast3A_502 = vector.bitcast %get3A_501 : vector<16xi32> to vector<32xbf16>
          %unpack3A_503 = tpu.unpack_subelements %bitcast3A_498, 0 {pack_format = #tpu.pack_format<interleaved>} : vector<32xbf16> -> vector<16xf32>
          %unpack3A_504 = tpu.unpack_subelements %bitcast3A_498, 1 {pack_format = #tpu.pack_format<interleaved>} : vector<32xbf16> -> vector<16xf32>
          %unpack3A_505 = tpu.unpack_subelements %bitcast3A_502, 0 {pack_format = #tpu.pack_format<interleaved>} : vector<32xbf16> -> vector<16xf32>
          %unpack3A_506 = tpu.unpack_subelements %bitcast3A_502, 1 {pack_format = #tpu.pack_format<interleaved>} : vector<32xbf16> -> vector<16xf32>
          %mul3A_507 = arith.mulf %unpack3A_503, %unpack3A_505 : vector<16xf32>
          %mul3A_508 = arith.mulf %unpack3A_504, %unpack3A_506 : vector<16xf32>
          %get3A_509 = arith.index_cast %add3A_466 : i32 to index
          %get3A_510 = arith.constant 48 : index
          %get3A_511 = tpu.vector_load %arg11[%get3A_509, %get3A_510] {strides = array<i32>} : memref<128x64xi32, #tpu.memory_space<vmem>>, vector<16xi32>,
          %bitcast3A_512 = vector.bitcast %get3A_511 : vector<16xi32> to vector<32xbf16>
          %get3A_513 = arith.index_cast %add3A_466 : i32 to index
          %get3A_514 = arith.constant 48 : index
          %get3A_515 = tpu.vector_load %arg12[%get3A_513, %get3A_514] {strides = array<i32>} : memref<128x64xi32, #tpu.memory_space<vmem>>, vector<16xi32>,
          %bitcast3A_516 = vector.bitcast %get3A_515 : vector<16xi32> to vector<32xbf16>
          %unpack3A_517 = tpu.unpack_subelements %bitcast3A_512, 0 {pack_format = #tpu.pack_format<interleaved>} : vector<32xbf16> -> vector<16xf32>
          %unpack3A_518 = tpu.unpack_subelements %bitcast3A_512, 1 {pack_format = #tpu.pack_format<interleaved>} : vector<32xbf16> -> vector<16xf32>
          %unpack3A_519 = tpu.unpack_subelements %bitcast3A_516, 0 {pack_format = #tpu.pack_format<interleaved>} : vector<32xbf16> -> vector<16xf32>
          %unpack3A_520 = tpu.unpack_subelements %bitcast3A_516, 1 {pack_format = #tpu.pack_format<interleaved>} : vector<32xbf16> -> vector<16xf32>
          %mul3A_521 = arith.mulf %unpack3A_517, %unpack3A_519 : vector<16xf32>
          %mul3A_522 = arith.mulf %unpack3A_518, %unpack3A_520 : vector<16xf32>
          %add3A_523 = arith.addf %mul3A_479, %mul3A_480 : vector<16xf32>
          %add3A_524 = arith.addf %mul3A_493, %mul3A_494 : vector<16xf32>
          %add3A_525 = arith.addf %mul3A_507, %mul3A_508 : vector<16xf32>
          %add3A_526 = arith.addf %mul3A_521, %mul3A_522 : vector<16xf32>
          %add3A_527 = arith.addf %add3A_523, %add3A_524 : vector<16xf32>
          %add3A_528 = arith.addf %add3A_525, %add3A_526 : vector<16xf32>
          %add3A_529 = arith.addf %add3A_527, %add3A_528 : vector<16xf32>
          %mul3A_530 = arith.constant 16 : i32
          %mul3A_531 = arith.muli %scan3A_129, %mul3A_530 : i32
          %add3A_532 = arith.constant 6 : i32
          %add3A_533 = arith.addi %mul3A_531, %add3A_532 : i32
          %get3A_534 = arith.index_cast %add3A_533 : i32 to index
          %get3A_535 = arith.constant 0 : index
          %get3A_536 = tpu.vector_load %arg11[%get3A_534, %get3A_535] {strides = array<i32>} : memref<128x64xi32, #tpu.memory_space<vmem>>, vector<16xi32>,
          %bitcast3A_537 = vector.bitcast %get3A_536 : vector<16xi32> to vector<32xbf16>
          %get3A_538 = arith.index_cast %add3A_533 : i32 to index
          %get3A_539 = arith.constant 0 : index
          %get3A_540 = tpu.vector_load %arg12[%get3A_538, %get3A_539] {strides = array<i32>} : memref<128x64xi32, #tpu.memory_space<vmem>>, vector<16xi32>,
          %bitcast3A_541 = vector.bitcast %get3A_540 : vector<16xi32> to vector<32xbf16>
          %unpack3A_542 = tpu.unpack_subelements %bitcast3A_537, 0 {pack_format = #tpu.pack_format<interleaved>} : vector<32xbf16> -> vector<16xf32>
          %unpack3A_543 = tpu.unpack_subelements %bitcast3A_537, 1 {pack_format = #tpu.pack_format<interleaved>} : vector<32xbf16> -> vector<16xf32>
          %unpack3A_544 = tpu.unpack_subelements %bitcast3A_541, 0 {pack_format = #tpu.pack_format<interleaved>} : vector<32xbf16> -> vector<16xf32>
          %unpack3A_545 = tpu.unpack_subelements %bitcast3A_541, 1 {pack_format = #tpu.pack_format<interleaved>} : vector<32xbf16> -> vector<16xf32>
          %mul3A_546 = arith.mulf %unpack3A_542, %unpack3A_544 : vector<16xf32>
          %mul3A_547 = arith.mulf %unpack3A_543, %unpack3A_545 : vector<16xf32>
          %get3A_548 = arith.index_cast %add3A_533 : i32 to index
          %get3A_549 = arith.constant 16 : index
          %get3A_550 = tpu.vector_load %arg11[%get3A_548, %get3A_549] {strides = array<i32>} : memref<128x64xi32, #tpu.memory_space<vmem>>, vector<16xi32>,
          %bitcast3A_551 = vector.bitcast %get3A_550 : vector<16xi32> to vector<32xbf16>
          %get3A_552 = arith.index_cast %add3A_533 : i32 to index
          %get3A_553 = arith.constant 16 : index
          %get3A_554 = tpu.vector_load %arg12[%get3A_552, %get3A_553] {strides = array<i32>} : memref<128x64xi32, #tpu.memory_space<vmem>>, vector<16xi32>,
          %bitcast3A_555 = vector.bitcast %get3A_554 : vector<16xi32> to vector<32xbf16>
          %unpack3A_556 = tpu.unpack_subelements %bitcast3A_551, 0 {pack_format = #tpu.pack_format<interleaved>} : vector<32xbf16> -> vector<16xf32>
          %unpack3A_557 = tpu.unpack_subelements %bitcast3A_551, 1 {pack_format = #tpu.pack_format<interleaved>} : vector<32xbf16> -> vector<16xf32>
          %unpack3A_558 = tpu.unpack_subelements %bitcast3A_555, 0 {pack_format = #tpu.pack_format<interleaved>} : vector<32xbf16> -> vector<16xf32>
          %unpack3A_559 = tpu.unpack_subelements %bitcast3A_555, 1 {pack_format = #tpu.pack_format<interleaved>} : vector<32xbf16> -> vector<16xf32>
          %mul3A_560 = arith.mulf %unpack3A_556, %unpack3A_558 : vector<16xf32>
          %mul3A_561 = arith.mulf %unpack3A_557, %unpack3A_559 : vector<16xf32>
          %get3A_562 = arith.index_cast %add3A_533 : i32 to index
          %get3A_563 = arith.constant 32 : index
          %get3A_564 = tpu.vector_load %arg11[%get3A_562, %get3A_563] {strides = array<i32>} : memref<128x64xi32, #tpu.memory_space<vmem>>, vector<16xi32>,
          %bitcast3A_565 = vector.bitcast %get3A_564 : vector<16xi32> to vector<32xbf16>
          %get3A_566 = arith.index_cast %add3A_533 : i32 to index
          %get3A_567 = arith.constant 32 : index
          %get3A_568 = tpu.vector_load %arg12[%get3A_566, %get3A_567] {strides = array<i32>} : memref<128x64xi32, #tpu.memory_space<vmem>>, vector<16xi32>,
          %bitcast3A_569 = vector.bitcast %get3A_568 : vector<16xi32> to vector<32xbf16>
          %unpack3A_570 = tpu.unpack_subelements %bitcast3A_565, 0 {pack_format = #tpu.pack_format<interleaved>} : vector<32xbf16> -> vector<16xf32>
          %unpack3A_571 = tpu.unpack_subelements %bitcast3A_565, 1 {pack_format = #tpu.pack_format<interleaved>} : vector<32xbf16> -> vector<16xf32>
          %unpack3A_572 = tpu.unpack_subelements %bitcast3A_569, 0 {pack_format = #tpu.pack_format<interleaved>} : vector<32xbf16> -> vector<16xf32>
          %unpack3A_573 = tpu.unpack_subelements %bitcast3A_569, 1 {pack_format = #tpu.pack_format<interleaved>} : vector<32xbf16> -> vector<16xf32>
          %mul3A_574 = arith.mulf %unpack3A_570, %unpack3A_572 : vector<16xf32>
          %mul3A_575 = arith.mulf %unpack3A_571, %unpack3A_573 : vector<16xf32>
          %get3A_576 = arith.index_cast %add3A_533 : i32 to index
          %get3A_577 = arith.constant 48 : index
          %get3A_578 = tpu.vector_load %arg11[%get3A_576, %get3A_577] {strides = array<i32>} : memref<128x64xi32, #tpu.memory_space<vmem>>, vector<16xi32>,
          %bitcast3A_579 = vector.bitcast %get3A_578 : vector<16xi32> to vector<32xbf16>
          %get3A_580 = arith.index_cast %add3A_533 : i32 to index
          %get3A_581 = arith.constant 48 : index
          %get3A_582 = tpu.vector_load %arg12[%get3A_580, %get3A_581] {strides = array<i32>} : memref<128x64xi32, #tpu.memory_space<vmem>>, vector<16xi32>,
          %bitcast3A_583 = vector.bitcast %get3A_582 : vector<16xi32> to vector<32xbf16>
          %unpack3A_584 = tpu.unpack_subelements %bitcast3A_579, 0 {pack_format = #tpu.pack_format<interleaved>} : vector<32xbf16> -> vector<16xf32>
          %unpack3A_585 = tpu.unpack_subelements %bitcast3A_579, 1 {pack_format = #tpu.pack_format<interleaved>} : vector<32xbf16> -> vector<16xf32>
          %unpack3A_586 = tpu.unpack_subelements %bitcast3A_583, 0 {pack_format = #tpu.pack_format<interleaved>} : vector<32xbf16> -> vector<16xf32>
          %unpack3A_587 = tpu.unpack_subelements %bitcast3A_583, 1 {pack_format = #tpu.pack_format<interleaved>} : vector<32xbf16> -> vector<16xf32>
          %mul3A_588 = arith.mulf %unpack3A_584, %unpack3A_586 : vector<16xf32>
          %mul3A_589 = arith.mulf %unpack3A_585, %unpack3A_587 : vector<16xf32>
          %add3A_590 = arith.addf %mul3A_546, %mul3A_547 : vector<16xf32>
          %add3A_591 = arith.addf %mul3A_560, %mul3A_561 : vector<16xf32>
          %add3A_592 = arith.addf %mul3A_574, %mul3A_575 : vector<16xf32>
          %add3A_593 = arith.addf %mul3A_588, %mul3A_589 : vector<16xf32>
          %add3A_594 = arith.addf %add3A_590, %add3A_591 : vector<16xf32>
          %add3A_595 = arith.addf %add3A_592, %add3A_593 : vector<16xf32>
          %add3A_596 = arith.addf %add3A_594, %add3A_595 : vector<16xf32>
          %mul3A_597 = arith.constant 16 : i32
          %mul3A_598 = arith.muli %scan3A_129, %mul3A_597 : i32
          %add3A_599 = arith.constant 14 : i32
          %add3A_600 = arith.addi %mul3A_598, %add3A_599 : i32
          %get3A_601 = arith.index_cast %add3A_600 : i32 to index
          %get3A_602 = arith.constant 0 : index
          %get3A_603 = tpu.vector_load %arg11[%get3A_601, %get3A_602] {strides = array<i32>} : memref<128x64xi32, #tpu.memory_space<vmem>>, vector<16xi32>,
          %bitcast3A_604 = vector.bitcast %get3A_603 : vector<16xi32> to vector<32xbf16>
          %get3A_605 = arith.index_cast %add3A_600 : i32 to index
          %get3A_606 = arith.constant 0 : index
          %get3A_607 = tpu.vector_load %arg12[%get3A_605, %get3A_606] {strides = array<i32>} : memref<128x64xi32, #tpu.memory_space<vmem>>, vector<16xi32>,
          %bitcast3A_608 = vector.bitcast %get3A_607 : vector<16xi32> to vector<32xbf16>
          %unpack3A_609 = tpu.unpack_subelements %bitcast3A_604, 0 {pack_format = #tpu.pack_format<interleaved>} : vector<32xbf16> -> vector<16xf32>
          %unpack3A_610 = tpu.unpack_subelements %bitcast3A_604, 1 {pack_format = #tpu.pack_format<interleaved>} : vector<32xbf16> -> vector<16xf32>
          %unpack3A_611 = tpu.unpack_subelements %bitcast3A_608, 0 {pack_format = #tpu.pack_format<interleaved>} : vector<32xbf16> -> vector<16xf32>
          %unpack3A_612 = tpu.unpack_subelements %bitcast3A_608, 1 {pack_format = #tpu.pack_format<interleaved>} : vector<32xbf16> -> vector<16xf32>
          %mul3A_613 = arith.mulf %unpack3A_609, %unpack3A_611 : vector<16xf32>
          %mul3A_614 = arith.mulf %unpack3A_610, %unpack3A_612 : vector<16xf32>
          %get3A_615 = arith.index_cast %add3A_600 : i32 to index
          %get3A_616 = arith.constant 16 : index
          %get3A_617 = tpu.vector_load %arg11[%get3A_615, %get3A_616] {strides = array<i32>} : memref<128x64xi32, #tpu.memory_space<vmem>>, vector<16xi32>,
          %bitcast3A_618 = vector.bitcast %get3A_617 : vector<16xi32> to vector<32xbf16>
          %get3A_619 = arith.index_cast %add3A_600 : i32 to index
          %get3A_620 = arith.constant 16 : index
          %get3A_621 = tpu.vector_load %arg12[%get3A_619, %get3A_620] {strides = array<i32>} : memref<128x64xi32, #tpu.memory_space<vmem>>, vector<16xi32>,
          %bitcast3A_622 = vector.bitcast %get3A_621 : vector<16xi32> to vector<32xbf16>
          %unpack3A_623 = tpu.unpack_subelements %bitcast3A_618, 0 {pack_format = #tpu.pack_format<interleaved>} : vector<32xbf16> -> vector<16xf32>
          %unpack3A_624 = tpu.unpack_subelements %bitcast3A_618, 1 {pack_format = #tpu.pack_format<interleaved>} : vector<32xbf16> -> vector<16xf32>
          %unpack3A_625 = tpu.unpack_subelements %bitcast3A_622, 0 {pack_format = #tpu.pack_format<interleaved>} : vector<32xbf16> -> vector<16xf32>
          %unpack3A_626 = tpu.unpack_subelements %bitcast3A_622, 1 {pack_format = #tpu.pack_format<interleaved>} : vector<32xbf16> -> vector<16xf32>
          %mul3A_627 = arith.mulf %unpack3A_623, %unpack3A_625 : vector<16xf32>
          %mul3A_628 = arith.mulf %unpack3A_624, %unpack3A_626 : vector<16xf32>
          %get3A_629 = arith.index_cast %add3A_600 : i32 to index
          %get3A_630 = arith.constant 32 : index
          %get3A_631 = tpu.vector_load %arg11[%get3A_629, %get3A_630] {strides = array<i32>} : memref<128x64xi32, #tpu.memory_space<vmem>>, vector<16xi32>,
          %bitcast3A_632 = vector.bitcast %get3A_631 : vector<16xi32> to vector<32xbf16>
          %get3A_633 = arith.index_cast %add3A_600 : i32 to index
          %get3A_634 = arith.constant 32 : index
          %get3A_635 = tpu.vector_load %arg12[%get3A_633, %get3A_634] {strides = array<i32>} : memref<128x64xi32, #tpu.memory_space<vmem>>, vector<16xi32>,
          %bitcast3A_636 = vector.bitcast %get3A_635 : vector<16xi32> to vector<32xbf16>
          %unpack3A_637 = tpu.unpack_subelements %bitcast3A_632, 0 {pack_format = #tpu.pack_format<interleaved>} : vector<32xbf16> -> vector<16xf32>
          %unpack3A_638 = tpu.unpack_subelements %bitcast3A_632, 1 {pack_format = #tpu.pack_format<interleaved>} : vector<32xbf16> -> vector<16xf32>
          %unpack3A_639 = tpu.unpack_subelements %bitcast3A_636, 0 {pack_format = #tpu.pack_format<interleaved>} : vector<32xbf16> -> vector<16xf32>
          %unpack3A_640 = tpu.unpack_subelements %bitcast3A_636, 1 {pack_format = #tpu.pack_format<interleaved>} : vector<32xbf16> -> vector<16xf32>
          %mul3A_641 = arith.mulf %unpack3A_637, %unpack3A_639 : vector<16xf32>
          %mul3A_642 = arith.mulf %unpack3A_638, %unpack3A_640 : vector<16xf32>
          %get3A_643 = arith.index_cast %add3A_600 : i32 to index
          %get3A_644 = arith.constant 48 : index
          %get3A_645 = tpu.vector_load %arg11[%get3A_643, %get3A_644] {strides = array<i32>} : memref<128x64xi32, #tpu.memory_space<vmem>>, vector<16xi32>,
          %bitcast3A_646 = vector.bitcast %get3A_645 : vector<16xi32> to vector<32xbf16>
          %get3A_647 = arith.index_cast %add3A_600 : i32 to index
          %get3A_648 = arith.constant 48 : index
          %get3A_649 = tpu.vector_load %arg12[%get3A_647, %get3A_648] {strides = array<i32>} : memref<128x64xi32, #tpu.memory_space<vmem>>, vector<16xi32>,
          %bitcast3A_650 = vector.bitcast %get3A_649 : vector<16xi32> to vector<32xbf16>
          %unpack3A_651 = tpu.unpack_subelements %bitcast3A_646, 0 {pack_format = #tpu.pack_format<interleaved>} : vector<32xbf16> -> vector<16xf32>
          %unpack3A_652 = tpu.unpack_subelements %bitcast3A_646, 1 {pack_format = #tpu.pack_format<interleaved>} : vector<32xbf16> -> vector<16xf32>
          %unpack3A_653 = tpu.unpack_subelements %bitcast3A_650, 0 {pack_format = #tpu.pack_format<interleaved>} : vector<32xbf16> -> vector<16xf32>
          %unpack3A_654 = tpu.unpack_subelements %bitcast3A_650, 1 {pack_format = #tpu.pack_format<interleaved>} : vector<32xbf16> -> vector<16xf32>
          %mul3A_655 = arith.mulf %unpack3A_651, %unpack3A_653 : vector<16xf32>
          %mul3A_656 = arith.mulf %unpack3A_652, %unpack3A_654 : vector<16xf32>
          %add3A_657 = arith.addf %mul3A_613, %mul3A_614 : vector<16xf32>
          %add3A_658 = arith.addf %mul3A_627, %mul3A_628 : vector<16xf32>
          %add3A_659 = arith.addf %mul3A_641, %mul3A_642 : vector<16xf32>
          %add3A_660 = arith.addf %mul3A_655, %mul3A_656 : vector<16xf32>
          %add3A_661 = arith.addf %add3A_657, %add3A_658 : vector<16xf32>
          %add3A_662 = arith.addf %add3A_659, %add3A_660 : vector<16xf32>
          %add3A_663 = arith.addf %add3A_661, %add3A_662 : vector<16xf32>
          %mul3A_664 = arith.constant 16 : i32
          %mul3A_665 = arith.muli %scan3A_129, %mul3A_664 : i32
          %add3A_666 = arith.constant 1 : i32
          %add3A_667 = arith.addi %mul3A_665, %add3A_666 : i32
          %get3A_668 = arith.index_cast %add3A_667 : i32 to index
          %get3A_669 = arith.constant 0 : index
          %get3A_670 = tpu.vector_load %arg11[%get3A_668, %get3A_669] {strides = array<i32>} : memref<128x64xi32, #tpu.memory_space<vmem>>, vector<16xi32>,
          %bitcast3A_671 = vector.bitcast %get3A_670 : vector<16xi32> to vector<32xbf16>
          %get3A_672 = arith.index_cast %add3A_667 : i32 to index
          %get3A_673 = arith.constant 0 : index
          %get3A_674 = tpu.vector_load %arg12[%get3A_672, %get3A_673] {strides = array<i32>} : memref<128x64xi32, #tpu.memory_space<vmem>>, vector<16xi32>,
          %bitcast3A_675 = vector.bitcast %get3A_674 : vector<16xi32> to vector<32xbf16>
          %unpack3A_676 = tpu.unpack_subelements %bitcast3A_671, 0 {pack_format = #tpu.pack_format<interleaved>} : vector<32xbf16> -> vector<16xf32>
          %unpack3A_677 = tpu.unpack_subelements %bitcast3A_671, 1 {pack_format = #tpu.pack_format<interleaved>} : vector<32xbf16> -> vector<16xf32>
          %unpack3A_678 = tpu.unpack_subelements %bitcast3A_675, 0 {pack_format = #tpu.pack_format<interleaved>} : vector<32xbf16> -> vector<16xf32>
          %unpack3A_679 = tpu.unpack_subelements %bitcast3A_675, 1 {pack_format = #tpu.pack_format<interleaved>} : vector<32xbf16> -> vector<16xf32>
          %mul3A_680 = arith.mulf %unpack3A_676, %unpack3A_678 : vector<16xf32>
          %mul3A_681 = arith.mulf %unpack3A_677, %unpack3A_679 : vector<16xf32>
          %get3A_682 = arith.index_cast %add3A_667 : i32 to index
          %get3A_683 = arith.constant 16 : index
          %get3A_684 = tpu.vector_load %arg11[%get3A_682, %get3A_683] {strides = array<i32>} : memref<128x64xi32, #tpu.memory_space<vmem>>, vector<16xi32>,
          %bitcast3A_685 = vector.bitcast %get3A_684 : vector<16xi32> to vector<32xbf16>
          %get3A_686 = arith.index_cast %add3A_667 : i32 to index
          %get3A_687 = arith.constant 16 : index
          %get3A_688 = tpu.vector_load %arg12[%get3A_686, %get3A_687] {strides = array<i32>} : memref<128x64xi32, #tpu.memory_space<vmem>>, vector<16xi32>,
          %bitcast3A_689 = vector.bitcast %get3A_688 : vector<16xi32> to vector<32xbf16>
          %unpack3A_690 = tpu.unpack_subelements %bitcast3A_685, 0 {pack_format = #tpu.pack_format<interleaved>} : vector<32xbf16> -> vector<16xf32>
          %unpack3A_691 = tpu.unpack_subelements %bitcast3A_685, 1 {pack_format = #tpu.pack_format<interleaved>} : vector<32xbf16> -> vector<16xf32>
          %unpack3A_692 = tpu.unpack_subelements %bitcast3A_689, 0 {pack_format = #tpu.pack_format<interleaved>} : vector<32xbf16> -> vector<16xf32>
          %unpack3A_693 = tpu.unpack_subelements %bitcast3A_689, 1 {pack_format = #tpu.pack_format<interleaved>} : vector<32xbf16> -> vector<16xf32>
          %mul3A_694 = arith.mulf %unpack3A_690, %unpack3A_692 : vector<16xf32>
          %mul3A_695 = arith.mulf %unpack3A_691, %unpack3A_693 : vector<16xf32>
          %get3A_696 = arith.index_cast %add3A_667 : i32 to index
          %get3A_697 = arith.constant 32 : index
          %get3A_698 = tpu.vector_load %arg11[%get3A_696, %get3A_697] {strides = array<i32>} : memref<128x64xi32, #tpu.memory_space<vmem>>, vector<16xi32>,
          %bitcast3A_699 = vector.bitcast %get3A_698 : vector<16xi32> to vector<32xbf16>
          %get3A_700 = arith.index_cast %add3A_667 : i32 to index
          %get3A_701 = arith.constant 32 : index
          %get3A_702 = tpu.vector_load %arg12[%get3A_700, %get3A_701] {strides = array<i32>} : memref<128x64xi32, #tpu.memory_space<vmem>>, vector<16xi32>,
          %bitcast3A_703 = vector.bitcast %get3A_702 : vector<16xi32> to vector<32xbf16>
          %unpack3A_704 = tpu.unpack_subelements %bitcast3A_699, 0 {pack_format = #tpu.pack_format<interleaved>} : vector<32xbf16> -> vector<16xf32>
          %unpack3A_705 = tpu.unpack_subelements %bitcast3A_699, 1 {pack_format = #tpu.pack_format<interleaved>} : vector<32xbf16> -> vector<16xf32>
          %unpack3A_706 = tpu.unpack_subelements %bitcast3A_703, 0 {pack_format = #tpu.pack_format<interleaved>} : vector<32xbf16> -> vector<16xf32>
          %unpack3A_707 = tpu.unpack_subelements %bitcast3A_703, 1 {pack_format = #tpu.pack_format<interleaved>} : vector<32xbf16> -> vector<16xf32>
          %mul3A_708 = arith.mulf %unpack3A_704, %unpack3A_706 : vector<16xf32>
          %mul3A_709 = arith.mulf %unpack3A_705, %unpack3A_707 : vector<16xf32>
          %get3A_710 = arith.index_cast %add3A_667 : i32 to index
          %get3A_711 = arith.constant 48 : index
          %get3A_712 = tpu.vector_load %arg11[%get3A_710, %get3A_711] {strides = array<i32>} : memref<128x64xi32, #tpu.memory_space<vmem>>, vector<16xi32>,
          %bitcast3A_713 = vector.bitcast %get3A_712 : vector<16xi32> to vector<32xbf16>
          %get3A_714 = arith.index_cast %add3A_667 : i32 to index
          %get3A_715 = arith.constant 48 : index
          %get3A_716 = tpu.vector_load %arg12[%get3A_714, %get3A_715] {strides = array<i32>} : memref<128x64xi32, #tpu.memory_space<vmem>>, vector<16xi32>,
          %bitcast3A_717 = vector.bitcast %get3A_716 : vector<16xi32> to vector<32xbf16>
          %unpack3A_718 = tpu.unpack_subelements %bitcast3A_713, 0 {pack_format = #tpu.pack_format<interleaved>} : vector<32xbf16> -> vector<16xf32>
          %unpack3A_719 = tpu.unpack_subelements %bitcast3A_713, 1 {pack_format = #tpu.pack_format<interleaved>} : vector<32xbf16> -> vector<16xf32>
          %unpack3A_720 = tpu.unpack_subelements %bitcast3A_717, 0 {pack_format = #tpu.pack_format<interleaved>} : vector<32xbf16> -> vector<16xf32>
          %unpack3A_721 = tpu.unpack_subelements %bitcast3A_717, 1 {pack_format = #tpu.pack_format<interleaved>} : vector<32xbf16> -> vector<16xf32>
          %mul3A_722 = arith.mulf %unpack3A_718, %unpack3A_720 : vector<16xf32>
          %mul3A_723 = arith.mulf %unpack3A_719, %unpack3A_721 : vector<16xf32>
          %add3A_724 = arith.addf %mul3A_680, %mul3A_681 : vector<16xf32>
          %add3A_725 = arith.addf %mul3A_694, %mul3A_695 : vector<16xf32>
          %add3A_726 = arith.addf %mul3A_708, %mul3A_709 : vector<16xf32>
          %add3A_727 = arith.addf %mul3A_722, %mul3A_723 : vector<16xf32>
          %add3A_728 = arith.addf %add3A_724, %add3A_725 : vector<16xf32>
          %add3A_729 = arith.addf %add3A_726, %add3A_727 : vector<16xf32>
          %add3A_730 = arith.addf %add3A_728, %add3A_729 : vector<16xf32>
          %mul3A_731 = arith.constant 16 : i32
          %mul3A_732 = arith.muli %scan3A_129, %mul3A_731 : i32
          %add3A_733 = arith.constant 9 : i32
          %add3A_734 = arith.addi %mul3A_732, %add3A_733 : i32
          %get3A_735 = arith.index_cast %add3A_734 : i32 to index
          %get3A_736 = arith.constant 0 : index
          %get3A_737 = tpu.vector_load %arg11[%get3A_735, %get3A_736] {strides = array<i32>} : memref<128x64xi32, #tpu.memory_space<vmem>>, vector<16xi32>,
          %bitcast3A_738 = vector.bitcast %get3A_737 : vector<16xi32> to vector<32xbf16>
          %get3A_739 = arith.index_cast %add3A_734 : i32 to index
          %get3A_740 = arith.constant 0 : index
          %get3A_741 = tpu.vector_load %arg12[%get3A_739, %get3A_740] {strides = array<i32>} : memref<128x64xi32, #tpu.memory_space<vmem>>, vector<16xi32>,
          %bitcast3A_742 = vector.bitcast %get3A_741 : vector<16xi32> to vector<32xbf16>
          %unpack3A_743 = tpu.unpack_subelements %bitcast3A_738, 0 {pack_format = #tpu.pack_format<interleaved>} : vector<32xbf16> -> vector<16xf32>
          %unpack3A_744 = tpu.unpack_subelements %bitcast3A_738, 1 {pack_format = #tpu.pack_format<interleaved>} : vector<32xbf16> -> vector<16xf32>
          %unpack3A_745 = tpu.unpack_subelements %bitcast3A_742, 0 {pack_format = #tpu.pack_format<interleaved>} : vector<32xbf16> -> vector<16xf32>
          %unpack3A_746 = tpu.unpack_subelements %bitcast3A_742, 1 {pack_format = #tpu.pack_format<interleaved>} : vector<32xbf16> -> vector<16xf32>
          %mul3A_747 = arith.mulf %unpack3A_743, %unpack3A_745 : vector<16xf32>
          %mul3A_748 = arith.mulf %unpack3A_744, %unpack3A_746 : vector<16xf32>
          %get3A_749 = arith.index_cast %add3A_734 : i32 to index
          %get3A_750 = arith.constant 16 : index
          %get3A_751 = tpu.vector_load %arg11[%get3A_749, %get3A_750] {strides = array<i32>} : memref<128x64xi32, #tpu.memory_space<vmem>>, vector<16xi32>,
          %bitcast3A_752 = vector.bitcast %get3A_751 : vector<16xi32> to vector<32xbf16>
          %get3A_753 = arith.index_cast %add3A_734 : i32 to index
          %get3A_754 = arith.constant 16 : index
          %get3A_755 = tpu.vector_load %arg12[%get3A_753, %get3A_754] {strides = array<i32>} : memref<128x64xi32, #tpu.memory_space<vmem>>, vector<16xi32>,
          %bitcast3A_756 = vector.bitcast %get3A_755 : vector<16xi32> to vector<32xbf16>
          %unpack3A_757 = tpu.unpack_subelements %bitcast3A_752, 0 {pack_format = #tpu.pack_format<interleaved>} : vector<32xbf16> -> vector<16xf32>
          %unpack3A_758 = tpu.unpack_subelements %bitcast3A_752, 1 {pack_format = #tpu.pack_format<interleaved>} : vector<32xbf16> -> vector<16xf32>
          %unpack3A_759 = tpu.unpack_subelements %bitcast3A_756, 0 {pack_format = #tpu.pack_format<interleaved>} : vector<32xbf16> -> vector<16xf32>
          %unpack3A_760 = tpu.unpack_subelements %bitcast3A_756, 1 {pack_format = #tpu.pack_format<interleaved>} : vector<32xbf16> -> vector<16xf32>
          %mul3A_761 = arith.mulf %unpack3A_757, %unpack3A_759 : vector<16xf32>
          %mul3A_762 = arith.mulf %unpack3A_758, %unpack3A_760 : vector<16xf32>
          %get3A_763 = arith.index_cast %add3A_734 : i32 to index
          %get3A_764 = arith.constant 32 : index
          %get3A_765 = tpu.vector_load %arg11[%get3A_763, %get3A_764] {strides = array<i32>} : memref<128x64xi32, #tpu.memory_space<vmem>>, vector<16xi32>,
          %bitcast3A_766 = vector.bitcast %get3A_765 : vector<16xi32> to vector<32xbf16>
          %get3A_767 = arith.index_cast %add3A_734 : i32 to index
          %get3A_768 = arith.constant 32 : index
          %get3A_769 = tpu.vector_load %arg12[%get3A_767, %get3A_768] {strides = array<i32>} : memref<128x64xi32, #tpu.memory_space<vmem>>, vector<16xi32>,
          %bitcast3A_770 = vector.bitcast %get3A_769 : vector<16xi32> to vector<32xbf16>
          %unpack3A_771 = tpu.unpack_subelements %bitcast3A_766, 0 {pack_format = #tpu.pack_format<interleaved>} : vector<32xbf16> -> vector<16xf32>
          %unpack3A_772 = tpu.unpack_subelements %bitcast3A_766, 1 {pack_format = #tpu.pack_format<interleaved>} : vector<32xbf16> -> vector<16xf32>
          %unpack3A_773 = tpu.unpack_subelements %bitcast3A_770, 0 {pack_format = #tpu.pack_format<interleaved>} : vector<32xbf16> -> vector<16xf32>
          %unpack3A_774 = tpu.unpack_subelements %bitcast3A_770, 1 {pack_format = #tpu.pack_format<interleaved>} : vector<32xbf16> -> vector<16xf32>
          %mul3A_775 = arith.mulf %unpack3A_771, %unpack3A_773 : vector<16xf32>
          %mul3A_776 = arith.mulf %unpack3A_772, %unpack3A_774 : vector<16xf32>
          %get3A_777 = arith.index_cast %add3A_734 : i32 to index
          %get3A_778 = arith.constant 48 : index
          %get3A_779 = tpu.vector_load %arg11[%get3A_777, %get3A_778] {strides = array<i32>} : memref<128x64xi32, #tpu.memory_space<vmem>>, vector<16xi32>,
          %bitcast3A_780 = vector.bitcast %get3A_779 : vector<16xi32> to vector<32xbf16>
          %get3A_781 = arith.index_cast %add3A_734 : i32 to index
          %get3A_782 = arith.constant 48 : index
          %get3A_783 = tpu.vector_load %arg12[%get3A_781, %get3A_782] {strides = array<i32>} : memref<128x64xi32, #tpu.memory_space<vmem>>, vector<16xi32>,
          %bitcast3A_784 = vector.bitcast %get3A_783 : vector<16xi32> to vector<32xbf16>
          %unpack3A_785 = tpu.unpack_subelements %bitcast3A_780, 0 {pack_format = #tpu.pack_format<interleaved>} : vector<32xbf16> -> vector<16xf32>
          %unpack3A_786 = tpu.unpack_subelements %bitcast3A_780, 1 {pack_format = #tpu.pack_format<interleaved>} : vector<32xbf16> -> vector<16xf32>
          %unpack3A_787 = tpu.unpack_subelements %bitcast3A_784, 0 {pack_format = #tpu.pack_format<interleaved>} : vector<32xbf16> -> vector<16xf32>
          %unpack3A_788 = tpu.unpack_subelements %bitcast3A_784, 1 {pack_format = #tpu.pack_format<interleaved>} : vector<32xbf16> -> vector<16xf32>
          %mul3A_789 = arith.mulf %unpack3A_785, %unpack3A_787 : vector<16xf32>
          %mul3A_790 = arith.mulf %unpack3A_786, %unpack3A_788 : vector<16xf32>
          %add3A_791 = arith.addf %mul3A_747, %mul3A_748 : vector<16xf32>
          %add3A_792 = arith.addf %mul3A_761, %mul3A_762 : vector<16xf32>
          %add3A_793 = arith.addf %mul3A_775, %mul3A_776 : vector<16xf32>
          %add3A_794 = arith.addf %mul3A_789, %mul3A_790 : vector<16xf32>
          %add3A_795 = arith.addf %add3A_791, %add3A_792 : vector<16xf32>
          %add3A_796 = arith.addf %add3A_793, %add3A_794 : vector<16xf32>
          %add3A_797 = arith.addf %add3A_795, %add3A_796 : vector<16xf32>
          %mul3A_798 = arith.constant 16 : i32
          %mul3A_799 = arith.muli %scan3A_129, %mul3A_798 : i32
          %add3A_800 = arith.constant 5 : i32
          %add3A_801 = arith.addi %mul3A_799, %add3A_800 : i32
          %get3A_802 = arith.index_cast %add3A_801 : i32 to index
          %get3A_803 = arith.constant 0 : index
          %get3A_804 = tpu.vector_load %arg11[%get3A_802, %get3A_803] {strides = array<i32>} : memref<128x64xi32, #tpu.memory_space<vmem>>, vector<16xi32>,
          %bitcast3A_805 = vector.bitcast %get3A_804 : vector<16xi32> to vector<32xbf16>
          %get3A_806 = arith.index_cast %add3A_801 : i32 to index
          %get3A_807 = arith.constant 0 : index
          %get3A_808 = tpu.vector_load %arg12[%get3A_806, %get3A_807] {strides = array<i32>} : memref<128x64xi32, #tpu.memory_space<vmem>>, vector<16xi32>,
          %bitcast3A_809 = vector.bitcast %get3A_808 : vector<16xi32> to vector<32xbf16>
          %unpack3A_810 = tpu.unpack_subelements %bitcast3A_805, 0 {pack_format = #tpu.pack_format<interleaved>} : vector<32xbf16> -> vector<16xf32>
          %unpack3A_811 = tpu.unpack_subelements %bitcast3A_805, 1 {pack_format = #tpu.pack_format<interleaved>} : vector<32xbf16> -> vector<16xf32>
          %unpack3A_812 = tpu.unpack_subelements %bitcast3A_809, 0 {pack_format = #tpu.pack_format<interleaved>} : vector<32xbf16> -> vector<16xf32>
          %unpack3A_813 = tpu.unpack_subelements %bitcast3A_809, 1 {pack_format = #tpu.pack_format<interleaved>} : vector<32xbf16> -> vector<16xf32>
          %mul3A_814 = arith.mulf %unpack3A_810, %unpack3A_812 : vector<16xf32>
          %mul3A_815 = arith.mulf %unpack3A_811, %unpack3A_813 : vector<16xf32>
          %get3A_816 = arith.index_cast %add3A_801 : i32 to index
          %get3A_817 = arith.constant 16 : index
          %get3A_818 = tpu.vector_load %arg11[%get3A_816, %get3A_817] {strides = array<i32>} : memref<128x64xi32, #tpu.memory_space<vmem>>, vector<16xi32>,
          %bitcast3A_819 = vector.bitcast %get3A_818 : vector<16xi32> to vector<32xbf16>
          %get3A_820 = arith.index_cast %add3A_801 : i32 to index
          %get3A_821 = arith.constant 16 : index
          %get3A_822 = tpu.vector_load %arg12[%get3A_820, %get3A_821] {strides = array<i32>} : memref<128x64xi32, #tpu.memory_space<vmem>>, vector<16xi32>,
          %bitcast3A_823 = vector.bitcast %get3A_822 : vector<16xi32> to vector<32xbf16>
          %unpack3A_824 = tpu.unpack_subelements %bitcast3A_819, 0 {pack_format = #tpu.pack_format<interleaved>} : vector<32xbf16> -> vector<16xf32>
          %unpack3A_825 = tpu.unpack_subelements %bitcast3A_819, 1 {pack_format = #tpu.pack_format<interleaved>} : vector<32xbf16> -> vector<16xf32>
          %unpack3A_826 = tpu.unpack_subelements %bitcast3A_823, 0 {pack_format = #tpu.pack_format<interleaved>} : vector<32xbf16> -> vector<16xf32>
          %unpack3A_827 = tpu.unpack_subelements %bitcast3A_823, 1 {pack_format = #tpu.pack_format<interleaved>} : vector<32xbf16> -> vector<16xf32>
          %mul3A_828 = arith.mulf %unpack3A_824, %unpack3A_826 : vector<16xf32>
          %mul3A_829 = arith.mulf %unpack3A_825, %unpack3A_827 : vector<16xf32>
          %get3A_830 = arith.index_cast %add3A_801 : i32 to index
          %get3A_831 = arith.constant 32 : index
          %get3A_832 = tpu.vector_load %arg11[%get3A_830, %get3A_831] {strides = array<i32>} : memref<128x64xi32, #tpu.memory_space<vmem>>, vector<16xi32>,
          %bitcast3A_833 = vector.bitcast %get3A_832 : vector<16xi32> to vector<32xbf16>
          %get3A_834 = arith.index_cast %add3A_801 : i32 to index
          %get3A_835 = arith.constant 32 : index
          %get3A_836 = tpu.vector_load %arg12[%get3A_834, %get3A_835] {strides = array<i32>} : memref<128x64xi32, #tpu.memory_space<vmem>>, vector<16xi32>,
          %bitcast3A_837 = vector.bitcast %get3A_836 : vector<16xi32> to vector<32xbf16>
          %unpack3A_838 = tpu.unpack_subelements %bitcast3A_833, 0 {pack_format = #tpu.pack_format<interleaved>} : vector<32xbf16> -> vector<16xf32>
          %unpack3A_839 = tpu.unpack_subelements %bitcast3A_833, 1 {pack_format = #tpu.pack_format<interleaved>} : vector<32xbf16> -> vector<16xf32>
          %unpack3A_840 = tpu.unpack_subelements %bitcast3A_837, 0 {pack_format = #tpu.pack_format<interleaved>} : vector<32xbf16> -> vector<16xf32>
          %unpack3A_841 = tpu.unpack_subelements %bitcast3A_837, 1 {pack_format = #tpu.pack_format<interleaved>} : vector<32xbf16> -> vector<16xf32>
          %mul3A_842 = arith.mulf %unpack3A_838, %unpack3A_840 : vector<16xf32>
          %mul3A_843 = arith.mulf %unpack3A_839, %unpack3A_841 : vector<16xf32>
          %get3A_844 = arith.index_cast %add3A_801 : i32 to index
          %get3A_845 = arith.constant 48 : index
          %get3A_846 = tpu.vector_load %arg11[%get3A_844, %get3A_845] {strides = array<i32>} : memref<128x64xi32, #tpu.memory_space<vmem>>, vector<16xi32>,
          %bitcast3A_847 = vector.bitcast %get3A_846 : vector<16xi32> to vector<32xbf16>
          %get3A_848 = arith.index_cast %add3A_801 : i32 to index
          %get3A_849 = arith.constant 48 : index
          %get3A_850 = tpu.vector_load %arg12[%get3A_848, %get3A_849] {strides = array<i32>} : memref<128x64xi32, #tpu.memory_space<vmem>>, vector<16xi32>,
          %bitcast3A_851 = vector.bitcast %get3A_850 : vector<16xi32> to vector<32xbf16>
          %unpack3A_852 = tpu.unpack_subelements %bitcast3A_847, 0 {pack_format = #tpu.pack_format<interleaved>} : vector<32xbf16> -> vector<16xf32>
          %unpack3A_853 = tpu.unpack_subelements %bitcast3A_847, 1 {pack_format = #tpu.pack_format<interleaved>} : vector<32xbf16> -> vector<16xf32>
          %unpack3A_854 = tpu.unpack_subelements %bitcast3A_851, 0 {pack_format = #tpu.pack_format<interleaved>} : vector<32xbf16> -> vector<16xf32>
          %unpack3A_855 = tpu.unpack_subelements %bitcast3A_851, 1 {pack_format = #tpu.pack_format<interleaved>} : vector<32xbf16> -> vector<16xf32>
          %mul3A_856 = arith.mulf %unpack3A_852, %unpack3A_854 : vector<16xf32>
          %mul3A_857 = arith.mulf %unpack3A_853, %unpack3A_855 : vector<16xf32>
          %add3A_858 = arith.addf %mul3A_814, %mul3A_815 : vector<16xf32>
          %add3A_859 = arith.addf %mul3A_828, %mul3A_829 : vector<16xf32>
          %add3A_860 = arith.addf %mul3A_842, %mul3A_843 : vector<16xf32>
          %add3A_861 = arith.addf %mul3A_856, %mul3A_857 : vector<16xf32>
          %add3A_862 = arith.addf %add3A_858, %add3A_859 : vector<16xf32>
          %add3A_863 = arith.addf %add3A_860, %add3A_861 : vector<16xf32>
          %add3A_864 = arith.addf %add3A_862, %add3A_863 : vector<16xf32>
          %mul3A_865 = arith.constant 16 : i32
          %mul3A_866 = arith.muli %scan3A_129, %mul3A_865 : i32
          %add3A_867 = arith.constant 13 : i32
          %add3A_868 = arith.addi %mul3A_866, %add3A_867 : i32
          %get3A_869 = arith.index_cast %add3A_868 : i32 to index
          %get3A_870 = arith.constant 0 : index
          %get3A_871 = tpu.vector_load %arg11[%get3A_869, %get3A_870] {strides = array<i32>} : memref<128x64xi32, #tpu.memory_space<vmem>>, vector<16xi32>,
          %bitcast3A_872 = vector.bitcast %get3A_871 : vector<16xi32> to vector<32xbf16>
          %get3A_873 = arith.index_cast %add3A_868 : i32 to index
          %get3A_874 = arith.constant 0 : index
          %get3A_875 = tpu.vector_load %arg12[%get3A_873, %get3A_874] {strides = array<i32>} : memref<128x64xi32, #tpu.memory_space<vmem>>, vector<16xi32>,
          %bitcast3A_876 = vector.bitcast %get3A_875 : vector<16xi32> to vector<32xbf16>
          %unpack3A_877 = tpu.unpack_subelements %bitcast3A_872, 0 {pack_format = #tpu.pack_format<interleaved>} : vector<32xbf16> -> vector<16xf32>
          %unpack3A_878 = tpu.unpack_subelements %bitcast3A_872, 1 {pack_format = #tpu.pack_format<interleaved>} : vector<32xbf16> -> vector<16xf32>
          %unpack3A_879 = tpu.unpack_subelements %bitcast3A_876, 0 {pack_format = #tpu.pack_format<interleaved>} : vector<32xbf16> -> vector<16xf32>
          %unpack3A_880 = tpu.unpack_subelements %bitcast3A_876, 1 {pack_format = #tpu.pack_format<interleaved>} : vector<32xbf16> -> vector<16xf32>
          %mul3A_881 = arith.mulf %unpack3A_877, %unpack3A_879 : vector<16xf32>
          %mul3A_882 = arith.mulf %unpack3A_878, %unpack3A_880 : vector<16xf32>
          %get3A_883 = arith.index_cast %add3A_868 : i32 to index
          %get3A_884 = arith.constant 16 : index
          %get3A_885 = tpu.vector_load %arg11[%get3A_883, %get3A_884] {strides = array<i32>} : memref<128x64xi32, #tpu.memory_space<vmem>>, vector<16xi32>,
          %bitcast3A_886 = vector.bitcast %get3A_885 : vector<16xi32> to vector<32xbf16>
          %get3A_887 = arith.index_cast %add3A_868 : i32 to index
          %get3A_888 = arith.constant 16 : index
          %get3A_889 = tpu.vector_load %arg12[%get3A_887, %get3A_888] {strides = array<i32>} : memref<128x64xi32, #tpu.memory_space<vmem>>, vector<16xi32>,
          %bitcast3A_890 = vector.bitcast %get3A_889 : vector<16xi32> to vector<32xbf16>
          %unpack3A_891 = tpu.unpack_subelements %bitcast3A_886, 0 {pack_format = #tpu.pack_format<interleaved>} : vector<32xbf16> -> vector<16xf32>
          %unpack3A_892 = tpu.unpack_subelements %bitcast3A_886, 1 {pack_format = #tpu.pack_format<interleaved>} : vector<32xbf16> -> vector<16xf32>
          %unpack3A_893 = tpu.unpack_subelements %bitcast3A_890, 0 {pack_format = #tpu.pack_format<interleaved>} : vector<32xbf16> -> vector<16xf32>
          %unpack3A_894 = tpu.unpack_subelements %bitcast3A_890, 1 {pack_format = #tpu.pack_format<interleaved>} : vector<32xbf16> -> vector<16xf32>
          %mul3A_895 = arith.mulf %unpack3A_891, %unpack3A_893 : vector<16xf32>
          %mul3A_896 = arith.mulf %unpack3A_892, %unpack3A_894 : vector<16xf32>
          %get3A_897 = arith.index_cast %add3A_868 : i32 to index
          %get3A_898 = arith.constant 32 : index
          %get3A_899 = tpu.vector_load %arg11[%get3A_897, %get3A_898] {strides = array<i32>} : memref<128x64xi32, #tpu.memory_space<vmem>>, vector<16xi32>,
          %bitcast3A_900 = vector.bitcast %get3A_899 : vector<16xi32> to vector<32xbf16>
          %get3A_901 = arith.index_cast %add3A_868 : i32 to index
          %get3A_902 = arith.constant 32 : index
          %get3A_903 = tpu.vector_load %arg12[%get3A_901, %get3A_902] {strides = array<i32>} : memref<128x64xi32, #tpu.memory_space<vmem>>, vector<16xi32>,
          %bitcast3A_904 = vector.bitcast %get3A_903 : vector<16xi32> to vector<32xbf16>
          %unpack3A_905 = tpu.unpack_subelements %bitcast3A_900, 0 {pack_format = #tpu.pack_format<interleaved>} : vector<32xbf16> -> vector<16xf32>
          %unpack3A_906 = tpu.unpack_subelements %bitcast3A_900, 1 {pack_format = #tpu.pack_format<interleaved>} : vector<32xbf16> -> vector<16xf32>
          %unpack3A_907 = tpu.unpack_subelements %bitcast3A_904, 0 {pack_format = #tpu.pack_format<interleaved>} : vector<32xbf16> -> vector<16xf32>
          %unpack3A_908 = tpu.unpack_subelements %bitcast3A_904, 1 {pack_format = #tpu.pack_format<interleaved>} : vector<32xbf16> -> vector<16xf32>
          %mul3A_909 = arith.mulf %unpack3A_905, %unpack3A_907 : vector<16xf32>
          %mul3A_910 = arith.mulf %unpack3A_906, %unpack3A_908 : vector<16xf32>
          %get3A_911 = arith.index_cast %add3A_868 : i32 to index
          %get3A_912 = arith.constant 48 : index
          %get3A_913 = tpu.vector_load %arg11[%get3A_911, %get3A_912] {strides = array<i32>} : memref<128x64xi32, #tpu.memory_space<vmem>>, vector<16xi32>,
          %bitcast3A_914 = vector.bitcast %get3A_913 : vector<16xi32> to vector<32xbf16>
          %get3A_915 = arith.index_cast %add3A_868 : i32 to index
          %get3A_916 = arith.constant 48 : index
          %get3A_917 = tpu.vector_load %arg12[%get3A_915, %get3A_916] {strides = array<i32>} : memref<128x64xi32, #tpu.memory_space<vmem>>, vector<16xi32>,
          %bitcast3A_918 = vector.bitcast %get3A_917 : vector<16xi32> to vector<32xbf16>
          %unpack3A_919 = tpu.unpack_subelements %bitcast3A_914, 0 {pack_format = #tpu.pack_format<interleaved>} : vector<32xbf16> -> vector<16xf32>
          %unpack3A_920 = tpu.unpack_subelements %bitcast3A_914, 1 {pack_format = #tpu.pack_format<interleaved>} : vector<32xbf16> -> vector<16xf32>
          %unpack3A_921 = tpu.unpack_subelements %bitcast3A_918, 0 {pack_format = #tpu.pack_format<interleaved>} : vector<32xbf16> -> vector<16xf32>
          %unpack3A_922 = tpu.unpack_subelements %bitcast3A_918, 1 {pack_format = #tpu.pack_format<interleaved>} : vector<32xbf16> -> vector<16xf32>
          %mul3A_923 = arith.mulf %unpack3A_919, %unpack3A_921 : vector<16xf32>
          %mul3A_924 = arith.mulf %unpack3A_920, %unpack3A_922 : vector<16xf32>
          %add3A_925 = arith.addf %mul3A_881, %mul3A_882 : vector<16xf32>
          %add3A_926 = arith.addf %mul3A_895, %mul3A_896 : vector<16xf32>
          %add3A_927 = arith.addf %mul3A_909, %mul3A_910 : vector<16xf32>
          %add3A_928 = arith.addf %mul3A_923, %mul3A_924 : vector<16xf32>
          %add3A_929 = arith.addf %add3A_925, %add3A_926 : vector<16xf32>
          %add3A_930 = arith.addf %add3A_927, %add3A_928 : vector<16xf32>
          %add3A_931 = arith.addf %add3A_929, %add3A_930 : vector<16xf32>
          %mul3A_932 = arith.constant 16 : i32
          %mul3A_933 = arith.muli %scan3A_129, %mul3A_932 : i32
          %add3A_934 = arith.constant 3 : i32
          %add3A_935 = arith.addi %mul3A_933, %add3A_934 : i32
          %get3A_936 = arith.index_cast %add3A_935 : i32 to index
          %get3A_937 = arith.constant 0 : index
          %get3A_938 = tpu.vector_load %arg11[%get3A_936, %get3A_937] {strides = array<i32>} : memref<128x64xi32, #tpu.memory_space<vmem>>, vector<16xi32>,
          %bitcast3A_939 = vector.bitcast %get3A_938 : vector<16xi32> to vector<32xbf16>
          %get3A_940 = arith.index_cast %add3A_935 : i32 to index
          %get3A_941 = arith.constant 0 : index
          %get3A_942 = tpu.vector_load %arg12[%get3A_940, %get3A_941] {strides = array<i32>} : memref<128x64xi32, #tpu.memory_space<vmem>>, vector<16xi32>,
          %bitcast3A_943 = vector.bitcast %get3A_942 : vector<16xi32> to vector<32xbf16>
          %unpack3A_944 = tpu.unpack_subelements %bitcast3A_939, 0 {pack_format = #tpu.pack_format<interleaved>} : vector<32xbf16> -> vector<16xf32>
          %unpack3A_945 = tpu.unpack_subelements %bitcast3A_939, 1 {pack_format = #tpu.pack_format<interleaved>} : vector<32xbf16> -> vector<16xf32>
          %unpack3A_946 = tpu.unpack_subelements %bitcast3A_943, 0 {pack_format = #tpu.pack_format<interleaved>} : vector<32xbf16> -> vector<16xf32>
          %unpack3A_947 = tpu.unpack_subelements %bitcast3A_943, 1 {pack_format = #tpu.pack_format<interleaved>} : vector<32xbf16> -> vector<16xf32>
          %mul3A_948 = arith.mulf %unpack3A_944, %unpack3A_946 : vector<16xf32>
          %mul3A_949 = arith.mulf %unpack3A_945, %unpack3A_947 : vector<16xf32>
          %get3A_950 = arith.index_cast %add3A_935 : i32 to index
          %get3A_951 = arith.constant 16 : index
          %get3A_952 = tpu.vector_load %arg11[%get3A_950, %get3A_951] {strides = array<i32>} : memref<128x64xi32, #tpu.memory_space<vmem>>, vector<16xi32>,
          %bitcast3A_953 = vector.bitcast %get3A_952 : vector<16xi32> to vector<32xbf16>
          %get3A_954 = arith.index_cast %add3A_935 : i32 to index
          %get3A_955 = arith.constant 16 : index
          %get3A_956 = tpu.vector_load %arg12[%get3A_954, %get3A_955] {strides = array<i32>} : memref<128x64xi32, #tpu.memory_space<vmem>>, vector<16xi32>,
          %bitcast3A_957 = vector.bitcast %get3A_956 : vector<16xi32> to vector<32xbf16>
          %unpack3A_958 = tpu.unpack_subelements %bitcast3A_953, 0 {pack_format = #tpu.pack_format<interleaved>} : vector<32xbf16> -> vector<16xf32>
          %unpack3A_959 = tpu.unpack_subelements %bitcast3A_953, 1 {pack_format = #tpu.pack_format<interleaved>} : vector<32xbf16> -> vector<16xf32>
          %unpack3A_960 = tpu.unpack_subelements %bitcast3A_957, 0 {pack_format = #tpu.pack_format<interleaved>} : vector<32xbf16> -> vector<16xf32>
          %unpack3A_961 = tpu.unpack_subelements %bitcast3A_957, 1 {pack_format = #tpu.pack_format<interleaved>} : vector<32xbf16> -> vector<16xf32>
          %mul3A_962 = arith.mulf %unpack3A_958, %unpack3A_960 : vector<16xf32>
          %mul3A_963 = arith.mulf %unpack3A_959, %unpack3A_961 : vector<16xf32>
          %get3A_964 = arith.index_cast %add3A_935 : i32 to index
          %get3A_965 = arith.constant 32 : index
          %get3A_966 = tpu.vector_load %arg11[%get3A_964, %get3A_965] {strides = array<i32>} : memref<128x64xi32, #tpu.memory_space<vmem>>, vector<16xi32>,
          %bitcast3A_967 = vector.bitcast %get3A_966 : vector<16xi32> to vector<32xbf16>
          %get3A_968 = arith.index_cast %add3A_935 : i32 to index
          %get3A_969 = arith.constant 32 : index
          %get3A_970 = tpu.vector_load %arg12[%get3A_968, %get3A_969] {strides = array<i32>} : memref<128x64xi32, #tpu.memory_space<vmem>>, vector<16xi32>,
          %bitcast3A_971 = vector.bitcast %get3A_970 : vector<16xi32> to vector<32xbf16>
          %unpack3A_972 = tpu.unpack_subelements %bitcast3A_967, 0 {pack_format = #tpu.pack_format<interleaved>} : vector<32xbf16> -> vector<16xf32>
          %unpack3A_973 = tpu.unpack_subelements %bitcast3A_967, 1 {pack_format = #tpu.pack_format<interleaved>} : vector<32xbf16> -> vector<16xf32>
          %unpack3A_974 = tpu.unpack_subelements %bitcast3A_971, 0 {pack_format = #tpu.pack_format<interleaved>} : vector<32xbf16> -> vector<16xf32>
          %unpack3A_975 = tpu.unpack_subelements %bitcast3A_971, 1 {pack_format = #tpu.pack_format<interleaved>} : vector<32xbf16> -> vector<16xf32>
          %mul3A_976 = arith.mulf %unpack3A_972, %unpack3A_974 : vector<16xf32>
          %mul3A_977 = arith.mulf %unpack3A_973, %unpack3A_975 : vector<16xf32>
          %get3A_978 = arith.index_cast %add3A_935 : i32 to index
          %get3A_979 = arith.constant 48 : index
          %get3A_980 = tpu.vector_load %arg11[%get3A_978, %get3A_979] {strides = array<i32>} : memref<128x64xi32, #tpu.memory_space<vmem>>, vector<16xi32>,
          %bitcast3A_981 = vector.bitcast %get3A_980 : vector<16xi32> to vector<32xbf16>
          %get3A_982 = arith.index_cast %add3A_935 : i32 to index
          %get3A_983 = arith.constant 48 : index
          %get3A_984 = tpu.vector_load %arg12[%get3A_982, %get3A_983] {strides = array<i32>} : memref<128x64xi32, #tpu.memory_space<vmem>>, vector<16xi32>,
          %bitcast3A_985 = vector.bitcast %get3A_984 : vector<16xi32> to vector<32xbf16>
          %unpack3A_986 = tpu.unpack_subelements %bitcast3A_981, 0 {pack_format = #tpu.pack_format<interleaved>} : vector<32xbf16> -> vector<16xf32>
          %unpack3A_987 = tpu.unpack_subelements %bitcast3A_981, 1 {pack_format = #tpu.pack_format<interleaved>} : vector<32xbf16> -> vector<16xf32>
          %unpack3A_988 = tpu.unpack_subelements %bitcast3A_985, 0 {pack_format = #tpu.pack_format<interleaved>} : vector<32xbf16> -> vector<16xf32>
          %unpack3A_989 = tpu.unpack_subelements %bitcast3A_985, 1 {pack_format = #tpu.pack_format<interleaved>} : vector<32xbf16> -> vector<16xf32>
          %mul3A_990 = arith.mulf %unpack3A_986, %unpack3A_988 : vector<16xf32>
          %mul3A_991 = arith.mulf %unpack3A_987, %unpack3A_989 : vector<16xf32>
          %add3A_992 = arith.addf %mul3A_948, %mul3A_949 : vector<16xf32>
          %add3A_993 = arith.addf %mul3A_962, %mul3A_963 : vector<16xf32>
          %add3A_994 = arith.addf %mul3A_976, %mul3A_977 : vector<16xf32>
          %add3A_995 = arith.addf %mul3A_990, %mul3A_991 : vector<16xf32>
          %add3A_996 = arith.addf %add3A_992, %add3A_993 : vector<16xf32>
          %add3A_997 = arith.addf %add3A_994, %add3A_995 : vector<16xf32>
          %add3A_998 = arith.addf %add3A_996, %add3A_997 : vector<16xf32>
          %mul3A_999 = arith.constant 16 : i32
          %mul3A_1000 = arith.muli %scan3A_129, %mul3A_999 : i32
          %add3A_1001 = arith.constant 11 : i32
          %add3A_1002 = arith.addi %mul3A_1000, %add3A_1001 : i32
          %get3A_1003 = arith.index_cast %add3A_1002 : i32 to index
          %get3A_1004 = arith.constant 0 : index
          %get3A_1005 = tpu.vector_load %arg11[%get3A_1003, %get3A_1004] {strides = array<i32>} : memref<128x64xi32, #tpu.memory_space<vmem>>, vector<16xi32>,
          %bitcast3A_1006 = vector.bitcast %get3A_1005 : vector<16xi32> to vector<32xbf16>
          %get3A_1007 = arith.index_cast %add3A_1002 : i32 to index
          %get3A_1008 = arith.constant 0 : index
          %get3A_1009 = tpu.vector_load %arg12[%get3A_1007, %get3A_1008] {strides = array<i32>} : memref<128x64xi32, #tpu.memory_space<vmem>>, vector<16xi32>,
          %bitcast3A_1010 = vector.bitcast %get3A_1009 : vector<16xi32> to vector<32xbf16>
          %unpack3A_1011 = tpu.unpack_subelements %bitcast3A_1006, 0 {pack_format = #tpu.pack_format<interleaved>} : vector<32xbf16> -> vector<16xf32>
          %unpack3A_1012 = tpu.unpack_subelements %bitcast3A_1006, 1 {pack_format = #tpu.pack_format<interleaved>} : vector<32xbf16> -> vector<16xf32>
          %unpack3A_1013 = tpu.unpack_subelements %bitcast3A_1010, 0 {pack_format = #tpu.pack_format<interleaved>} : vector<32xbf16> -> vector<16xf32>
          %unpack3A_1014 = tpu.unpack_subelements %bitcast3A_1010, 1 {pack_format = #tpu.pack_format<interleaved>} : vector<32xbf16> -> vector<16xf32>
          %mul3A_1015 = arith.mulf %unpack3A_1011, %unpack3A_1013 : vector<16xf32>
          %mul3A_1016 = arith.mulf %unpack3A_1012, %unpack3A_1014 : vector<16xf32>
          %get3A_1017 = arith.index_cast %add3A_1002 : i32 to index
          %get3A_1018 = arith.constant 16 : index
          %get3A_1019 = tpu.vector_load %arg11[%get3A_1017, %get3A_1018] {strides = array<i32>} : memref<128x64xi32, #tpu.memory_space<vmem>>, vector<16xi32>,
          %bitcast3A_1020 = vector.bitcast %get3A_1019 : vector<16xi32> to vector<32xbf16>
          %get3A_1021 = arith.index_cast %add3A_1002 : i32 to index
          %get3A_1022 = arith.constant 16 : index
          %get3A_1023 = tpu.vector_load %arg12[%get3A_1021, %get3A_1022] {strides = array<i32>} : memref<128x64xi32, #tpu.memory_space<vmem>>, vector<16xi32>,
          %bitcast3A_1024 = vector.bitcast %get3A_1023 : vector<16xi32> to vector<32xbf16>
          %unpack3A_1025 = tpu.unpack_subelements %bitcast3A_1020, 0 {pack_format = #tpu.pack_format<interleaved>} : vector<32xbf16> -> vector<16xf32>
          %unpack3A_1026 = tpu.unpack_subelements %bitcast3A_1020, 1 {pack_format = #tpu.pack_format<interleaved>} : vector<32xbf16> -> vector<16xf32>
          %unpack3A_1027 = tpu.unpack_subelements %bitcast3A_1024, 0 {pack_format = #tpu.pack_format<interleaved>} : vector<32xbf16> -> vector<16xf32>
          %unpack3A_1028 = tpu.unpack_subelements %bitcast3A_1024, 1 {pack_format = #tpu.pack_format<interleaved>} : vector<32xbf16> -> vector<16xf32>
          %mul3A_1029 = arith.mulf %unpack3A_1025, %unpack3A_1027 : vector<16xf32>
          %mul3A_1030 = arith.mulf %unpack3A_1026, %unpack3A_1028 : vector<16xf32>
          %get3A_1031 = arith.index_cast %add3A_1002 : i32 to index
          %get3A_1032 = arith.constant 32 : index
          %get3A_1033 = tpu.vector_load %arg11[%get3A_1031, %get3A_1032] {strides = array<i32>} : memref<128x64xi32, #tpu.memory_space<vmem>>, vector<16xi32>,
          %bitcast3A_1034 = vector.bitcast %get3A_1033 : vector<16xi32> to vector<32xbf16>
          %get3A_1035 = arith.index_cast %add3A_1002 : i32 to index
          %get3A_1036 = arith.constant 32 : index
          %get3A_1037 = tpu.vector_load %arg12[%get3A_1035, %get3A_1036] {strides = array<i32>} : memref<128x64xi32, #tpu.memory_space<vmem>>, vector<16xi32>,
          %bitcast3A_1038 = vector.bitcast %get3A_1037 : vector<16xi32> to vector<32xbf16>
          %unpack3A_1039 = tpu.unpack_subelements %bitcast3A_1034, 0 {pack_format = #tpu.pack_format<interleaved>} : vector<32xbf16> -> vector<16xf32>
          %unpack3A_1040 = tpu.unpack_subelements %bitcast3A_1034, 1 {pack_format = #tpu.pack_format<interleaved>} : vector<32xbf16> -> vector<16xf32>
          %unpack3A_1041 = tpu.unpack_subelements %bitcast3A_1038, 0 {pack_format = #tpu.pack_format<interleaved>} : vector<32xbf16> -> vector<16xf32>
          %unpack3A_1042 = tpu.unpack_subelements %bitcast3A_1038, 1 {pack_format = #tpu.pack_format<interleaved>} : vector<32xbf16> -> vector<16xf32>
          %mul3A_1043 = arith.mulf %unpack3A_1039, %unpack3A_1041 : vector<16xf32>
          %mul3A_1044 = arith.mulf %unpack3A_1040, %unpack3A_1042 : vector<16xf32>
          %get3A_1045 = arith.index_cast %add3A_1002 : i32 to index
          %get3A_1046 = arith.constant 48 : index
          %get3A_1047 = tpu.vector_load %arg11[%get3A_1045, %get3A_1046] {strides = array<i32>} : memref<128x64xi32, #tpu.memory_space<vmem>>, vector<16xi32>,
          %bitcast3A_1048 = vector.bitcast %get3A_1047 : vector<16xi32> to vector<32xbf16>
          %get3A_1049 = arith.index_cast %add3A_1002 : i32 to index
          %get3A_1050 = arith.constant 48 : index
          %get3A_1051 = tpu.vector_load %arg12[%get3A_1049, %get3A_1050] {strides = array<i32>} : memref<128x64xi32, #tpu.memory_space<vmem>>, vector<16xi32>,
          %bitcast3A_1052 = vector.bitcast %get3A_1051 : vector<16xi32> to vector<32xbf16>
          %unpack3A_1053 = tpu.unpack_subelements %bitcast3A_1048, 0 {pack_format = #tpu.pack_format<interleaved>} : vector<32xbf16> -> vector<16xf32>
          %unpack3A_1054 = tpu.unpack_subelements %bitcast3A_1048, 1 {pack_format = #tpu.pack_format<interleaved>} : vector<32xbf16> -> vector<16xf32>
          %unpack3A_1055 = tpu.unpack_subelements %bitcast3A_1052, 0 {pack_format = #tpu.pack_format<interleaved>} : vector<32xbf16> -> vector<16xf32>
          %unpack3A_1056 = tpu.unpack_subelements %bitcast3A_1052, 1 {pack_format = #tpu.pack_format<interleaved>} : vector<32xbf16> -> vector<16xf32>
          %mul3A_1057 = arith.mulf %unpack3A_1053, %unpack3A_1055 : vector<16xf32>
          %mul3A_1058 = arith.mulf %unpack3A_1054, %unpack3A_1056 : vector<16xf32>
          %add3A_1059 = arith.addf %mul3A_1015, %mul3A_1016 : vector<16xf32>
          %add3A_1060 = arith.addf %mul3A_1029, %mul3A_1030 : vector<16xf32>
          %add3A_1061 = arith.addf %mul3A_1043, %mul3A_1044 : vector<16xf32>
          %add3A_1062 = arith.addf %mul3A_1057, %mul3A_1058 : vector<16xf32>
          %add3A_1063 = arith.addf %add3A_1059, %add3A_1060 : vector<16xf32>
          %add3A_1064 = arith.addf %add3A_1061, %add3A_1062 : vector<16xf32>
          %add3A_1065 = arith.addf %add3A_1063, %add3A_1064 : vector<16xf32>
          %mul3A_1066 = arith.constant 16 : i32
          %mul3A_1067 = arith.muli %scan3A_129, %mul3A_1066 : i32
          %add3A_1068 = arith.constant 7 : i32
          %add3A_1069 = arith.addi %mul3A_1067, %add3A_1068 : i32
          %get3A_1070 = arith.index_cast %add3A_1069 : i32 to index
          %get3A_1071 = arith.constant 0 : index
          %get3A_1072 = tpu.vector_load %arg11[%get3A_1070, %get3A_1071] {strides = array<i32>} : memref<128x64xi32, #tpu.memory_space<vmem>>, vector<16xi32>,
          %bitcast3A_1073 = vector.bitcast %get3A_1072 : vector<16xi32> to vector<32xbf16>
          %get3A_1074 = arith.index_cast %add3A_1069 : i32 to index
          %get3A_1075 = arith.constant 0 : index
          %get3A_1076 = tpu.vector_load %arg12[%get3A_1074, %get3A_1075] {strides = array<i32>} : memref<128x64xi32, #tpu.memory_space<vmem>>, vector<16xi32>,
          %bitcast3A_1077 = vector.bitcast %get3A_1076 : vector<16xi32> to vector<32xbf16>
          %unpack3A_1078 = tpu.unpack_subelements %bitcast3A_1073, 0 {pack_format = #tpu.pack_format<interleaved>} : vector<32xbf16> -> vector<16xf32>
          %unpack3A_1079 = tpu.unpack_subelements %bitcast3A_1073, 1 {pack_format = #tpu.pack_format<interleaved>} : vector<32xbf16> -> vector<16xf32>
          %unpack3A_1080 = tpu.unpack_subelements %bitcast3A_1077, 0 {pack_format = #tpu.pack_format<interleaved>} : vector<32xbf16> -> vector<16xf32>
          %unpack3A_1081 = tpu.unpack_subelements %bitcast3A_1077, 1 {pack_format = #tpu.pack_format<interleaved>} : vector<32xbf16> -> vector<16xf32>
          %mul3A_1082 = arith.mulf %unpack3A_1078, %unpack3A_1080 : vector<16xf32>
          %mul3A_1083 = arith.mulf %unpack3A_1079, %unpack3A_1081 : vector<16xf32>
          %get3A_1084 = arith.index_cast %add3A_1069 : i32 to index
          %get3A_1085 = arith.constant 16 : index
          %get3A_1086 = tpu.vector_load %arg11[%get3A_1084, %get3A_1085] {strides = array<i32>} : memref<128x64xi32, #tpu.memory_space<vmem>>, vector<16xi32>,
          %bitcast3A_1087 = vector.bitcast %get3A_1086 : vector<16xi32> to vector<32xbf16>
          %get3A_1088 = arith.index_cast %add3A_1069 : i32 to index
          %get3A_1089 = arith.constant 16 : index
          %get3A_1090 = tpu.vector_load %arg12[%get3A_1088, %get3A_1089] {strides = array<i32>} : memref<128x64xi32, #tpu.memory_space<vmem>>, vector<16xi32>,
          %bitcast3A_1091 = vector.bitcast %get3A_1090 : vector<16xi32> to vector<32xbf16>
          %unpack3A_1092 = tpu.unpack_subelements %bitcast3A_1087, 0 {pack_format = #tpu.pack_format<interleaved>} : vector<32xbf16> -> vector<16xf32>
          %unpack3A_1093 = tpu.unpack_subelements %bitcast3A_1087, 1 {pack_format = #tpu.pack_format<interleaved>} : vector<32xbf16> -> vector<16xf32>
          %unpack3A_1094 = tpu.unpack_subelements %bitcast3A_1091, 0 {pack_format = #tpu.pack_format<interleaved>} : vector<32xbf16> -> vector<16xf32>
          %unpack3A_1095 = tpu.unpack_subelements %bitcast3A_1091, 1 {pack_format = #tpu.pack_format<interleaved>} : vector<32xbf16> -> vector<16xf32>
          %mul3A_1096 = arith.mulf %unpack3A_1092, %unpack3A_1094 : vector<16xf32>
          %mul3A_1097 = arith.mulf %unpack3A_1093, %unpack3A_1095 : vector<16xf32>
          %get3A_1098 = arith.index_cast %add3A_1069 : i32 to index
          %get3A_1099 = arith.constant 32 : index
          %get3A_1100 = tpu.vector_load %arg11[%get3A_1098, %get3A_1099] {strides = array<i32>} : memref<128x64xi32, #tpu.memory_space<vmem>>, vector<16xi32>,
          %bitcast3A_1101 = vector.bitcast %get3A_1100 : vector<16xi32> to vector<32xbf16>
          %get3A_1102 = arith.index_cast %add3A_1069 : i32 to index
          %get3A_1103 = arith.constant 32 : index
          %get3A_1104 = tpu.vector_load %arg12[%get3A_1102, %get3A_1103] {strides = array<i32>} : memref<128x64xi32, #tpu.memory_space<vmem>>, vector<16xi32>,
          %bitcast3A_1105 = vector.bitcast %get3A_1104 : vector<16xi32> to vector<32xbf16>
          %unpack3A_1106 = tpu.unpack_subelements %bitcast3A_1101, 0 {pack_format = #tpu.pack_format<interleaved>} : vector<32xbf16> -> vector<16xf32>
          %unpack3A_1107 = tpu.unpack_subelements %bitcast3A_1101, 1 {pack_format = #tpu.pack_format<interleaved>} : vector<32xbf16> -> vector<16xf32>
          %unpack3A_1108 = tpu.unpack_subelements %bitcast3A_1105, 0 {pack_format = #tpu.pack_format<interleaved>} : vector<32xbf16> -> vector<16xf32>
          %unpack3A_1109 = tpu.unpack_subelements %bitcast3A_1105, 1 {pack_format = #tpu.pack_format<interleaved>} : vector<32xbf16> -> vector<16xf32>
          %mul3A_1110 = arith.mulf %unpack3A_1106, %unpack3A_1108 : vector<16xf32>
          %mul3A_1111 = arith.mulf %unpack3A_1107, %unpack3A_1109 : vector<16xf32>
          %get3A_1112 = arith.index_cast %add3A_1069 : i32 to index
          %get3A_1113 = arith.constant 48 : index
          %get3A_1114 = tpu.vector_load %arg11[%get3A_1112, %get3A_1113] {strides = array<i32>} : memref<128x64xi32, #tpu.memory_space<vmem>>, vector<16xi32>,
          %bitcast3A_1115 = vector.bitcast %get3A_1114 : vector<16xi32> to vector<32xbf16>
          %get3A_1116 = arith.index_cast %add3A_1069 : i32 to index
          %get3A_1117 = arith.constant 48 : index
          %get3A_1118 = tpu.vector_load %arg12[%get3A_1116, %get3A_1117] {strides = array<i32>} : memref<128x64xi32, #tpu.memory_space<vmem>>, vector<16xi32>,
          %bitcast3A_1119 = vector.bitcast %get3A_1118 : vector<16xi32> to vector<32xbf16>
          %unpack3A_1120 = tpu.unpack_subelements %bitcast3A_1115, 0 {pack_format = #tpu.pack_format<interleaved>} : vector<32xbf16> -> vector<16xf32>
          %unpack3A_1121 = tpu.unpack_subelements %bitcast3A_1115, 1 {pack_format = #tpu.pack_format<interleaved>} : vector<32xbf16> -> vector<16xf32>
          %unpack3A_1122 = tpu.unpack_subelements %bitcast3A_1119, 0 {pack_format = #tpu.pack_format<interleaved>} : vector<32xbf16> -> vector<16xf32>
          %unpack3A_1123 = tpu.unpack_subelements %bitcast3A_1119, 1 {pack_format = #tpu.pack_format<interleaved>} : vector<32xbf16> -> vector<16xf32>
          %mul3A_1124 = arith.mulf %unpack3A_1120, %unpack3A_1122 : vector<16xf32>
          %mul3A_1125 = arith.mulf %unpack3A_1121, %unpack3A_1123 : vector<16xf32>
          %add3A_1126 = arith.addf %mul3A_1082, %mul3A_1083 : vector<16xf32>
          %add3A_1127 = arith.addf %mul3A_1096, %mul3A_1097 : vector<16xf32>
          %add3A_1128 = arith.addf %mul3A_1110, %mul3A_1111 : vector<16xf32>
          %add3A_1129 = arith.addf %mul3A_1124, %mul3A_1125 : vector<16xf32>
          %add3A_1130 = arith.addf %add3A_1126, %add3A_1127 : vector<16xf32>
          %add3A_1131 = arith.addf %add3A_1128, %add3A_1129 : vector<16xf32>
          %add3A_1132 = arith.addf %add3A_1130, %add3A_1131 : vector<16xf32>
          %mul3A_1133 = arith.constant 16 : i32
          %mul3A_1134 = arith.muli %scan3A_129, %mul3A_1133 : i32
          %add3A_1135 = arith.constant 15 : i32
          %add3A_1136 = arith.addi %mul3A_1134, %add3A_1135 : i32
          %get3A_1137 = arith.index_cast %add3A_1136 : i32 to index
          %get3A_1138 = arith.constant 0 : index
          %get3A_1139 = tpu.vector_load %arg11[%get3A_1137, %get3A_1138] {strides = array<i32>} : memref<128x64xi32, #tpu.memory_space<vmem>>, vector<16xi32>,
          %bitcast3A_1140 = vector.bitcast %get3A_1139 : vector<16xi32> to vector<32xbf16>
          %get3A_1141 = arith.index_cast %add3A_1136 : i32 to index
          %get3A_1142 = arith.constant 0 : index
          %get3A_1143 = tpu.vector_load %arg12[%get3A_1141, %get3A_1142] {strides = array<i32>} : memref<128x64xi32, #tpu.memory_space<vmem>>, vector<16xi32>,
          %bitcast3A_1144 = vector.bitcast %get3A_1143 : vector<16xi32> to vector<32xbf16>
          %unpack3A_1145 = tpu.unpack_subelements %bitcast3A_1140, 0 {pack_format = #tpu.pack_format<interleaved>} : vector<32xbf16> -> vector<16xf32>
          %unpack3A_1146 = tpu.unpack_subelements %bitcast3A_1140, 1 {pack_format = #tpu.pack_format<interleaved>} : vector<32xbf16> -> vector<16xf32>
          %unpack3A_1147 = tpu.unpack_subelements %bitcast3A_1144, 0 {pack_format = #tpu.pack_format<interleaved>} : vector<32xbf16> -> vector<16xf32>
          %unpack3A_1148 = tpu.unpack_subelements %bitcast3A_1144, 1 {pack_format = #tpu.pack_format<interleaved>} : vector<32xbf16> -> vector<16xf32>
          %mul3A_1149 = arith.mulf %unpack3A_1145, %unpack3A_1147 : vector<16xf32>
          %mul3A_1150 = arith.mulf %unpack3A_1146, %unpack3A_1148 : vector<16xf32>
          %get3A_1151 = arith.index_cast %add3A_1136 : i32 to index
          %get3A_1152 = arith.constant 16 : index
          %get3A_1153 = tpu.vector_load %arg11[%get3A_1151, %get3A_1152] {strides = array<i32>} : memref<128x64xi32, #tpu.memory_space<vmem>>, vector<16xi32>,
          %bitcast3A_1154 = vector.bitcast %get3A_1153 : vector<16xi32> to vector<32xbf16>
          %get3A_1155 = arith.index_cast %add3A_1136 : i32 to index
          %get3A_1156 = arith.constant 16 : index
          %get3A_1157 = tpu.vector_load %arg12[%get3A_1155, %get3A_1156] {strides = array<i32>} : memref<128x64xi32, #tpu.memory_space<vmem>>, vector<16xi32>,
          %bitcast3A_1158 = vector.bitcast %get3A_1157 : vector<16xi32> to vector<32xbf16>
          %unpack3A_1159 = tpu.unpack_subelements %bitcast3A_1154, 0 {pack_format = #tpu.pack_format<interleaved>} : vector<32xbf16> -> vector<16xf32>
          %unpack3A_1160 = tpu.unpack_subelements %bitcast3A_1154, 1 {pack_format = #tpu.pack_format<interleaved>} : vector<32xbf16> -> vector<16xf32>
          %unpack3A_1161 = tpu.unpack_subelements %bitcast3A_1158, 0 {pack_format = #tpu.pack_format<interleaved>} : vector<32xbf16> -> vector<16xf32>
          %unpack3A_1162 = tpu.unpack_subelements %bitcast3A_1158, 1 {pack_format = #tpu.pack_format<interleaved>} : vector<32xbf16> -> vector<16xf32>
          %mul3A_1163 = arith.mulf %unpack3A_1159, %unpack3A_1161 : vector<16xf32>
          %mul3A_1164 = arith.mulf %unpack3A_1160, %unpack3A_1162 : vector<16xf32>
          %get3A_1165 = arith.index_cast %add3A_1136 : i32 to index
          %get3A_1166 = arith.constant 32 : index
          %get3A_1167 = tpu.vector_load %arg11[%get3A_1165, %get3A_1166] {strides = array<i32>} : memref<128x64xi32, #tpu.memory_space<vmem>>, vector<16xi32>,
          %bitcast3A_1168 = vector.bitcast %get3A_1167 : vector<16xi32> to vector<32xbf16>
          %get3A_1169 = arith.index_cast %add3A_1136 : i32 to index
          %get3A_1170 = arith.constant 32 : index
          %get3A_1171 = tpu.vector_load %arg12[%get3A_1169, %get3A_1170] {strides = array<i32>} : memref<128x64xi32, #tpu.memory_space<vmem>>, vector<16xi32>,
          %bitcast3A_1172 = vector.bitcast %get3A_1171 : vector<16xi32> to vector<32xbf16>
          %unpack3A_1173 = tpu.unpack_subelements %bitcast3A_1168, 0 {pack_format = #tpu.pack_format<interleaved>} : vector<32xbf16> -> vector<16xf32>
          %unpack3A_1174 = tpu.unpack_subelements %bitcast3A_1168, 1 {pack_format = #tpu.pack_format<interleaved>} : vector<32xbf16> -> vector<16xf32>
          %unpack3A_1175 = tpu.unpack_subelements %bitcast3A_1172, 0 {pack_format = #tpu.pack_format<interleaved>} : vector<32xbf16> -> vector<16xf32>
          %unpack3A_1176 = tpu.unpack_subelements %bitcast3A_1172, 1 {pack_format = #tpu.pack_format<interleaved>} : vector<32xbf16> -> vector<16xf32>
          %mul3A_1177 = arith.mulf %unpack3A_1173, %unpack3A_1175 : vector<16xf32>
          %mul3A_1178 = arith.mulf %unpack3A_1174, %unpack3A_1176 : vector<16xf32>
          %get3A_1179 = arith.index_cast %add3A_1136 : i32 to index
          %get3A_1180 = arith.constant 48 : index
          %get3A_1181 = tpu.vector_load %arg11[%get3A_1179, %get3A_1180] {strides = array<i32>} : memref<128x64xi32, #tpu.memory_space<vmem>>, vector<16xi32>,
          %bitcast3A_1182 = vector.bitcast %get3A_1181 : vector<16xi32> to vector<32xbf16>
          %get3A_1183 = arith.index_cast %add3A_1136 : i32 to index
          %get3A_1184 = arith.constant 48 : index
          %get3A_1185 = tpu.vector_load %arg12[%get3A_1183, %get3A_1184] {strides = array<i32>} : memref<128x64xi32, #tpu.memory_space<vmem>>, vector<16xi32>,
          %bitcast3A_1186 = vector.bitcast %get3A_1185 : vector<16xi32> to vector<32xbf16>
          %unpack3A_1187 = tpu.unpack_subelements %bitcast3A_1182, 0 {pack_format = #tpu.pack_format<interleaved>} : vector<32xbf16> -> vector<16xf32>
          %unpack3A_1188 = tpu.unpack_subelements %bitcast3A_1182, 1 {pack_format = #tpu.pack_format<interleaved>} : vector<32xbf16> -> vector<16xf32>
          %unpack3A_1189 = tpu.unpack_subelements %bitcast3A_1186, 0 {pack_format = #tpu.pack_format<interleaved>} : vector<32xbf16> -> vector<16xf32>
          %unpack3A_1190 = tpu.unpack_subelements %bitcast3A_1186, 1 {pack_format = #tpu.pack_format<interleaved>} : vector<32xbf16> -> vector<16xf32>
          %mul3A_1191 = arith.mulf %unpack3A_1187, %unpack3A_1189 : vector<16xf32>
          %mul3A_1192 = arith.mulf %unpack3A_1188, %unpack3A_1190 : vector<16xf32>
          %add3A_1193 = arith.addf %mul3A_1149, %mul3A_1150 : vector<16xf32>
          %add3A_1194 = arith.addf %mul3A_1163, %mul3A_1164 : vector<16xf32>
          %add3A_1195 = arith.addf %mul3A_1177, %mul3A_1178 : vector<16xf32>
          %add3A_1196 = arith.addf %mul3A_1191, %mul3A_1192 : vector<16xf32>
          %add3A_1197 = arith.addf %add3A_1193, %add3A_1194 : vector<16xf32>
          %add3A_1198 = arith.addf %add3A_1195, %add3A_1196 : vector<16xf32>
          %add3A_1199 = arith.addf %add3A_1197, %add3A_1198 : vector<16xf32>
          %reshape3A = vector.shape_cast %or3A : vector<16xi32> to vector<16x1xi32>
          %gather3A = vector.shape_cast %reshape3A : vector<16x1xi32> to vector<16xi32>
          %gather3A_1200 = tpu.dynamic_gather %add3A_194[%gather3A] in [0] : vector<16xf32>, vector<16xi32> -> vector<16xf32>
          %add3A_1201 = arith.addf %add3A_194, %gather3A_1200 : vector<16xf32>
          %reshape3A_1202 = vector.shape_cast %or3A : vector<16xi32> to vector<16x1xi32>
          %gather3A_1203 = vector.shape_cast %reshape3A_1202 : vector<16x1xi32> to vector<16xi32>
          %gather3A_1204 = tpu.dynamic_gather %add3A_261[%gather3A_1203] in [0] : vector<16xf32>, vector<16xi32> -> vector<16xf32>
          %add3A_1205 = arith.addf %add3A_261, %gather3A_1204 : vector<16xf32>
          %select_n3A_1206 = arith.select %eq3A_15, %add3A_1201, %add3A_1205 : vector<16xi1>, vector<16xf32>
          %reshape3A_1207 = vector.shape_cast %or3A : vector<16xi32> to vector<16x1xi32>
          %gather3A_1208 = vector.shape_cast %reshape3A_1207 : vector<16x1xi32> to vector<16xi32>
          %gather3A_1209 = tpu.dynamic_gather %add3A_328[%gather3A_1208] in [0] : vector<16xf32>, vector<16xi32> -> vector<16xf32>
          %add3A_1210 = arith.addf %add3A_328, %gather3A_1209 : vector<16xf32>
          %reshape3A_1211 = vector.shape_cast %or3A : vector<16xi32> to vector<16x1xi32>
          %gather3A_1212 = vector.shape_cast %reshape3A_1211 : vector<16x1xi32> to vector<16xi32>
          %gather3A_1213 = tpu.dynamic_gather %add3A_395[%gather3A_1212] in [0] : vector<16xf32>, vector<16xi32> -> vector<16xf32>
          %add3A_1214 = arith.addf %add3A_395, %gather3A_1213 : vector<16xf32>
          %select_n3A_1215 = arith.select %eq3A_15, %add3A_1210, %add3A_1214 : vector<16xi1>, vector<16xf32>
          %reshape3A_1216 = vector.shape_cast %or3A : vector<16xi32> to vector<16x1xi32>
          %gather3A_1217 = vector.shape_cast %reshape3A_1216 : vector<16x1xi32> to vector<16xi32>
          %gather3A_1218 = tpu.dynamic_gather %add3A_462[%gather3A_1217] in [0] : vector<16xf32>, vector<16xi32> -> vector<16xf32>
          %add3A_1219 = arith.addf %add3A_462, %gather3A_1218 : vector<16xf32>
          %reshape3A_1220 = vector.shape_cast %or3A : vector<16xi32> to vector<16x1xi32>
          %gather3A_1221 = vector.shape_cast %reshape3A_1220 : vector<16x1xi32> to vector<16xi32>
          %gather3A_1222 = tpu.dynamic_gather %add3A_529[%gather3A_1221] in [0] : vector<16xf32>, vector<16xi32> -> vector<16xf32>
          %add3A_1223 = arith.addf %add3A_529, %gather3A_1222 : vector<16xf32>
          %select_n3A_1224 = arith.select %eq3A_15, %add3A_1219, %add3A_1223 : vector<16xi1>, vector<16xf32>
          %reshape3A_1225 = vector.shape_cast %or3A : vector<16xi32> to vector<16x1xi32>
          %gather3A_1226 = vector.shape_cast %reshape3A_1225 : vector<16x1xi32> to vector<16xi32>
          %gather3A_1227 = tpu.dynamic_gather %add3A_596[%gather3A_1226] in [0] : vector<16xf32>, vector<16xi32> -> vector<16xf32>
          %add3A_1228 = arith.addf %add3A_596, %gather3A_1227 : vector<16xf32>
          %reshape3A_1229 = vector.shape_cast %or3A : vector<16xi32> to vector<16x1xi32>
          %gather3A_1230 = vector.shape_cast %reshape3A_1229 : vector<16x1xi32> to vector<16xi32>
          %gather3A_1231 = tpu.dynamic_gather %add3A_663[%gather3A_1230] in [0] : vector<16xf32>, vector<16xi32> -> vector<16xf32>
          %add3A_1232 = arith.addf %add3A_663, %gather3A_1231 : vector<16xf32>
          %select_n3A_1233 = arith.select %eq3A_15, %add3A_1228, %add3A_1232 : vector<16xi1>, vector<16xf32>
          %reshape3A_1234 = vector.shape_cast %or3A : vector<16xi32> to vector<16x1xi32>
          %gather3A_1235 = vector.shape_cast %reshape3A_1234 : vector<16x1xi32> to vector<16xi32>
          %gather3A_1236 = tpu.dynamic_gather %add3A_730[%gather3A_1235] in [0] : vector<16xf32>, vector<16xi32> -> vector<16xf32>
          %add3A_1237 = arith.addf %add3A_730, %gather3A_1236 : vector<16xf32>
          %reshape3A_1238 = vector.shape_cast %or3A : vector<16xi32> to vector<16x1xi32>
          %gather3A_1239 = vector.shape_cast %reshape3A_1238 : vector<16x1xi32> to vector<16xi32>
          %gather3A_1240 = tpu.dynamic_gather %add3A_797[%gather3A_1239] in [0] : vector<16xf32>, vector<16xi32> -> vector<16xf32>
          %add3A_1241 = arith.addf %add3A_797, %gather3A_1240 : vector<16xf32>
          %select_n3A_1242 = arith.select %eq3A_15, %add3A_1237, %add3A_1241 : vector<16xi1>, vector<16xf32>
          %reshape3A_1243 = vector.shape_cast %or3A : vector<16xi32> to vector<16x1xi32>
          %gather3A_1244 = vector.shape_cast %reshape3A_1243 : vector<16x1xi32> to vector<16xi32>
          %gather3A_1245 = tpu.dynamic_gather %add3A_864[%gather3A_1244] in [0] : vector<16xf32>, vector<16xi32> -> vector<16xf32>
          %add3A_1246 = arith.addf %add3A_864, %gather3A_1245 : vector<16xf32>
          %reshape3A_1247 = vector.shape_cast %or3A : vector<16xi32> to vector<16x1xi32>
          %gather3A_1248 = vector.shape_cast %reshape3A_1247 : vector<16x1xi32> to vector<16xi32>
          %gather3A_1249 = tpu.dynamic_gather %add3A_931[%gather3A_1248] in [0] : vector<16xf32>, vector<16xi32> -> vector<16xf32>
          %add3A_1250 = arith.addf %add3A_931, %gather3A_1249 : vector<16xf32>
          %select_n3A_1251 = arith.select %eq3A_15, %add3A_1246, %add3A_1250 : vector<16xi1>, vector<16xf32>
          %reshape3A_1252 = vector.shape_cast %or3A : vector<16xi32> to vector<16x1xi32>
          %gather3A_1253 = vector.shape_cast %reshape3A_1252 : vector<16x1xi32> to vector<16xi32>
          %gather3A_1254 = tpu.dynamic_gather %add3A_998[%gather3A_1253] in [0] : vector<16xf32>, vector<16xi32> -> vector<16xf32>
          %add3A_1255 = arith.addf %add3A_998, %gather3A_1254 : vector<16xf32>
          %reshape3A_1256 = vector.shape_cast %or3A : vector<16xi32> to vector<16x1xi32>
          %gather3A_1257 = vector.shape_cast %reshape3A_1256 : vector<16x1xi32> to vector<16xi32>
          %gather3A_1258 = tpu.dynamic_gather %add3A_1065[%gather3A_1257] in [0] : vector<16xf32>, vector<16xi32> -> vector<16xf32>
          %add3A_1259 = arith.addf %add3A_1065, %gather3A_1258 : vector<16xf32>
          %select_n3A_1260 = arith.select %eq3A_15, %add3A_1255, %add3A_1259 : vector<16xi1>, vector<16xf32>
          %reshape3A_1261 = vector.shape_cast %or3A : vector<16xi32> to vector<16x1xi32>
          %gather3A_1262 = vector.shape_cast %reshape3A_1261 : vector<16x1xi32> to vector<16xi32>
          %gather3A_1263 = tpu.dynamic_gather %add3A_1132[%gather3A_1262] in [0] : vector<16xf32>, vector<16xi32> -> vector<16xf32>
          %add3A_1264 = arith.addf %add3A_1132, %gather3A_1263 : vector<16xf32>
          %reshape3A_1265 = vector.shape_cast %or3A : vector<16xi32> to vector<16x1xi32>
          %gather3A_1266 = vector.shape_cast %reshape3A_1265 : vector<16x1xi32> to vector<16xi32>
          %gather3A_1267 = tpu.dynamic_gather %add3A_1199[%gather3A_1266] in [0] : vector<16xf32>, vector<16xi32> -> vector<16xf32>
          %add3A_1268 = arith.addf %add3A_1199, %gather3A_1267 : vector<16xf32>
          %select_n3A_1269 = arith.select %eq3A_15, %add3A_1264, %add3A_1268 : vector<16xi1>, vector<16xf32>
          %reshape3A_1270 = vector.shape_cast %or3A_25 : vector<16xi32> to vector<16x1xi32>
          %gather3A_1271 = vector.shape_cast %reshape3A_1270 : vector<16x1xi32> to vector<16xi32>
          %gather3A_1272 = tpu.dynamic_gather %select_n3A_1206[%gather3A_1271] in [0] : vector<16xf32>, vector<16xi32> -> vector<16xf32>
          %add3A_1273 = arith.addf %select_n3A_1206, %gather3A_1272 : vector<16xf32>
          %reshape3A_1274 = vector.shape_cast %or3A_25 : vector<16xi32> to vector<16x1xi32>
          %gather3A_1275 = vector.shape_cast %reshape3A_1274 : vector<16x1xi32> to vector<16xi32>
          %gather3A_1276 = tpu.dynamic_gather %select_n3A_1215[%gather3A_1275] in [0] : vector<16xf32>, vector<16xi32> -> vector<16xf32>
          %add3A_1277 = arith.addf %select_n3A_1215, %gather3A_1276 : vector<16xf32>
          %select_n3A_1278 = arith.select %eq3A_31, %add3A_1273, %add3A_1277 : vector<16xi1>, vector<16xf32>
          %reshape3A_1279 = vector.shape_cast %or3A_25 : vector<16xi32> to vector<16x1xi32>
          %gather3A_1280 = vector.shape_cast %reshape3A_1279 : vector<16x1xi32> to vector<16xi32>
          %gather3A_1281 = tpu.dynamic_gather %select_n3A_1224[%gather3A_1280] in [0] : vector<16xf32>, vector<16xi32> -> vector<16xf32>
          %add3A_1282 = arith.addf %select_n3A_1224, %gather3A_1281 : vector<16xf32>
          %reshape3A_1283 = vector.shape_cast %or3A_25 : vector<16xi32> to vector<16x1xi32>
          %gather3A_1284 = vector.shape_cast %reshape3A_1283 : vector<16x1xi32> to vector<16xi32>
          %gather3A_1285 = tpu.dynamic_gather %select_n3A_1233[%gather3A_1284] in [0] : vector<16xf32>, vector<16xi32> -> vector<16xf32>
          %add3A_1286 = arith.addf %select_n3A_1233, %gather3A_1285 : vector<16xf32>
          %select_n3A_1287 = arith.select %eq3A_31, %add3A_1282, %add3A_1286 : vector<16xi1>, vector<16xf32>
          %reshape3A_1288 = vector.shape_cast %or3A_25 : vector<16xi32> to vector<16x1xi32>
          %gather3A_1289 = vector.shape_cast %reshape3A_1288 : vector<16x1xi32> to vector<16xi32>
          %gather3A_1290 = tpu.dynamic_gather %select_n3A_1242[%gather3A_1289] in [0] : vector<16xf32>, vector<16xi32> -> vector<16xf32>
          %add3A_1291 = arith.addf %select_n3A_1242, %gather3A_1290 : vector<16xf32>
          %reshape3A_1292 = vector.shape_cast %or3A_25 : vector<16xi32> to vector<16x1xi32>
          %gather3A_1293 = vector.shape_cast %reshape3A_1292 : vector<16x1xi32> to vector<16xi32>
          %gather3A_1294 = tpu.dynamic_gather %select_n3A_1251[%gather3A_1293] in [0] : vector<16xf32>, vector<16xi32> -> vector<16xf32>
          %add3A_1295 = arith.addf %select_n3A_1251, %gather3A_1294 : vector<16xf32>
          %select_n3A_1296 = arith.select %eq3A_31, %add3A_1291, %add3A_1295 : vector<16xi1>, vector<16xf32>
          %reshape3A_1297 = vector.shape_cast %or3A_25 : vector<16xi32> to vector<16x1xi32>
          %gather3A_1298 = vector.shape_cast %reshape3A_1297 : vector<16x1xi32> to vector<16xi32>
          %gather3A_1299 = tpu.dynamic_gather %select_n3A_1260[%gather3A_1298] in [0] : vector<16xf32>, vector<16xi32> -> vector<16xf32>
          %add3A_1300 = arith.addf %select_n3A_1260, %gather3A_1299 : vector<16xf32>
          %reshape3A_1301 = vector.shape_cast %or3A_25 : vector<16xi32> to vector<16x1xi32>
          %gather3A_1302 = vector.shape_cast %reshape3A_1301 : vector<16x1xi32> to vector<16xi32>
          %gather3A_1303 = tpu.dynamic_gather %select_n3A_1269[%gather3A_1302] in [0] : vector<16xf32>, vector<16xi32> -> vector<16xf32>
          %add3A_1304 = arith.addf %select_n3A_1269, %gather3A_1303 : vector<16xf32>
          %select_n3A_1305 = arith.select %eq3A_31, %add3A_1300, %add3A_1304 : vector<16xi1>, vector<16xf32>
          %reshape3A_1306 = vector.shape_cast %or3A_41 : vector<16xi32> to vector<16x1xi32>
          %gather3A_1307 = vector.shape_cast %reshape3A_1306 : vector<16x1xi32> to vector<16xi32>
          %gather3A_1308 = tpu.dynamic_gather %select_n3A_1278[%gather3A_1307] in [0] : vector<16xf32>, vector<16xi32> -> vector<16xf32>
          %add3A_1309 = arith.addf %select_n3A_1278, %gather3A_1308 : vector<16xf32>
          %reshape3A_1310 = vector.shape_cast %or3A_41 : vector<16xi32> to vector<16x1xi32>
          %gather3A_1311 = vector.shape_cast %reshape3A_1310 : vector<16x1xi32> to vector<16xi32>
          %gather3A_1312 = tpu.dynamic_gather %select_n3A_1287[%gather3A_1311] in [0] : vector<16xf32>, vector<16xi32> -> vector<16xf32>
          %add3A_1313 = arith.addf %select_n3A_1287, %gather3A_1312 : vector<16xf32>
          %select_n3A_1314 = arith.select %eq3A_47, %add3A_1309, %add3A_1313 : vector<16xi1>, vector<16xf32>
          %reshape3A_1315 = vector.shape_cast %or3A_41 : vector<16xi32> to vector<16x1xi32>
          %gather3A_1316 = vector.shape_cast %reshape3A_1315 : vector<16x1xi32> to vector<16xi32>
          %gather3A_1317 = tpu.dynamic_gather %select_n3A_1296[%gather3A_1316] in [0] : vector<16xf32>, vector<16xi32> -> vector<16xf32>
          %add3A_1318 = arith.addf %select_n3A_1296, %gather3A_1317 : vector<16xf32>
          %reshape3A_1319 = vector.shape_cast %or3A_41 : vector<16xi32> to vector<16x1xi32>
          %gather3A_1320 = vector.shape_cast %reshape3A_1319 : vector<16x1xi32> to vector<16xi32>
          %gather3A_1321 = tpu.dynamic_gather %select_n3A_1305[%gather3A_1320] in [0] : vector<16xf32>, vector<16xi32> -> vector<16xf32>
          %add3A_1322 = arith.addf %select_n3A_1305, %gather3A_1321 : vector<16xf32>
          %select_n3A_1323 = arith.select %eq3A_47, %add3A_1318, %add3A_1322 : vector<16xi1>, vector<16xf32>
          %reshape3A_1324 = vector.shape_cast %or3A_57 : vector<16xi32> to vector<16x1xi32>
          %gather3A_1325 = vector.shape_cast %reshape3A_1324 : vector<16x1xi32> to vector<16xi32>
          %gather3A_1326 = tpu.dynamic_gather %select_n3A_1314[%gather3A_1325] in [0] : vector<16xf32>, vector<16xi32> -> vector<16xf32>
          %add3A_1327 = arith.addf %select_n3A_1314, %gather3A_1326 : vector<16xf32>
          %reshape3A_1328 = vector.shape_cast %or3A_57 : vector<16xi32> to vector<16x1xi32>
          %gather3A_1329 = vector.shape_cast %reshape3A_1328 : vector<16x1xi32> to vector<16xi32>
          %gather3A_1330 = tpu.dynamic_gather %select_n3A_1323[%gather3A_1329] in [0] : vector<16xf32>, vector<16xi32> -> vector<16xf32>
          %add3A_1331 = arith.addf %select_n3A_1323, %gather3A_1330 : vector<16xf32>
          %select_n3A_1332 = arith.select %eq3A_63, %add3A_1327, %add3A_1331 : vector<16xi1>, vector<16xf32>
          %mul3A_1333 = arith.constant 16 : i32
          %mul3A_1334 = arith.muli %scan3A_129, %mul3A_1333 : i32
          %add3A_1335 = arith.addi %mul3A_121, %mul3A_1334 : i32
          %swap3A = arith.index_cast %add3A_1335 : i32 to index
          %swap3A_1336 = tpu.vector_load %arg13[%swap3A] {strides = array<i32>} : memref<15744xf32, #tpu.memory_space<vmem>>, vector<16xf32>,
          tpu.vector_store %arg13[%swap3A], %select_n3A_1332 {strides = array<i32>} : memref<15744xf32, #tpu.memory_space<vmem>>, vector<16xf32>,
          %scan3A_1337 = arith.constant 0 : i32
          scf.yield %scan3A_1337 : i32
        }
        %scan3A_128 = arith.constant 8 : i32
      } else {
      }
      %scan3A_104 = arith.constant 0 : i32
      scf.yield %scan3A_104 : i32
    }
    %scan3A_78 = arith.constant 123 : i32
    "tpu.region"() ({
      %run_scoped3A = tpu.sem_alloc : memref<!tpu.dma_semaphore, #tpu.memory_space<semaphore_mem>>
      %dma_start3A_79 = tpu.memref_slice %arg6[%mul3A_2] : memref<503808xf32, #tpu.memory_space<hbm>> -> memref<15744xf32, #tpu.memory_space<hbm>>
      %dma_start3A_80 = tpu.memref_slice %arg6[%mul3A_2] : memref<503808xf32, #tpu.memory_space<hbm>> -> memref<15744xf32, #tpu.memory_space<hbm>>
      tpu.enqueue_dma source(%arg13 : memref<15744xf32, #tpu.memory_space<vmem>>) target(%dma_start3A_80 : memref<15744xf32, #tpu.memory_space<hbm>>) target_semaphore(%run_scoped3A : memref<!tpu.dma_semaphore, #tpu.memory_space<semaphore_mem>>)
      %dma_wait3A = tpu.memref_slice %arg6[%mul3A_2] : memref<503808xf32, #tpu.memory_space<hbm>> -> memref<15744xf32, #tpu.memory_space<hbm>>
      %dma_wait3A_81 = tpu.memref_slice %arg6[%mul3A_2] : memref<503808xf32, #tpu.memory_space<hbm>> -> memref<15744xf32, #tpu.memory_space<hbm>>
      tpu.wait_dma2 semaphore(%run_scoped3A : memref<!tpu.dma_semaphore, #tpu.memory_space<semaphore_mem>>) src(%arg13 : memref<15744xf32, #tpu.memory_space<vmem>>) dst(%dma_wait3A_81 : memref<15744xf32, #tpu.memory_space<hbm>>)
      tpu.yield
    }) : () -> ()
    return
  }
}

</mosaic_0001>

<sc_bundles>
// kernel: kernel.3.cloned.1.call-start
scs
__scs_entry_jumppad:
0x0: {  	(pc) =	sbr.rel $0x88, $3  }
0x1: {  	(tag) =	ssettag $0x0;
	lr =	simm.s32 $0x1  }
0x2: {  	[smem:$0x3F9E] =	sst lr;
	_ =	strace $0xD0000000  }
0x3: {  	_ = 	snop  }
0x4: {  	_ = 	snop  }
0x5: {  	_ = 	snop  }
0x6: {  	_ = 	snop  }
0x7: {  	_ = 	snop  }
__scs_overlays_trampoline_lowered:
0x8: {  	[smem:$0x3FAD] =	sst s0  }
0x9: {  	[smem:$0x3FAE] =	sst s1  }
0xa: {  	[smem:$0x3FAF] =	sst s2  }
0xb: {  	[smem:$0x3FB0] =	sst s3  }
0xc: {  	[smem:$0x3FB1] =	sst s4  }
0xd: {  	[smem:$0x3FB2] =	sst s5  }
0xe: {  	[smem:$0x3FB3] =	sst s6  }
0xf: {  	[smem:$0x3FB4] =	sst s7  }
0x10: {  	[smem:$0x3FB5] =	sst s8  }
0x11: {  	[smem:$0x3FB6] =	sst s9;
	s0 =	simm.s32 @!p0 $0x0  }
0x12: {  	s1 =	sld [smem:$0x3F9C];
	s0 =	simm.s32 @p0 $0x1  }
0x13: {  	[smem:$0x3FB7] =	sst s0;
	s0 =	simm.s32 @!p1 $0x0  }
0x14: {  	s2 =	sld [smem:$0x3F9B];
	s0 =	simm.s32 @p1 $0x1  }
0x15: {  	[smem:$0x3FB8] =	sst s0;
	s0 =	simm.s32 @!p2 $0x0  }
0x16: {  	s3 =	sld [smem:$0x3FDB];
	s0 =	simm.s32 @p2 $0x1  }
0x17: {  	s4 =	simm.s32 $0x1BF5;
	[smem:$0x3FBA] =	sst s0  }
0x18: {  	s0 =	sld [smem:$0x3F9D];
	_ =	swait.ge [sflag:s4], $0x0  }
0x19: {  	s7 =	sld [smem:$0x3F9E]  }
0x1a: {  	s8 =	sadd.s32 $0xFFFFE003, lr  }
0x1b: {  	s9 =	sadd.s32 $0xFFFFFEF7, lr;
	s5 =	simm.s32 $0xFFFFFFFF;
	p2 =	slt.u32 s8, $0xFFFFF086  }
0x1c: {  	p1 =	slt.u32 s9, $0xF7A;
	s5 =	simm.s32 @!p2 $0x0  }
0x1d: {  	s5 =	simm.s32 @p1 $0x1;
	p0 =	seq.s32 s7, s2  }
0x1e: {  	s7 =	smul.u32 @!p0 $0xF7A, s2;
	p2 =	seq.s32 @!p0 s5, $0x0  }
0x1f: {  	s9 =	smul.u32 $0xF7A, s1;
	s8 =	simm.s32 @!p0 $0x1BF5;
	p2 =	por !p2, p0  }
0x20: {  	[sflag:s8] =	ssyncset.s32 @!p0 $0xFFFFF086;
	s6 =	sadd.s32 @!p0 s3, s7;
	s7 =	simm.s32 @!p0 $0x108  }
0x21: {  	s3 =	sadd.s32 s3, s9;
	s6 =	sadd.s32 @!p0 $0x88, s6;
	s7 =	simm.s32 @p2 $0x1082  }
0x22: {  	[simem:s7], [sflag:s8] =	dma.local @!p0 [hbm:s6], $0xF7A  }
0x23: {  	s9 =	sor.u32 $0xD0000000, s2;
	s6 =	simm.s32 $0x108;
	_ =	swait.ge @!p0 [sflag:s8], $0x0  }
0x24: {  	s3 =	sadd.s32 $0x88, s3;
	s6 =	simm.s32 @!p1 $0x1082;
	[sflag:s4] =	ssyncset.s32 $0xFFFFF086  }
0x25: {  	[simem:s6], [sflag:s4] =	dma.local [hbm:s3], $0xF7A  }
0x26: {  	[smem:$0x3F9E] =	sst s1;
	(tag) =	ssettag s2;
	_ =	strace s9  }
0x27: {  	s1 =	sld [smem:$0x3FAE]  }
0x28: {  	s2 =	sld [smem:$0x3FAF]  }
0x29: {  	s4 =	sld [smem:$0x3FB1]  }
0x2a: {  	p0 =	seq.s32 s5, $0x0;
	s5 =	sld [smem:$0x3FB2]  }
0x2b: {  	s6 =	sld [smem:$0x3FB3]  }
0x2c: {  	s7 =	sld [smem:$0x3FB4]  }
0x2d: {  	s3 =	simm.s32 $0x108;
	s8 =	sld [smem:$0x3FB5]  }
0x2e: {  	s3 =	simm.s32 @!p0 $0x1082;
	s9 =	sld [smem:$0x3FB6]  }
0x2f: {  	lr =	sadd.s32 s0, s3;
	s0 =	sld [smem:$0x3FAD]  }
0x30: {  	s3 =	sld [smem:$0x3FB0]  }
0x31: {  	[smem:$0x3FB9] =	sst s10  }
0x32: {  	s10 =	sld [smem:$0x3FB7];
	_ =	sdelay $0x3  }
0x33: {  	p0 =	seq.s32 s10, $0x1;
	s10 =	sld [smem:$0x3FB9];
	_ =	sdelay $0x3  }
0x34: {  	[smem:$0x3FB9] =	sst s10  }
0x35: {  	s10 =	sld [smem:$0x3FB8];
	_ =	sdelay $0x3  }
0x36: {  	p1 =	seq.s32 s10, $0x1;
	s10 =	sld [smem:$0x3FB9];
	_ =	sdelay $0x3  }
0x37: {  	[smem:$0x3FB9] =	sst s10  }
0x38: {  	s10 =	sld [smem:$0x3FBA]  }
0x39: {  	_ = 	snop;
	(pc) =	sbr.ind lr, $3  }
0x3a: {  	_ = 	snop  }
0x3b: {  	_ = 	snop  }
0x3c: {  	p2 =	seq.s32 s10, $0x1;
	s10 =	sld [smem:$0x3FB9]  }
0x3d: {  	_ =	shalt  }
0x3e: {  	_ =	shalt  }
0x3f: {  	_ =	shalt  }
0x40: {  	_ =	shalt  }
0x41: {  	_ =	shalt  }
0x42: {  	_ =	shalt  }
0x43: {  	_ =	shalt  }
0x44: {  	_ =	shalt  }
0x45: {  	_ =	shalt  }
0x46: {  	_ =	shalt  }
0x47: {  	_ =	shalt  }
0x48: {  	_ =	shalt  }
0x49: {  	_ =	shalt  }
0x4a: {  	_ =	shalt  }
0x4b: {  	_ =	shalt  }
0x4c: {  	_ =	shalt  }
0x4d: {  	_ =	shalt  }
0x4e: {  	_ =	shalt  }
0x4f: {  	_ =	shalt  }
0x50: {  	_ =	shalt  }
0x51: {  	_ =	shalt  }
0x52: {  	_ =	shalt  }
0x53: {  	_ =	shalt  }
0x54: {  	_ =	shalt  }
0x55: {  	_ =	shalt  }
0x56: {  	_ =	shalt  }
0x57: {  	_ =	shalt  }
0x58: {  	_ =	shalt  }
0x59: {  	_ =	shalt  }
0x5a: {  	_ =	shalt  }
0x5b: {  	_ =	shalt  }
0x5c: {  	_ =	shalt  }
0x5d: {  	_ =	shalt  }
0x5e: {  	_ =	shalt  }
0x5f: {  	_ =	shalt  }
0x60: {  	_ =	shalt  }
0x61: {  	_ =	shalt  }
0x62: {  	_ =	shalt  }
0x63: {  	_ =	shalt  }
0x64: {  	_ =	shalt  }
0x65: {  	_ =	shalt  }
0x66: {  	_ =	shalt  }
0x67: {  	_ =	shalt  }
0x68: {  	_ =	shalt  }
0x69: {  	_ =	shalt  }
0x6a: {  	_ =	shalt  }
0x6b: {  	_ =	shalt  }
0x6c: {  	_ =	shalt  }
0x6d: {  	_ =	shalt  }
0x6e: {  	_ =	shalt  }
0x6f: {  	_ =	shalt  }
0x70: {  	_ =	shalt  }
0x71: {  	_ =	shalt  }
0x72: {  	_ =	shalt  }
0x73: {  	_ =	shalt  }
0x74: {  	_ =	shalt  }
0x75: {  	_ =	shalt  }
0x76: {  	_ =	shalt  }
0x77: {  	_ =	shalt  }
0x78: {  	_ =	shalt  }
0x79: {  	_ =	shalt  }
0x7a: {  	_ =	shalt  }
0x7b: {  	_ =	shalt  }
0x7c: {  	_ =	shalt  }
0x7d: {  	_ =	shalt  }
0x7e: {  	_ =	shalt  }
0x7f: {  	_ =	shalt  }
0x80: {  	_ =	shalt  }
0x81: {  	_ =	shalt  }
0x82: {  	_ =	shalt  }
0x83: {  	_ =	shalt  }
0x84: {  	_ =	shalt  }
0x85: {  	_ =	shalt  }
0x86: {  	_ =	shalt  }
0x87: {  	_ =	shalt  }
.Lfunc_end0:
.L_simem_size_0:
called_computation_lowered:
.L_overlay_start_0:
0x88: {  	s2 =	sld [smem:$0x3FD9]  }
0x89: {  	s3 =	sld [smem:$0x3FFE];
	_ =	sdelay $0x1  }
0x8a: {  	s1 =	srdreg.scid  }
0x8b: {  	s0 =	sand.u32 $0x1, s1  }
0x8c: {  	s16 =	sshll.u32 s0, $0xA;
	s2 =	sadd.s32 s3, s2  }
0x8d: {  	s2 =	sadd.s32 s2, s16  }
0x8e: {  	[smem:$0x3FC5] =	sst s2  }
0x8f: {  	_ = 	snop  }
0x90: {  	(tm) =	ssettm $0x1  }
0x91: {  	s17 =	sld [smem:$0x3FFB];
	_ =	sdelay $0x3  }
0x92: {  	_ =	strace s17  }
0x93: {  	s2 =	sld [smem:$0x3FFC];
	_ =	sdelay $0x3  }
0x94: {  	_ =	strace s2  }
0x95: {  	s2 =	sld [smem:$0x3FFD];
	_ =	sdelay $0x3  }
0x96: {  	_ =	strace s2  }
0x97: {  	_ =	strace $0x8FFFFFFF  }
0x98: {  	s18 =	sld [smem:$0x3FDB];
	_ =	sdelay $0x1  }
0x99: {  	s19 =	simm.s32 $_scs_section_size  }
0x9a: {  	s4 =	simm.s32 $_size__tile_overlayer_lowered;
	s5 =	simm.s32 $_tile_overlayer_lowered  }
0x9b: {  	s22 =	simm.s32 $0x1BFF;
	s21 =	sshll.u32 s5, $0x1;
	s2 =	sadd.s32 s19, s18  }
0x9c: {  	s6 =	simm.s32 $0x0;
	s20 =	sshll.u32 s4, $0x1;
	s4 =	sadd.s32 s21, s2  }
0x9d: {  	[timem:s6], [sflag:s22] =	dma.local [hbm:s4], s20  }
0x9e: {  	_ =	swait.ge [sflag:s22], s20  }
0x9f: {  	s3 =	ssub.s32 $0x0, s20;
	[sflag:s22] =	ssyncset.done $0x0  }
0xa0: {  	[sflag:s22] =	ssyncadd.s32 s3;
	_ =	sdelay $0x1  }
0xa1: {  	s23 =	simm.s32 $0x1B8B  }
0xa2: {  	_ =	swait.ge [sflag:s23], $0x1  }
0xa3: {  	[sflag:s23] =	ssyncset.done $0x0  }
0xa4: {  	s25 =	simm.s32 $0x1B8E;
	s24 =	sld [smem:$0x3FFE];
	[sflag:s23] =	ssyncadd.s32 $0xFFFFFFFF  }
0xa5: {  	s26 =	simm.s32 $execute0_lowered;
	[smem:$0x3FD2] =	sst s25  }
0xa6: {  	s4 =	sshll.u32 s26, $0x1;
	_ =	strace $0x80000046;
	[dreg:$0x1] =	wrdreg $0xFFFFFFFF  }
0xa7: {  	s28 =	simm.s32 $_size_execute0_lowered;
	s2 =	sadd.s32 s2, s4;
	[dreg:$0x0] =	wrdreg $0x0  }
0xa8: {  	s4 =	sshll.u32 s28, $0x1;
	[dreg:$0x2] =	wrdreg s2  }
0xa9: {  	[dreg:$0x3] =	wrdreg s4  }
0xaa: {  	[dreg:$0x4] =	wrdreg $0xC0  }
0xab: {  	_ =	task [dreg:s6], $0x5FFFF  }
0xac: {  	[dreg:$0x1] =	wrdreg $0xFFFFFFFF  }
0xad: {  	[dreg:$0x0] =	wrdreg $0x60  }
0xae: {  	[dreg:$0x2] =	wrdreg s24  }
0xaf: {  	[dreg:$0x3] =	wrdreg $0x9  }
0xb0: {  	_ =	task.clear_ibuf [dreg:s6], $0x4FFFF;
	_ =	strace $0x90000046  }
0xb1: {  	s29 =	simm.s32 $0x9;
	_ =	strace $0x80000048  }
0xb2: {  	_ =	swait.ge [sflag:s29], $0x1  }
0xb3: {  	[sflag:s29] =	ssyncadd.s32 $0xFFFFFFFF  }
0xb4: {  	_ =	strace $0x90000048  }
0xb5: {  	_ =	sfence  }
0xb6: {  	s30 =	sld [smem:$0x0];
	_ =	sdelay $0x2  }
0xb7: {  	s31 =	sshll.u32 s1, $0xD;
	s1 =	sshrl.u32 s1, $0x2  }
0xb8: {  	s3 =	sand.u32 $0x4000, s31;
	s1 =	sadd.s32 s1, s30  }
0xb9: {  	s0 =	sor.u32 s3, s0;
	s1 =	sshll.u32 s1, $0x11  }
0xba: {  	s0 =	sor.u32 s1, s0  }
0xbb: {  	s0 =	sadd.s32 $0x8F2B, s0  }
0xbc: {  	[sflag:s0] =	ssyncadd.remote.s32 $0x1  }
0xbd: {  	_ =	sfence.sel $0xFFFF  }
0xbe: {  	[dreg:$0x0] =	wrdreg $0xFFFFFFFF;
	(pc) =	sbr.abs _section_cstart, $3  }
0xbf: {  	[dreg:$0x1] =	wrdreg $0xFFFFFFFF  }
0xc0: {  	_ =	task.clear_ibuf [dreg:s6], $0x2FFFF;
	_ =	strace $0x9FFFFFFF  }
0xc1: {  	(tm) =	ssettm $0x7FFFFFFF  }
tec
execute0_lowered:
.L_overlay_start_1:
0x0: {  	(tag) =	ssettag $0x1  }
0x1: {  	v0 =	vimm.s32 $0x76543210;
	v1 =	vimm.s32 $0xFEDCBA98;
	v2 =	vimm.s32 $0xBA98FEDC  }
0x2: {  	v3 =	vimm.s32 $0x32107654;
	v4 =	vimm.s32 $0xDCFE98BA;
	v5 =	vimm.s32 $0x54761032  }
0x3: {  	vm0 =	vcmask $0x2F20;
	vm1 =	vcmask $0xF00;
	vm2 =	vcmask $0x1710  }
0x4: {  	vm3 =	vcmask $0x700;
	vm4 =	vcmask $0x300;
	v1 =	vunpack.c.l.s4.s8 v1  }
0x5: {  	v0 =	vunpack.c.l.s4.s8 v0;
	v2 =	vunpack.c.l.s4.s8 v2;
	v3 =	vunpack.c.l.s4.s8 v3  }
0x6: {  	v4 =	vunpack.c.l.s4.s8 v4;
	vm0 =	vmor vm1, vm0;
	v1 =	vunpack.c.0.s8.s32 v1  }
0x7: {  	v0 =	vunpack.c.0.s8.s32 v0;
	v2 =	vunpack.c.0.s8.s32 v2;
	v3 =	vunpack.c.0.s8.s32 v3  }
0x8: {  	vm1 =	vmor vm3, vm2;
	vm3 =	vcmask $0xB08;
	v1 =	vand.u32 $0xF, v1  }
0x9: {  	s1 =	srdreg.scid;
	v0 =	vcombine.low v1, v0;
	v1 =	vcombine.low v3, v2;
	v2 =	vunpack.c.l.s4.s8 v5  }
0xa: {  	s0 =	stileid.u32;
	s5 =	rddreg [dreg:$0x0];
	s2 =	simm.s32 $0x0;
	vm2 =	vcmask $0x2720;
	vm3 =	vmor vm4, vm3  }
0xb: {  	s9 =	simm.s32 $0x5;
	s10 =	simm.s32 $0x3D80;
	s11 =	simm.s32 $0x80;
	vm4 =	vcmask $0x1310;
	v3 =	vunpack.c.0.s8.s32 v4;
	v2 =	vunpack.c.0.s8.s32 v2  }
0xc: {  	s12 =	simm.s32 $0x7B00;
	s13 =	simm.s32 $0x9B00;
	s14 =	simm.s32 $0x1;
	vm1 =	vmor vm1, vm2;
	vm2 =	vcmask $0x3730;
	vm3 =	vmor vm3, vm4  }
0xd: {  	s15 =	simm.s32 $0x2;
	s16 =	simm.s32 $0xBB00;
	s17 =	simm.s32 $0xDB00;
	v4 =	vimm.s32 $0x67452301;
	v2 =	vcombine.low v2, v3;
	v3 =	vimm.s32 $0xEFCDAB89  }
0xe: {  	s18 =	simm.s32 $0xFB00;
	s19 =	simm.s32 $0x3;
	s20 =	simm.s32 $0x4;
	vm4 =	vcmask $0x1B18;
	v4 =	vunpack.c.l.s4.s8 v4;
	v3 =	vunpack.c.l.s4.s8 v3  }
0xf: {  	s21 =	simm.s32 $0x0;
	s3 =	sand.u32 $0x1, s1;
	s4 =	sshll.u32 s0, $0x1;
	vm1 =	vmor vm1, vm2;
	vm2 =	vmor vm3, vm4  }
.Ltmp0:
0x10: {  	s1 =	rddreg [dreg:$0x1];
	s4 =	sor.u32 s3, s4;
	vm3 =	vcmask $0x2320;
	v4 =	vunpack.c.0.s8.s32 v4;
	v3 =	vunpack.c.0.s8.s32 v3;
	(pc) =	sbr.rel .LBB2_1-.Ltmp0, $4  }
0x11: {  	[smem:$0x7FF] =	sst s2;
	s6 =	ssub.s32 $0x2, s3;
	s4 =	smul.u32 $0x7B0, s4;
	vm4 =	vcmask $0x2B28;
	vm3 =	vmor vm2, vm3;
	vm2 =	vmmov $0xff  }
0x12: {  	_ =	strace $0x80000047;
	s3 =	sadd.s32 $0x1A5800, s5;
	s7 =	sshrl.u32 s6, $0x1;
	vm3 =	vmor vm3, vm4;
	vm4 =	vcmask $0x3330;
	v3 =	vcombine.low v4, v3  }
0x13: {  	s8 =	ssub.s32 s6, s7;
	s4 =	sadd.s32 s5, s4;
	s5 =	sadd.s32 $0x1EC00, s5;
	vm3 =	vmor vm3, vm4;
	vm4 =	vcmask $0x3B38;
	v1 =	vand.u32 $0xF, v1  }
0x14: {  	s8 =	smax.u32 s8, $0x1;
	s6 =	sadd.s32 $0xF600, s4;
	s7 =	sadd.s32 $0xE2200, s4;
	vm3 =	vmor vm3, vm4;
	v2 =	vand.u32 $0xF, v2;
	v3 =	vand.u32 $0xF, v3  }
.LBB2_10:
0x15: {  	s21 =	sadd.s32 $0x1, s21  }
0x16: {  	p0 =	sne.s32 s21, s8  }
.Ltmp1:
0x17: {  	_ = 	snop;
	(pc) =	sbr.rel @!p0 .LBB2_11-.Ltmp1, $4  }
0x18: {  	[hbm4b:s7+s2] =	stream.linear.scatter [tilespmem:s18], [sflag:$0x5], $0x3D80, $0x38;
	[tilespmem:$0x13880] =	vst v63  }
0x19: {  	_ =	swait.ge [sflag:s9], $0x3D80  }
0x1a: {  	[sflag:s9] =	ssyncset.done $0x0  }
0x1b: {  	[sflag:s9] =	ssyncadd.s32 $0xFFFFC280  }
.LBB2_1:
0x1c: {  	[tilespmem:s2], [sflag:$0x5] =	stream.linear.gather [hbm4b:s6+s2], $0x3D80, $0x38;
	[tilespmem:$0x13880] =	vst v63  }
0x1d: {  	_ =	swait.ge [sflag:s9], $0x3D80  }
0x1e: {  	[sflag:s9] =	ssyncset.done $0x0  }
0x1f: {  	[sflag:s9] =	ssyncadd.s32 $0xFFFFC280  }
0x20: {  	[tilespmem:s10], [sflag:$0x5] =	stream.linear.gather [hbm4b:s4+s2], $0x3D80, $0x38;
	[tilespmem:$0x13880] =	vst v63  }
0x21: {  	_ =	swait.ge [sflag:s9], $0x3D80  }
.Ltmp2:
0x22: {  	[sflag:s9] =	ssyncset.done $0x0;
	(pc) =	sbr.rel .LBB2_2-.Ltmp2, $4  }
0x23: {  	[sflag:s9] =	ssyncadd.s32 $0xFFFFC280  }
0x24: {  	[tilespmem:s12], [sflag:$0x1] =	stream.indirect.gather [hbm4b:s3+s11], $0x40, s2, s11, $0xb8;
	[tilespmem:$0x13880] =	vst v63  }
0x25: {  	s22 =	simm.s32 $0xFB00;
	s23 =	simm.s32 $0x0  }
0x26: {  	[tilespmem:s13], [sflag:$0x2] =	stream.indirect.gather [hbm4b:s5+s11], $0x40, s10, s11, $0xb8;
	[tilespmem:$0x13880] =	vst v63  }
.LBB2_8:
0x27: {  	v28 =	vmul.f32 v30, v28;
	v27 =	vmul.f32 v29, v27;
	v53 =	vunpack.i.u.bf16.f32 v22;
	v54 =	vld [tilespmem:s24+$0xDEF0]  }
0x28: {  	v55 =	vunpack.i.l.bf16.f32 v22;
	v31 =	vunpack.i.u.bf16.f32 v24;
	v56 =	vunpack.i.l.bf16.f32 v24  }
0x29: {  	v58 =	vunpack.i.u.bf16.f32 v23;
	v59 =	vunpack.i.l.bf16.f32 v23;
	v60 =	vunpack.i.u.bf16.f32 v26  }
0x2a: {  	v61 =	vunpack.i.l.bf16.f32 v26;
	v63 =	vunpack.i.u.bf16.f32 v25;
	v22 =	vmul.f32 v56, v55  }
0x2b: {  	v33 =	vunpack.i.l.bf16.f32 v25;
	v57 =	vmul.f32 v31, v53;
	v23 =	vmul.f32 v61, v59  }
0x2c: {  	v62 =	vmul.f32 v60, v58;
	v34 =	vunpack.i.u.bf16.f32 v54;
	v30 =	vunpack.i.l.bf16.f32 v54  }
0x2d: {  	v20 =	vadd.f32 v20, v21;
	v35 =	vmul.f32 v30, v33;
	v36 =	vmul.f32 v34, v63  }
0x2e: {  	v27 =	vadd.f32 v28, v27;
	v22 =	vadd.f32 v22, v57  }
0x2f: {  	v23 =	vadd.f32 v23, v62;
	v21 =	vadd.f32 v35, v36  }
0x30: {  	v17 =	vadd.f32 v18, v17;
	v37 =	vadd.f32 v20, v19  }
0x31: {  	v38 =	vadd.f32 v22, v27;
	v39 =	vadd.f32 v21, v23  }
0x32: {  	v13 =	vadd.f32 v14, v13;
	v40 =	vadd.f32 v16, v15;
	v41 =	vperm.xlane v11, v0  }
0x33: {  	v44 =	vperm.xlane v12, v0;
	v42 =	vadd.f32 v37, v17;
	v43 =	vadd.f32 v39, v38  }
0x34: {  	v11 =	vadd.f32 v41, v11;
	v45 =	vperm.xlane v13, v0;
	v46 =	vperm.xlane v40, v0  }
0x35: {  	v12 =	vadd.f32 v44, v12;
	v47 =	vperm.xlane v42, v0;
	v20 =	vperm.xlane v43, v0  }
0x36: {  	v7 =	vsel vm2, v7, v8;
	v48 =	vadd.f32 v45, v13;
	v49 =	vadd.f32 v46, v40  }
0x37: {  	v9 =	vsel vm2, v9, v10;
	v50 =	vadd.f32 v47, v42;
	v51 =	vadd.f32 v20, v43  }
0x38: {  	v52 =	vperm.xlane v7, v1;
	v53 =	vperm.xlane v9, v1;
	v11 =	vsel vm2, v11, v12  }
0x39: {  	v54 =	vperm.xlane v11, v1;
	v8 =	vsel vm2, v48, v49;
	v10 =	vsel vm2, v50, v51  }
0x3a: {  	v7 =	vadd.f32 v52, v7;
	v55 =	vperm.xlane v8, v1;
	v14 =	vperm.xlane v10, v1  }
0x3b: {  	v9 =	vadd.f32 v53, v9;
	v11 =	vadd.f32 v54, v11  }
0x3c: {  	v4 =	vsel vm0, v4, v6;
	v56 =	vadd.f32 v55, v8;
	v57 =	vadd.f32 v14, v10  }
0x3d: {  	v58 =	vperm.xlane v4, v2;
	v5 =	vsel vm0, v5, v7  }
0x3e: {  	v59 =	vperm.xlane v5, v2;
	v9 =	vsel vm0, v9, v11;
	v6 =	vsel vm0, v56, v57  }
0x3f: {  	v60 =	vperm.xlane v9, v2;
	v61 =	vperm.xlane v6, v2  }
0x40: {  	v4 =	vadd.f32 v58, v4;
	v5 =	vadd.f32 v59, v5  }
0x41: {  	v62 =	vadd.f32 v60, v9;
	v6 =	vadd.f32 v61, v6;
	_ =	sdelay $0x1  }
0x42: {  	v4 =	vsel vm1, v4, v5;
	v5 =	vsel vm1, v62, v6  }
0x43: {  	v63 =	vperm.xlane v4, v3;
	v7 =	vperm.xlane v5, v3;
	_ =	sdelay $0x1  }
0x44: {  	v4 =	vadd.f32 v63, v4;
	v5 =	vadd.f32 v7, v5;
	_ =	sdelay $0x1  }
0x45: {  	s31 =	sadd.s32 $0x10, s25;
	v4 =	vsel vm3, v4, v5  }
0x46: {  	[tilespmem:s31+$0x0] =	vst v4  }
.LBB2_9:
0x47: {  	s23 =	sadd.s32 $0x1, s23  }
0x48: {  	p0 =	sne.s32 s23, $0x7B  }
.Ltmp3:
0x49: {  	_ = 	snop;
	(pc) =	sbr.rel @!p0 .LBB2_10-.Ltmp3, $2  }
0x4a: {  	_ =	sdelay $0x2  }
0x4b: {  	s22 =	sadd.s32 $0x80, s22  }
.LBB2_2:
0x4c: {  	s25 =	sand.u32 $0x1, s23  }
0x4d: {  	p0 =	seq.s32 s25, $0x1  }
.Ltmp4:
0x4e: {  	_ = 	snop;
	(pc) =	sbr.rel @p0 .LBB2_6-.Ltmp4, $4  }
0x4f: {  	_ = 	snop  }
0x50: {  	s24 =	sshll.u32 s23, $0x7  }
0x51: {  	s24 =	smin.u32 s24, $0x3C80  }
0x52: {  	s25 =	sadd.s32 $0x80, s24;
	s24 =	sadd.s32 $0x3E00, s24  }
0x53: {  	_ =	swait.ge [sflag:s14], $0x2000  }
0x54: {  	[sflag:s14] =	ssyncset.done $0x0  }
0x55: {  	[sflag:s14] =	ssyncadd.s32 $0xFFFFE000  }
0x56: {  	_ =	swait.ge [sflag:s15], $0x2000  }
0x57: {  	[sflag:s15] =	ssyncset.done $0x0  }
0x58: {  	[sflag:s15] =	ssyncadd.s32 $0xFFFFE000  }
0x59: {  	[tilespmem:s16], [sflag:$0x3] =	stream.indirect.gather [hbm4b:s3+s11], $0x40, s25, s11, $0xb8;
	[tilespmem:$0x13880] =	vst v63  }
0x5a: {  	s31 =	simm.s32 $0x0  }
0x5b: {  	[tilespmem:s17], [sflag:$0x4] =	stream.indirect.gather [hbm4b:s5+s11], $0x40, s24, s11, $0xb8;
	[tilespmem:$0x13880] =	vst v63  }
0x5c: {  	v4 =	vld [tilespmem:s31+$0x7B00]  }
0x5d: {  	v5 =	vld [tilespmem:s31+$0x9B00]  }
0x5e: {  	v6 =	vld [tilespmem:s31+$0x7B10]  }
0x5f: {  	v7 =	vld [tilespmem:s31+$0x9B10]  }
0x60: {  	v10 =	vld [tilespmem:s31+$0x9B20]  }
0x61: {  	v8 =	vld [tilespmem:s31+$0x7B20];
	v9 =	vunpack.i.u.bf16.f32 v4  }
0x62: {  	v4 =	vunpack.i.l.bf16.f32 v4;
	v11 =	vunpack.i.u.bf16.f32 v5;
	v5 =	vunpack.i.l.bf16.f32 v5  }
0x63: {  	v4 =	vmul.f32 v5, v4;
	v5 =	vmul.f32 v11, v9;
	v9 =	vunpack.i.u.bf16.f32 v6  }
0x64: {  	v12 =	vld [tilespmem:s31+$0x7B30];
	v6 =	vunpack.i.l.bf16.f32 v6;
	v11 =	vunpack.i.u.bf16.f32 v7;
	v7 =	vunpack.i.l.bf16.f32 v7  }
0x65: {  	v13 =	vunpack.i.u.bf16.f32 v10;
	v6 =	vmul.f32 v7, v6;
	v7 =	vmul.f32 v11, v9;
	v11 =	vld [tilespmem:s31+$0x9B30]  }
0x66: {  	v14 =	vld [tilespmem:s31+$0x7D00];
	v10 =	vunpack.i.l.bf16.f32 v10;
	v9 =	vunpack.i.u.bf16.f32 v8;
	v8 =	vunpack.i.l.bf16.f32 v8  }
0x67: {  	v8 =	vmul.f32 v10, v8;
	v9 =	vmul.f32 v13, v9;
	v10 =	vld [tilespmem:s31+$0x9D00]  }
0x68: {  	v4 =	vadd.f32 v4, v5;
	v5 =	vld [tilespmem:s31+$0x7D10]  }
0x69: {  	v13 =	vunpack.i.u.bf16.f32 v12;
	v6 =	vadd.f32 v6, v7;
	v7 =	vadd.f32 v8, v9;
	v8 =	vld [tilespmem:s31+$0x9D10]  }
0x6a: {  	v9 =	vunpack.i.l.bf16.f32 v12;
	v12 =	vunpack.i.u.bf16.f32 v11;
	v11 =	vunpack.i.l.bf16.f32 v11  }
0x6b: {  	v15 =	vld [tilespmem:s31+$0x7D20];
	v9 =	vmul.f32 v11, v9;
	v11 =	vmul.f32 v12, v13;
	v12 =	vunpack.i.u.bf16.f32 v14  }
0x6c: {  	v13 =	vld [tilespmem:s31+$0x9D20];
	v14 =	vunpack.i.l.bf16.f32 v14;
	v16 =	vunpack.i.u.bf16.f32 v10;
	v10 =	vunpack.i.l.bf16.f32 v10  }
0x6d: {  	v17 =	vld [tilespmem:s31+$0x7D30];
	v10 =	vmul.f32 v10, v14;
	v12 =	vmul.f32 v16, v12;
	v14 =	vunpack.i.u.bf16.f32 v5  }
0x6e: {  	v16 =	vld [tilespmem:s31+$0x9D30];
	v5 =	vunpack.i.l.bf16.f32 v5;
	v18 =	vunpack.i.u.bf16.f32 v8;
	v8 =	vunpack.i.l.bf16.f32 v8  }
0x6f: {  	v9 =	vadd.f32 v9, v11;
	v5 =	vmul.f32 v8, v5  }
0x70: {  	v8 =	vmul.f32 v18, v14;
	v14 =	vunpack.i.u.bf16.f32 v15;
	v15 =	vunpack.i.l.bf16.f32 v15  }
0x71: {  	v10 =	vadd.f32 v10, v12;
	v18 =	vunpack.i.u.bf16.f32 v13;
	v13 =	vunpack.i.l.bf16.f32 v13  }
0x72: {  	v13 =	vmul.f32 v13, v15;
	v14 =	vmul.f32 v18, v14;
	v15 =	vunpack.i.u.bf16.f32 v17  }
0x73: {  	v17 =	vunpack.i.l.bf16.f32 v17;
	v18 =	vunpack.i.u.bf16.f32 v16;
	v16 =	vunpack.i.l.bf16.f32 v16  }
0x74: {  	v5 =	vadd.f32 v5, v8;
	v8 =	vld [tilespmem:s31+$0x7C00];
	v11 =	vmul.f32 v16, v17;
	v15 =	vmul.f32 v18, v15  }
0x75: {  	v12 =	vadd.f32 v13, v14;
	v13 =	vld [tilespmem:s31+$0x9C00]  }
0x76: {  	v5 =	vadd.f32 v5, v10;
	v10 =	vld [tilespmem:s31+$0x9C10];
	v11 =	vadd.f32 v11, v15  }
0x77: {  	v4 =	vadd.f32 v6, v4;
	v6 =	vadd.f32 v9, v7;
	v7 =	vld [tilespmem:s31+$0x7C10]  }
0x78: {  	v9 =	vadd.f32 v11, v12  }
0x79: {  	v4 =	vadd.f32 v6, v4;
	v6 =	vunpack.i.u.bf16.f32 v8;
	v8 =	vunpack.i.l.bf16.f32 v8  }
0x7a: {  	v12 =	vld [tilespmem:s31+$0x7C20];
	v5 =	vadd.f32 v9, v5;
	v9 =	vunpack.i.u.bf16.f32 v13;
	v11 =	vunpack.i.l.bf16.f32 v13  }
0x7b: {  	v13 =	vunpack.i.u.bf16.f32 v10;
	v10 =	vunpack.i.l.bf16.f32 v10;
	v8 =	vmul.f32 v11, v8;
	v11 =	vld [tilespmem:s31+$0x9C20]  }
0x7c: {  	v14 =	vld [tilespmem:s31+$0x7C30];
	v6 =	vmul.f32 v9, v6;
	v9 =	vunpack.i.u.bf16.f32 v7;
	v7 =	vunpack.i.l.bf16.f32 v7  }
0x7d: {  	v7 =	vmul.f32 v10, v7;
	v9 =	vmul.f32 v13, v9;
	v10 =	vld [tilespmem:s31+$0x9C30]  }
0x7e: {  	v13 =	vperm.xlane v4, v0;
	v15 =	vperm.xlane v5, v0  }
0x7f: {  	v16 =	vunpack.i.u.bf16.f32 v12;
	v6 =	vadd.f32 v8, v6;
	v8 =	vunpack.i.l.bf16.f32 v12  }
0x80: {  	v12 =	vld [tilespmem:s31+$0x7E00];
	v7 =	vadd.f32 v7, v9;
	v9 =	vunpack.i.u.bf16.f32 v11;
	v11 =	vunpack.i.l.bf16.f32 v11  }
0x81: {  	v8 =	vmul.f32 v11, v8;
	v9 =	vmul.f32 v9, v16;
	v11 =	vunpack.i.u.bf16.f32 v14;
	v16 =	vld [tilespmem:s31+$0x9E00]  }
0x82: {  	v18 =	vld [tilespmem:s31+$0x7E10];
	v14 =	vunpack.i.l.bf16.f32 v14;
	v17 =	vunpack.i.u.bf16.f32 v10;
	v10 =	vunpack.i.l.bf16.f32 v10  }
0x83: {  	v4 =	vadd.f32 v13, v4;
	v10 =	vmul.f32 v10, v14;
	v11 =	vmul.f32 v17, v11;
	v14 =	vld [tilespmem:s31+$0x9E10]  }
0x84: {  	v5 =	vadd.f32 v15, v5;
	v6 =	vadd.f32 v7, v6;
	v7 =	vld [tilespmem:s31+$0x7E20]  }
0x85: {  	v8 =	vadd.f32 v8, v9;
	v9 =	vadd.f32 v10, v11;
	v10 =	vunpack.i.u.bf16.f32 v12;
	v11 =	vld [tilespmem:s31+$0x9E20]  }
0x86: {  	v12 =	vunpack.i.l.bf16.f32 v12;
	v13 =	vunpack.i.u.bf16.f32 v16;
	v15 =	vunpack.i.l.bf16.f32 v16  }
0x87: {  	v17 =	vunpack.i.l.bf16.f32 v18;
	v16 =	vld [tilespmem:s31+$0x7E30];
	v12 =	vmul.f32 v15, v12;
	v10 =	vmul.f32 v13, v10  }
0x88: {  	v13 =	vunpack.i.u.bf16.f32 v18;
	v15 =	vld [tilespmem:s31+$0x9E30];
	v18 =	vunpack.i.u.bf16.f32 v14;
	v14 =	vunpack.i.l.bf16.f32 v14  }
0x89: {  	v14 =	vmul.f32 v14, v17;
	v13 =	vmul.f32 v18, v13;
	v17 =	vunpack.i.u.bf16.f32 v7  }
0x8a: {  	v19 =	vld [tilespmem:s31+$0x7B80];
	v7 =	vunpack.i.l.bf16.f32 v7;
	v18 =	vunpack.i.u.bf16.f32 v11;
	v11 =	vunpack.i.l.bf16.f32 v11  }
0x8b: {  	v21 =	vld [tilespmem:s31+$0x7B90];
	v8 =	vadd.f32 v9, v8;
	v10 =	vadd.f32 v12, v10;
	v7 =	vmul.f32 v11, v7  }
0x8c: {  	v11 =	vmul.f32 v18, v17;
	v18 =	vld [tilespmem:s31+$0x9B80];
	v12 =	vadd.f32 v14, v13;
	v17 =	vunpack.i.u.bf16.f32 v16  }
0x8d: {  	v14 =	vld [tilespmem:s31+$0x9BA0];
	v16 =	vunpack.i.l.bf16.f32 v16;
	v20 =	vunpack.i.u.bf16.f32 v15;
	v15 =	vunpack.i.l.bf16.f32 v15  }
0x8e: {  	v9 =	vmul.f32 v15, v16;
	v15 =	vmul.f32 v20, v17;
	v16 =	vld [tilespmem:s31+$0x9B90]  }
0x8f: {  	v6 =	vadd.f32 v8, v6  }
0x90: {  	v13 =	vld [tilespmem:s31+$0x7BA0];
	v7 =	vadd.f32 v7, v11;
	v11 =	vunpack.i.u.bf16.f32 v19;
	v9 =	vadd.f32 v9, v15  }
0x91: {  	v15 =	vunpack.i.l.bf16.f32 v19;
	v17 =	vunpack.i.u.bf16.f32 v18;
	v18 =	vunpack.i.l.bf16.f32 v18  }
0x92: {  	v15 =	vmul.f32 v18, v15;
	v11 =	vmul.f32 v17, v11;
	v17 =	vunpack.i.u.bf16.f32 v21  }
0x93: {  	v20 =	vld [tilespmem:s31+$0x7BB0];
	v18 =	vunpack.i.l.bf16.f32 v21;
	v21 =	vunpack.i.u.bf16.f32 v14;
	v19 =	vunpack.i.u.bf16.f32 v16  }
0x94: {  	v14 =	vunpack.i.l.bf16.f32 v14;
	v16 =	vunpack.i.l.bf16.f32 v16;
	v17 =	vmul.f32 v19, v17;
	v19 =	vld [tilespmem:s31+$0x9BB0]  }
0x95: {  	v22 =	vld [tilespmem:s31+$0x7D80];
	v16 =	vmul.f32 v16, v18;
	v18 =	vunpack.i.u.bf16.f32 v13;
	v13 =	vunpack.i.l.bf16.f32 v13  }
0x96: {  	v10 =	vadd.f32 v12, v10;
	v12 =	vmul.f32 v14, v13;
	v13 =	vmul.f32 v21, v18;
	v14 =	vld [tilespmem:s31+$0x9D80]  }
0x97: {  	v7 =	vadd.f32 v9, v7;
	v9 =	vadd.f32 v15, v11;
	v11 =	vld [tilespmem:s31+$0x7D90]  }
0x98: {  	v15 =	vunpack.i.u.bf16.f32 v20;
	v16 =	vadd.f32 v16, v17;
	v12 =	vadd.f32 v12, v13;
	v13 =	vld [tilespmem:s31+$0x9D90]  }
0x99: {  	v17 =	vunpack.i.l.bf16.f32 v20;
	v20 =	vld [tilespmem:s31+$0x7DA0];
	v18 =	vunpack.i.u.bf16.f32 v19;
	v19 =	vunpack.i.l.bf16.f32 v19  }
0x9a: {  	v21 =	vunpack.i.l.bf16.f32 v22;
	v17 =	vmul.f32 v19, v17;
	v15 =	vmul.f32 v18, v15;
	v19 =	vld [tilespmem:s31+$0x9DA0]  }
0x9b: {  	v23 =	vld [tilespmem:s31+$0x7DB0];
	v18 =	vunpack.i.u.bf16.f32 v22;
	v22 =	vunpack.i.u.bf16.f32 v14;
	v14 =	vunpack.i.l.bf16.f32 v14  }
0x9c: {  	v14 =	vmul.f32 v14, v21;
	v18 =	vmul.f32 v22, v18;
	v21 =	vunpack.i.u.bf16.f32 v11;
	v22 =	vld [tilespmem:s31+$0x9DB0]  }
0x9d: {  	v11 =	vunpack.i.l.bf16.f32 v11;
	v24 =	vunpack.i.u.bf16.f32 v13;
	v13 =	vunpack.i.l.bf16.f32 v13  }
0x9e: {  	v11 =	vmul.f32 v13, v11;
	v13 =	vmul.f32 v24, v21;
	v21 =	vunpack.i.u.bf16.f32 v20  }
0x9f: {  	v20 =	vunpack.i.l.bf16.f32 v20;
	v24 =	vunpack.i.u.bf16.f32 v19;
	v19 =	vunpack.i.l.bf16.f32 v19  }
0xa0: {  	v19 =	vmul.f32 v19, v20;
	v20 =	vmul.f32 v24, v21;
	v21 =	vunpack.i.u.bf16.f32 v23  }
0xa1: {  	v23 =	vunpack.i.l.bf16.f32 v23;
	v24 =	vunpack.i.u.bf16.f32 v22;
	v22 =	vunpack.i.l.bf16.f32 v22  }
0xa2: {  	v15 =	vadd.f32 v17, v15;
	v17 =	vmul.f32 v22, v23;
	v21 =	vmul.f32 v24, v21  }
0xa3: {  	v14 =	vadd.f32 v14, v18;
	v11 =	vadd.f32 v11, v13  }
0xa4: {  	v13 =	vadd.f32 v19, v20;
	v17 =	vadd.f32 v17, v21  }
0xa5: {  	v9 =	vadd.f32 v16, v9;
	v12 =	vadd.f32 v15, v12  }
0xa6: {  	v11 =	vadd.f32 v11, v14;
	v13 =	vadd.f32 v17, v13  }
0xa7: {  	v8 =	vld [tilespmem:s31+$0x7C80];
	v9 =	vadd.f32 v12, v9;
	v12 =	vperm.xlane v6, v0  }
0xa8: {  	v4 =	vsel vm2, v4, v5;
	v7 =	vadd.f32 v7, v10;
	v10 =	vadd.f32 v13, v11;
	v11 =	vld [tilespmem:s31+$0x9C80]  }
0xa9: {  	v15 =	vld [tilespmem:s31+$0x7C90];
	v5 =	vperm.xlane v9, v0;
	v6 =	vadd.f32 v12, v6;
	v12 =	vperm.xlane v4, v1  }
0xaa: {  	v13 =	vperm.xlane v7, v0  }
0xab: {  	v16 =	vld [tilespmem:s31+$0x9C90];
	v5 =	vadd.f32 v5, v9;
	v4 =	vadd.f32 v12, v4;
	v14 =	vperm.xlane v10, v0  }
0xac: {  	v7 =	vadd.f32 v13, v7;
	v13 =	vunpack.i.u.bf16.f32 v8;
	v8 =	vunpack.i.l.bf16.f32 v8  }
0xad: {  	v9 =	vadd.f32 v14, v10;
	v14 =	vld [tilespmem:s31+$0x7CA0];
	v10 =	vunpack.i.u.bf16.f32 v11;
	v11 =	vunpack.i.l.bf16.f32 v11  }
0xae: {  	v12 =	vunpack.i.l.bf16.f32 v15;
	v6 =	vsel vm2, v6, v7;
	v8 =	vmul.f32 v11, v8;
	v11 =	vld [tilespmem:s31+$0x9CA0]  }
0xaf: {  	v7 =	vperm.xlane v6, v1;
	v10 =	vmul.f32 v10, v13;
	v5 =	vsel vm2, v5, v9  }
0xb0: {  	v9 =	vunpack.i.u.bf16.f32 v15;
	v13 =	vunpack.i.u.bf16.f32 v16;
	v15 =	vunpack.i.l.bf16.f32 v16  }
0xb1: {  	v16 =	vld [tilespmem:s31+$0x7CB0];
	v12 =	vmul.f32 v15, v12;
	v9 =	vmul.f32 v13, v9  }
0xb2: {  	v15 =	vld [tilespmem:s31+$0x9CB0];
	v8 =	vadd.f32 v8, v10;
	v10 =	vperm.xlane v5, v1;
	v13 =	vunpack.i.u.bf16.f32 v14  }
0xb3: {  	v18 =	vld [tilespmem:s31+$0x7E80];
	v14 =	vunpack.i.l.bf16.f32 v14;
	v17 =	vunpack.i.u.bf16.f32 v11;
	v11 =	vunpack.i.l.bf16.f32 v11  }
0xb4: {  	v9 =	vadd.f32 v12, v9;
	v12 =	vld [tilespmem:s31+$0x9E80];
	v11 =	vmul.f32 v11, v14;
	v13 =	vmul.f32 v17, v13  }
0xb5: {  	v6 =	vadd.f32 v7, v6;
	v5 =	vadd.f32 v10, v5  }
0xb6: {  	v7 =	vunpack.i.u.bf16.f32 v16;
	v8 =	vadd.f32 v9, v8;
	v9 =	vld [tilespmem:s31+$0x9E90];
	v10 =	vadd.f32 v11, v13  }
0xb7: {  	v14 =	vld [tilespmem:s31+$0x7E90];
	v11 =	vunpack.i.l.bf16.f32 v16;
	v13 =	vunpack.i.u.bf16.f32 v15;
	v15 =	vunpack.i.l.bf16.f32 v15  }
0xb8: {  	v17 =	vunpack.i.l.bf16.f32 v18;
	v16 =	vld [tilespmem:s31+$0x7EA0];
	v11 =	vmul.f32 v15, v11;
	v7 =	vmul.f32 v13, v7  }
0xb9: {  	v13 =	vunpack.i.u.bf16.f32 v18;
	v15 =	vld [tilespmem:s31+$0x9EA0];
	v18 =	vunpack.i.u.bf16.f32 v12;
	v12 =	vunpack.i.l.bf16.f32 v12  }
0xba: {  	v19 =	vld [tilespmem:s31+$0x7EB0];
	v12 =	vmul.f32 v12, v17  }
0xbb: {  	v13 =	vmul.f32 v18, v13;
	v18 =	vld [tilespmem:s31+$0x9EB0];
	v20 =	vunpack.i.u.bf16.f32 v9;
	v9 =	vunpack.i.l.bf16.f32 v9  }
0xbc: {  	v17 =	vunpack.i.u.bf16.f32 v14;
	v14 =	vunpack.i.l.bf16.f32 v14;
	v7 =	vadd.f32 v11, v7  }
0xbd: {  	v9 =	vmul.f32 v9, v14;
	v14 =	vmul.f32 v20, v17;
	v17 =	vunpack.i.u.bf16.f32 v16  }
0xbe: {  	v21 =	vld [tilespmem:s31+$0x7B40];
	v16 =	vunpack.i.l.bf16.f32 v16;
	v20 =	vunpack.i.u.bf16.f32 v15;
	v15 =	vunpack.i.l.bf16.f32 v15  }
0xbf: {  	v15 =	vmul.f32 v15, v16;
	v16 =	vmul.f32 v20, v17;
	v17 =	vunpack.i.u.bf16.f32 v19;
	v20 =	vld [tilespmem:s31+$0x9B40]  }
0xc0: {  	v23 =	vld [tilespmem:s31+$0x7B50];
	v19 =	vunpack.i.l.bf16.f32 v19;
	v22 =	vunpack.i.u.bf16.f32 v18;
	v18 =	vunpack.i.l.bf16.f32 v18  }
0xc1: {  	v11 =	vmul.f32 v18, v19;
	v18 =	vld [tilespmem:s31+$0x9B50]  }
0xc2: {  	v12 =	vadd.f32 v12, v13;
	v7 =	vadd.f32 v7, v10;
	v17 =	vmul.f32 v22, v17  }
0xc3: {  	v9 =	vadd.f32 v9, v14;
	v13 =	vadd.f32 v15, v16  }
0xc4: {  	v19 =	vld [tilespmem:s31+$0x7B60];
	v15 =	vunpack.i.l.bf16.f32 v21;
	v11 =	vadd.f32 v11, v17;
	v17 =	vunpack.i.l.bf16.f32 v20  }
0xc5: {  	v14 =	vunpack.i.u.bf16.f32 v21;
	v16 =	vunpack.i.u.bf16.f32 v20;
	v15 =	vmul.f32 v17, v15;
	v17 =	vld [tilespmem:s31+$0x9B60]  }
0xc6: {  	v22 =	vld [tilespmem:s31+$0x7B70];
	v20 =	vunpack.i.l.bf16.f32 v23;
	v21 =	vunpack.i.u.bf16.f32 v18;
	v18 =	vunpack.i.l.bf16.f32 v18  }
0xc7: {  	v14 =	vmul.f32 v16, v14;
	v16 =	vunpack.i.u.bf16.f32 v23;
	v10 =	vmul.f32 v18, v20;
	v18 =	vld [tilespmem:s31+$0x9B70]  }
0xc8: {  	v9 =	vadd.f32 v9, v12;
	v11 =	vadd.f32 v11, v13;
	v16 =	vmul.f32 v21, v16  }
0xc9: {  	v12 =	vunpack.i.u.bf16.f32 v19;
	v21 =	vld [tilespmem:s31+$0x7D50];
	v13 =	vadd.f32 v15, v14;
	v14 =	vunpack.i.l.bf16.f32 v19  }
0xca: {  	v10 =	vadd.f32 v10, v16;
	v15 =	vunpack.i.u.bf16.f32 v17;
	v16 =	vunpack.i.l.bf16.f32 v17;
	v17 =	vld [tilespmem:s31+$0x7D40]  }
0xcb: {  	v19 =	vunpack.i.l.bf16.f32 v22;
	v14 =	vmul.f32 v16, v14;
	v12 =	vmul.f32 v15, v12;
	v16 =	vld [tilespmem:s31+$0x9D40]  }
0xcc: {  	v15 =	vunpack.i.u.bf16.f32 v22;
	v20 =	vunpack.i.u.bf16.f32 v18;
	v18 =	vunpack.i.l.bf16.f32 v18  }
0xcd: {  	v7 =	vadd.f32 v7, v8;
	v8 =	vmul.f32 v18, v19;
	v15 =	vmul.f32 v20, v15;
	v18 =	vld [tilespmem:s31+$0x9D50]  }
0xce: {  	v9 =	vadd.f32 v11, v9;
	v11 =	vld [tilespmem:s31+$0x7D60];
	v10 =	vadd.f32 v10, v13;
	v20 =	vunpack.i.l.bf16.f32 v21  }
0xcf: {  	v12 =	vadd.f32 v14, v12;
	v14 =	vld [tilespmem:s31+$0x9D60];
	v8 =	vadd.f32 v8, v15;
	v13 =	vunpack.i.u.bf16.f32 v17  }
0xd0: {  	v19 =	vld [tilespmem:s31+$0x7D70];
	v15 =	vunpack.i.l.bf16.f32 v17;
	v17 =	vunpack.i.u.bf16.f32 v16;
	v16 =	vunpack.i.l.bf16.f32 v16  }
0xd1: {  	v8 =	vadd.f32 v8, v12;
	v15 =	vmul.f32 v16, v15;
	v13 =	vmul.f32 v17, v13;
	v17 =	vld [tilespmem:s31+$0x9D70]  }
0xd2: {  	v16 =	vunpack.i.u.bf16.f32 v21;
	v21 =	vunpack.i.u.bf16.f32 v18;
	v18 =	vunpack.i.l.bf16.f32 v18  }
0xd3: {  	v18 =	vmul.f32 v18, v20;
	v16 =	vmul.f32 v21, v16;
	v20 =	vunpack.i.u.bf16.f32 v11  }
0xd4: {  	v11 =	vunpack.i.l.bf16.f32 v11;
	v21 =	vunpack.i.u.bf16.f32 v14;
	v14 =	vunpack.i.l.bf16.f32 v14  }
0xd5: {  	v11 =	vmul.f32 v14, v11;
	v14 =	vmul.f32 v21, v20;
	v20 =	vunpack.i.u.bf16.f32 v19  }
0xd6: {  	v22 =	vld [tilespmem:s31+$0x7C40];
	v19 =	vunpack.i.l.bf16.f32 v19;
	v21 =	vunpack.i.u.bf16.f32 v17;
	v17 =	vunpack.i.l.bf16.f32 v17  }
0xd7: {  	v10 =	vadd.f32 v8, v10;
	v12 =	vmul.f32 v17, v19;
	v17 =	vmul.f32 v21, v20;
	v19 =	vld [tilespmem:s31+$0x9C40]  }
0xd8: {  	v8 =	vperm.xlane v7, v0;
	v13 =	vadd.f32 v15, v13;
	v15 =	vadd.f32 v18, v16  }
0xd9: {  	v16 =	vperm.xlane v9, v0;
	v11 =	vadd.f32 v11, v14;
	v14 =	vld [tilespmem:s31+$0x7C50];
	v12 =	vadd.f32 v12, v17  }
0xda: {  	v7 =	vadd.f32 v8, v7;
	v13 =	vadd.f32 v15, v13;
	v15 =	vld [tilespmem:s31+$0x9C50]  }
0xdb: {  	v8 =	vadd.f32 v16, v9;
	v11 =	vadd.f32 v12, v11  }
0xdc: {  	v20 =	vld [tilespmem:s31+$0x7C60];
	v17 =	vunpack.i.l.bf16.f32 v22;
	v18 =	vunpack.i.u.bf16.f32 v19;
	v19 =	vunpack.i.l.bf16.f32 v19  }
0xdd: {  	v9 =	vperm.xlane v10, v0;
	v11 =	vadd.f32 v11, v13;
	v13 =	vmul.f32 v19, v17;
	v17 =	vld [tilespmem:s31+$0x9C60]  }
0xde: {  	v16 =	vunpack.i.u.bf16.f32 v14;
	v14 =	vunpack.i.l.bf16.f32 v14;
	v12 =	vunpack.i.u.bf16.f32 v22  }
0xdf: {  	v12 =	vmul.f32 v18, v12;
	v18 =	vunpack.i.u.bf16.f32 v15;
	v15 =	vunpack.i.l.bf16.f32 v15  }
0xe0: {  	v19 =	vld [tilespmem:s31+$0x7C70];
	v14 =	vmul.f32 v15, v14;
	v15 =	vmul.f32 v18, v16  }
0xe1: {  	v16 =	vunpack.i.u.bf16.f32 v20;
	v18 =	vld [tilespmem:s31+$0x9C70];
	v20 =	vunpack.i.l.bf16.f32 v20;
	v12 =	vadd.f32 v13, v12  }
0xe2: {  	v22 =	vld [tilespmem:s31+$0x7E40];
	v13 =	vperm.xlane v11, v0;
	v21 =	vunpack.i.u.bf16.f32 v17;
	v17 =	vunpack.i.l.bf16.f32 v17  }
0xe3: {  	v14 =	vadd.f32 v14, v15;
	v15 =	vld [tilespmem:s31+$0x9E40];
	v17 =	vmul.f32 v17, v20;
	v16 =	vmul.f32 v21, v16  }
0xe4: {  	v9 =	vadd.f32 v9, v10;
	v10 =	vadd.f32 v13, v11  }
0xe5: {  	v11 =	vunpack.i.u.bf16.f32 v19;
	v12 =	vadd.f32 v14, v12;
	v14 =	vld [tilespmem:s31+$0x9E50];
	v13 =	vadd.f32 v17, v16  }
0xe6: {  	v20 =	vld [tilespmem:s31+$0x7E50];
	v16 =	vunpack.i.l.bf16.f32 v19;
	v17 =	vunpack.i.u.bf16.f32 v18;
	v18 =	vunpack.i.l.bf16.f32 v18  }
0xe7: {  	v21 =	vunpack.i.l.bf16.f32 v22;
	v19 =	vld [tilespmem:s31+$0x7E60];
	v16 =	vmul.f32 v18, v16;
	v11 =	vmul.f32 v17, v11  }
0xe8: {  	v17 =	vunpack.i.u.bf16.f32 v22;
	v18 =	vld [tilespmem:s31+$0x9E60];
	v22 =	vunpack.i.u.bf16.f32 v15;
	v15 =	vunpack.i.l.bf16.f32 v15  }
0xe9: {  	v23 =	vld [tilespmem:s31+$0x7E70];
	v15 =	vmul.f32 v15, v21  }
0xea: {  	v17 =	vmul.f32 v22, v17;
	v22 =	vld [tilespmem:s31+$0x9E70];
	v24 =	vunpack.i.u.bf16.f32 v14;
	v14 =	vunpack.i.l.bf16.f32 v14  }
0xeb: {  	v21 =	vunpack.i.u.bf16.f32 v20;
	v20 =	vunpack.i.l.bf16.f32 v20;
	v11 =	vadd.f32 v16, v11  }
0xec: {  	v14 =	vmul.f32 v14, v20;
	v20 =	vmul.f32 v24, v21;
	v21 =	vunpack.i.u.bf16.f32 v19  }
0xed: {  	v25 =	vld [tilespmem:s31+$0x7BC0];
	v19 =	vunpack.i.l.bf16.f32 v19;
	v24 =	vunpack.i.u.bf16.f32 v18;
	v18 =	vunpack.i.l.bf16.f32 v18  }
0xee: {  	v18 =	vmul.f32 v18, v19;
	v19 =	vmul.f32 v24, v21;
	v21 =	vunpack.i.u.bf16.f32 v23;
	v24 =	vld [tilespmem:s31+$0x9BC0]  }
0xef: {  	v27 =	vld [tilespmem:s31+$0x7BD0];
	v23 =	vunpack.i.l.bf16.f32 v23;
	v26 =	vunpack.i.u.bf16.f32 v22;
	v22 =	vunpack.i.l.bf16.f32 v22  }
0xf0: {  	v16 =	vmul.f32 v22, v23;
	v22 =	vld [tilespmem:s31+$0x9BD0]  }
0xf1: {  	v15 =	vadd.f32 v15, v17;
	v11 =	vadd.f32 v11, v13;
	v21 =	vmul.f32 v26, v21  }
0xf2: {  	v14 =	vadd.f32 v14, v20;
	v17 =	vadd.f32 v18, v19  }
0xf3: {  	v23 =	vld [tilespmem:s31+$0x7BE0];
	v19 =	vunpack.i.l.bf16.f32 v25;
	v16 =	vadd.f32 v16, v21;
	v21 =	vunpack.i.l.bf16.f32 v24  }
0xf4: {  	v18 =	vunpack.i.u.bf16.f32 v25;
	v20 =	vunpack.i.u.bf16.f32 v24;
	v19 =	vmul.f32 v21, v19;
	v21 =	vld [tilespmem:s31+$0x9BE0]  }
0xf5: {  	v26 =	vld [tilespmem:s31+$0x7BF0];
	v24 =	vunpack.i.l.bf16.f32 v27;
	v25 =	vunpack.i.u.bf16.f32 v22;
	v22 =	vunpack.i.l.bf16.f32 v22  }
0xf6: {  	v18 =	vmul.f32 v20, v18;
	v20 =	vunpack.i.u.bf16.f32 v27;
	v13 =	vmul.f32 v22, v24;
	v22 =	vld [tilespmem:s31+$0x9BF0]  }
0xf7: {  	v14 =	vadd.f32 v14, v15;
	v15 =	vadd.f32 v16, v17;
	v20 =	vmul.f32 v25, v20  }
0xf8: {  	v16 =	vunpack.i.u.bf16.f32 v23;
	v17 =	vadd.f32 v19, v18;
	v18 =	vunpack.i.l.bf16.f32 v23  }
0xf9: {  	v13 =	vadd.f32 v13, v20;
	v19 =	vunpack.i.u.bf16.f32 v21;
	v20 =	vunpack.i.l.bf16.f32 v21;
	v21 =	vld [tilespmem:s31+$0x7DC0]  }
0xfa: {  	v23 =	vunpack.i.l.bf16.f32 v26;
	v18 =	vmul.f32 v20, v18;
	v16 =	vmul.f32 v19, v16;
	v20 =	vld [tilespmem:s31+$0x9DC0]  }
0xfb: {  	v25 =	vld [tilespmem:s31+$0x7DD0];
	v19 =	vunpack.i.u.bf16.f32 v26;
	v24 =	vunpack.i.u.bf16.f32 v22;
	v22 =	vunpack.i.l.bf16.f32 v22  }
0xfc: {  	v11 =	vadd.f32 v11, v12;
	v12 =	vmul.f32 v22, v23;
	v19 =	vmul.f32 v24, v19;
	v22 =	vld [tilespmem:s31+$0x9DD0]  }
0xfd: {  	v14 =	vadd.f32 v15, v14;
	v15 =	vld [tilespmem:s31+$0x7DE0];
	v13 =	vadd.f32 v13, v17  }
0xfe: {  	v16 =	vadd.f32 v18, v16;
	v18 =	vld [tilespmem:s31+$0x9DE0];
	v12 =	vadd.f32 v12, v19;
	v17 =	vunpack.i.u.bf16.f32 v21  }
0xff: {  	v23 =	vld [tilespmem:s31+$0x7DF0];
	v19 =	vunpack.i.l.bf16.f32 v21;
	v21 =	vunpack.i.u.bf16.f32 v20;
	v20 =	vunpack.i.l.bf16.f32 v20  }
0x100: {  	v24 =	vunpack.i.l.bf16.f32 v25;
	v19 =	vmul.f32 v20, v19;
	v17 =	vmul.f32 v21, v17;
	v21 =	vld [tilespmem:s31+$0x9DF0]  }
0x101: {  	v20 =	vunpack.i.u.bf16.f32 v25;
	v25 =	vunpack.i.u.bf16.f32 v22;
	v22 =	vunpack.i.l.bf16.f32 v22  }
0x102: {  	v22 =	vmul.f32 v22, v24;
	v20 =	vmul.f32 v25, v20;
	v24 =	vunpack.i.u.bf16.f32 v15  }
0x103: {  	v26 =	vld [tilespmem:s31+$0x7CC0];
	v15 =	vunpack.i.l.bf16.f32 v15;
	v25 =	vunpack.i.u.bf16.f32 v18;
	v18 =	vunpack.i.l.bf16.f32 v18  }
0x104: {  	v15 =	vmul.f32 v18, v15;
	v18 =	vmul.f32 v25, v24;
	v24 =	vunpack.i.u.bf16.f32 v23;
	v25 =	vld [tilespmem:s31+$0x9CC0]  }
0x105: {  	v28 =	vld [tilespmem:s31+$0x7CD0];
	v23 =	vunpack.i.l.bf16.f32 v23;
	v27 =	vunpack.i.u.bf16.f32 v21;
	v21 =	vunpack.i.l.bf16.f32 v21  }
0x106: {  	v12 =	vadd.f32 v12, v16;
	v16 =	vmul.f32 v21, v23;
	v21 =	vmul.f32 v27, v24;
	v23 =	vld [tilespmem:s31+$0x9CD0]  }
0x107: {  	v17 =	vadd.f32 v19, v17;
	v19 =	vadd.f32 v22, v20;
	v20 =	vld [tilespmem:s31+$0x7CE0]  }
0x108: {  	v22 =	vunpack.i.l.bf16.f32 v26;
	v15 =	vadd.f32 v15, v18;
	v16 =	vadd.f32 v16, v21;
	v21 =	vld [tilespmem:s31+$0x9CE0]  }
0x109: {  	v18 =	vunpack.i.u.bf16.f32 v26;
	v24 =	vunpack.i.u.bf16.f32 v25;
	v25 =	vunpack.i.l.bf16.f32 v25  }
0x10a: {  	v22 =	vmul.f32 v25, v22;
	v18 =	vmul.f32 v24, v18;
	v24 =	vunpack.i.u.bf16.f32 v28  }
0x10b: {  	v27 =	vld [tilespmem:s31+$0x7CF0];
	v25 =	vunpack.i.l.bf16.f32 v28;
	v26 =	vunpack.i.u.bf16.f32 v23;
	v23 =	vunpack.i.l.bf16.f32 v23  }
0x10c: {  	v23 =	vmul.f32 v23, v25;
	v24 =	vmul.f32 v26, v24;
	v25 =	vunpack.i.u.bf16.f32 v20;
	v26 =	vld [tilespmem:s31+$0x9CF0]  }
0x10d: {  	v29 =	vld [tilespmem:s31+$0x7EC0];
	v20 =	vunpack.i.l.bf16.f32 v20;
	v28 =	vunpack.i.u.bf16.f32 v21;
	v21 =	vunpack.i.l.bf16.f32 v21  }
0x10e: {  	v17 =	vadd.f32 v19, v17;
	v19 =	vmul.f32 v21, v20;
	v20 =	vmul.f32 v28, v25;
	v21 =	vld [tilespmem:s31+$0x9EC0]  }
0x10f: {  	v15 =	vadd.f32 v16, v15;
	v16 =	vadd.f32 v22, v18;
	v18 =	vld [tilespmem:s31+$0x7ED0]  }
0x110: {  	v22 =	vunpack.i.u.bf16.f32 v27;
	v23 =	vadd.f32 v23, v24;
	v19 =	vadd.f32 v19, v20;
	v20 =	vld [tilespmem:s31+$0x9ED0]  }
0x111: {  	v24 =	vunpack.i.l.bf16.f32 v27;
	v27 =	vld [tilespmem:s31+$0x7EE0];
	v25 =	vunpack.i.u.bf16.f32 v26;
	v26 =	vunpack.i.l.bf16.f32 v26  }
0x112: {  	v28 =	vunpack.i.l.bf16.f32 v29;
	v24 =	vmul.f32 v26, v24;
	v22 =	vmul.f32 v25, v22;
	v26 =	vld [tilespmem:s31+$0x9EE0]  }
0x113: {  	v30 =	vld [tilespmem:s31+$0x7EF0];
	v25 =	vunpack.i.u.bf16.f32 v29;
	v29 =	vunpack.i.u.bf16.f32 v21;
	v21 =	vunpack.i.l.bf16.f32 v21  }
0x114: {  	v21 =	vmul.f32 v21, v28;
	v25 =	vmul.f32 v29, v25;
	v28 =	vunpack.i.u.bf16.f32 v18;
	v29 =	vld [tilespmem:s31+$0x9EF0]  }
0x115: {  	v18 =	vunpack.i.l.bf16.f32 v18;
	v31 =	vunpack.i.u.bf16.f32 v20;
	v20 =	vunpack.i.l.bf16.f32 v20  }
0x116: {  	v18 =	vmul.f32 v20, v18;
	v20 =	vmul.f32 v31, v28;
	v28 =	vunpack.i.u.bf16.f32 v27  }
0x117: {  	v27 =	vunpack.i.l.bf16.f32 v27;
	v31 =	vunpack.i.u.bf16.f32 v26;
	v26 =	vunpack.i.l.bf16.f32 v26  }
0x118: {  	v26 =	vmul.f32 v26, v27;
	v27 =	vmul.f32 v31, v28;
	v28 =	vunpack.i.u.bf16.f32 v30  }
0x119: {  	v30 =	vunpack.i.l.bf16.f32 v30;
	v31 =	vunpack.i.u.bf16.f32 v29;
	v29 =	vunpack.i.l.bf16.f32 v29  }
0x11a: {  	v22 =	vadd.f32 v24, v22;
	v24 =	vmul.f32 v29, v30;
	v28 =	vmul.f32 v31, v28  }
0x11b: {  	v21 =	vadd.f32 v21, v25;
	v18 =	vadd.f32 v18, v20  }
0x11c: {  	v20 =	vadd.f32 v26, v27;
	v24 =	vadd.f32 v24, v28  }
0x11d: {  	v16 =	vadd.f32 v23, v16;
	v19 =	vadd.f32 v22, v19  }
0x11e: {  	v18 =	vadd.f32 v18, v21;
	v20 =	vadd.f32 v24, v20  }
0x11f: {  	v12 =	vadd.f32 v12, v13;
	v13 =	vadd.f32 v15, v17;
	v15 =	vperm.xlane v11, v0  }
0x120: {  	v16 =	vadd.f32 v19, v16;
	v17 =	vadd.f32 v20, v18;
	v18 =	vperm.xlane v14, v0  }
0x121: {  	v11 =	vadd.f32 v15, v11;
	v15 =	vperm.xlane v12, v0;
	v19 =	vperm.xlane v13, v0  }
0x122: {  	v14 =	vadd.f32 v18, v14;
	v18 =	vperm.xlane v16, v0;
	v20 =	vperm.xlane v17, v0  }
0x123: {  	v7 =	vsel vm2, v7, v8;
	v8 =	vadd.f32 v15, v12;
	v12 =	vadd.f32 v19, v13  }
0x124: {  	v9 =	vsel vm2, v9, v10;
	v10 =	vadd.f32 v18, v16;
	v13 =	vadd.f32 v20, v17  }
0x125: {  	v15 =	vperm.xlane v9, v1;
	v11 =	vsel vm2, v11, v14;
	v14 =	vperm.xlane v7, v1  }
0x126: {  	v8 =	vsel vm2, v8, v12;
	v12 =	vperm.xlane v11, v1;
	v10 =	vsel vm2, v10, v13  }
0x127: {  	v7 =	vadd.f32 v14, v7;
	v13 =	vperm.xlane v8, v1;
	v14 =	vperm.xlane v10, v1  }
0x128: {  	v9 =	vadd.f32 v15, v9;
	v11 =	vadd.f32 v12, v11  }
0x129: {  	v4 =	vsel vm0, v4, v6;
	v6 =	vadd.f32 v13, v8;
	v8 =	vadd.f32 v14, v10  }
0x12a: {  	v5 =	vsel vm0, v5, v7;
	v9 =	vsel vm0, v9, v11  }
0x12b: {  	v7 =	vperm.xlane v4, v2;
	v10 =	vperm.xlane v9, v2;
	v6 =	vsel vm0, v6, v8  }
0x12c: {  	v8 =	vperm.xlane v5, v2;
	v11 =	vperm.xlane v6, v2  }
0x12d: {  	v4 =	vadd.f32 v7, v4;
	v7 =	vadd.f32 v10, v9  }
0x12e: {  	v5 =	vadd.f32 v8, v5;
	v6 =	vadd.f32 v11, v6;
	_ =	sdelay $0x1  }
0x12f: {  	v4 =	vsel vm1, v4, v5;
	v5 =	vsel vm1, v7, v6  }
0x130: {  	v6 =	vperm.xlane v4, v3;
	v7 =	vperm.xlane v5, v3;
	_ =	sdelay $0x1  }
0x131: {  	v4 =	vadd.f32 v6, v4;
	v5 =	vadd.f32 v7, v5;
	_ =	sdelay $0x1  }
0x132: {  	v4 =	vsel vm3, v4, v5  }
0x133: {  	s24 =	simm.s32 $0x400;
	[tilespmem:s22+$0x0] =	vst v4  }
0x134: {  	v4 =	vld [tilespmem:s24+$0x7B00]  }
0x135: {  	v5 =	vld [tilespmem:s24+$0x9B00]  }
0x136: {  	v6 =	vld [tilespmem:s24+$0x7B10]  }
0x137: {  	v7 =	vld [tilespmem:s24+$0x9B10]  }
0x138: {  	v10 =	vld [tilespmem:s24+$0x9B20]  }
0x139: {  	v8 =	vld [tilespmem:s24+$0x7B20];
	v9 =	vunpack.i.u.bf16.f32 v4  }
0x13a: {  	v4 =	vunpack.i.l.bf16.f32 v4;
	v11 =	vunpack.i.u.bf16.f32 v5;
	v5 =	vunpack.i.l.bf16.f32 v5  }
0x13b: {  	v4 =	vmul.f32 v5, v4;
	v5 =	vmul.f32 v11, v9;
	v9 =	vunpack.i.u.bf16.f32 v6  }
0x13c: {  	v12 =	vld [tilespmem:s24+$0x7B30];
	v6 =	vunpack.i.l.bf16.f32 v6;
	v11 =	vunpack.i.u.bf16.f32 v7;
	v7 =	vunpack.i.l.bf16.f32 v7  }
0x13d: {  	v13 =	vunpack.i.u.bf16.f32 v10;
	v6 =	vmul.f32 v7, v6;
	v7 =	vmul.f32 v11, v9;
	v11 =	vld [tilespmem:s24+$0x9B30]  }
0x13e: {  	v14 =	vld [tilespmem:s24+$0x7D00];
	v10 =	vunpack.i.l.bf16.f32 v10;
	v9 =	vunpack.i.u.bf16.f32 v8;
	v8 =	vunpack.i.l.bf16.f32 v8  }
0x13f: {  	v8 =	vmul.f32 v10, v8;
	v9 =	vmul.f32 v13, v9;
	v10 =	vld [tilespmem:s24+$0x9D00]  }
0x140: {  	v4 =	vadd.f32 v4, v5;
	v5 =	vld [tilespmem:s24+$0x7D10]  }
0x141: {  	v13 =	vunpack.i.u.bf16.f32 v12;
	v6 =	vadd.f32 v6, v7;
	v7 =	vadd.f32 v8, v9;
	v8 =	vld [tilespmem:s24+$0x9D10]  }
0x142: {  	v9 =	vunpack.i.l.bf16.f32 v12;
	v12 =	vunpack.i.u.bf16.f32 v11;
	v11 =	vunpack.i.l.bf16.f32 v11  }
0x143: {  	v15 =	vld [tilespmem:s24+$0x7D20];
	v9 =	vmul.f32 v11, v9;
	v11 =	vmul.f32 v12, v13;
	v12 =	vunpack.i.u.bf16.f32 v14  }
0x144: {  	v13 =	vld [tilespmem:s24+$0x9D20];
	v14 =	vunpack.i.l.bf16.f32 v14;
	v16 =	vunpack.i.u.bf16.f32 v10;
	v10 =	vunpack.i.l.bf16.f32 v10  }
0x145: {  	v17 =	vld [tilespmem:s24+$0x7D30];
	v10 =	vmul.f32 v10, v14;
	v12 =	vmul.f32 v16, v12;
	v14 =	vunpack.i.u.bf16.f32 v5  }
0x146: {  	v16 =	vld [tilespmem:s24+$0x9D30];
	v5 =	vunpack.i.l.bf16.f32 v5;
	v18 =	vunpack.i.u.bf16.f32 v8;
	v8 =	vunpack.i.l.bf16.f32 v8  }
0x147: {  	v9 =	vadd.f32 v9, v11;
	v5 =	vmul.f32 v8, v5  }
0x148: {  	v8 =	vmul.f32 v18, v14;
	v14 =	vunpack.i.u.bf16.f32 v15;
	v15 =	vunpack.i.l.bf16.f32 v15  }
0x149: {  	v10 =	vadd.f32 v10, v12;
	v18 =	vunpack.i.u.bf16.f32 v13;
	v13 =	vunpack.i.l.bf16.f32 v13  }
0x14a: {  	v13 =	vmul.f32 v13, v15;
	v14 =	vmul.f32 v18, v14;
	v15 =	vunpack.i.u.bf16.f32 v17  }
0x14b: {  	v17 =	vunpack.i.l.bf16.f32 v17;
	v18 =	vunpack.i.u.bf16.f32 v16;
	v16 =	vunpack.i.l.bf16.f32 v16  }
0x14c: {  	v5 =	vadd.f32 v5, v8;
	v8 =	vld [tilespmem:s24+$0x7C00];
	v11 =	vmul.f32 v16, v17;
	v15 =	vmul.f32 v18, v15  }
0x14d: {  	v12 =	vadd.f32 v13, v14;
	v13 =	vld [tilespmem:s24+$0x9C00]  }
0x14e: {  	v5 =	vadd.f32 v5, v10;
	v10 =	vld [tilespmem:s24+$0x9C10];
	v11 =	vadd.f32 v11, v15  }
0x14f: {  	v4 =	vadd.f32 v6, v4;
	v6 =	vadd.f32 v9, v7;
	v7 =	vld [tilespmem:s24+$0x7C10]  }
0x150: {  	v9 =	vadd.f32 v11, v12  }
0x151: {  	v4 =	vadd.f32 v6, v4;
	v6 =	vunpack.i.u.bf16.f32 v8;
	v8 =	vunpack.i.l.bf16.f32 v8  }
0x152: {  	v12 =	vld [tilespmem:s24+$0x7C20];
	v5 =	vadd.f32 v9, v5;
	v9 =	vunpack.i.u.bf16.f32 v13;
	v11 =	vunpack.i.l.bf16.f32 v13  }
0x153: {  	v13 =	vunpack.i.u.bf16.f32 v10;
	v10 =	vunpack.i.l.bf16.f32 v10;
	v8 =	vmul.f32 v11, v8;
	v11 =	vld [tilespmem:s24+$0x9C20]  }
0x154: {  	v14 =	vld [tilespmem:s24+$0x7C30];
	v6 =	vmul.f32 v9, v6;
	v9 =	vunpack.i.u.bf16.f32 v7;
	v7 =	vunpack.i.l.bf16.f32 v7  }
0x155: {  	v7 =	vmul.f32 v10, v7;
	v9 =	vmul.f32 v13, v9;
	v10 =	vld [tilespmem:s24+$0x9C30]  }
0x156: {  	v13 =	vperm.xlane v4, v0;
	v15 =	vperm.xlane v5, v0  }
0x157: {  	v16 =	vunpack.i.u.bf16.f32 v12;
	v6 =	vadd.f32 v8, v6;
	v8 =	vunpack.i.l.bf16.f32 v12  }
0x158: {  	v12 =	vld [tilespmem:s24+$0x7E00];
	v7 =	vadd.f32 v7, v9;
	v9 =	vunpack.i.u.bf16.f32 v11;
	v11 =	vunpack.i.l.bf16.f32 v11  }
0x159: {  	v8 =	vmul.f32 v11, v8;
	v9 =	vmul.f32 v9, v16;
	v11 =	vunpack.i.u.bf16.f32 v14;
	v16 =	vld [tilespmem:s24+$0x9E00]  }
0x15a: {  	v18 =	vld [tilespmem:s24+$0x7E10];
	v14 =	vunpack.i.l.bf16.f32 v14;
	v17 =	vunpack.i.u.bf16.f32 v10;
	v10 =	vunpack.i.l.bf16.f32 v10  }
0x15b: {  	v4 =	vadd.f32 v13, v4;
	v10 =	vmul.f32 v10, v14;
	v11 =	vmul.f32 v17, v11;
	v14 =	vld [tilespmem:s24+$0x9E10]  }
0x15c: {  	v5 =	vadd.f32 v15, v5;
	v6 =	vadd.f32 v7, v6;
	v7 =	vld [tilespmem:s24+$0x7E20]  }
0x15d: {  	v8 =	vadd.f32 v8, v9;
	v9 =	vadd.f32 v10, v11;
	v10 =	vunpack.i.u.bf16.f32 v12;
	v11 =	vld [tilespmem:s24+$0x9E20]  }
0x15e: {  	v12 =	vunpack.i.l.bf16.f32 v12;
	v13 =	vunpack.i.u.bf16.f32 v16;
	v15 =	vunpack.i.l.bf16.f32 v16  }
0x15f: {  	v17 =	vunpack.i.l.bf16.f32 v18;
	v16 =	vld [tilespmem:s24+$0x7E30];
	v12 =	vmul.f32 v15, v12;
	v10 =	vmul.f32 v13, v10  }
0x160: {  	v13 =	vunpack.i.u.bf16.f32 v18;
	v15 =	vld [tilespmem:s24+$0x9E30];
	v18 =	vunpack.i.u.bf16.f32 v14;
	v14 =	vunpack.i.l.bf16.f32 v14  }
0x161: {  	v14 =	vmul.f32 v14, v17;
	v13 =	vmul.f32 v18, v13;
	v17 =	vunpack.i.u.bf16.f32 v7  }
0x162: {  	v19 =	vld [tilespmem:s24+$0x7B80];
	v7 =	vunpack.i.l.bf16.f32 v7;
	v18 =	vunpack.i.u.bf16.f32 v11;
	v11 =	vunpack.i.l.bf16.f32 v11  }
0x163: {  	v21 =	vld [tilespmem:s24+$0x7B90];
	v8 =	vadd.f32 v9, v8;
	v10 =	vadd.f32 v12, v10;
	v7 =	vmul.f32 v11, v7  }
0x164: {  	v11 =	vmul.f32 v18, v17;
	v18 =	vld [tilespmem:s24+$0x9B80];
	v12 =	vadd.f32 v14, v13;
	v17 =	vunpack.i.u.bf16.f32 v16  }
0x165: {  	v14 =	vld [tilespmem:s24+$0x9BA0];
	v16 =	vunpack.i.l.bf16.f32 v16;
	v20 =	vunpack.i.u.bf16.f32 v15;
	v15 =	vunpack.i.l.bf16.f32 v15  }
0x166: {  	v9 =	vmul.f32 v15, v16;
	v15 =	vmul.f32 v20, v17;
	v16 =	vld [tilespmem:s24+$0x9B90]  }
0x167: {  	v6 =	vadd.f32 v8, v6  }
0x168: {  	v13 =	vld [tilespmem:s24+$0x7BA0];
	v7 =	vadd.f32 v7, v11;
	v11 =	vunpack.i.u.bf16.f32 v19;
	v9 =	vadd.f32 v9, v15  }
0x169: {  	v15 =	vunpack.i.l.bf16.f32 v19;
	v17 =	vunpack.i.u.bf16.f32 v18;
	v18 =	vunpack.i.l.bf16.f32 v18  }
0x16a: {  	v15 =	vmul.f32 v18, v15;
	v11 =	vmul.f32 v17, v11;
	v17 =	vunpack.i.u.bf16.f32 v21  }
0x16b: {  	v20 =	vld [tilespmem:s24+$0x7BB0];
	v18 =	vunpack.i.l.bf16.f32 v21;
	v21 =	vunpack.i.u.bf16.f32 v14;
	v19 =	vunpack.i.u.bf16.f32 v16  }
0x16c: {  	v14 =	vunpack.i.l.bf16.f32 v14;
	v16 =	vunpack.i.l.bf16.f32 v16;
	v17 =	vmul.f32 v19, v17;
	v19 =	vld [tilespmem:s24+$0x9BB0]  }
0x16d: {  	v22 =	vld [tilespmem:s24+$0x7D80];
	v16 =	vmul.f32 v16, v18;
	v18 =	vunpack.i.u.bf16.f32 v13;
	v13 =	vunpack.i.l.bf16.f32 v13  }
0x16e: {  	v10 =	vadd.f32 v12, v10;
	v12 =	vmul.f32 v14, v13;
	v13 =	vmul.f32 v21, v18;
	v14 =	vld [tilespmem:s24+$0x9D80]  }
0x16f: {  	v7 =	vadd.f32 v9, v7;
	v9 =	vadd.f32 v15, v11;
	v11 =	vld [tilespmem:s24+$0x7D90]  }
0x170: {  	v15 =	vunpack.i.u.bf16.f32 v20;
	v16 =	vadd.f32 v16, v17;
	v12 =	vadd.f32 v12, v13;
	v13 =	vld [tilespmem:s24+$0x9D90]  }
0x171: {  	v17 =	vunpack.i.l.bf16.f32 v20;
	v20 =	vld [tilespmem:s24+$0x7DA0];
	v18 =	vunpack.i.u.bf16.f32 v19;
	v19 =	vunpack.i.l.bf16.f32 v19  }
0x172: {  	v21 =	vunpack.i.l.bf16.f32 v22;
	v17 =	vmul.f32 v19, v17;
	v15 =	vmul.f32 v18, v15;
	v19 =	vld [tilespmem:s24+$0x9DA0]  }
0x173: {  	v23 =	vld [tilespmem:s24+$0x7DB0];
	v18 =	vunpack.i.u.bf16.f32 v22;
	v22 =	vunpack.i.u.bf16.f32 v14;
	v14 =	vunpack.i.l.bf16.f32 v14  }
0x174: {  	v14 =	vmul.f32 v14, v21;
	v18 =	vmul.f32 v22, v18;
	v21 =	vunpack.i.u.bf16.f32 v11;
	v22 =	vld [tilespmem:s24+$0x9DB0]  }
0x175: {  	v11 =	vunpack.i.l.bf16.f32 v11;
	v24 =	vunpack.i.u.bf16.f32 v13;
	v13 =	vunpack.i.l.bf16.f32 v13  }
0x176: {  	v11 =	vmul.f32 v13, v11;
	v13 =	vmul.f32 v24, v21;
	v21 =	vunpack.i.u.bf16.f32 v20  }
0x177: {  	v20 =	vunpack.i.l.bf16.f32 v20;
	v24 =	vunpack.i.u.bf16.f32 v19;
	v19 =	vunpack.i.l.bf16.f32 v19  }
0x178: {  	v19 =	vmul.f32 v19, v20;
	v20 =	vmul.f32 v24, v21;
	v21 =	vunpack.i.u.bf16.f32 v23  }
0x179: {  	v23 =	vunpack.i.l.bf16.f32 v23;
	v24 =	vunpack.i.u.bf16.f32 v22;
	v22 =	vunpack.i.l.bf16.f32 v22  }
0x17a: {  	v15 =	vadd.f32 v17, v15;
	v17 =	vmul.f32 v22, v23;
	v21 =	vmul.f32 v24, v21  }
0x17b: {  	v14 =	vadd.f32 v14, v18;
	v11 =	vadd.f32 v11, v13  }
0x17c: {  	v13 =	vadd.f32 v19, v20;
	v17 =	vadd.f32 v17, v21  }
0x17d: {  	v9 =	vadd.f32 v16, v9;
	v12 =	vadd.f32 v15, v12  }
0x17e: {  	v11 =	vadd.f32 v11, v14;
	v13 =	vadd.f32 v17, v13  }
0x17f: {  	v8 =	vld [tilespmem:s24+$0x7C80];
	v9 =	vadd.f32 v12, v9;
	v12 =	vperm.xlane v6, v0  }
0x180: {  	v4 =	vsel vm2, v4, v5;
	v7 =	vadd.f32 v7, v10;
	v10 =	vadd.f32 v13, v11;
	v11 =	vld [tilespmem:s24+$0x9C80]  }
0x181: {  	v15 =	vld [tilespmem:s24+$0x7C90];
	v5 =	vperm.xlane v9, v0;
	v6 =	vadd.f32 v12, v6;
	v12 =	vperm.xlane v4, v1  }
0x182: {  	v13 =	vperm.xlane v7, v0  }
0x183: {  	v16 =	vld [tilespmem:s24+$0x9C90];
	v5 =	vadd.f32 v5, v9;
	v4 =	vadd.f32 v12, v4;
	v14 =	vperm.xlane v10, v0  }
0x184: {  	v7 =	vadd.f32 v13, v7;
	v13 =	vunpack.i.u.bf16.f32 v8;
	v8 =	vunpack.i.l.bf16.f32 v8  }
0x185: {  	v9 =	vadd.f32 v14, v10;
	v14 =	vld [tilespmem:s24+$0x7CA0];
	v10 =	vunpack.i.u.bf16.f32 v11;
	v11 =	vunpack.i.l.bf16.f32 v11  }
0x186: {  	v12 =	vunpack.i.l.bf16.f32 v15;
	v6 =	vsel vm2, v6, v7;
	v8 =	vmul.f32 v11, v8;
	v11 =	vld [tilespmem:s24+$0x9CA0]  }
0x187: {  	v7 =	vperm.xlane v6, v1;
	v10 =	vmul.f32 v10, v13;
	v5 =	vsel vm2, v5, v9  }
0x188: {  	v9 =	vunpack.i.u.bf16.f32 v15;
	v13 =	vunpack.i.u.bf16.f32 v16;
	v15 =	vunpack.i.l.bf16.f32 v16  }
0x189: {  	v16 =	vld [tilespmem:s24+$0x7CB0];
	v12 =	vmul.f32 v15, v12;
	v9 =	vmul.f32 v13, v9  }
0x18a: {  	v15 =	vld [tilespmem:s24+$0x9CB0];
	v8 =	vadd.f32 v8, v10;
	v10 =	vperm.xlane v5, v1;
	v13 =	vunpack.i.u.bf16.f32 v14  }
0x18b: {  	v18 =	vld [tilespmem:s24+$0x7E80];
	v14 =	vunpack.i.l.bf16.f32 v14;
	v17 =	vunpack.i.u.bf16.f32 v11;
	v11 =	vunpack.i.l.bf16.f32 v11  }
0x18c: {  	v9 =	vadd.f32 v12, v9;
	v12 =	vld [tilespmem:s24+$0x9E80];
	v11 =	vmul.f32 v11, v14;
	v13 =	vmul.f32 v17, v13  }
0x18d: {  	v6 =	vadd.f32 v7, v6;
	v5 =	vadd.f32 v10, v5  }
0x18e: {  	v7 =	vunpack.i.u.bf16.f32 v16;
	v8 =	vadd.f32 v9, v8;
	v9 =	vld [tilespmem:s24+$0x9E90];
	v10 =	vadd.f32 v11, v13  }
0x18f: {  	v14 =	vld [tilespmem:s24+$0x7E90];
	v11 =	vunpack.i.l.bf16.f32 v16;
	v13 =	vunpack.i.u.bf16.f32 v15;
	v15 =	vunpack.i.l.bf16.f32 v15  }
0x190: {  	v17 =	vunpack.i.l.bf16.f32 v18;
	v16 =	vld [tilespmem:s24+$0x7EA0];
	v11 =	vmul.f32 v15, v11;
	v7 =	vmul.f32 v13, v7  }
0x191: {  	v13 =	vunpack.i.u.bf16.f32 v18;
	v15 =	vld [tilespmem:s24+$0x9EA0];
	v18 =	vunpack.i.u.bf16.f32 v12;
	v12 =	vunpack.i.l.bf16.f32 v12  }
0x192: {  	v19 =	vld [tilespmem:s24+$0x7EB0];
	v12 =	vmul.f32 v12, v17  }
0x193: {  	v13 =	vmul.f32 v18, v13;
	v18 =	vld [tilespmem:s24+$0x9EB0];
	v20 =	vunpack.i.u.bf16.f32 v9;
	v9 =	vunpack.i.l.bf16.f32 v9  }
0x194: {  	v17 =	vunpack.i.u.bf16.f32 v14;
	v14 =	vunpack.i.l.bf16.f32 v14;
	v7 =	vadd.f32 v11, v7  }
0x195: {  	v9 =	vmul.f32 v9, v14;
	v14 =	vmul.f32 v20, v17;
	v17 =	vunpack.i.u.bf16.f32 v16  }
0x196: {  	v21 =	vld [tilespmem:s24+$0x7B40];
	v16 =	vunpack.i.l.bf16.f32 v16;
	v20 =	vunpack.i.u.bf16.f32 v15;
	v15 =	vunpack.i.l.bf16.f32 v15  }
0x197: {  	v15 =	vmul.f32 v15, v16;
	v16 =	vmul.f32 v20, v17;
	v17 =	vunpack.i.u.bf16.f32 v19;
	v20 =	vld [tilespmem:s24+$0x9B40]  }
0x198: {  	v23 =	vld [tilespmem:s24+$0x7B50];
	v19 =	vunpack.i.l.bf16.f32 v19;
	v22 =	vunpack.i.u.bf16.f32 v18;
	v18 =	vunpack.i.l.bf16.f32 v18  }
0x199: {  	v11 =	vmul.f32 v18, v19;
	v18 =	vld [tilespmem:s24+$0x9B50]  }
0x19a: {  	v12 =	vadd.f32 v12, v13;
	v7 =	vadd.f32 v7, v10;
	v17 =	vmul.f32 v22, v17  }
0x19b: {  	v9 =	vadd.f32 v9, v14;
	v13 =	vadd.f32 v15, v16  }
0x19c: {  	v19 =	vld [tilespmem:s24+$0x7B60];
	v15 =	vunpack.i.l.bf16.f32 v21;
	v11 =	vadd.f32 v11, v17;
	v17 =	vunpack.i.l.bf16.f32 v20  }
0x19d: {  	v14 =	vunpack.i.u.bf16.f32 v21;
	v16 =	vunpack.i.u.bf16.f32 v20;
	v15 =	vmul.f32 v17, v15;
	v17 =	vld [tilespmem:s24+$0x9B60]  }
0x19e: {  	v22 =	vld [tilespmem:s24+$0x7B70];
	v20 =	vunpack.i.l.bf16.f32 v23;
	v21 =	vunpack.i.u.bf16.f32 v18;
	v18 =	vunpack.i.l.bf16.f32 v18  }
0x19f: {  	v14 =	vmul.f32 v16, v14;
	v16 =	vunpack.i.u.bf16.f32 v23;
	v10 =	vmul.f32 v18, v20;
	v18 =	vld [tilespmem:s24+$0x9B70]  }
0x1a0: {  	v9 =	vadd.f32 v9, v12;
	v11 =	vadd.f32 v11, v13;
	v16 =	vmul.f32 v21, v16  }
0x1a1: {  	v12 =	vunpack.i.u.bf16.f32 v19;
	v21 =	vld [tilespmem:s24+$0x7D50];
	v13 =	vadd.f32 v15, v14;
	v14 =	vunpack.i.l.bf16.f32 v19  }
0x1a2: {  	v10 =	vadd.f32 v10, v16;
	v15 =	vunpack.i.u.bf16.f32 v17;
	v16 =	vunpack.i.l.bf16.f32 v17;
	v17 =	vld [tilespmem:s24+$0x7D40]  }
0x1a3: {  	v19 =	vunpack.i.l.bf16.f32 v22;
	v14 =	vmul.f32 v16, v14;
	v12 =	vmul.f32 v15, v12;
	v16 =	vld [tilespmem:s24+$0x9D40]  }
0x1a4: {  	v15 =	vunpack.i.u.bf16.f32 v22;
	v20 =	vunpack.i.u.bf16.f32 v18;
	v18 =	vunpack.i.l.bf16.f32 v18  }
0x1a5: {  	v7 =	vadd.f32 v7, v8;
	v8 =	vmul.f32 v18, v19;
	v15 =	vmul.f32 v20, v15;
	v18 =	vld [tilespmem:s24+$0x9D50]  }
0x1a6: {  	v9 =	vadd.f32 v11, v9;
	v11 =	vld [tilespmem:s24+$0x7D60];
	v10 =	vadd.f32 v10, v13;
	v20 =	vunpack.i.l.bf16.f32 v21  }
0x1a7: {  	v12 =	vadd.f32 v14, v12;
	v14 =	vld [tilespmem:s24+$0x9D60];
	v8 =	vadd.f32 v8, v15;
	v13 =	vunpack.i.u.bf16.f32 v17  }
0x1a8: {  	v19 =	vld [tilespmem:s24+$0x7D70];
	v15 =	vunpack.i.l.bf16.f32 v17;
	v17 =	vunpack.i.u.bf16.f32 v16;
	v16 =	vunpack.i.l.bf16.f32 v16  }
0x1a9: {  	v8 =	vadd.f32 v8, v12;
	v15 =	vmul.f32 v16, v15;
	v13 =	vmul.f32 v17, v13;
	v17 =	vld [tilespmem:s24+$0x9D70]  }
0x1aa: {  	v16 =	vunpack.i.u.bf16.f32 v21;
	v21 =	vunpack.i.u.bf16.f32 v18;
	v18 =	vunpack.i.l.bf16.f32 v18  }
0x1ab: {  	v18 =	vmul.f32 v18, v20;
	v16 =	vmul.f32 v21, v16;
	v20 =	vunpack.i.u.bf16.f32 v11  }
0x1ac: {  	v11 =	vunpack.i.l.bf16.f32 v11;
	v21 =	vunpack.i.u.bf16.f32 v14;
	v14 =	vunpack.i.l.bf16.f32 v14  }
0x1ad: {  	v11 =	vmul.f32 v14, v11;
	v14 =	vmul.f32 v21, v20;
	v20 =	vunpack.i.u.bf16.f32 v19  }
0x1ae: {  	v22 =	vld [tilespmem:s24+$0x7C40];
	v19 =	vunpack.i.l.bf16.f32 v19;
	v21 =	vunpack.i.u.bf16.f32 v17;
	v17 =	vunpack.i.l.bf16.f32 v17  }
0x1af: {  	v10 =	vadd.f32 v8, v10;
	v12 =	vmul.f32 v17, v19;
	v17 =	vmul.f32 v21, v20;
	v19 =	vld [tilespmem:s24+$0x9C40]  }
0x1b0: {  	v8 =	vperm.xlane v7, v0;
	v13 =	vadd.f32 v15, v13;
	v15 =	vadd.f32 v18, v16  }
0x1b1: {  	v16 =	vperm.xlane v9, v0;
	v11 =	vadd.f32 v11, v14;
	v14 =	vld [tilespmem:s24+$0x7C50];
	v12 =	vadd.f32 v12, v17  }
0x1b2: {  	v7 =	vadd.f32 v8, v7;
	v13 =	vadd.f32 v15, v13;
	v15 =	vld [tilespmem:s24+$0x9C50]  }
0x1b3: {  	v8 =	vadd.f32 v16, v9;
	v11 =	vadd.f32 v12, v11  }
0x1b4: {  	v20 =	vld [tilespmem:s24+$0x7C60];
	v17 =	vunpack.i.l.bf16.f32 v22;
	v18 =	vunpack.i.u.bf16.f32 v19;
	v19 =	vunpack.i.l.bf16.f32 v19  }
0x1b5: {  	v9 =	vperm.xlane v10, v0;
	v11 =	vadd.f32 v11, v13;
	v13 =	vmul.f32 v19, v17;
	v17 =	vld [tilespmem:s24+$0x9C60]  }
0x1b6: {  	v16 =	vunpack.i.u.bf16.f32 v14;
	v14 =	vunpack.i.l.bf16.f32 v14;
	v12 =	vunpack.i.u.bf16.f32 v22  }
0x1b7: {  	v12 =	vmul.f32 v18, v12;
	v18 =	vunpack.i.u.bf16.f32 v15;
	v15 =	vunpack.i.l.bf16.f32 v15  }
0x1b8: {  	v19 =	vld [tilespmem:s24+$0x7C70];
	v14 =	vmul.f32 v15, v14;
	v15 =	vmul.f32 v18, v16  }
0x1b9: {  	v16 =	vunpack.i.u.bf16.f32 v20;
	v18 =	vld [tilespmem:s24+$0x9C70];
	v20 =	vunpack.i.l.bf16.f32 v20;
	v12 =	vadd.f32 v13, v12  }
0x1ba: {  	v22 =	vld [tilespmem:s24+$0x7E40];
	v13 =	vperm.xlane v11, v0;
	v21 =	vunpack.i.u.bf16.f32 v17;
	v17 =	vunpack.i.l.bf16.f32 v17  }
0x1bb: {  	v14 =	vadd.f32 v14, v15;
	v15 =	vld [tilespmem:s24+$0x9E40];
	v17 =	vmul.f32 v17, v20;
	v16 =	vmul.f32 v21, v16  }
0x1bc: {  	v9 =	vadd.f32 v9, v10;
	v10 =	vadd.f32 v13, v11  }
0x1bd: {  	v11 =	vunpack.i.u.bf16.f32 v19;
	v12 =	vadd.f32 v14, v12;
	v14 =	vld [tilespmem:s24+$0x9E50];
	v13 =	vadd.f32 v17, v16  }
0x1be: {  	v20 =	vld [tilespmem:s24+$0x7E50];
	v16 =	vunpack.i.l.bf16.f32 v19;
	v17 =	vunpack.i.u.bf16.f32 v18;
	v18 =	vunpack.i.l.bf16.f32 v18  }
0x1bf: {  	v21 =	vunpack.i.l.bf16.f32 v22;
	v19 =	vld [tilespmem:s24+$0x7E60];
	v16 =	vmul.f32 v18, v16;
	v11 =	vmul.f32 v17, v11  }
0x1c0: {  	v17 =	vunpack.i.u.bf16.f32 v22;
	v18 =	vld [tilespmem:s24+$0x9E60];
	v22 =	vunpack.i.u.bf16.f32 v15;
	v15 =	vunpack.i.l.bf16.f32 v15  }
0x1c1: {  	v23 =	vld [tilespmem:s24+$0x7E70];
	v15 =	vmul.f32 v15, v21  }
0x1c2: {  	v17 =	vmul.f32 v22, v17;
	v22 =	vld [tilespmem:s24+$0x9E70];
	v24 =	vunpack.i.u.bf16.f32 v14;
	v14 =	vunpack.i.l.bf16.f32 v14  }
0x1c3: {  	v21 =	vunpack.i.u.bf16.f32 v20;
	v20 =	vunpack.i.l.bf16.f32 v20;
	v11 =	vadd.f32 v16, v11  }
0x1c4: {  	v14 =	vmul.f32 v14, v20;
	v20 =	vmul.f32 v24, v21;
	v21 =	vunpack.i.u.bf16.f32 v19  }
0x1c5: {  	v25 =	vld [tilespmem:s24+$0x7BC0];
	v19 =	vunpack.i.l.bf16.f32 v19;
	v24 =	vunpack.i.u.bf16.f32 v18;
	v18 =	vunpack.i.l.bf16.f32 v18  }
0x1c6: {  	v18 =	vmul.f32 v18, v19;
	v19 =	vmul.f32 v24, v21;
	v21 =	vunpack.i.u.bf16.f32 v23;
	v24 =	vld [tilespmem:s24+$0x9BC0]  }
0x1c7: {  	v27 =	vld [tilespmem:s24+$0x7BD0];
	v23 =	vunpack.i.l.bf16.f32 v23;
	v26 =	vunpack.i.u.bf16.f32 v22;
	v22 =	vunpack.i.l.bf16.f32 v22  }
0x1c8: {  	v16 =	vmul.f32 v22, v23;
	v22 =	vld [tilespmem:s24+$0x9BD0]  }
0x1c9: {  	v15 =	vadd.f32 v15, v17;
	v11 =	vadd.f32 v11, v13;
	v21 =	vmul.f32 v26, v21  }
0x1ca: {  	v14 =	vadd.f32 v14, v20;
	v17 =	vadd.f32 v18, v19  }
0x1cb: {  	v23 =	vld [tilespmem:s24+$0x7BE0];
	v19 =	vunpack.i.l.bf16.f32 v25;
	v16 =	vadd.f32 v16, v21;
	v21 =	vunpack.i.l.bf16.f32 v24  }
0x1cc: {  	v18 =	vunpack.i.u.bf16.f32 v25;
	v20 =	vunpack.i.u.bf16.f32 v24;
	v19 =	vmul.f32 v21, v19;
	v21 =	vld [tilespmem:s24+$0x9BE0]  }
0x1cd: {  	v26 =	vld [tilespmem:s24+$0x7BF0];
	v24 =	vunpack.i.l.bf16.f32 v27;
	v25 =	vunpack.i.u.bf16.f32 v22;
	v22 =	vunpack.i.l.bf16.f32 v22  }
0x1ce: {  	v18 =	vmul.f32 v20, v18;
	v20 =	vunpack.i.u.bf16.f32 v27;
	v13 =	vmul.f32 v22, v24;
	v22 =	vld [tilespmem:s24+$0x9BF0]  }
0x1cf: {  	v14 =	vadd.f32 v14, v15;
	v15 =	vadd.f32 v16, v17;
	v20 =	vmul.f32 v25, v20  }
0x1d0: {  	v16 =	vunpack.i.u.bf16.f32 v23;
	v17 =	vadd.f32 v19, v18;
	v18 =	vunpack.i.l.bf16.f32 v23  }
0x1d1: {  	v13 =	vadd.f32 v13, v20;
	v19 =	vunpack.i.u.bf16.f32 v21;
	v20 =	vunpack.i.l.bf16.f32 v21;
	v21 =	vld [tilespmem:s24+$0x7DC0]  }
0x1d2: {  	v23 =	vunpack.i.l.bf16.f32 v26;
	v18 =	vmul.f32 v20, v18;
	v16 =	vmul.f32 v19, v16;
	v20 =	vld [tilespmem:s24+$0x9DC0]  }
0x1d3: {  	v25 =	vld [tilespmem:s24+$0x7DD0];
	v19 =	vunpack.i.u.bf16.f32 v26;
	v24 =	vunpack.i.u.bf16.f32 v22;
	v22 =	vunpack.i.l.bf16.f32 v22  }
0x1d4: {  	v11 =	vadd.f32 v11, v12;
	v22 =	vmul.f32 v22, v23;
	v19 =	vmul.f32 v24, v19;
	v23 =	vld [tilespmem:s24+$0x9DD0]  }
0x1d5: {  	v12 =	vadd.f32 v15, v14;
	v14 =	vld [tilespmem:s24+$0x7DE0];
	v13 =	vadd.f32 v13, v17  }
0x1d6: {  	v15 =	vadd.f32 v18, v16;
	v18 =	vld [tilespmem:s24+$0x9DE0];
	v16 =	vadd.f32 v22, v19;
	v17 =	vunpack.i.u.bf16.f32 v21  }
0x1d7: {  	v22 =	vld [tilespmem:s24+$0x7DF0];
	v19 =	vunpack.i.l.bf16.f32 v21;
	v21 =	vunpack.i.u.bf16.f32 v20;
	v20 =	vunpack.i.l.bf16.f32 v20  }
0x1d8: {  	v24 =	vunpack.i.l.bf16.f32 v25;
	v19 =	vmul.f32 v20, v19;
	v17 =	vmul.f32 v21, v17;
	v21 =	vld [tilespmem:s24+$0x9DF0]  }
0x1d9: {  	v20 =	vunpack.i.u.bf16.f32 v25;
	v25 =	vunpack.i.u.bf16.f32 v23;
	v23 =	vunpack.i.l.bf16.f32 v23  }
0x1da: {  	v23 =	vmul.f32 v23, v24;
	v20 =	vmul.f32 v25, v20  }
0x1db: {  	v26 =	vld [tilespmem:s24+$0x7CC0];
	v24 =	vunpack.i.u.bf16.f32 v14;
	v14 =	vunpack.i.l.bf16.f32 v14;
	v25 =	vunpack.i.u.bf16.f32 v18  }
0x1dc: {  	v27 =	vld [tilespmem:s24+$0x9CC0];
	v18 =	vunpack.i.l.bf16.f32 v18;
	v24 =	vmul.f32 v25, v24;
	v25 =	vunpack.i.u.bf16.f32 v22  }
0x1dd: {  	v29 =	vld [tilespmem:s24+$0x7CD0];
	v22 =	vunpack.i.l.bf16.f32 v22;
	v28 =	vunpack.i.u.bf16.f32 v21;
	v21 =	vunpack.i.l.bf16.f32 v21  }
0x1de: {  	v18 =	vmul.f32 v18, v14;
	v14 =	vadd.f32 v16, v15;
	v15 =	vmul.f32 v21, v22;
	v21 =	vld [tilespmem:s24+$0x9CD0]  }
0x1df: {  	v17 =	vadd.f32 v19, v17;
	v16 =	vmul.f32 v28, v25;
	v22 =	vld [tilespmem:s24+$0x9CE0]  }
0x1e0: {  	v30 =	vld [tilespmem:s24+$0x7EC0];
	v19 =	vadd.f32 v23, v20;
	v23 =	vunpack.i.l.bf16.f32 v26;
	v18 =	vadd.f32 v18, v24  }
0x1e1: {  	v20 =	vld [tilespmem:s24+$0x7CE0];
	v24 =	vunpack.i.u.bf16.f32 v27;
	v25 =	vunpack.i.l.bf16.f32 v27;
	v16 =	vadd.f32 v15, v16  }
0x1e2: {  	v31 =	vld [tilespmem:s24+$0x9EC0];
	v23 =	vmul.f32 v25, v23;
	v25 =	vunpack.i.l.bf16.f32 v29;
	v15 =	vunpack.i.u.bf16.f32 v26  }
0x1e3: {  	v27 =	vld [tilespmem:s24+$0x7CF0];
	v24 =	vmul.f32 v24, v15;
	v15 =	vunpack.i.u.bf16.f32 v29;
	v16 =	vadd.f32 v16, v18  }
0x1e4: {  	v28 =	vld [tilespmem:s24+$0x9CF0];
	v26 =	vunpack.i.u.bf16.f32 v21;
	v21 =	vunpack.i.l.bf16.f32 v21;
	v29 =	vunpack.i.u.bf16.f32 v22  }
0x1e5: {  	v22 =	vunpack.i.l.bf16.f32 v22;
	v21 =	vmul.f32 v21, v25;
	v25 =	vmul.f32 v26, v15  }
0x1e6: {  	v26 =	vunpack.i.u.bf16.f32 v20;
	v20 =	vunpack.i.l.bf16.f32 v20;
	v15 =	vadd.f32 v19, v17  }
0x1e7: {  	v17 =	vadd.f32 v23, v24;
	v19 =	vmul.f32 v22, v20;
	v20 =	vmul.f32 v29, v26;
	v22 =	vld [tilespmem:s24+$0x7ED0]  }
0x1e8: {  	v24 =	vld [tilespmem:s24+$0x9ED0];
	v26 =	vunpack.i.u.bf16.f32 v27;
	v29 =	vunpack.i.u.bf16.f32 v31;
	v18 =	vadd.f32 v21, v25  }
0x1e9: {  	v23 =	vld [tilespmem:s24+$0x7EE0];
	v21 =	vunpack.i.u.bf16.f32 v28;
	v25 =	vunpack.i.l.bf16.f32 v28;
	v28 =	vunpack.i.l.bf16.f32 v30  }
0x1ea: {  	v19 =	vadd.f32 v19, v20;
	v20 =	vunpack.i.l.bf16.f32 v27;
	v21 =	vmul.f32 v21, v26;
	v26 =	vld [tilespmem:s24+$0x9EE0]  }
0x1eb: {  	s26 =	simm.s32 $0x2000;
	s25 =	smov.u32 s22;
	v27 =	vunpack.i.u.bf16.f32 v30;
	v30 =	vunpack.i.l.bf16.f32 v31;
	v20 =	vmul.f32 v25, v20;
	v25 =	vld [tilespmem:s24+$0x7EF0]  }
.LBB2_4:
0x1ec: {  	p0 =	seq.s32 s26, $0x7000;
	v28 =	vmul.f32 v30, v28;
	v27 =	vmul.f32 v29, v27;
	v29 =	vunpack.i.u.bf16.f32 v22;
	v30 =	vld [tilespmem:s24+$0x9EF0]  }
0x1ed: {  	v22 =	vunpack.i.l.bf16.f32 v22;
	v31 =	vunpack.i.u.bf16.f32 v24;
	v24 =	vunpack.i.l.bf16.f32 v24  }
0x1ee: {  	v22 =	vmul.f32 v24, v22;
	v24 =	vmul.f32 v31, v29;
	v29 =	vunpack.i.u.bf16.f32 v23  }
0x1ef: {  	v23 =	vunpack.i.l.bf16.f32 v23;
	v31 =	vunpack.i.u.bf16.f32 v26;
	v26 =	vunpack.i.l.bf16.f32 v26  }
0x1f0: {  	v23 =	vmul.f32 v26, v23;
	v26 =	vmul.f32 v31, v29;
	v29 =	vunpack.i.u.bf16.f32 v25  }
0x1f1: {  	v25 =	vunpack.i.l.bf16.f32 v25;
	v31 =	vunpack.i.u.bf16.f32 v30;
	v30 =	vunpack.i.l.bf16.f32 v30  }
0x1f2: {  	v20 =	vadd.f32 v20, v21;
	v21 =	vmul.f32 v30, v25;
	v25 =	vmul.f32 v31, v29  }
0x1f3: {  	v27 =	vadd.f32 v28, v27;
	v22 =	vadd.f32 v22, v24  }
0x1f4: {  	v23 =	vadd.f32 v23, v26;
	v21 =	vadd.f32 v21, v25  }
0x1f5: {  	v17 =	vadd.f32 v18, v17;
	v18 =	vadd.f32 v20, v19  }
0x1f6: {  	v19 =	vadd.f32 v22, v27;
	v20 =	vadd.f32 v21, v23  }
0x1f7: {  	v13 =	vadd.f32 v14, v13;
	v14 =	vadd.f32 v16, v15;
	v15 =	vperm.xlane v11, v0  }
0x1f8: {  	v16 =	vadd.f32 v18, v17;
	v18 =	vperm.xlane v12, v0;
	v17 =	vadd.f32 v20, v19  }
0x1f9: {  	v11 =	vadd.f32 v15, v11;
	v15 =	vperm.xlane v13, v0;
	v19 =	vperm.xlane v14, v0  }
0x1fa: {  	v12 =	vadd.f32 v18, v12;
	v18 =	vperm.xlane v16, v0;
	v20 =	vperm.xlane v17, v0  }
0x1fb: {  	v7 =	vsel vm2, v7, v8;
	v8 =	vadd.f32 v15, v13;
	v13 =	vadd.f32 v19, v14  }
0x1fc: {  	v9 =	vsel vm2, v9, v10;
	v10 =	vadd.f32 v18, v16;
	v14 =	vadd.f32 v20, v17  }
0x1fd: {  	v15 =	vperm.xlane v9, v1;
	v11 =	vsel vm2, v11, v12;
	v12 =	vperm.xlane v7, v1  }
0x1fe: {  	v8 =	vsel vm2, v8, v13;
	v13 =	vperm.xlane v11, v1;
	v10 =	vsel vm2, v10, v14  }
0x1ff: {  	v7 =	vadd.f32 v12, v7;
	v12 =	vperm.xlane v8, v1;
	v14 =	vperm.xlane v10, v1  }
0x200: {  	v9 =	vadd.f32 v15, v9;
	v11 =	vadd.f32 v13, v11  }
0x201: {  	v4 =	vsel vm0, v4, v6;
	v6 =	vadd.f32 v12, v8;
	v8 =	vadd.f32 v14, v10  }
0x202: {  	v5 =	vsel vm0, v5, v7;
	v7 =	vperm.xlane v4, v2  }
0x203: {  	v9 =	vsel vm0, v9, v11;
	v6 =	vsel vm0, v6, v8;
	v8 =	vperm.xlane v5, v2  }
0x204: {  	v10 =	vperm.xlane v9, v2;
	v11 =	vperm.xlane v6, v2  }
0x205: {  	v4 =	vadd.f32 v7, v4;
	v5 =	vadd.f32 v8, v5  }
0x206: {  	v7 =	vadd.f32 v10, v9;
	v6 =	vadd.f32 v11, v6;
	_ =	sdelay $0x1  }
0x207: {  	v4 =	vsel vm1, v4, v5;
	v5 =	vsel vm1, v7, v6  }
0x208: {  	v6 =	vperm.xlane v4, v3;
	v7 =	vperm.xlane v5, v3;
	_ =	sdelay $0x1  }
0x209: {  	v4 =	vadd.f32 v6, v4;
	v5 =	vadd.f32 v7, v5;
	_ =	sdelay $0x1  }
0x20a: {  	s25 =	sadd.s32 $0x10, s25;
	v4 =	vsel vm3, v4, v5  }
0x20b: {  	s24 =	sshra.s32 s26, $0x2;
	[tilespmem:s25+$0x0] =	vst v4  }
0x20c: {  	v4 =	vld [tilespmem:s24+$0x7B00]  }
0x20d: {  	v5 =	vld [tilespmem:s24+$0x9B00]  }
0x20e: {  	v6 =	vld [tilespmem:s24+$0x7B10]  }
0x20f: {  	v7 =	vld [tilespmem:s24+$0x9B10]  }
0x210: {  	v8 =	vld [tilespmem:s24+$0x7B20]  }
0x211: {  	v9 =	vunpack.i.u.bf16.f32 v4;
	v10 =	vld [tilespmem:s24+$0x9B20]  }
0x212: {  	v4 =	vunpack.i.l.bf16.f32 v4;
	v11 =	vunpack.i.u.bf16.f32 v5;
	v5 =	vunpack.i.l.bf16.f32 v5  }
0x213: {  	v4 =	vmul.f32 v5, v4;
	v5 =	vmul.f32 v11, v9;
	v9 =	vunpack.i.u.bf16.f32 v6  }
0x214: {  	v6 =	vunpack.i.l.bf16.f32 v6;
	v11 =	vunpack.i.u.bf16.f32 v7;
	v7 =	vunpack.i.l.bf16.f32 v7;
	v12 =	vld [tilespmem:s24+$0x7B30]  }
0x215: {  	v6 =	vmul.f32 v7, v6;
	v7 =	vmul.f32 v11, v9;
	v9 =	vunpack.i.u.bf16.f32 v8;
	v11 =	vld [tilespmem:s24+$0x9B30]  }
0x216: {  	v8 =	vunpack.i.l.bf16.f32 v8;
	v13 =	vunpack.i.u.bf16.f32 v10;
	v10 =	vunpack.i.l.bf16.f32 v10;
	v14 =	vld [tilespmem:s24+$0x7D00]  }
0x217: {  	v8 =	vmul.f32 v10, v8;
	v9 =	vmul.f32 v13, v9;
	v10 =	vld [tilespmem:s24+$0x9D00]  }
0x218: {  	v4 =	vadd.f32 v4, v5;
	v5 =	vld [tilespmem:s24+$0x7D10]  }
0x219: {  	v6 =	vadd.f32 v6, v7;
	v13 =	vunpack.i.u.bf16.f32 v12;
	v7 =	vadd.f32 v8, v9;
	v8 =	vld [tilespmem:s24+$0x9D10]  }
0x21a: {  	v9 =	vunpack.i.l.bf16.f32 v12;
	v12 =	vunpack.i.u.bf16.f32 v11;
	v11 =	vunpack.i.l.bf16.f32 v11;
	v15 =	vld [tilespmem:s24+$0x7D20]  }
0x21b: {  	v9 =	vmul.f32 v11, v9;
	v11 =	vmul.f32 v12, v13;
	v12 =	vunpack.i.u.bf16.f32 v14;
	v13 =	vld [tilespmem:s24+$0x9D20]  }
0x21c: {  	v14 =	vunpack.i.l.bf16.f32 v14;
	v16 =	vunpack.i.u.bf16.f32 v10;
	v10 =	vunpack.i.l.bf16.f32 v10;
	v17 =	vld [tilespmem:s24+$0x7D30]  }
0x21d: {  	v10 =	vmul.f32 v10, v14;
	v12 =	vmul.f32 v16, v12;
	v14 =	vunpack.i.u.bf16.f32 v5;
	v16 =	vld [tilespmem:s24+$0x9D30]  }
0x21e: {  	v5 =	vunpack.i.l.bf16.f32 v5;
	v18 =	vunpack.i.u.bf16.f32 v8;
	v8 =	vunpack.i.l.bf16.f32 v8  }
0x21f: {  	v5 =	vmul.f32 v8, v5;
	v8 =	vmul.f32 v18, v14;
	v14 =	vunpack.i.u.bf16.f32 v15  }
0x220: {  	v15 =	vunpack.i.l.bf16.f32 v15;
	v18 =	vunpack.i.u.bf16.f32 v13;
	v13 =	vunpack.i.l.bf16.f32 v13  }
0x221: {  	v13 =	vmul.f32 v13, v15;
	v14 =	vmul.f32 v18, v14;
	v15 =	vunpack.i.u.bf16.f32 v17  }
0x222: {  	v17 =	vunpack.i.l.bf16.f32 v17;
	v18 =	vunpack.i.u.bf16.f32 v16;
	v16 =	vunpack.i.l.bf16.f32 v16  }
0x223: {  	v9 =	vadd.f32 v9, v11;
	v11 =	vmul.f32 v16, v17;
	v15 =	vmul.f32 v18, v15  }
0x224: {  	v10 =	vadd.f32 v10, v12;
	v5 =	vadd.f32 v5, v8;
	v8 =	vld [tilespmem:s24+$0x7C00]  }
0x225: {  	v12 =	vadd.f32 v13, v14;
	v11 =	vadd.f32 v11, v15;
	v13 =	vld [tilespmem:s24+$0x9C00]  }
0x226: {  	v4 =	vadd.f32 v6, v4;
	v6 =	vadd.f32 v9, v7;
	v7 =	vld [tilespmem:s24+$0x7C10]  }
0x227: {  	v5 =	vadd.f32 v5, v10;
	v9 =	vadd.f32 v11, v12;
	v10 =	vld [tilespmem:s24+$0x9C10];
	_ =	sdelay $0x1  }
0x228: {  	v4 =	vadd.f32 v6, v4;
	v5 =	vadd.f32 v9, v5;
	v6 =	vunpack.i.u.bf16.f32 v8  }
0x229: {  	v8 =	vunpack.i.l.bf16.f32 v8;
	v9 =	vunpack.i.u.bf16.f32 v13;
	v11 =	vunpack.i.l.bf16.f32 v13;
	v12 =	vld [tilespmem:s24+$0x7C20]  }
0x22a: {  	v8 =	vmul.f32 v11, v8;
	v6 =	vmul.f32 v9, v6;
	v9 =	vunpack.i.u.bf16.f32 v7;
	v11 =	vld [tilespmem:s24+$0x9C20]  }
0x22b: {  	v7 =	vunpack.i.l.bf16.f32 v7;
	v13 =	vunpack.i.u.bf16.f32 v10;
	v10 =	vunpack.i.l.bf16.f32 v10;
	v14 =	vld [tilespmem:s24+$0x7C30]  }
0x22c: {  	v7 =	vmul.f32 v10, v7;
	v9 =	vmul.f32 v13, v9;
	v10 =	vld [tilespmem:s24+$0x9C30]  }
0x22d: {  	v15 =	vperm.xlane v5, v0;
	v13 =	vperm.xlane v4, v0  }
0x22e: {  	v6 =	vadd.f32 v8, v6;
	v16 =	vunpack.i.u.bf16.f32 v12;
	v7 =	vadd.f32 v7, v9  }
0x22f: {  	v8 =	vunpack.i.l.bf16.f32 v12;
	v9 =	vunpack.i.u.bf16.f32 v11;
	v11 =	vunpack.i.l.bf16.f32 v11;
	v12 =	vld [tilespmem:s24+$0x7E00]  }
0x230: {  	v8 =	vmul.f32 v11, v8;
	v9 =	vmul.f32 v9, v16;
	v11 =	vunpack.i.u.bf16.f32 v14;
	v16 =	vld [tilespmem:s24+$0x9E00]  }
0x231: {  	v14 =	vunpack.i.l.bf16.f32 v14;
	v17 =	vunpack.i.u.bf16.f32 v10;
	v10 =	vunpack.i.l.bf16.f32 v10;
	v18 =	vld [tilespmem:s24+$0x7E10]  }
0x232: {  	v4 =	vadd.f32 v13, v4;
	v10 =	vmul.f32 v10, v14;
	v11 =	vmul.f32 v17, v11;
	v14 =	vld [tilespmem:s24+$0x9E10]  }
0x233: {  	v5 =	vadd.f32 v15, v5;
	v6 =	vadd.f32 v7, v6;
	v7 =	vld [tilespmem:s24+$0x7E20]  }
0x234: {  	v8 =	vadd.f32 v8, v9;
	v9 =	vadd.f32 v10, v11;
	v10 =	vunpack.i.u.bf16.f32 v12;
	v11 =	vld [tilespmem:s24+$0x9E20]  }
0x235: {  	v12 =	vunpack.i.l.bf16.f32 v12;
	v13 =	vunpack.i.u.bf16.f32 v16;
	v15 =	vunpack.i.l.bf16.f32 v16;
	v16 =	vld [tilespmem:s24+$0x7E30]  }
0x236: {  	v12 =	vmul.f32 v15, v12;
	v10 =	vmul.f32 v13, v10;
	v13 =	vunpack.i.u.bf16.f32 v18;
	v15 =	vld [tilespmem:s24+$0x9E30]  }
0x237: {  	v17 =	vunpack.i.l.bf16.f32 v18;
	v18 =	vunpack.i.u.bf16.f32 v14;
	v14 =	vunpack.i.l.bf16.f32 v14  }
0x238: {  	v14 =	vmul.f32 v14, v17;
	v13 =	vmul.f32 v18, v13;
	v17 =	vunpack.i.u.bf16.f32 v7  }
0x239: {  	v7 =	vunpack.i.l.bf16.f32 v7;
	v18 =	vunpack.i.u.bf16.f32 v11;
	v11 =	vunpack.i.l.bf16.f32 v11;
	v19 =	vld [tilespmem:s24+$0x7B80]  }
0x23a: {  	v7 =	vmul.f32 v11, v7;
	v11 =	vmul.f32 v18, v17;
	v17 =	vunpack.i.u.bf16.f32 v16;
	v18 =	vld [tilespmem:s24+$0x9B80]  }
0x23b: {  	v16 =	vunpack.i.l.bf16.f32 v16;
	v20 =	vunpack.i.u.bf16.f32 v15;
	v15 =	vunpack.i.l.bf16.f32 v15;
	v21 =	vld [tilespmem:s24+$0x7B90]  }
0x23c: {  	v8 =	vadd.f32 v9, v8;
	v9 =	vmul.f32 v15, v16;
	v15 =	vmul.f32 v20, v17;
	v16 =	vld [tilespmem:s24+$0x9B90]  }
0x23d: {  	v10 =	vadd.f32 v12, v10;
	v12 =	vadd.f32 v14, v13;
	v13 =	vld [tilespmem:s24+$0x7BA0]  }
0x23e: {  	v7 =	vadd.f32 v7, v11;
	v9 =	vadd.f32 v9, v15;
	v11 =	vunpack.i.u.bf16.f32 v19;
	v14 =	vld [tilespmem:s24+$0x9BA0]  }
0x23f: {  	v15 =	vunpack.i.l.bf16.f32 v19;
	v17 =	vunpack.i.u.bf16.f32 v18;
	v18 =	vunpack.i.l.bf16.f32 v18  }
0x240: {  	v15 =	vmul.f32 v18, v15;
	v11 =	vmul.f32 v17, v11;
	v17 =	vunpack.i.u.bf16.f32 v21  }
0x241: {  	v18 =	vunpack.i.l.bf16.f32 v21;
	v19 =	vunpack.i.u.bf16.f32 v16;
	v16 =	vunpack.i.l.bf16.f32 v16;
	v20 =	vld [tilespmem:s24+$0x7BB0]  }
0x242: {  	v16 =	vmul.f32 v16, v18;
	v17 =	vmul.f32 v19, v17;
	v18 =	vunpack.i.u.bf16.f32 v13;
	v19 =	vld [tilespmem:s24+$0x9BB0]  }
0x243: {  	v13 =	vunpack.i.l.bf16.f32 v13;
	v21 =	vunpack.i.u.bf16.f32 v14;
	v14 =	vunpack.i.l.bf16.f32 v14;
	v22 =	vld [tilespmem:s24+$0x7D80]  }
0x244: {  	v10 =	vadd.f32 v12, v10;
	v12 =	vmul.f32 v14, v13;
	v13 =	vmul.f32 v21, v18;
	v14 =	vld [tilespmem:s24+$0x9D80]  }
0x245: {  	v7 =	vadd.f32 v9, v7;
	v9 =	vadd.f32 v15, v11;
	v11 =	vld [tilespmem:s24+$0x7D90]  }
0x246: {  	v16 =	vadd.f32 v16, v17;
	v15 =	vunpack.i.u.bf16.f32 v20;
	v12 =	vadd.f32 v12, v13;
	v13 =	vld [tilespmem:s24+$0x9D90]  }
0x247: {  	v17 =	vunpack.i.l.bf16.f32 v20;
	v18 =	vunpack.i.u.bf16.f32 v19;
	v19 =	vunpack.i.l.bf16.f32 v19;
	v20 =	vld [tilespmem:s24+$0x7DA0]  }
0x248: {  	v17 =	vmul.f32 v19, v17;
	v15 =	vmul.f32 v18, v15;
	v18 =	vunpack.i.u.bf16.f32 v22;
	v19 =	vld [tilespmem:s24+$0x9DA0]  }
0x249: {  	v21 =	vunpack.i.l.bf16.f32 v22;
	v22 =	vunpack.i.u.bf16.f32 v14;
	v14 =	vunpack.i.l.bf16.f32 v14;
	v23 =	vld [tilespmem:s24+$0x7DB0]  }
0x24a: {  	v14 =	vmul.f32 v14, v21;
	v18 =	vmul.f32 v22, v18;
	v21 =	vunpack.i.u.bf16.f32 v11;
	v22 =	vld [tilespmem:s24+$0x9DB0]  }
0x24b: {  	v11 =	vunpack.i.l.bf16.f32 v11;
	v24 =	vunpack.i.u.bf16.f32 v13;
	v13 =	vunpack.i.l.bf16.f32 v13  }
0x24c: {  	v11 =	vmul.f32 v13, v11;
	v13 =	vmul.f32 v24, v21;
	v21 =	vunpack.i.u.bf16.f32 v20  }
0x24d: {  	v20 =	vunpack.i.l.bf16.f32 v20;
	v24 =	vunpack.i.u.bf16.f32 v19;
	v19 =	vunpack.i.l.bf16.f32 v19  }
0x24e: {  	v19 =	vmul.f32 v19, v20;
	v20 =	vmul.f32 v24, v21;
	v21 =	vunpack.i.u.bf16.f32 v23  }
0x24f: {  	v23 =	vunpack.i.l.bf16.f32 v23;
	v24 =	vunpack.i.u.bf16.f32 v22;
	v22 =	vunpack.i.l.bf16.f32 v22  }
0x250: {  	v15 =	vadd.f32 v17, v15;
	v17 =	vmul.f32 v22, v23;
	v21 =	vmul.f32 v24, v21  }
0x251: {  	v14 =	vadd.f32 v14, v18;
	v11 =	vadd.f32 v11, v13  }
0x252: {  	v13 =	vadd.f32 v19, v20;
	v17 =	vadd.f32 v17, v21  }
0x253: {  	v9 =	vadd.f32 v16, v9;
	v12 =	vadd.f32 v15, v12  }
0x254: {  	v11 =	vadd.f32 v11, v14;
	v13 =	vadd.f32 v17, v13  }
0x255: {  	v6 =	vadd.f32 v8, v6;
	v7 =	vadd.f32 v7, v10;
	v8 =	vld [tilespmem:s24+$0x7C80]  }
0x256: {  	v9 =	vadd.f32 v12, v9;
	v10 =	vadd.f32 v13, v11;
	v11 =	vld [tilespmem:s24+$0x9C80]  }
0x257: {  	v12 =	vperm.xlane v6, v0;
	v13 =	vperm.xlane v7, v0  }
0x258: {  	v4 =	vsel vm2, v4, v5;
	v5 =	vperm.xlane v9, v0;
	v14 =	vperm.xlane v10, v0  }
0x259: {  	v6 =	vadd.f32 v12, v6;
	v12 =	vperm.xlane v4, v1;
	v7 =	vadd.f32 v13, v7;
	v15 =	vld [tilespmem:s24+$0x7C90]  }
0x25a: {  	v5 =	vadd.f32 v5, v9;
	v13 =	vunpack.i.u.bf16.f32 v8;
	v16 =	vld [tilespmem:s24+$0x9C90];
	v9 =	vadd.f32 v14, v10  }
0x25b: {  	v8 =	vunpack.i.l.bf16.f32 v8;
	v10 =	vunpack.i.u.bf16.f32 v11;
	v11 =	vunpack.i.l.bf16.f32 v11;
	v14 =	vld [tilespmem:s24+$0x7CA0]  }
0x25c: {  	v6 =	vsel vm2, v6, v7;
	v8 =	vmul.f32 v11, v8;
	v10 =	vmul.f32 v10, v13;
	v11 =	vld [tilespmem:s24+$0x9CA0]  }
0x25d: {  	v4 =	vadd.f32 v12, v4;
	v7 =	vperm.xlane v6, v1;
	v5 =	vsel vm2, v5, v9  }
0x25e: {  	v9 =	vunpack.i.u.bf16.f32 v15;
	v8 =	vadd.f32 v8, v10;
	v10 =	vperm.xlane v5, v1  }
0x25f: {  	v12 =	vunpack.i.l.bf16.f32 v15;
	v13 =	vunpack.i.u.bf16.f32 v16;
	v15 =	vunpack.i.l.bf16.f32 v16;
	v16 =	vld [tilespmem:s24+$0x7CB0]  }
0x260: {  	v12 =	vmul.f32 v15, v12;
	v9 =	vmul.f32 v13, v9;
	v13 =	vunpack.i.u.bf16.f32 v14;
	v15 =	vld [tilespmem:s24+$0x9CB0]  }
0x261: {  	v14 =	vunpack.i.l.bf16.f32 v14;
	v17 =	vunpack.i.u.bf16.f32 v11;
	v11 =	vunpack.i.l.bf16.f32 v11;
	v18 =	vld [tilespmem:s24+$0x7E80]  }
0x262: {  	v11 =	vmul.f32 v11, v14;
	v13 =	vmul.f32 v17, v13;
	v9 =	vadd.f32 v12, v9;
	v12 =	vld [tilespmem:s24+$0x9E80]  }
0x263: {  	v6 =	vadd.f32 v7, v6;
	v5 =	vadd.f32 v10, v5;
	v14 =	vld [tilespmem:s24+$0x7E90]  }
0x264: {  	v7 =	vunpack.i.u.bf16.f32 v16;
	v10 =	vadd.f32 v11, v13;
	v8 =	vadd.f32 v9, v8;
	v9 =	vld [tilespmem:s24+$0x9E90]  }
0x265: {  	v11 =	vunpack.i.l.bf16.f32 v16;
	v13 =	vunpack.i.u.bf16.f32 v15;
	v15 =	vunpack.i.l.bf16.f32 v15;
	v16 =	vld [tilespmem:s24+$0x7EA0]  }
0x266: {  	v11 =	vmul.f32 v15, v11;
	v7 =	vmul.f32 v13, v7;
	v13 =	vunpack.i.u.bf16.f32 v18;
	v15 =	vld [tilespmem:s24+$0x9EA0]  }
0x267: {  	v17 =	vunpack.i.l.bf16.f32 v18;
	v18 =	vunpack.i.u.bf16.f32 v12;
	v12 =	vunpack.i.l.bf16.f32 v12;
	v19 =	vld [tilespmem:s24+$0x7EB0]  }
0x268: {  	v12 =	vmul.f32 v12, v17;
	v13 =	vmul.f32 v18, v13;
	v17 =	vunpack.i.u.bf16.f32 v14;
	v18 =	vld [tilespmem:s24+$0x9EB0]  }
0x269: {  	v14 =	vunpack.i.l.bf16.f32 v14;
	v20 =	vunpack.i.u.bf16.f32 v9;
	v9 =	vunpack.i.l.bf16.f32 v9  }
0x26a: {  	v9 =	vmul.f32 v9, v14;
	v14 =	vmul.f32 v20, v17;
	v17 =	vunpack.i.u.bf16.f32 v16  }
0x26b: {  	v16 =	vunpack.i.l.bf16.f32 v16;
	v20 =	vunpack.i.u.bf16.f32 v15;
	v15 =	vunpack.i.l.bf16.f32 v15;
	v21 =	vld [tilespmem:s24+$0x7B40]  }
0x26c: {  	v15 =	vmul.f32 v15, v16;
	v16 =	vmul.f32 v20, v17;
	v17 =	vunpack.i.u.bf16.f32 v19;
	v20 =	vld [tilespmem:s24+$0x9B40]  }
0x26d: {  	v19 =	vunpack.i.l.bf16.f32 v19;
	v22 =	vunpack.i.u.bf16.f32 v18;
	v18 =	vunpack.i.l.bf16.f32 v18;
	v23 =	vld [tilespmem:s24+$0x7B50]  }
0x26e: {  	v7 =	vadd.f32 v11, v7;
	v11 =	vmul.f32 v18, v19;
	v17 =	vmul.f32 v22, v17;
	v18 =	vld [tilespmem:s24+$0x9B50]  }
0x26f: {  	v12 =	vadd.f32 v12, v13;
	v9 =	vadd.f32 v9, v14  }
0x270: {  	v13 =	vadd.f32 v15, v16;
	v11 =	vadd.f32 v11, v17;
	v14 =	vunpack.i.u.bf16.f32 v21  }
0x271: {  	v15 =	vunpack.i.l.bf16.f32 v21;
	v16 =	vunpack.i.u.bf16.f32 v20;
	v17 =	vunpack.i.l.bf16.f32 v20;
	v19 =	vld [tilespmem:s24+$0x7B60]  }
0x272: {  	v15 =	vmul.f32 v17, v15;
	v14 =	vmul.f32 v16, v14;
	v16 =	vunpack.i.u.bf16.f32 v23;
	v17 =	vld [tilespmem:s24+$0x9B60]  }
0x273: {  	v20 =	vunpack.i.l.bf16.f32 v23;
	v21 =	vunpack.i.u.bf16.f32 v18;
	v18 =	vunpack.i.l.bf16.f32 v18;
	v22 =	vld [tilespmem:s24+$0x7B70]  }
0x274: {  	v7 =	vadd.f32 v7, v10;
	v10 =	vmul.f32 v18, v20;
	v16 =	vmul.f32 v21, v16;
	v18 =	vld [tilespmem:s24+$0x9B70]  }
0x275: {  	v9 =	vadd.f32 v9, v12;
	v11 =	vadd.f32 v11, v13  }
0x276: {  	v13 =	vadd.f32 v15, v14;
	v12 =	vunpack.i.u.bf16.f32 v19;
	v10 =	vadd.f32 v10, v16  }
0x277: {  	v14 =	vunpack.i.l.bf16.f32 v19;
	v15 =	vunpack.i.u.bf16.f32 v17;
	v16 =	vunpack.i.l.bf16.f32 v17;
	v17 =	vld [tilespmem:s24+$0x7D40]  }
0x278: {  	v14 =	vmul.f32 v16, v14;
	v12 =	vmul.f32 v15, v12;
	v15 =	vunpack.i.u.bf16.f32 v22;
	v16 =	vld [tilespmem:s24+$0x9D40]  }
0x279: {  	v19 =	vunpack.i.l.bf16.f32 v22;
	v20 =	vunpack.i.u.bf16.f32 v18;
	v18 =	vunpack.i.l.bf16.f32 v18;
	v21 =	vld [tilespmem:s24+$0x7D50]  }
0x27a: {  	v7 =	vadd.f32 v7, v8;
	v8 =	vmul.f32 v18, v19;
	v15 =	vmul.f32 v20, v15;
	v18 =	vld [tilespmem:s24+$0x9D50]  }
0x27b: {  	v9 =	vadd.f32 v11, v9;
	v10 =	vadd.f32 v10, v13;
	v11 =	vld [tilespmem:s24+$0x7D60]  }
0x27c: {  	v12 =	vadd.f32 v14, v12;
	v8 =	vadd.f32 v8, v15;
	v13 =	vunpack.i.u.bf16.f32 v17;
	v14 =	vld [tilespmem:s24+$0x9D60]  }
0x27d: {  	v15 =	vunpack.i.l.bf16.f32 v17;
	v17 =	vunpack.i.u.bf16.f32 v16;
	v16 =	vunpack.i.l.bf16.f32 v16;
	v19 =	vld [tilespmem:s24+$0x7D70]  }
0x27e: {  	v15 =	vmul.f32 v16, v15;
	v13 =	vmul.f32 v17, v13;
	v16 =	vunpack.i.u.bf16.f32 v21;
	v17 =	vld [tilespmem:s24+$0x9D70]  }
0x27f: {  	v20 =	vunpack.i.l.bf16.f32 v21;
	v21 =	vunpack.i.u.bf16.f32 v18;
	v18 =	vunpack.i.l.bf16.f32 v18  }
0x280: {  	v18 =	vmul.f32 v18, v20;
	v16 =	vmul.f32 v21, v16;
	v20 =	vunpack.i.u.bf16.f32 v11  }
0x281: {  	v11 =	vunpack.i.l.bf16.f32 v11;
	v21 =	vunpack.i.u.bf16.f32 v14;
	v14 =	vunpack.i.l.bf16.f32 v14  }
0x282: {  	v11 =	vmul.f32 v14, v11;
	v14 =	vmul.f32 v21, v20;
	v20 =	vunpack.i.u.bf16.f32 v19  }
0x283: {  	v19 =	vunpack.i.l.bf16.f32 v19;
	v21 =	vunpack.i.u.bf16.f32 v17;
	v17 =	vunpack.i.l.bf16.f32 v17;
	v22 =	vld [tilespmem:s24+$0x7C40]  }
0x284: {  	v8 =	vadd.f32 v8, v12;
	v12 =	vmul.f32 v17, v19;
	v17 =	vmul.f32 v21, v20;
	v19 =	vld [tilespmem:s24+$0x9C40]  }
0x285: {  	v13 =	vadd.f32 v15, v13;
	v15 =	vadd.f32 v18, v16  }
0x286: {  	v11 =	vadd.f32 v11, v14;
	v12 =	vadd.f32 v12, v17  }
0x287: {  	v10 =	vadd.f32 v8, v10;
	v8 =	vperm.xlane v7, v0;
	v16 =	vperm.xlane v9, v0;
	v14 =	vld [tilespmem:s24+$0x7C50]  }
0x288: {  	v13 =	vadd.f32 v15, v13;
	v11 =	vadd.f32 v12, v11;
	v12 =	vunpack.i.u.bf16.f32 v22;
	v15 =	vld [tilespmem:s24+$0x9C50]  }
0x289: {  	v17 =	vunpack.i.l.bf16.f32 v22;
	v18 =	vunpack.i.u.bf16.f32 v19;
	v19 =	vunpack.i.l.bf16.f32 v19;
	v20 =	vld [tilespmem:s24+$0x7C60]  }
0x28a: {  	v11 =	vadd.f32 v11, v13;
	v13 =	vmul.f32 v19, v17;
	v12 =	vmul.f32 v18, v12;
	v17 =	vld [tilespmem:s24+$0x9C60]  }
0x28b: {  	v7 =	vadd.f32 v8, v7;
	v8 =	vadd.f32 v16, v9;
	v9 =	vperm.xlane v10, v0  }
0x28c: {  	v16 =	vunpack.i.u.bf16.f32 v14;
	v12 =	vadd.f32 v13, v12;
	v13 =	vperm.xlane v11, v0  }
0x28d: {  	v14 =	vunpack.i.l.bf16.f32 v14;
	v18 =	vunpack.i.u.bf16.f32 v15;
	v15 =	vunpack.i.l.bf16.f32 v15;
	v19 =	vld [tilespmem:s24+$0x7C70]  }
0x28e: {  	v14 =	vmul.f32 v15, v14;
	v15 =	vmul.f32 v18, v16;
	v16 =	vunpack.i.u.bf16.f32 v20;
	v18 =	vld [tilespmem:s24+$0x9C70]  }
0x28f: {  	v20 =	vunpack.i.l.bf16.f32 v20;
	v21 =	vunpack.i.u.bf16.f32 v17;
	v17 =	vunpack.i.l.bf16.f32 v17;
	v22 =	vld [tilespmem:s24+$0x7E40]  }
0x290: {  	v17 =	vmul.f32 v17, v20;
	v16 =	vmul.f32 v21, v16;
	v14 =	vadd.f32 v14, v15;
	v15 =	vld [tilespmem:s24+$0x9E40]  }
0x291: {  	v9 =	vadd.f32 v9, v10;
	v10 =	vadd.f32 v13, v11;
	v20 =	vld [tilespmem:s24+$0x7E50]  }
0x292: {  	v11 =	vunpack.i.u.bf16.f32 v19;
	v13 =	vadd.f32 v17, v16;
	v12 =	vadd.f32 v14, v12;
	v14 =	vld [tilespmem:s24+$0x9E50]  }
0x293: {  	v16 =	vunpack.i.l.bf16.f32 v19;
	v17 =	vunpack.i.u.bf16.f32 v18;
	v18 =	vunpack.i.l.bf16.f32 v18;
	v19 =	vld [tilespmem:s24+$0x7E60]  }
0x294: {  	v16 =	vmul.f32 v18, v16;
	v11 =	vmul.f32 v17, v11;
	v17 =	vunpack.i.u.bf16.f32 v22;
	v18 =	vld [tilespmem:s24+$0x9E60]  }
0x295: {  	v21 =	vunpack.i.l.bf16.f32 v22;
	v22 =	vunpack.i.u.bf16.f32 v15;
	v15 =	vunpack.i.l.bf16.f32 v15;
	v23 =	vld [tilespmem:s24+$0x7E70]  }
0x296: {  	v15 =	vmul.f32 v15, v21;
	v17 =	vmul.f32 v22, v17;
	v21 =	vunpack.i.u.bf16.f32 v20;
	v22 =	vld [tilespmem:s24+$0x9E70]  }
0x297: {  	v20 =	vunpack.i.l.bf16.f32 v20;
	v24 =	vunpack.i.u.bf16.f32 v14;
	v14 =	vunpack.i.l.bf16.f32 v14  }
0x298: {  	v14 =	vmul.f32 v14, v20;
	v20 =	vmul.f32 v24, v21;
	v21 =	vunpack.i.u.bf16.f32 v19  }
0x299: {  	v19 =	vunpack.i.l.bf16.f32 v19;
	v24 =	vunpack.i.u.bf16.f32 v18;
	v18 =	vunpack.i.l.bf16.f32 v18;
	v25 =	vld [tilespmem:s24+$0x7BC0]  }
0x29a: {  	v18 =	vmul.f32 v18, v19;
	v19 =	vmul.f32 v24, v21;
	v21 =	vunpack.i.u.bf16.f32 v23;
	v24 =	vld [tilespmem:s24+$0x9BC0]  }
0x29b: {  	v23 =	vunpack.i.l.bf16.f32 v23;
	v26 =	vunpack.i.u.bf16.f32 v22;
	v22 =	vunpack.i.l.bf16.f32 v22;
	v27 =	vld [tilespmem:s24+$0x7BD0]  }
0x29c: {  	v11 =	vadd.f32 v16, v11;
	v16 =	vmul.f32 v22, v23;
	v21 =	vmul.f32 v26, v21;
	v22 =	vld [tilespmem:s24+$0x9BD0]  }
0x29d: {  	v15 =	vadd.f32 v15, v17;
	v14 =	vadd.f32 v14, v20  }
0x29e: {  	v17 =	vadd.f32 v18, v19;
	v16 =	vadd.f32 v16, v21;
	v18 =	vunpack.i.u.bf16.f32 v25  }
0x29f: {  	v19 =	vunpack.i.l.bf16.f32 v25;
	v20 =	vunpack.i.u.bf16.f32 v24;
	v21 =	vunpack.i.l.bf16.f32 v24;
	v23 =	vld [tilespmem:s24+$0x7BE0]  }
0x2a0: {  	v19 =	vmul.f32 v21, v19;
	v18 =	vmul.f32 v20, v18;
	v20 =	vunpack.i.u.bf16.f32 v27;
	v21 =	vld [tilespmem:s24+$0x9BE0]  }
0x2a1: {  	v24 =	vunpack.i.l.bf16.f32 v27;
	v25 =	vunpack.i.u.bf16.f32 v22;
	v22 =	vunpack.i.l.bf16.f32 v22;
	v26 =	vld [tilespmem:s24+$0x7BF0]  }
0x2a2: {  	v11 =	vadd.f32 v11, v13;
	v13 =	vmul.f32 v22, v24;
	v20 =	vmul.f32 v25, v20;
	v22 =	vld [tilespmem:s24+$0x9BF0]  }
0x2a3: {  	v14 =	vadd.f32 v14, v15;
	v15 =	vadd.f32 v16, v17  }
0x2a4: {  	v17 =	vadd.f32 v19, v18;
	v16 =	vunpack.i.u.bf16.f32 v23;
	v13 =	vadd.f32 v13, v20  }
0x2a5: {  	v18 =	vunpack.i.l.bf16.f32 v23;
	v19 =	vunpack.i.u.bf16.f32 v21;
	v20 =	vunpack.i.l.bf16.f32 v21;
	v21 =	vld [tilespmem:s24+$0x7DC0]  }
0x2a6: {  	v18 =	vmul.f32 v20, v18;
	v16 =	vmul.f32 v19, v16;
	v19 =	vunpack.i.u.bf16.f32 v26;
	v20 =	vld [tilespmem:s24+$0x9DC0]  }
0x2a7: {  	v23 =	vunpack.i.l.bf16.f32 v26;
	v24 =	vunpack.i.u.bf16.f32 v22;
	v22 =	vunpack.i.l.bf16.f32 v22;
	v25 =	vld [tilespmem:s24+$0x7DD0]  }
0x2a8: {  	v11 =	vadd.f32 v11, v12;
	v22 =	vmul.f32 v22, v23;
	v19 =	vmul.f32 v24, v19;
	v23 =	vld [tilespmem:s24+$0x9DD0]  }
0x2a9: {  	v12 =	vadd.f32 v15, v14;
	v13 =	vadd.f32 v13, v17;
	v14 =	vld [tilespmem:s24+$0x7DE0]  }
0x2aa: {  	v15 =	vadd.f32 v18, v16;
	v16 =	vadd.f32 v22, v19;
	v17 =	vunpack.i.u.bf16.f32 v21;
	v18 =	vld [tilespmem:s24+$0x9DE0]  }
0x2ab: {  	v19 =	vunpack.i.l.bf16.f32 v21;
	v21 =	vunpack.i.u.bf16.f32 v20;
	v20 =	vunpack.i.l.bf16.f32 v20;
	v22 =	vld [tilespmem:s24+$0x7DF0]  }
0x2ac: {  	v19 =	vmul.f32 v20, v19;
	v17 =	vmul.f32 v21, v17;
	v20 =	vunpack.i.u.bf16.f32 v25;
	v21 =	vld [tilespmem:s24+$0x9DF0]  }
0x2ad: {  	v24 =	vunpack.i.l.bf16.f32 v25;
	v25 =	vunpack.i.u.bf16.f32 v23;
	v23 =	vunpack.i.l.bf16.f32 v23  }
0x2ae: {  	v23 =	vmul.f32 v23, v24;
	v20 =	vmul.f32 v25, v20;
	v24 =	vunpack.i.u.bf16.f32 v14  }
0x2af: {  	v14 =	vunpack.i.l.bf16.f32 v14;
	v25 =	vunpack.i.u.bf16.f32 v18;
	v18 =	vunpack.i.l.bf16.f32 v18;
	v26 =	vld [tilespmem:s24+$0x7CC0]  }
0x2b0: {  	v18 =	vmul.f32 v18, v14;
	v24 =	vmul.f32 v25, v24;
	v25 =	vunpack.i.u.bf16.f32 v22;
	v27 =	vld [tilespmem:s24+$0x9CC0]  }
0x2b1: {  	v22 =	vunpack.i.l.bf16.f32 v22;
	v28 =	vunpack.i.u.bf16.f32 v21;
	v21 =	vunpack.i.l.bf16.f32 v21;
	v29 =	vld [tilespmem:s24+$0x7CD0]  }
0x2b2: {  	v14 =	vadd.f32 v16, v15;
	v15 =	vmul.f32 v21, v22;
	v16 =	vmul.f32 v28, v25;
	v21 =	vld [tilespmem:s24+$0x9CD0]  }
0x2b3: {  	v17 =	vadd.f32 v19, v17;
	v19 =	vadd.f32 v23, v20;
	v20 =	vld [tilespmem:s24+$0x7CE0]  }
0x2b4: {  	v18 =	vadd.f32 v18, v24;
	v16 =	vadd.f32 v15, v16;
	v15 =	vunpack.i.u.bf16.f32 v26;
	v22 =	vld [tilespmem:s24+$0x9CE0]  }
0x2b5: {  	v23 =	vunpack.i.l.bf16.f32 v26;
	v24 =	vunpack.i.u.bf16.f32 v27;
	v25 =	vunpack.i.l.bf16.f32 v27  }
0x2b6: {  	v23 =	vmul.f32 v25, v23;
	v24 =	vmul.f32 v24, v15;
	v15 =	vunpack.i.u.bf16.f32 v29  }
0x2b7: {  	v25 =	vunpack.i.l.bf16.f32 v29;
	v26 =	vunpack.i.u.bf16.f32 v21;
	v21 =	vunpack.i.l.bf16.f32 v21;
	v27 =	vld [tilespmem:s24+$0x7CF0]  }
0x2b8: {  	v21 =	vmul.f32 v21, v25;
	v25 =	vmul.f32 v26, v15;
	v26 =	vunpack.i.u.bf16.f32 v20;
	v28 =	vld [tilespmem:s24+$0x9CF0]  }
0x2b9: {  	v20 =	vunpack.i.l.bf16.f32 v20;
	v29 =	vunpack.i.u.bf16.f32 v22;
	v22 =	vunpack.i.l.bf16.f32 v22;
	v30 =	vld [tilespmem:s24+$0x7EC0]  }
0x2ba: {  	v15 =	vadd.f32 v19, v17;
	v19 =	vmul.f32 v22, v20;
	v20 =	vmul.f32 v29, v26;
	v31 =	vld [tilespmem:s24+$0x9EC0]  }
.Ltmp5:
0x2bb: {  	v16 =	vadd.f32 v16, v18;
	v17 =	vadd.f32 v23, v24;
	v22 =	vld [tilespmem:s24+$0x7ED0];
	(pc) =	sbr.rel @!p0 .LBB2_4-.Ltmp5, $4  }
0x2bc: {  	v18 =	vadd.f32 v21, v25;
	v26 =	vunpack.i.u.bf16.f32 v27;
	v19 =	vadd.f32 v19, v20;
	v24 =	vld [tilespmem:s24+$0x9ED0]  }
0x2bd: {  	v20 =	vunpack.i.l.bf16.f32 v27;
	v21 =	vunpack.i.u.bf16.f32 v28;
	v25 =	vunpack.i.l.bf16.f32 v28;
	v23 =	vld [tilespmem:s24+$0x7EE0]  }
0x2be: {  	v20 =	vmul.f32 v25, v20;
	v21 =	vmul.f32 v21, v26;
	v27 =	vunpack.i.u.bf16.f32 v30;
	v26 =	vld [tilespmem:s24+$0x9EE0]  }
0x2bf: {  	s26 =	sadd.s32 $0x1000, s26;
	v28 =	vunpack.i.l.bf16.f32 v30;
	v29 =	vunpack.i.u.bf16.f32 v31;
	v30 =	vunpack.i.l.bf16.f32 v31;
	v25 =	vld [tilespmem:s24+$0x7EF0]  }
0x2c0: {  	v28 =	vmul.f32 v30, v28;
	v27 =	vmul.f32 v29, v27;
	v53 =	vunpack.i.u.bf16.f32 v22;
	v54 =	vld [tilespmem:s24+$0x9EF0]  }
0x2c1: {  	v55 =	vunpack.i.l.bf16.f32 v22;
	v31 =	vunpack.i.u.bf16.f32 v24;
	v56 =	vunpack.i.l.bf16.f32 v24  }
0x2c2: {  	v22 =	vmul.f32 v56, v55;
	v57 =	vmul.f32 v31, v53;
	v58 =	vunpack.i.u.bf16.f32 v23  }
0x2c3: {  	v59 =	vunpack.i.l.bf16.f32 v23;
	v60 =	vunpack.i.u.bf16.f32 v26;
	v61 =	vunpack.i.l.bf16.f32 v26  }
0x2c4: {  	v23 =	vmul.f32 v61, v59;
	v62 =	vmul.f32 v60, v58;
	v63 =	vunpack.i.u.bf16.f32 v25  }
0x2c5: {  	v33 =	vunpack.i.l.bf16.f32 v25;
	v34 =	vunpack.i.u.bf16.f32 v54;
	v30 =	vunpack.i.l.bf16.f32 v54  }
0x2c6: {  	v20 =	vadd.f32 v20, v21;
	v35 =	vmul.f32 v30, v33;
	v36 =	vmul.f32 v34, v63  }
0x2c7: {  	v27 =	vadd.f32 v28, v27;
	v22 =	vadd.f32 v22, v57  }
0x2c8: {  	v23 =	vadd.f32 v23, v62;
	v21 =	vadd.f32 v35, v36  }
0x2c9: {  	v17 =	vadd.f32 v18, v17;
	v37 =	vadd.f32 v20, v19  }
0x2ca: {  	v38 =	vadd.f32 v22, v27;
	v39 =	vadd.f32 v21, v23  }
0x2cb: {  	v13 =	vadd.f32 v14, v13;
	v40 =	vadd.f32 v16, v15;
	v41 =	vperm.xlane v11, v0  }
0x2cc: {  	v44 =	vperm.xlane v12, v0;
	v42 =	vadd.f32 v37, v17;
	v43 =	vadd.f32 v39, v38  }
0x2cd: {  	v11 =	vadd.f32 v41, v11;
	v45 =	vperm.xlane v13, v0;
	v46 =	vperm.xlane v40, v0  }
0x2ce: {  	v12 =	vadd.f32 v44, v12;
	v47 =	vperm.xlane v42, v0;
	v20 =	vperm.xlane v43, v0  }
0x2cf: {  	v7 =	vsel vm2, v7, v8;
	v48 =	vadd.f32 v45, v13;
	v49 =	vadd.f32 v46, v40  }
0x2d0: {  	v9 =	vsel vm2, v9, v10;
	v50 =	vadd.f32 v47, v42;
	v51 =	vadd.f32 v20, v43  }
0x2d1: {  	v52 =	vperm.xlane v7, v1;
	v53 =	vperm.xlane v9, v1;
	v11 =	vsel vm2, v11, v12  }
0x2d2: {  	v54 =	vperm.xlane v11, v1;
	v8 =	vsel vm2, v48, v49;
	v10 =	vsel vm2, v50, v51  }
0x2d3: {  	v7 =	vadd.f32 v52, v7;
	v55 =	vperm.xlane v8, v1;
	v14 =	vperm.xlane v10, v1  }
0x2d4: {  	v9 =	vadd.f32 v53, v9;
	v11 =	vadd.f32 v54, v11  }
0x2d5: {  	v4 =	vsel vm0, v4, v6;
	v56 =	vadd.f32 v55, v8;
	v57 =	vadd.f32 v14, v10  }
0x2d6: {  	v58 =	vperm.xlane v4, v2;
	v5 =	vsel vm0, v5, v7  }
0x2d7: {  	v59 =	vperm.xlane v5, v2;
	v9 =	vsel vm0, v9, v11;
	v6 =	vsel vm0, v56, v57  }
0x2d8: {  	v60 =	vperm.xlane v9, v2;
	v61 =	vperm.xlane v6, v2  }
0x2d9: {  	v4 =	vadd.f32 v58, v4;
	v5 =	vadd.f32 v59, v5  }
0x2da: {  	v62 =	vadd.f32 v60, v9;
	v6 =	vadd.f32 v61, v6;
	_ =	sdelay $0x1  }
0x2db: {  	v4 =	vsel vm1, v4, v5;
	v5 =	vsel vm1, v62, v6  }
0x2dc: {  	v63 =	vperm.xlane v4, v3;
	v7 =	vperm.xlane v5, v3  }
.Ltmp6:
0x2dd: {  	_ = 	snop;
	(pc) =	sbr.rel .LBB2_9-.Ltmp6, $3  }
0x2de: {  	v4 =	vadd.f32 v63, v4;
	v5 =	vadd.f32 v7, v5;
	_ =	sdelay $0x1  }
0x2df: {  	s31 =	sadd.s32 $0x10, s25;
	v4 =	vsel vm3, v4, v5  }
0x2e0: {  	[tilespmem:s31+$0x0] =	vst v4  }
.LBB2_6:
0x2e1: {  	_ =	swait.ge [sflag:s19], $0x2000  }
0x2e2: {  	[sflag:s19] =	ssyncset.done $0x0  }
0x2e3: {  	[sflag:s19] =	ssyncadd.s32 $0xFFFFE000  }
0x2e4: {  	_ =	swait.ge [sflag:s20], $0x2000  }
0x2e5: {  	[sflag:s20] =	ssyncset.done $0x0  }
0x2e6: {  	[sflag:s20] =	ssyncadd.s32 $0xFFFFE000  }
0x2e7: {  	[tilespmem:s12], [sflag:$0x1] =	stream.indirect.gather [hbm4b:s3+s11], $0x40, s25, s11, $0xb8;
	[tilespmem:$0x13880] =	vst v63  }
0x2e8: {  	s31 =	simm.s32 $0x0  }
0x2e9: {  	[tilespmem:s13], [sflag:$0x2] =	stream.indirect.gather [hbm4b:s5+s11], $0x40, s24, s11, $0xb8;
	[tilespmem:$0x13880] =	vst v63  }
0x2ea: {  	v4 =	vld [tilespmem:s31+$0xBB00]  }
0x2eb: {  	v5 =	vld [tilespmem:s31+$0xDB00]  }
0x2ec: {  	v6 =	vld [tilespmem:s31+$0xBB10]  }
0x2ed: {  	v7 =	vld [tilespmem:s31+$0xDB10]  }
0x2ee: {  	v10 =	vld [tilespmem:s31+$0xDB20]  }
0x2ef: {  	v8 =	vld [tilespmem:s31+$0xBB20];
	v9 =	vunpack.i.u.bf16.f32 v4  }
0x2f0: {  	v4 =	vunpack.i.l.bf16.f32 v4;
	v11 =	vunpack.i.u.bf16.f32 v5;
	v5 =	vunpack.i.l.bf16.f32 v5  }
0x2f1: {  	v4 =	vmul.f32 v5, v4;
	v5 =	vmul.f32 v11, v9;
	v9 =	vunpack.i.u.bf16.f32 v6  }
0x2f2: {  	v12 =	vld [tilespmem:s31+$0xBB30];
	v6 =	vunpack.i.l.bf16.f32 v6;
	v11 =	vunpack.i.u.bf16.f32 v7;
	v7 =	vunpack.i.l.bf16.f32 v7  }
0x2f3: {  	v13 =	vunpack.i.u.bf16.f32 v10;
	v6 =	vmul.f32 v7, v6;
	v7 =	vmul.f32 v11, v9;
	v11 =	vld [tilespmem:s31+$0xDB30]  }
0x2f4: {  	v14 =	vld [tilespmem:s31+$0xBD00];
	v10 =	vunpack.i.l.bf16.f32 v10;
	v9 =	vunpack.i.u.bf16.f32 v8;
	v8 =	vunpack.i.l.bf16.f32 v8  }
0x2f5: {  	v8 =	vmul.f32 v10, v8;
	v9 =	vmul.f32 v13, v9;
	v10 =	vld [tilespmem:s31+$0xDD00]  }
0x2f6: {  	v4 =	vadd.f32 v4, v5;
	v5 =	vld [tilespmem:s31+$0xBD10]  }
0x2f7: {  	v13 =	vunpack.i.u.bf16.f32 v12;
	v6 =	vadd.f32 v6, v7;
	v7 =	vadd.f32 v8, v9;
	v8 =	vld [tilespmem:s31+$0xDD10]  }
0x2f8: {  	v9 =	vunpack.i.l.bf16.f32 v12;
	v12 =	vunpack.i.u.bf16.f32 v11;
	v11 =	vunpack.i.l.bf16.f32 v11  }
0x2f9: {  	v15 =	vld [tilespmem:s31+$0xBD20];
	v9 =	vmul.f32 v11, v9;
	v11 =	vmul.f32 v12, v13;
	v12 =	vunpack.i.u.bf16.f32 v14  }
0x2fa: {  	v13 =	vld [tilespmem:s31+$0xDD20];
	v14 =	vunpack.i.l.bf16.f32 v14;
	v16 =	vunpack.i.u.bf16.f32 v10;
	v10 =	vunpack.i.l.bf16.f32 v10  }
0x2fb: {  	v17 =	vld [tilespmem:s31+$0xBD30];
	v10 =	vmul.f32 v10, v14;
	v12 =	vmul.f32 v16, v12;
	v14 =	vunpack.i.u.bf16.f32 v5  }
0x2fc: {  	v16 =	vld [tilespmem:s31+$0xDD30];
	v5 =	vunpack.i.l.bf16.f32 v5;
	v18 =	vunpack.i.u.bf16.f32 v8;
	v8 =	vunpack.i.l.bf16.f32 v8  }
0x2fd: {  	v9 =	vadd.f32 v9, v11;
	v5 =	vmul.f32 v8, v5  }
0x2fe: {  	v8 =	vmul.f32 v18, v14;
	v14 =	vunpack.i.u.bf16.f32 v15;
	v15 =	vunpack.i.l.bf16.f32 v15  }
0x2ff: {  	v10 =	vadd.f32 v10, v12;
	v18 =	vunpack.i.u.bf16.f32 v13;
	v13 =	vunpack.i.l.bf16.f32 v13  }
0x300: {  	v13 =	vmul.f32 v13, v15;
	v14 =	vmul.f32 v18, v14;
	v15 =	vunpack.i.u.bf16.f32 v17  }
0x301: {  	v17 =	vunpack.i.l.bf16.f32 v17;
	v18 =	vunpack.i.u.bf16.f32 v16;
	v16 =	vunpack.i.l.bf16.f32 v16  }
0x302: {  	v5 =	vadd.f32 v5, v8;
	v8 =	vld [tilespmem:s31+$0xBC00];
	v11 =	vmul.f32 v16, v17;
	v15 =	vmul.f32 v18, v15  }
0x303: {  	v12 =	vadd.f32 v13, v14;
	v13 =	vld [tilespmem:s31+$0xDC00]  }
0x304: {  	v5 =	vadd.f32 v5, v10;
	v10 =	vld [tilespmem:s31+$0xDC10];
	v11 =	vadd.f32 v11, v15  }
0x305: {  	v4 =	vadd.f32 v6, v4;
	v6 =	vadd.f32 v9, v7;
	v7 =	vld [tilespmem:s31+$0xBC10]  }
0x306: {  	v9 =	vadd.f32 v11, v12  }
0x307: {  	v4 =	vadd.f32 v6, v4;
	v6 =	vunpack.i.u.bf16.f32 v8;
	v8 =	vunpack.i.l.bf16.f32 v8  }
0x308: {  	v12 =	vld [tilespmem:s31+$0xBC20];
	v5 =	vadd.f32 v9, v5;
	v9 =	vunpack.i.u.bf16.f32 v13;
	v11 =	vunpack.i.l.bf16.f32 v13  }
0x309: {  	v13 =	vunpack.i.u.bf16.f32 v10;
	v10 =	vunpack.i.l.bf16.f32 v10;
	v8 =	vmul.f32 v11, v8;
	v11 =	vld [tilespmem:s31+$0xDC20]  }
0x30a: {  	v14 =	vld [tilespmem:s31+$0xBC30];
	v6 =	vmul.f32 v9, v6;
	v9 =	vunpack.i.u.bf16.f32 v7;
	v7 =	vunpack.i.l.bf16.f32 v7  }
0x30b: {  	v7 =	vmul.f32 v10, v7;
	v9 =	vmul.f32 v13, v9;
	v10 =	vld [tilespmem:s31+$0xDC30]  }
0x30c: {  	v13 =	vperm.xlane v4, v0;
	v15 =	vperm.xlane v5, v0  }
0x30d: {  	v16 =	vunpack.i.u.bf16.f32 v12;
	v6 =	vadd.f32 v8, v6;
	v8 =	vunpack.i.l.bf16.f32 v12  }
0x30e: {  	v12 =	vld [tilespmem:s31+$0xBE00];
	v7 =	vadd.f32 v7, v9;
	v9 =	vunpack.i.u.bf16.f32 v11;
	v11 =	vunpack.i.l.bf16.f32 v11  }
0x30f: {  	v8 =	vmul.f32 v11, v8;
	v9 =	vmul.f32 v9, v16;
	v11 =	vunpack.i.u.bf16.f32 v14;
	v16 =	vld [tilespmem:s31+$0xDE00]  }
0x310: {  	v18 =	vld [tilespmem:s31+$0xBE10];
	v14 =	vunpack.i.l.bf16.f32 v14;
	v17 =	vunpack.i.u.bf16.f32 v10;
	v10 =	vunpack.i.l.bf16.f32 v10  }
0x311: {  	v4 =	vadd.f32 v13, v4;
	v10 =	vmul.f32 v10, v14;
	v11 =	vmul.f32 v17, v11;
	v14 =	vld [tilespmem:s31+$0xDE10]  }
0x312: {  	v5 =	vadd.f32 v15, v5;
	v6 =	vadd.f32 v7, v6;
	v7 =	vld [tilespmem:s31+$0xBE20]  }
0x313: {  	v8 =	vadd.f32 v8, v9;
	v9 =	vadd.f32 v10, v11;
	v10 =	vunpack.i.u.bf16.f32 v12;
	v11 =	vld [tilespmem:s31+$0xDE20]  }
0x314: {  	v12 =	vunpack.i.l.bf16.f32 v12;
	v13 =	vunpack.i.u.bf16.f32 v16;
	v15 =	vunpack.i.l.bf16.f32 v16  }
0x315: {  	v17 =	vunpack.i.l.bf16.f32 v18;
	v16 =	vld [tilespmem:s31+$0xBE30];
	v12 =	vmul.f32 v15, v12;
	v10 =	vmul.f32 v13, v10  }
0x316: {  	v13 =	vunpack.i.u.bf16.f32 v18;
	v15 =	vld [tilespmem:s31+$0xDE30];
	v18 =	vunpack.i.u.bf16.f32 v14;
	v14 =	vunpack.i.l.bf16.f32 v14  }
0x317: {  	v14 =	vmul.f32 v14, v17;
	v13 =	vmul.f32 v18, v13;
	v17 =	vunpack.i.u.bf16.f32 v7  }
0x318: {  	v19 =	vld [tilespmem:s31+$0xBB80];
	v7 =	vunpack.i.l.bf16.f32 v7;
	v18 =	vunpack.i.u.bf16.f32 v11;
	v11 =	vunpack.i.l.bf16.f32 v11  }
0x319: {  	v21 =	vld [tilespmem:s31+$0xBB90];
	v8 =	vadd.f32 v9, v8;
	v10 =	vadd.f32 v12, v10;
	v7 =	vmul.f32 v11, v7  }
0x31a: {  	v11 =	vmul.f32 v18, v17;
	v18 =	vld [tilespmem:s31+$0xDB80];
	v12 =	vadd.f32 v14, v13;
	v17 =	vunpack.i.u.bf16.f32 v16  }
0x31b: {  	v14 =	vld [tilespmem:s31+$0xDBA0];
	v16 =	vunpack.i.l.bf16.f32 v16;
	v20 =	vunpack.i.u.bf16.f32 v15;
	v15 =	vunpack.i.l.bf16.f32 v15  }
0x31c: {  	v9 =	vmul.f32 v15, v16;
	v15 =	vmul.f32 v20, v17;
	v16 =	vld [tilespmem:s31+$0xDB90]  }
0x31d: {  	v6 =	vadd.f32 v8, v6  }
0x31e: {  	v13 =	vld [tilespmem:s31+$0xBBA0];
	v7 =	vadd.f32 v7, v11;
	v11 =	vunpack.i.u.bf16.f32 v19;
	v9 =	vadd.f32 v9, v15  }
0x31f: {  	v15 =	vunpack.i.l.bf16.f32 v19;
	v17 =	vunpack.i.u.bf16.f32 v18;
	v18 =	vunpack.i.l.bf16.f32 v18  }
0x320: {  	v15 =	vmul.f32 v18, v15;
	v11 =	vmul.f32 v17, v11;
	v17 =	vunpack.i.u.bf16.f32 v21  }
0x321: {  	v20 =	vld [tilespmem:s31+$0xBBB0];
	v18 =	vunpack.i.l.bf16.f32 v21;
	v21 =	vunpack.i.u.bf16.f32 v14;
	v19 =	vunpack.i.u.bf16.f32 v16  }
0x322: {  	v14 =	vunpack.i.l.bf16.f32 v14;
	v16 =	vunpack.i.l.bf16.f32 v16;
	v17 =	vmul.f32 v19, v17;
	v19 =	vld [tilespmem:s31+$0xDBB0]  }
0x323: {  	v22 =	vld [tilespmem:s31+$0xBD80];
	v16 =	vmul.f32 v16, v18;
	v18 =	vunpack.i.u.bf16.f32 v13;
	v13 =	vunpack.i.l.bf16.f32 v13  }
0x324: {  	v10 =	vadd.f32 v12, v10;
	v12 =	vmul.f32 v14, v13;
	v13 =	vmul.f32 v21, v18;
	v14 =	vld [tilespmem:s31+$0xDD80]  }
0x325: {  	v7 =	vadd.f32 v9, v7;
	v9 =	vadd.f32 v15, v11;
	v11 =	vld [tilespmem:s31+$0xBD90]  }
0x326: {  	v15 =	vunpack.i.u.bf16.f32 v20;
	v16 =	vadd.f32 v16, v17;
	v12 =	vadd.f32 v12, v13;
	v13 =	vld [tilespmem:s31+$0xDD90]  }
0x327: {  	v17 =	vunpack.i.l.bf16.f32 v20;
	v20 =	vld [tilespmem:s31+$0xBDA0];
	v18 =	vunpack.i.u.bf16.f32 v19;
	v19 =	vunpack.i.l.bf16.f32 v19  }
0x328: {  	v21 =	vunpack.i.l.bf16.f32 v22;
	v17 =	vmul.f32 v19, v17;
	v15 =	vmul.f32 v18, v15;
	v19 =	vld [tilespmem:s31+$0xDDA0]  }
0x329: {  	v23 =	vld [tilespmem:s31+$0xBDB0];
	v18 =	vunpack.i.u.bf16.f32 v22;
	v22 =	vunpack.i.u.bf16.f32 v14;
	v14 =	vunpack.i.l.bf16.f32 v14  }
0x32a: {  	v14 =	vmul.f32 v14, v21;
	v18 =	vmul.f32 v22, v18;
	v21 =	vunpack.i.u.bf16.f32 v11;
	v22 =	vld [tilespmem:s31+$0xDDB0]  }
0x32b: {  	v11 =	vunpack.i.l.bf16.f32 v11;
	v24 =	vunpack.i.u.bf16.f32 v13;
	v13 =	vunpack.i.l.bf16.f32 v13  }
0x32c: {  	v11 =	vmul.f32 v13, v11;
	v13 =	vmul.f32 v24, v21;
	v21 =	vunpack.i.u.bf16.f32 v20  }
0x32d: {  	v20 =	vunpack.i.l.bf16.f32 v20;
	v24 =	vunpack.i.u.bf16.f32 v19;
	v19 =	vunpack.i.l.bf16.f32 v19  }
0x32e: {  	v19 =	vmul.f32 v19, v20;
	v20 =	vmul.f32 v24, v21;
	v21 =	vunpack.i.u.bf16.f32 v23  }
0x32f: {  	v23 =	vunpack.i.l.bf16.f32 v23;
	v24 =	vunpack.i.u.bf16.f32 v22;
	v22 =	vunpack.i.l.bf16.f32 v22  }
0x330: {  	v15 =	vadd.f32 v17, v15;
	v17 =	vmul.f32 v22, v23;
	v21 =	vmul.f32 v24, v21  }
0x331: {  	v14 =	vadd.f32 v14, v18;
	v11 =	vadd.f32 v11, v13  }
0x332: {  	v13 =	vadd.f32 v19, v20;
	v17 =	vadd.f32 v17, v21  }
0x333: {  	v9 =	vadd.f32 v16, v9;
	v12 =	vadd.f32 v15, v12  }
0x334: {  	v11 =	vadd.f32 v11, v14;
	v13 =	vadd.f32 v17, v13  }
0x335: {  	v8 =	vld [tilespmem:s31+$0xBC80];
	v9 =	vadd.f32 v12, v9;
	v12 =	vperm.xlane v6, v0  }
0x336: {  	v4 =	vsel vm2, v4, v5;
	v7 =	vadd.f32 v7, v10;
	v10 =	vadd.f32 v13, v11;
	v11 =	vld [tilespmem:s31+$0xDC80]  }
0x337: {  	v15 =	vld [tilespmem:s31+$0xBC90];
	v5 =	vperm.xlane v9, v0;
	v6 =	vadd.f32 v12, v6;
	v12 =	vperm.xlane v4, v1  }
0x338: {  	v13 =	vperm.xlane v7, v0  }
0x339: {  	v16 =	vld [tilespmem:s31+$0xDC90];
	v5 =	vadd.f32 v5, v9;
	v4 =	vadd.f32 v12, v4;
	v14 =	vperm.xlane v10, v0  }
0x33a: {  	v7 =	vadd.f32 v13, v7;
	v13 =	vunpack.i.u.bf16.f32 v8;
	v8 =	vunpack.i.l.bf16.f32 v8  }
0x33b: {  	v9 =	vadd.f32 v14, v10;
	v14 =	vld [tilespmem:s31+$0xBCA0];
	v10 =	vunpack.i.u.bf16.f32 v11;
	v11 =	vunpack.i.l.bf16.f32 v11  }
0x33c: {  	v12 =	vunpack.i.l.bf16.f32 v15;
	v6 =	vsel vm2, v6, v7;
	v8 =	vmul.f32 v11, v8;
	v11 =	vld [tilespmem:s31+$0xDCA0]  }
0x33d: {  	v7 =	vperm.xlane v6, v1;
	v10 =	vmul.f32 v10, v13;
	v5 =	vsel vm2, v5, v9  }
0x33e: {  	v9 =	vunpack.i.u.bf16.f32 v15;
	v13 =	vunpack.i.u.bf16.f32 v16;
	v15 =	vunpack.i.l.bf16.f32 v16  }
0x33f: {  	v16 =	vld [tilespmem:s31+$0xBCB0];
	v12 =	vmul.f32 v15, v12;
	v9 =	vmul.f32 v13, v9  }
0x340: {  	v15 =	vld [tilespmem:s31+$0xDCB0];
	v8 =	vadd.f32 v8, v10;
	v10 =	vperm.xlane v5, v1;
	v13 =	vunpack.i.u.bf16.f32 v14  }
0x341: {  	v18 =	vld [tilespmem:s31+$0xBE80];
	v14 =	vunpack.i.l.bf16.f32 v14;
	v17 =	vunpack.i.u.bf16.f32 v11;
	v11 =	vunpack.i.l.bf16.f32 v11  }
0x342: {  	v9 =	vadd.f32 v12, v9;
	v12 =	vld [tilespmem:s31+$0xDE80];
	v11 =	vmul.f32 v11, v14;
	v13 =	vmul.f32 v17, v13  }
0x343: {  	v6 =	vadd.f32 v7, v6;
	v5 =	vadd.f32 v10, v5  }
0x344: {  	v7 =	vunpack.i.u.bf16.f32 v16;
	v8 =	vadd.f32 v9, v8;
	v9 =	vld [tilespmem:s31+$0xDE90];
	v10 =	vadd.f32 v11, v13  }
0x345: {  	v14 =	vld [tilespmem:s31+$0xBE90];
	v11 =	vunpack.i.l.bf16.f32 v16;
	v13 =	vunpack.i.u.bf16.f32 v15;
	v15 =	vunpack.i.l.bf16.f32 v15  }
0x346: {  	v17 =	vunpack.i.l.bf16.f32 v18;
	v16 =	vld [tilespmem:s31+$0xBEA0];
	v11 =	vmul.f32 v15, v11;
	v7 =	vmul.f32 v13, v7  }
0x347: {  	v13 =	vunpack.i.u.bf16.f32 v18;
	v15 =	vld [tilespmem:s31+$0xDEA0];
	v18 =	vunpack.i.u.bf16.f32 v12;
	v12 =	vunpack.i.l.bf16.f32 v12  }
0x348: {  	v19 =	vld [tilespmem:s31+$0xBEB0];
	v12 =	vmul.f32 v12, v17  }
0x349: {  	v13 =	vmul.f32 v18, v13;
	v18 =	vld [tilespmem:s31+$0xDEB0];
	v20 =	vunpack.i.u.bf16.f32 v9;
	v9 =	vunpack.i.l.bf16.f32 v9  }
0x34a: {  	v17 =	vunpack.i.u.bf16.f32 v14;
	v14 =	vunpack.i.l.bf16.f32 v14;
	v7 =	vadd.f32 v11, v7  }
0x34b: {  	v9 =	vmul.f32 v9, v14;
	v14 =	vmul.f32 v20, v17;
	v17 =	vunpack.i.u.bf16.f32 v16  }
0x34c: {  	v21 =	vld [tilespmem:s31+$0xBB40];
	v16 =	vunpack.i.l.bf16.f32 v16;
	v20 =	vunpack.i.u.bf16.f32 v15;
	v15 =	vunpack.i.l.bf16.f32 v15  }
0x34d: {  	v15 =	vmul.f32 v15, v16;
	v16 =	vmul.f32 v20, v17;
	v17 =	vunpack.i.u.bf16.f32 v19;
	v20 =	vld [tilespmem:s31+$0xDB40]  }
0x34e: {  	v23 =	vld [tilespmem:s31+$0xBB50];
	v19 =	vunpack.i.l.bf16.f32 v19;
	v22 =	vunpack.i.u.bf16.f32 v18;
	v18 =	vunpack.i.l.bf16.f32 v18  }
0x34f: {  	v11 =	vmul.f32 v18, v19;
	v18 =	vld [tilespmem:s31+$0xDB50]  }
0x350: {  	v12 =	vadd.f32 v12, v13;
	v7 =	vadd.f32 v7, v10;
	v17 =	vmul.f32 v22, v17  }
0x351: {  	v9 =	vadd.f32 v9, v14;
	v13 =	vadd.f32 v15, v16  }
0x352: {  	v19 =	vld [tilespmem:s31+$0xBB60];
	v15 =	vunpack.i.l.bf16.f32 v21;
	v11 =	vadd.f32 v11, v17;
	v17 =	vunpack.i.l.bf16.f32 v20  }
0x353: {  	v14 =	vunpack.i.u.bf16.f32 v21;
	v16 =	vunpack.i.u.bf16.f32 v20;
	v15 =	vmul.f32 v17, v15;
	v17 =	vld [tilespmem:s31+$0xDB60]  }
0x354: {  	v22 =	vld [tilespmem:s31+$0xBB70];
	v20 =	vunpack.i.l.bf16.f32 v23;
	v21 =	vunpack.i.u.bf16.f32 v18;
	v18 =	vunpack.i.l.bf16.f32 v18  }
0x355: {  	v14 =	vmul.f32 v16, v14;
	v16 =	vunpack.i.u.bf16.f32 v23;
	v10 =	vmul.f32 v18, v20;
	v18 =	vld [tilespmem:s31+$0xDB70]  }
0x356: {  	v9 =	vadd.f32 v9, v12;
	v11 =	vadd.f32 v11, v13;
	v16 =	vmul.f32 v21, v16  }
0x357: {  	v12 =	vunpack.i.u.bf16.f32 v19;
	v21 =	vld [tilespmem:s31+$0xBD50];
	v13 =	vadd.f32 v15, v14;
	v14 =	vunpack.i.l.bf16.f32 v19  }
0x358: {  	v10 =	vadd.f32 v10, v16;
	v15 =	vunpack.i.u.bf16.f32 v17;
	v16 =	vunpack.i.l.bf16.f32 v17;
	v17 =	vld [tilespmem:s31+$0xBD40]  }
0x359: {  	v19 =	vunpack.i.l.bf16.f32 v22;
	v14 =	vmul.f32 v16, v14;
	v12 =	vmul.f32 v15, v12;
	v16 =	vld [tilespmem:s31+$0xDD40]  }
0x35a: {  	v15 =	vunpack.i.u.bf16.f32 v22;
	v20 =	vunpack.i.u.bf16.f32 v18;
	v18 =	vunpack.i.l.bf16.f32 v18  }
0x35b: {  	v7 =	vadd.f32 v7, v8;
	v8 =	vmul.f32 v18, v19;
	v15 =	vmul.f32 v20, v15;
	v18 =	vld [tilespmem:s31+$0xDD50]  }
0x35c: {  	v9 =	vadd.f32 v11, v9;
	v11 =	vld [tilespmem:s31+$0xBD60];
	v10 =	vadd.f32 v10, v13;
	v20 =	vunpack.i.l.bf16.f32 v21  }
0x35d: {  	v12 =	vadd.f32 v14, v12;
	v14 =	vld [tilespmem:s31+$0xDD60];
	v8 =	vadd.f32 v8, v15;
	v13 =	vunpack.i.u.bf16.f32 v17  }
0x35e: {  	v19 =	vld [tilespmem:s31+$0xBD70];
	v15 =	vunpack.i.l.bf16.f32 v17;
	v17 =	vunpack.i.u.bf16.f32 v16;
	v16 =	vunpack.i.l.bf16.f32 v16  }
0x35f: {  	v8 =	vadd.f32 v8, v12;
	v15 =	vmul.f32 v16, v15;
	v13 =	vmul.f32 v17, v13;
	v17 =	vld [tilespmem:s31+$0xDD70]  }
0x360: {  	v16 =	vunpack.i.u.bf16.f32 v21;
	v21 =	vunpack.i.u.bf16.f32 v18;
	v18 =	vunpack.i.l.bf16.f32 v18  }
0x361: {  	v18 =	vmul.f32 v18, v20;
	v16 =	vmul.f32 v21, v16;
	v20 =	vunpack.i.u.bf16.f32 v11  }
0x362: {  	v11 =	vunpack.i.l.bf16.f32 v11;
	v21 =	vunpack.i.u.bf16.f32 v14;
	v14 =	vunpack.i.l.bf16.f32 v14  }
0x363: {  	v11 =	vmul.f32 v14, v11;
	v14 =	vmul.f32 v21, v20;
	v20 =	vunpack.i.u.bf16.f32 v19  }
0x364: {  	v22 =	vld [tilespmem:s31+$0xBC40];
	v19 =	vunpack.i.l.bf16.f32 v19;
	v21 =	vunpack.i.u.bf16.f32 v17;
	v17 =	vunpack.i.l.bf16.f32 v17  }
0x365: {  	v10 =	vadd.f32 v8, v10;
	v12 =	vmul.f32 v17, v19;
	v17 =	vmul.f32 v21, v20;
	v19 =	vld [tilespmem:s31+$0xDC40]  }
0x366: {  	v8 =	vperm.xlane v7, v0;
	v13 =	vadd.f32 v15, v13;
	v15 =	vadd.f32 v18, v16  }
0x367: {  	v16 =	vperm.xlane v9, v0;
	v11 =	vadd.f32 v11, v14;
	v14 =	vld [tilespmem:s31+$0xBC50];
	v12 =	vadd.f32 v12, v17  }
0x368: {  	v7 =	vadd.f32 v8, v7;
	v13 =	vadd.f32 v15, v13;
	v15 =	vld [tilespmem:s31+$0xDC50]  }
0x369: {  	v8 =	vadd.f32 v16, v9;
	v11 =	vadd.f32 v12, v11  }
0x36a: {  	v20 =	vld [tilespmem:s31+$0xBC60];
	v17 =	vunpack.i.l.bf16.f32 v22;
	v18 =	vunpack.i.u.bf16.f32 v19;
	v19 =	vunpack.i.l.bf16.f32 v19  }
0x36b: {  	v9 =	vperm.xlane v10, v0;
	v11 =	vadd.f32 v11, v13;
	v13 =	vmul.f32 v19, v17;
	v17 =	vld [tilespmem:s31+$0xDC60]  }
0x36c: {  	v16 =	vunpack.i.u.bf16.f32 v14;
	v14 =	vunpack.i.l.bf16.f32 v14;
	v12 =	vunpack.i.u.bf16.f32 v22  }
0x36d: {  	v12 =	vmul.f32 v18, v12;
	v18 =	vunpack.i.u.bf16.f32 v15;
	v15 =	vunpack.i.l.bf16.f32 v15  }
0x36e: {  	v19 =	vld [tilespmem:s31+$0xBC70];
	v14 =	vmul.f32 v15, v14;
	v15 =	vmul.f32 v18, v16  }
0x36f: {  	v16 =	vunpack.i.u.bf16.f32 v20;
	v18 =	vld [tilespmem:s31+$0xDC70];
	v20 =	vunpack.i.l.bf16.f32 v20;
	v12 =	vadd.f32 v13, v12  }
0x370: {  	v22 =	vld [tilespmem:s31+$0xBE40];
	v13 =	vperm.xlane v11, v0;
	v21 =	vunpack.i.u.bf16.f32 v17;
	v17 =	vunpack.i.l.bf16.f32 v17  }
0x371: {  	v14 =	vadd.f32 v14, v15;
	v15 =	vld [tilespmem:s31+$0xDE40];
	v17 =	vmul.f32 v17, v20;
	v16 =	vmul.f32 v21, v16  }
0x372: {  	v9 =	vadd.f32 v9, v10;
	v10 =	vadd.f32 v13, v11  }
0x373: {  	v11 =	vunpack.i.u.bf16.f32 v19;
	v12 =	vadd.f32 v14, v12;
	v14 =	vld [tilespmem:s31+$0xDE50];
	v13 =	vadd.f32 v17, v16  }
0x374: {  	v20 =	vld [tilespmem:s31+$0xBE50];
	v16 =	vunpack.i.l.bf16.f32 v19;
	v17 =	vunpack.i.u.bf16.f32 v18;
	v18 =	vunpack.i.l.bf16.f32 v18  }
0x375: {  	v21 =	vunpack.i.l.bf16.f32 v22;
	v19 =	vld [tilespmem:s31+$0xBE60];
	v16 =	vmul.f32 v18, v16;
	v11 =	vmul.f32 v17, v11  }
0x376: {  	v17 =	vunpack.i.u.bf16.f32 v22;
	v18 =	vld [tilespmem:s31+$0xDE60];
	v22 =	vunpack.i.u.bf16.f32 v15;
	v15 =	vunpack.i.l.bf16.f32 v15  }
0x377: {  	v23 =	vld [tilespmem:s31+$0xBE70];
	v15 =	vmul.f32 v15, v21  }
0x378: {  	v17 =	vmul.f32 v22, v17;
	v22 =	vld [tilespmem:s31+$0xDE70];
	v24 =	vunpack.i.u.bf16.f32 v14;
	v14 =	vunpack.i.l.bf16.f32 v14  }
0x379: {  	v21 =	vunpack.i.u.bf16.f32 v20;
	v20 =	vunpack.i.l.bf16.f32 v20;
	v11 =	vadd.f32 v16, v11  }
0x37a: {  	v14 =	vmul.f32 v14, v20;
	v20 =	vmul.f32 v24, v21;
	v21 =	vunpack.i.u.bf16.f32 v19  }
0x37b: {  	v25 =	vld [tilespmem:s31+$0xBBC0];
	v19 =	vunpack.i.l.bf16.f32 v19;
	v24 =	vunpack.i.u.bf16.f32 v18;
	v18 =	vunpack.i.l.bf16.f32 v18  }
0x37c: {  	v18 =	vmul.f32 v18, v19;
	v19 =	vmul.f32 v24, v21;
	v21 =	vunpack.i.u.bf16.f32 v23;
	v24 =	vld [tilespmem:s31+$0xDBC0]  }
0x37d: {  	v27 =	vld [tilespmem:s31+$0xBBD0];
	v23 =	vunpack.i.l.bf16.f32 v23;
	v26 =	vunpack.i.u.bf16.f32 v22;
	v22 =	vunpack.i.l.bf16.f32 v22  }
0x37e: {  	v16 =	vmul.f32 v22, v23;
	v22 =	vld [tilespmem:s31+$0xDBD0]  }
0x37f: {  	v15 =	vadd.f32 v15, v17;
	v11 =	vadd.f32 v11, v13;
	v21 =	vmul.f32 v26, v21  }
0x380: {  	v14 =	vadd.f32 v14, v20;
	v17 =	vadd.f32 v18, v19  }
0x381: {  	v23 =	vld [tilespmem:s31+$0xBBE0];
	v19 =	vunpack.i.l.bf16.f32 v25;
	v16 =	vadd.f32 v16, v21;
	v21 =	vunpack.i.l.bf16.f32 v24  }
0x382: {  	v18 =	vunpack.i.u.bf16.f32 v25;
	v20 =	vunpack.i.u.bf16.f32 v24;
	v19 =	vmul.f32 v21, v19;
	v21 =	vld [tilespmem:s31+$0xDBE0]  }
0x383: {  	v26 =	vld [tilespmem:s31+$0xBBF0];
	v24 =	vunpack.i.l.bf16.f32 v27;
	v25 =	vunpack.i.u.bf16.f32 v22;
	v22 =	vunpack.i.l.bf16.f32 v22  }
0x384: {  	v18 =	vmul.f32 v20, v18;
	v20 =	vunpack.i.u.bf16.f32 v27;
	v13 =	vmul.f32 v22, v24;
	v22 =	vld [tilespmem:s31+$0xDBF0]  }
0x385: {  	v14 =	vadd.f32 v14, v15;
	v15 =	vadd.f32 v16, v17;
	v20 =	vmul.f32 v25, v20  }
0x386: {  	v16 =	vunpack.i.u.bf16.f32 v23;
	v17 =	vadd.f32 v19, v18;
	v18 =	vunpack.i.l.bf16.f32 v23  }
0x387: {  	v13 =	vadd.f32 v13, v20;
	v19 =	vunpack.i.u.bf16.f32 v21;
	v20 =	vunpack.i.l.bf16.f32 v21;
	v21 =	vld [tilespmem:s31+$0xBDC0]  }
0x388: {  	v23 =	vunpack.i.l.bf16.f32 v26;
	v18 =	vmul.f32 v20, v18;
	v16 =	vmul.f32 v19, v16;
	v20 =	vld [tilespmem:s31+$0xDDC0]  }
0x389: {  	v25 =	vld [tilespmem:s31+$0xBDD0];
	v19 =	vunpack.i.u.bf16.f32 v26;
	v24 =	vunpack.i.u.bf16.f32 v22;
	v22 =	vunpack.i.l.bf16.f32 v22  }
0x38a: {  	v11 =	vadd.f32 v11, v12;
	v12 =	vmul.f32 v22, v23;
	v19 =	vmul.f32 v24, v19;
	v22 =	vld [tilespmem:s31+$0xDDD0]  }
0x38b: {  	v14 =	vadd.f32 v15, v14;
	v15 =	vld [tilespmem:s31+$0xBDE0];
	v13 =	vadd.f32 v13, v17  }
0x38c: {  	v16 =	vadd.f32 v18, v16;
	v18 =	vld [tilespmem:s31+$0xDDE0];
	v12 =	vadd.f32 v12, v19;
	v17 =	vunpack.i.u.bf16.f32 v21  }
0x38d: {  	v23 =	vld [tilespmem:s31+$0xBDF0];
	v19 =	vunpack.i.l.bf16.f32 v21;
	v21 =	vunpack.i.u.bf16.f32 v20;
	v20 =	vunpack.i.l.bf16.f32 v20  }
0x38e: {  	v24 =	vunpack.i.l.bf16.f32 v25;
	v19 =	vmul.f32 v20, v19;
	v17 =	vmul.f32 v21, v17;
	v21 =	vld [tilespmem:s31+$0xDDF0]  }
0x38f: {  	v20 =	vunpack.i.u.bf16.f32 v25;
	v25 =	vunpack.i.u.bf16.f32 v22;
	v22 =	vunpack.i.l.bf16.f32 v22  }
0x390: {  	v22 =	vmul.f32 v22, v24;
	v20 =	vmul.f32 v25, v20;
	v24 =	vunpack.i.u.bf16.f32 v15  }
0x391: {  	v26 =	vld [tilespmem:s31+$0xBCC0];
	v15 =	vunpack.i.l.bf16.f32 v15;
	v25 =	vunpack.i.u.bf16.f32 v18;
	v18 =	vunpack.i.l.bf16.f32 v18  }
0x392: {  	v15 =	vmul.f32 v18, v15;
	v18 =	vmul.f32 v25, v24;
	v24 =	vunpack.i.u.bf16.f32 v23;
	v25 =	vld [tilespmem:s31+$0xDCC0]  }
0x393: {  	v28 =	vld [tilespmem:s31+$0xBCD0];
	v23 =	vunpack.i.l.bf16.f32 v23;
	v27 =	vunpack.i.u.bf16.f32 v21;
	v21 =	vunpack.i.l.bf16.f32 v21  }
0x394: {  	v12 =	vadd.f32 v12, v16;
	v16 =	vmul.f32 v21, v23;
	v21 =	vmul.f32 v27, v24;
	v23 =	vld [tilespmem:s31+$0xDCD0]  }
0x395: {  	v17 =	vadd.f32 v19, v17;
	v19 =	vadd.f32 v22, v20;
	v20 =	vld [tilespmem:s31+$0xBCE0]  }
0x396: {  	v22 =	vunpack.i.l.bf16.f32 v26;
	v15 =	vadd.f32 v15, v18;
	v16 =	vadd.f32 v16, v21;
	v21 =	vld [tilespmem:s31+$0xDCE0]  }
0x397: {  	v18 =	vunpack.i.u.bf16.f32 v26;
	v24 =	vunpack.i.u.bf16.f32 v25;
	v25 =	vunpack.i.l.bf16.f32 v25  }
0x398: {  	v22 =	vmul.f32 v25, v22;
	v18 =	vmul.f32 v24, v18;
	v24 =	vunpack.i.u.bf16.f32 v28  }
0x399: {  	v27 =	vld [tilespmem:s31+$0xBCF0];
	v25 =	vunpack.i.l.bf16.f32 v28;
	v26 =	vunpack.i.u.bf16.f32 v23;
	v23 =	vunpack.i.l.bf16.f32 v23  }
0x39a: {  	v23 =	vmul.f32 v23, v25;
	v24 =	vmul.f32 v26, v24;
	v25 =	vunpack.i.u.bf16.f32 v20;
	v26 =	vld [tilespmem:s31+$0xDCF0]  }
0x39b: {  	v29 =	vld [tilespmem:s31+$0xBEC0];
	v20 =	vunpack.i.l.bf16.f32 v20;
	v28 =	vunpack.i.u.bf16.f32 v21;
	v21 =	vunpack.i.l.bf16.f32 v21  }
0x39c: {  	v17 =	vadd.f32 v19, v17;
	v19 =	vmul.f32 v21, v20;
	v20 =	vmul.f32 v28, v25;
	v21 =	vld [tilespmem:s31+$0xDEC0]  }
0x39d: {  	v15 =	vadd.f32 v16, v15;
	v16 =	vadd.f32 v22, v18;
	v18 =	vld [tilespmem:s31+$0xBED0]  }
0x39e: {  	v22 =	vunpack.i.u.bf16.f32 v27;
	v23 =	vadd.f32 v23, v24;
	v19 =	vadd.f32 v19, v20;
	v20 =	vld [tilespmem:s31+$0xDED0]  }
0x39f: {  	v24 =	vunpack.i.l.bf16.f32 v27;
	v27 =	vld [tilespmem:s31+$0xBEE0];
	v25 =	vunpack.i.u.bf16.f32 v26;
	v26 =	vunpack.i.l.bf16.f32 v26  }
0x3a0: {  	v28 =	vunpack.i.l.bf16.f32 v29;
	v24 =	vmul.f32 v26, v24;
	v22 =	vmul.f32 v25, v22;
	v26 =	vld [tilespmem:s31+$0xDEE0]  }
0x3a1: {  	v30 =	vld [tilespmem:s31+$0xBEF0];
	v25 =	vunpack.i.u.bf16.f32 v29;
	v29 =	vunpack.i.u.bf16.f32 v21;
	v21 =	vunpack.i.l.bf16.f32 v21  }
0x3a2: {  	v21 =	vmul.f32 v21, v28;
	v25 =	vmul.f32 v29, v25;
	v28 =	vunpack.i.u.bf16.f32 v18;
	v29 =	vld [tilespmem:s31+$0xDEF0]  }
0x3a3: {  	v18 =	vunpack.i.l.bf16.f32 v18;
	v31 =	vunpack.i.u.bf16.f32 v20;
	v20 =	vunpack.i.l.bf16.f32 v20  }
0x3a4: {  	v18 =	vmul.f32 v20, v18;
	v20 =	vmul.f32 v31, v28;
	v28 =	vunpack.i.u.bf16.f32 v27  }
0x3a5: {  	v27 =	vunpack.i.l.bf16.f32 v27;
	v31 =	vunpack.i.u.bf16.f32 v26;
	v26 =	vunpack.i.l.bf16.f32 v26  }
0x3a6: {  	v26 =	vmul.f32 v26, v27;
	v27 =	vmul.f32 v31, v28;
	v28 =	vunpack.i.u.bf16.f32 v30  }
0x3a7: {  	v30 =	vunpack.i.l.bf16.f32 v30;
	v31 =	vunpack.i.u.bf16.f32 v29;
	v29 =	vunpack.i.l.bf16.f32 v29  }
0x3a8: {  	v22 =	vadd.f32 v24, v22;
	v24 =	vmul.f32 v29, v30;
	v28 =	vmul.f32 v31, v28  }
0x3a9: {  	v21 =	vadd.f32 v21, v25;
	v18 =	vadd.f32 v18, v20  }
0x3aa: {  	v20 =	vadd.f32 v26, v27;
	v24 =	vadd.f32 v24, v28  }
0x3ab: {  	v16 =	vadd.f32 v23, v16;
	v19 =	vadd.f32 v22, v19  }
0x3ac: {  	v18 =	vadd.f32 v18, v21;
	v20 =	vadd.f32 v24, v20  }
0x3ad: {  	v12 =	vadd.f32 v12, v13;
	v13 =	vadd.f32 v15, v17;
	v15 =	vperm.xlane v11, v0  }
0x3ae: {  	v16 =	vadd.f32 v19, v16;
	v17 =	vadd.f32 v20, v18;
	v18 =	vperm.xlane v14, v0  }
0x3af: {  	v11 =	vadd.f32 v15, v11;
	v15 =	vperm.xlane v12, v0;
	v19 =	vperm.xlane v13, v0  }
0x3b0: {  	v14 =	vadd.f32 v18, v14;
	v18 =	vperm.xlane v16, v0;
	v20 =	vperm.xlane v17, v0  }
0x3b1: {  	v7 =	vsel vm2, v7, v8;
	v8 =	vadd.f32 v15, v12;
	v12 =	vadd.f32 v19, v13  }
0x3b2: {  	v9 =	vsel vm2, v9, v10;
	v10 =	vadd.f32 v18, v16;
	v13 =	vadd.f32 v20, v17  }
0x3b3: {  	v15 =	vperm.xlane v9, v1;
	v11 =	vsel vm2, v11, v14;
	v14 =	vperm.xlane v7, v1  }
0x3b4: {  	v8 =	vsel vm2, v8, v12;
	v12 =	vperm.xlane v11, v1;
	v10 =	vsel vm2, v10, v13  }
0x3b5: {  	v7 =	vadd.f32 v14, v7;
	v13 =	vperm.xlane v8, v1;
	v14 =	vperm.xlane v10, v1  }
0x3b6: {  	v9 =	vadd.f32 v15, v9;
	v11 =	vadd.f32 v12, v11  }
0x3b7: {  	v4 =	vsel vm0, v4, v6;
	v6 =	vadd.f32 v13, v8;
	v8 =	vadd.f32 v14, v10  }
0x3b8: {  	v5 =	vsel vm0, v5, v7;
	v9 =	vsel vm0, v9, v11  }
0x3b9: {  	v7 =	vperm.xlane v4, v2;
	v10 =	vperm.xlane v9, v2;
	v6 =	vsel vm0, v6, v8  }
0x3ba: {  	v8 =	vperm.xlane v5, v2;
	v11 =	vperm.xlane v6, v2  }
0x3bb: {  	v4 =	vadd.f32 v7, v4;
	v7 =	vadd.f32 v10, v9  }
0x3bc: {  	v5 =	vadd.f32 v8, v5;
	v6 =	vadd.f32 v11, v6;
	_ =	sdelay $0x1  }
0x3bd: {  	v4 =	vsel vm1, v4, v5;
	v5 =	vsel vm1, v7, v6  }
0x3be: {  	v6 =	vperm.xlane v4, v3;
	v7 =	vperm.xlane v5, v3;
	_ =	sdelay $0x1  }
0x3bf: {  	v4 =	vadd.f32 v6, v4;
	v5 =	vadd.f32 v7, v5;
	_ =	sdelay $0x1  }
0x3c0: {  	v4 =	vsel vm3, v4, v5  }
0x3c1: {  	s24 =	simm.s32 $0x400;
	[tilespmem:s22+$0x0] =	vst v4  }
0x3c2: {  	v4 =	vld [tilespmem:s24+$0xBB00]  }
0x3c3: {  	v5 =	vld [tilespmem:s24+$0xDB00]  }
0x3c4: {  	v6 =	vld [tilespmem:s24+$0xBB10]  }
0x3c5: {  	v7 =	vld [tilespmem:s24+$0xDB10]  }
0x3c6: {  	v10 =	vld [tilespmem:s24+$0xDB20]  }
0x3c7: {  	v8 =	vld [tilespmem:s24+$0xBB20];
	v9 =	vunpack.i.u.bf16.f32 v4  }
0x3c8: {  	v4 =	vunpack.i.l.bf16.f32 v4;
	v11 =	vunpack.i.u.bf16.f32 v5;
	v5 =	vunpack.i.l.bf16.f32 v5  }
0x3c9: {  	v4 =	vmul.f32 v5, v4;
	v5 =	vmul.f32 v11, v9;
	v9 =	vunpack.i.u.bf16.f32 v6  }
0x3ca: {  	v12 =	vld [tilespmem:s24+$0xBB30];
	v6 =	vunpack.i.l.bf16.f32 v6;
	v11 =	vunpack.i.u.bf16.f32 v7;
	v7 =	vunpack.i.l.bf16.f32 v7  }
0x3cb: {  	v13 =	vunpack.i.u.bf16.f32 v10;
	v6 =	vmul.f32 v7, v6;
	v7 =	vmul.f32 v11, v9;
	v11 =	vld [tilespmem:s24+$0xDB30]  }
0x3cc: {  	v14 =	vld [tilespmem:s24+$0xBD00];
	v10 =	vunpack.i.l.bf16.f32 v10;
	v9 =	vunpack.i.u.bf16.f32 v8;
	v8 =	vunpack.i.l.bf16.f32 v8  }
0x3cd: {  	v8 =	vmul.f32 v10, v8;
	v9 =	vmul.f32 v13, v9;
	v10 =	vld [tilespmem:s24+$0xDD00]  }
0x3ce: {  	v4 =	vadd.f32 v4, v5;
	v5 =	vld [tilespmem:s24+$0xBD10]  }
0x3cf: {  	v13 =	vunpack.i.u.bf16.f32 v12;
	v6 =	vadd.f32 v6, v7;
	v7 =	vadd.f32 v8, v9;
	v8 =	vld [tilespmem:s24+$0xDD10]  }
0x3d0: {  	v9 =	vunpack.i.l.bf16.f32 v12;
	v12 =	vunpack.i.u.bf16.f32 v11;
	v11 =	vunpack.i.l.bf16.f32 v11  }
0x3d1: {  	v15 =	vld [tilespmem:s24+$0xBD20];
	v9 =	vmul.f32 v11, v9;
	v11 =	vmul.f32 v12, v13;
	v12 =	vunpack.i.u.bf16.f32 v14  }
0x3d2: {  	v13 =	vld [tilespmem:s24+$0xDD20];
	v14 =	vunpack.i.l.bf16.f32 v14;
	v16 =	vunpack.i.u.bf16.f32 v10;
	v10 =	vunpack.i.l.bf16.f32 v10  }
0x3d3: {  	v17 =	vld [tilespmem:s24+$0xBD30];
	v10 =	vmul.f32 v10, v14;
	v12 =	vmul.f32 v16, v12;
	v14 =	vunpack.i.u.bf16.f32 v5  }
0x3d4: {  	v16 =	vld [tilespmem:s24+$0xDD30];
	v5 =	vunpack.i.l.bf16.f32 v5;
	v18 =	vunpack.i.u.bf16.f32 v8;
	v8 =	vunpack.i.l.bf16.f32 v8  }
0x3d5: {  	v9 =	vadd.f32 v9, v11;
	v5 =	vmul.f32 v8, v5  }
0x3d6: {  	v8 =	vmul.f32 v18, v14;
	v14 =	vunpack.i.u.bf16.f32 v15;
	v15 =	vunpack.i.l.bf16.f32 v15  }
0x3d7: {  	v10 =	vadd.f32 v10, v12;
	v18 =	vunpack.i.u.bf16.f32 v13;
	v13 =	vunpack.i.l.bf16.f32 v13  }
0x3d8: {  	v13 =	vmul.f32 v13, v15;
	v14 =	vmul.f32 v18, v14;
	v15 =	vunpack.i.u.bf16.f32 v17  }
0x3d9: {  	v17 =	vunpack.i.l.bf16.f32 v17;
	v18 =	vunpack.i.u.bf16.f32 v16;
	v16 =	vunpack.i.l.bf16.f32 v16  }
0x3da: {  	v5 =	vadd.f32 v5, v8;
	v8 =	vld [tilespmem:s24+$0xBC00];
	v11 =	vmul.f32 v16, v17;
	v15 =	vmul.f32 v18, v15  }
0x3db: {  	v12 =	vadd.f32 v13, v14;
	v13 =	vld [tilespmem:s24+$0xDC00]  }
0x3dc: {  	v5 =	vadd.f32 v5, v10;
	v10 =	vld [tilespmem:s24+$0xDC10];
	v11 =	vadd.f32 v11, v15  }
0x3dd: {  	v4 =	vadd.f32 v6, v4;
	v6 =	vadd.f32 v9, v7;
	v7 =	vld [tilespmem:s24+$0xBC10]  }
0x3de: {  	v9 =	vadd.f32 v11, v12  }
0x3df: {  	v4 =	vadd.f32 v6, v4;
	v6 =	vunpack.i.u.bf16.f32 v8;
	v8 =	vunpack.i.l.bf16.f32 v8  }
0x3e0: {  	v12 =	vld [tilespmem:s24+$0xBC20];
	v5 =	vadd.f32 v9, v5;
	v9 =	vunpack.i.u.bf16.f32 v13;
	v11 =	vunpack.i.l.bf16.f32 v13  }
0x3e1: {  	v13 =	vunpack.i.u.bf16.f32 v10;
	v10 =	vunpack.i.l.bf16.f32 v10;
	v8 =	vmul.f32 v11, v8;
	v11 =	vld [tilespmem:s24+$0xDC20]  }
0x3e2: {  	v14 =	vld [tilespmem:s24+$0xBC30];
	v6 =	vmul.f32 v9, v6;
	v9 =	vunpack.i.u.bf16.f32 v7;
	v7 =	vunpack.i.l.bf16.f32 v7  }
0x3e3: {  	v7 =	vmul.f32 v10, v7;
	v9 =	vmul.f32 v13, v9;
	v10 =	vld [tilespmem:s24+$0xDC30]  }
0x3e4: {  	v13 =	vperm.xlane v4, v0;
	v15 =	vperm.xlane v5, v0  }
0x3e5: {  	v16 =	vunpack.i.u.bf16.f32 v12;
	v6 =	vadd.f32 v8, v6;
	v8 =	vunpack.i.l.bf16.f32 v12  }
0x3e6: {  	v12 =	vld [tilespmem:s24+$0xBE00];
	v7 =	vadd.f32 v7, v9;
	v9 =	vunpack.i.u.bf16.f32 v11;
	v11 =	vunpack.i.l.bf16.f32 v11  }
0x3e7: {  	v8 =	vmul.f32 v11, v8;
	v9 =	vmul.f32 v9, v16;
	v11 =	vunpack.i.u.bf16.f32 v14;
	v16 =	vld [tilespmem:s24+$0xDE00]  }
0x3e8: {  	v18 =	vld [tilespmem:s24+$0xBE10];
	v14 =	vunpack.i.l.bf16.f32 v14;
	v17 =	vunpack.i.u.bf16.f32 v10;
	v10 =	vunpack.i.l.bf16.f32 v10  }
0x3e9: {  	v4 =	vadd.f32 v13, v4;
	v10 =	vmul.f32 v10, v14;
	v11 =	vmul.f32 v17, v11;
	v14 =	vld [tilespmem:s24+$0xDE10]  }
0x3ea: {  	v5 =	vadd.f32 v15, v5;
	v6 =	vadd.f32 v7, v6;
	v7 =	vld [tilespmem:s24+$0xBE20]  }
0x3eb: {  	v8 =	vadd.f32 v8, v9;
	v9 =	vadd.f32 v10, v11;
	v10 =	vunpack.i.u.bf16.f32 v12;
	v11 =	vld [tilespmem:s24+$0xDE20]  }
0x3ec: {  	v12 =	vunpack.i.l.bf16.f32 v12;
	v13 =	vunpack.i.u.bf16.f32 v16;
	v15 =	vunpack.i.l.bf16.f32 v16  }
0x3ed: {  	v17 =	vunpack.i.l.bf16.f32 v18;
	v16 =	vld [tilespmem:s24+$0xBE30];
	v12 =	vmul.f32 v15, v12;
	v10 =	vmul.f32 v13, v10  }
0x3ee: {  	v13 =	vunpack.i.u.bf16.f32 v18;
	v15 =	vld [tilespmem:s24+$0xDE30];
	v18 =	vunpack.i.u.bf16.f32 v14;
	v14 =	vunpack.i.l.bf16.f32 v14  }
0x3ef: {  	v14 =	vmul.f32 v14, v17;
	v13 =	vmul.f32 v18, v13;
	v17 =	vunpack.i.u.bf16.f32 v7  }
0x3f0: {  	v19 =	vld [tilespmem:s24+$0xBB80];
	v7 =	vunpack.i.l.bf16.f32 v7;
	v18 =	vunpack.i.u.bf16.f32 v11;
	v11 =	vunpack.i.l.bf16.f32 v11  }
0x3f1: {  	v21 =	vld [tilespmem:s24+$0xBB90];
	v8 =	vadd.f32 v9, v8;
	v10 =	vadd.f32 v12, v10;
	v7 =	vmul.f32 v11, v7  }
0x3f2: {  	v11 =	vmul.f32 v18, v17;
	v18 =	vld [tilespmem:s24+$0xDB80];
	v12 =	vadd.f32 v14, v13;
	v17 =	vunpack.i.u.bf16.f32 v16  }
0x3f3: {  	v14 =	vld [tilespmem:s24+$0xDBA0];
	v16 =	vunpack.i.l.bf16.f32 v16;
	v20 =	vunpack.i.u.bf16.f32 v15;
	v15 =	vunpack.i.l.bf16.f32 v15  }
0x3f4: {  	v9 =	vmul.f32 v15, v16;
	v15 =	vmul.f32 v20, v17;
	v16 =	vld [tilespmem:s24+$0xDB90]  }
0x3f5: {  	v6 =	vadd.f32 v8, v6  }
0x3f6: {  	v13 =	vld [tilespmem:s24+$0xBBA0];
	v7 =	vadd.f32 v7, v11;
	v11 =	vunpack.i.u.bf16.f32 v19;
	v9 =	vadd.f32 v9, v15  }
0x3f7: {  	v15 =	vunpack.i.l.bf16.f32 v19;
	v17 =	vunpack.i.u.bf16.f32 v18;
	v18 =	vunpack.i.l.bf16.f32 v18  }
0x3f8: {  	v15 =	vmul.f32 v18, v15;
	v11 =	vmul.f32 v17, v11;
	v17 =	vunpack.i.u.bf16.f32 v21  }
0x3f9: {  	v20 =	vld [tilespmem:s24+$0xBBB0];
	v18 =	vunpack.i.l.bf16.f32 v21;
	v21 =	vunpack.i.u.bf16.f32 v14;
	v19 =	vunpack.i.u.bf16.f32 v16  }
0x3fa: {  	v14 =	vunpack.i.l.bf16.f32 v14;
	v16 =	vunpack.i.l.bf16.f32 v16;
	v17 =	vmul.f32 v19, v17;
	v19 =	vld [tilespmem:s24+$0xDBB0]  }
0x3fb: {  	v22 =	vld [tilespmem:s24+$0xBD80];
	v16 =	vmul.f32 v16, v18;
	v18 =	vunpack.i.u.bf16.f32 v13;
	v13 =	vunpack.i.l.bf16.f32 v13  }
0x3fc: {  	v10 =	vadd.f32 v12, v10;
	v12 =	vmul.f32 v14, v13;
	v13 =	vmul.f32 v21, v18;
	v14 =	vld [tilespmem:s24+$0xDD80]  }
0x3fd: {  	v7 =	vadd.f32 v9, v7;
	v9 =	vadd.f32 v15, v11;
	v11 =	vld [tilespmem:s24+$0xBD90]  }
0x3fe: {  	v15 =	vunpack.i.u.bf16.f32 v20;
	v16 =	vadd.f32 v16, v17;
	v12 =	vadd.f32 v12, v13;
	v13 =	vld [tilespmem:s24+$0xDD90]  }
0x3ff: {  	v17 =	vunpack.i.l.bf16.f32 v20;
	v20 =	vld [tilespmem:s24+$0xBDA0];
	v18 =	vunpack.i.u.bf16.f32 v19;
	v19 =	vunpack.i.l.bf16.f32 v19  }
0x400: {  	v21 =	vunpack.i.l.bf16.f32 v22;
	v17 =	vmul.f32 v19, v17;
	v15 =	vmul.f32 v18, v15;
	v19 =	vld [tilespmem:s24+$0xDDA0]  }
0x401: {  	v23 =	vld [tilespmem:s24+$0xBDB0];
	v18 =	vunpack.i.u.bf16.f32 v22;
	v22 =	vunpack.i.u.bf16.f32 v14;
	v14 =	vunpack.i.l.bf16.f32 v14  }
0x402: {  	v14 =	vmul.f32 v14, v21;
	v18 =	vmul.f32 v22, v18;
	v21 =	vunpack.i.u.bf16.f32 v11;
	v22 =	vld [tilespmem:s24+$0xDDB0]  }
0x403: {  	v11 =	vunpack.i.l.bf16.f32 v11;
	v24 =	vunpack.i.u.bf16.f32 v13;
	v13 =	vunpack.i.l.bf16.f32 v13  }
0x404: {  	v11 =	vmul.f32 v13, v11;
	v13 =	vmul.f32 v24, v21;
	v21 =	vunpack.i.u.bf16.f32 v20  }
0x405: {  	v20 =	vunpack.i.l.bf16.f32 v20;
	v24 =	vunpack.i.u.bf16.f32 v19;
	v19 =	vunpack.i.l.bf16.f32 v19  }
0x406: {  	v19 =	vmul.f32 v19, v20;
	v20 =	vmul.f32 v24, v21;
	v21 =	vunpack.i.u.bf16.f32 v23  }
0x407: {  	v23 =	vunpack.i.l.bf16.f32 v23;
	v24 =	vunpack.i.u.bf16.f32 v22;
	v22 =	vunpack.i.l.bf16.f32 v22  }
0x408: {  	v15 =	vadd.f32 v17, v15;
	v17 =	vmul.f32 v22, v23;
	v21 =	vmul.f32 v24, v21  }
0x409: {  	v14 =	vadd.f32 v14, v18;
	v11 =	vadd.f32 v11, v13  }
0x40a: {  	v13 =	vadd.f32 v19, v20;
	v17 =	vadd.f32 v17, v21  }
0x40b: {  	v9 =	vadd.f32 v16, v9;
	v12 =	vadd.f32 v15, v12  }
0x40c: {  	v11 =	vadd.f32 v11, v14;
	v13 =	vadd.f32 v17, v13  }
0x40d: {  	v8 =	vld [tilespmem:s24+$0xBC80];
	v9 =	vadd.f32 v12, v9;
	v12 =	vperm.xlane v6, v0  }
0x40e: {  	v4 =	vsel vm2, v4, v5;
	v7 =	vadd.f32 v7, v10;
	v10 =	vadd.f32 v13, v11;
	v11 =	vld [tilespmem:s24+$0xDC80]  }
0x40f: {  	v15 =	vld [tilespmem:s24+$0xBC90];
	v5 =	vperm.xlane v9, v0;
	v6 =	vadd.f32 v12, v6;
	v12 =	vperm.xlane v4, v1  }
0x410: {  	v13 =	vperm.xlane v7, v0  }
0x411: {  	v16 =	vld [tilespmem:s24+$0xDC90];
	v5 =	vadd.f32 v5, v9;
	v4 =	vadd.f32 v12, v4;
	v14 =	vperm.xlane v10, v0  }
0x412: {  	v7 =	vadd.f32 v13, v7;
	v13 =	vunpack.i.u.bf16.f32 v8;
	v8 =	vunpack.i.l.bf16.f32 v8  }
0x413: {  	v9 =	vadd.f32 v14, v10;
	v14 =	vld [tilespmem:s24+$0xBCA0];
	v10 =	vunpack.i.u.bf16.f32 v11;
	v11 =	vunpack.i.l.bf16.f32 v11  }
0x414: {  	v12 =	vunpack.i.l.bf16.f32 v15;
	v6 =	vsel vm2, v6, v7;
	v8 =	vmul.f32 v11, v8;
	v11 =	vld [tilespmem:s24+$0xDCA0]  }
0x415: {  	v7 =	vperm.xlane v6, v1;
	v10 =	vmul.f32 v10, v13;
	v5 =	vsel vm2, v5, v9  }
0x416: {  	v9 =	vunpack.i.u.bf16.f32 v15;
	v13 =	vunpack.i.u.bf16.f32 v16;
	v15 =	vunpack.i.l.bf16.f32 v16  }
0x417: {  	v16 =	vld [tilespmem:s24+$0xBCB0];
	v12 =	vmul.f32 v15, v12;
	v9 =	vmul.f32 v13, v9  }
0x418: {  	v15 =	vld [tilespmem:s24+$0xDCB0];
	v8 =	vadd.f32 v8, v10;
	v10 =	vperm.xlane v5, v1;
	v13 =	vunpack.i.u.bf16.f32 v14  }
0x419: {  	v18 =	vld [tilespmem:s24+$0xBE80];
	v14 =	vunpack.i.l.bf16.f32 v14;
	v17 =	vunpack.i.u.bf16.f32 v11;
	v11 =	vunpack.i.l.bf16.f32 v11  }
0x41a: {  	v9 =	vadd.f32 v12, v9;
	v12 =	vld [tilespmem:s24+$0xDE80];
	v11 =	vmul.f32 v11, v14;
	v13 =	vmul.f32 v17, v13  }
0x41b: {  	v6 =	vadd.f32 v7, v6;
	v5 =	vadd.f32 v10, v5  }
0x41c: {  	v7 =	vunpack.i.u.bf16.f32 v16;
	v8 =	vadd.f32 v9, v8;
	v9 =	vld [tilespmem:s24+$0xDE90];
	v10 =	vadd.f32 v11, v13  }
0x41d: {  	v14 =	vld [tilespmem:s24+$0xBE90];
	v11 =	vunpack.i.l.bf16.f32 v16;
	v13 =	vunpack.i.u.bf16.f32 v15;
	v15 =	vunpack.i.l.bf16.f32 v15  }
0x41e: {  	v17 =	vunpack.i.l.bf16.f32 v18;
	v16 =	vld [tilespmem:s24+$0xBEA0];
	v11 =	vmul.f32 v15, v11;
	v7 =	vmul.f32 v13, v7  }
0x41f: {  	v13 =	vunpack.i.u.bf16.f32 v18;
	v15 =	vld [tilespmem:s24+$0xDEA0];
	v18 =	vunpack.i.u.bf16.f32 v12;
	v12 =	vunpack.i.l.bf16.f32 v12  }
0x420: {  	v19 =	vld [tilespmem:s24+$0xBEB0];
	v12 =	vmul.f32 v12, v17  }
0x421: {  	v13 =	vmul.f32 v18, v13;
	v18 =	vld [tilespmem:s24+$0xDEB0];
	v20 =	vunpack.i.u.bf16.f32 v9;
	v9 =	vunpack.i.l.bf16.f32 v9  }
0x422: {  	v17 =	vunpack.i.u.bf16.f32 v14;
	v14 =	vunpack.i.l.bf16.f32 v14;
	v7 =	vadd.f32 v11, v7  }
0x423: {  	v9 =	vmul.f32 v9, v14;
	v14 =	vmul.f32 v20, v17;
	v17 =	vunpack.i.u.bf16.f32 v16  }
0x424: {  	v21 =	vld [tilespmem:s24+$0xBB40];
	v16 =	vunpack.i.l.bf16.f32 v16;
	v20 =	vunpack.i.u.bf16.f32 v15;
	v15 =	vunpack.i.l.bf16.f32 v15  }
0x425: {  	v15 =	vmul.f32 v15, v16;
	v16 =	vmul.f32 v20, v17;
	v17 =	vunpack.i.u.bf16.f32 v19;
	v20 =	vld [tilespmem:s24+$0xDB40]  }
0x426: {  	v23 =	vld [tilespmem:s24+$0xBB50];
	v19 =	vunpack.i.l.bf16.f32 v19;
	v22 =	vunpack.i.u.bf16.f32 v18;
	v18 =	vunpack.i.l.bf16.f32 v18  }
0x427: {  	v11 =	vmul.f32 v18, v19;
	v18 =	vld [tilespmem:s24+$0xDB50]  }
0x428: {  	v12 =	vadd.f32 v12, v13;
	v7 =	vadd.f32 v7, v10;
	v17 =	vmul.f32 v22, v17  }
0x429: {  	v9 =	vadd.f32 v9, v14;
	v13 =	vadd.f32 v15, v16  }
0x42a: {  	v19 =	vld [tilespmem:s24+$0xBB60];
	v15 =	vunpack.i.l.bf16.f32 v21;
	v11 =	vadd.f32 v11, v17;
	v17 =	vunpack.i.l.bf16.f32 v20  }
0x42b: {  	v14 =	vunpack.i.u.bf16.f32 v21;
	v16 =	vunpack.i.u.bf16.f32 v20;
	v15 =	vmul.f32 v17, v15;
	v17 =	vld [tilespmem:s24+$0xDB60]  }
0x42c: {  	v22 =	vld [tilespmem:s24+$0xBB70];
	v20 =	vunpack.i.l.bf16.f32 v23;
	v21 =	vunpack.i.u.bf16.f32 v18;
	v18 =	vunpack.i.l.bf16.f32 v18  }
0x42d: {  	v14 =	vmul.f32 v16, v14;
	v16 =	vunpack.i.u.bf16.f32 v23;
	v10 =	vmul.f32 v18, v20;
	v18 =	vld [tilespmem:s24+$0xDB70]  }
0x42e: {  	v9 =	vadd.f32 v9, v12;
	v11 =	vadd.f32 v11, v13;
	v16 =	vmul.f32 v21, v16  }
0x42f: {  	v12 =	vunpack.i.u.bf16.f32 v19;
	v21 =	vld [tilespmem:s24+$0xBD50];
	v13 =	vadd.f32 v15, v14;
	v14 =	vunpack.i.l.bf16.f32 v19  }
0x430: {  	v10 =	vadd.f32 v10, v16;
	v15 =	vunpack.i.u.bf16.f32 v17;
	v16 =	vunpack.i.l.bf16.f32 v17;
	v17 =	vld [tilespmem:s24+$0xBD40]  }
0x431: {  	v19 =	vunpack.i.l.bf16.f32 v22;
	v14 =	vmul.f32 v16, v14;
	v12 =	vmul.f32 v15, v12;
	v16 =	vld [tilespmem:s24+$0xDD40]  }
0x432: {  	v15 =	vunpack.i.u.bf16.f32 v22;
	v20 =	vunpack.i.u.bf16.f32 v18;
	v18 =	vunpack.i.l.bf16.f32 v18  }
0x433: {  	v7 =	vadd.f32 v7, v8;
	v8 =	vmul.f32 v18, v19;
	v15 =	vmul.f32 v20, v15;
	v18 =	vld [tilespmem:s24+$0xDD50]  }
0x434: {  	v9 =	vadd.f32 v11, v9;
	v11 =	vld [tilespmem:s24+$0xBD60];
	v10 =	vadd.f32 v10, v13;
	v20 =	vunpack.i.l.bf16.f32 v21  }
0x435: {  	v12 =	vadd.f32 v14, v12;
	v14 =	vld [tilespmem:s24+$0xDD60];
	v8 =	vadd.f32 v8, v15;
	v13 =	vunpack.i.u.bf16.f32 v17  }
0x436: {  	v19 =	vld [tilespmem:s24+$0xBD70];
	v15 =	vunpack.i.l.bf16.f32 v17;
	v17 =	vunpack.i.u.bf16.f32 v16;
	v16 =	vunpack.i.l.bf16.f32 v16  }
0x437: {  	v8 =	vadd.f32 v8, v12;
	v15 =	vmul.f32 v16, v15;
	v13 =	vmul.f32 v17, v13;
	v17 =	vld [tilespmem:s24+$0xDD70]  }
0x438: {  	v16 =	vunpack.i.u.bf16.f32 v21;
	v21 =	vunpack.i.u.bf16.f32 v18;
	v18 =	vunpack.i.l.bf16.f32 v18  }
0x439: {  	v18 =	vmul.f32 v18, v20;
	v16 =	vmul.f32 v21, v16;
	v20 =	vunpack.i.u.bf16.f32 v11  }
0x43a: {  	v11 =	vunpack.i.l.bf16.f32 v11;
	v21 =	vunpack.i.u.bf16.f32 v14;
	v14 =	vunpack.i.l.bf16.f32 v14  }
0x43b: {  	v11 =	vmul.f32 v14, v11;
	v14 =	vmul.f32 v21, v20;
	v20 =	vunpack.i.u.bf16.f32 v19  }
0x43c: {  	v22 =	vld [tilespmem:s24+$0xBC40];
	v19 =	vunpack.i.l.bf16.f32 v19;
	v21 =	vunpack.i.u.bf16.f32 v17;
	v17 =	vunpack.i.l.bf16.f32 v17  }
0x43d: {  	v10 =	vadd.f32 v8, v10;
	v12 =	vmul.f32 v17, v19;
	v17 =	vmul.f32 v21, v20;
	v19 =	vld [tilespmem:s24+$0xDC40]  }
0x43e: {  	v8 =	vperm.xlane v7, v0;
	v13 =	vadd.f32 v15, v13;
	v15 =	vadd.f32 v18, v16  }
0x43f: {  	v16 =	vperm.xlane v9, v0;
	v11 =	vadd.f32 v11, v14;
	v14 =	vld [tilespmem:s24+$0xBC50];
	v12 =	vadd.f32 v12, v17  }
0x440: {  	v7 =	vadd.f32 v8, v7;
	v13 =	vadd.f32 v15, v13;
	v15 =	vld [tilespmem:s24+$0xDC50]  }
0x441: {  	v8 =	vadd.f32 v16, v9;
	v11 =	vadd.f32 v12, v11  }
0x442: {  	v20 =	vld [tilespmem:s24+$0xBC60];
	v17 =	vunpack.i.l.bf16.f32 v22;
	v18 =	vunpack.i.u.bf16.f32 v19;
	v19 =	vunpack.i.l.bf16.f32 v19  }
0x443: {  	v9 =	vperm.xlane v10, v0;
	v11 =	vadd.f32 v11, v13;
	v13 =	vmul.f32 v19, v17;
	v17 =	vld [tilespmem:s24+$0xDC60]  }
0x444: {  	v16 =	vunpack.i.u.bf16.f32 v14;
	v14 =	vunpack.i.l.bf16.f32 v14;
	v12 =	vunpack.i.u.bf16.f32 v22  }
0x445: {  	v12 =	vmul.f32 v18, v12;
	v18 =	vunpack.i.u.bf16.f32 v15;
	v15 =	vunpack.i.l.bf16.f32 v15  }
0x446: {  	v19 =	vld [tilespmem:s24+$0xBC70];
	v14 =	vmul.f32 v15, v14;
	v15 =	vmul.f32 v18, v16  }
0x447: {  	v16 =	vunpack.i.u.bf16.f32 v20;
	v18 =	vld [tilespmem:s24+$0xDC70];
	v20 =	vunpack.i.l.bf16.f32 v20;
	v12 =	vadd.f32 v13, v12  }
0x448: {  	v22 =	vld [tilespmem:s24+$0xBE40];
	v13 =	vperm.xlane v11, v0;
	v21 =	vunpack.i.u.bf16.f32 v17;
	v17 =	vunpack.i.l.bf16.f32 v17  }
0x449: {  	v14 =	vadd.f32 v14, v15;
	v15 =	vld [tilespmem:s24+$0xDE40];
	v17 =	vmul.f32 v17, v20;
	v16 =	vmul.f32 v21, v16  }
0x44a: {  	v9 =	vadd.f32 v9, v10;
	v10 =	vadd.f32 v13, v11  }
0x44b: {  	v11 =	vunpack.i.u.bf16.f32 v19;
	v12 =	vadd.f32 v14, v12;
	v14 =	vld [tilespmem:s24+$0xDE50];
	v13 =	vadd.f32 v17, v16  }
0x44c: {  	v20 =	vld [tilespmem:s24+$0xBE50];
	v16 =	vunpack.i.l.bf16.f32 v19;
	v17 =	vunpack.i.u.bf16.f32 v18;
	v18 =	vunpack.i.l.bf16.f32 v18  }
0x44d: {  	v21 =	vunpack.i.l.bf16.f32 v22;
	v19 =	vld [tilespmem:s24+$0xBE60];
	v16 =	vmul.f32 v18, v16;
	v11 =	vmul.f32 v17, v11  }
0x44e: {  	v17 =	vunpack.i.u.bf16.f32 v22;
	v18 =	vld [tilespmem:s24+$0xDE60];
	v22 =	vunpack.i.u.bf16.f32 v15;
	v15 =	vunpack.i.l.bf16.f32 v15  }
0x44f: {  	v23 =	vld [tilespmem:s24+$0xBE70];
	v15 =	vmul.f32 v15, v21  }
0x450: {  	v17 =	vmul.f32 v22, v17;
	v22 =	vld [tilespmem:s24+$0xDE70];
	v24 =	vunpack.i.u.bf16.f32 v14;
	v14 =	vunpack.i.l.bf16.f32 v14  }
0x451: {  	v21 =	vunpack.i.u.bf16.f32 v20;
	v20 =	vunpack.i.l.bf16.f32 v20;
	v11 =	vadd.f32 v16, v11  }
0x452: {  	v14 =	vmul.f32 v14, v20;
	v20 =	vmul.f32 v24, v21;
	v21 =	vunpack.i.u.bf16.f32 v19  }
0x453: {  	v25 =	vld [tilespmem:s24+$0xBBC0];
	v19 =	vunpack.i.l.bf16.f32 v19;
	v24 =	vunpack.i.u.bf16.f32 v18;
	v18 =	vunpack.i.l.bf16.f32 v18  }
0x454: {  	v18 =	vmul.f32 v18, v19;
	v19 =	vmul.f32 v24, v21;
	v21 =	vunpack.i.u.bf16.f32 v23;
	v24 =	vld [tilespmem:s24+$0xDBC0]  }
0x455: {  	v27 =	vld [tilespmem:s24+$0xBBD0];
	v23 =	vunpack.i.l.bf16.f32 v23;
	v26 =	vunpack.i.u.bf16.f32 v22;
	v22 =	vunpack.i.l.bf16.f32 v22  }
0x456: {  	v16 =	vmul.f32 v22, v23;
	v22 =	vld [tilespmem:s24+$0xDBD0]  }
0x457: {  	v15 =	vadd.f32 v15, v17;
	v11 =	vadd.f32 v11, v13;
	v21 =	vmul.f32 v26, v21  }
0x458: {  	v14 =	vadd.f32 v14, v20;
	v17 =	vadd.f32 v18, v19  }
0x459: {  	v23 =	vld [tilespmem:s24+$0xBBE0];
	v19 =	vunpack.i.l.bf16.f32 v25;
	v16 =	vadd.f32 v16, v21;
	v21 =	vunpack.i.l.bf16.f32 v24  }
0x45a: {  	v18 =	vunpack.i.u.bf16.f32 v25;
	v20 =	vunpack.i.u.bf16.f32 v24;
	v19 =	vmul.f32 v21, v19;
	v21 =	vld [tilespmem:s24+$0xDBE0]  }
0x45b: {  	v26 =	vld [tilespmem:s24+$0xBBF0];
	v24 =	vunpack.i.l.bf16.f32 v27;
	v25 =	vunpack.i.u.bf16.f32 v22;
	v22 =	vunpack.i.l.bf16.f32 v22  }
0x45c: {  	v18 =	vmul.f32 v20, v18;
	v20 =	vunpack.i.u.bf16.f32 v27;
	v13 =	vmul.f32 v22, v24;
	v22 =	vld [tilespmem:s24+$0xDBF0]  }
0x45d: {  	v14 =	vadd.f32 v14, v15;
	v15 =	vadd.f32 v16, v17;
	v20 =	vmul.f32 v25, v20  }
0x45e: {  	v16 =	vunpack.i.u.bf16.f32 v23;
	v17 =	vadd.f32 v19, v18;
	v18 =	vunpack.i.l.bf16.f32 v23  }
0x45f: {  	v13 =	vadd.f32 v13, v20;
	v19 =	vunpack.i.u.bf16.f32 v21;
	v20 =	vunpack.i.l.bf16.f32 v21;
	v21 =	vld [tilespmem:s24+$0xBDC0]  }
0x460: {  	v23 =	vunpack.i.l.bf16.f32 v26;
	v18 =	vmul.f32 v20, v18;
	v16 =	vmul.f32 v19, v16;
	v20 =	vld [tilespmem:s24+$0xDDC0]  }
0x461: {  	v25 =	vld [tilespmem:s24+$0xBDD0];
	v19 =	vunpack.i.u.bf16.f32 v26;
	v24 =	vunpack.i.u.bf16.f32 v22;
	v22 =	vunpack.i.l.bf16.f32 v22  }
0x462: {  	v11 =	vadd.f32 v11, v12;
	v22 =	vmul.f32 v22, v23;
	v19 =	vmul.f32 v24, v19;
	v23 =	vld [tilespmem:s24+$0xDDD0]  }
0x463: {  	v12 =	vadd.f32 v15, v14;
	v14 =	vld [tilespmem:s24+$0xBDE0];
	v13 =	vadd.f32 v13, v17  }
0x464: {  	v15 =	vadd.f32 v18, v16;
	v18 =	vld [tilespmem:s24+$0xDDE0];
	v16 =	vadd.f32 v22, v19;
	v17 =	vunpack.i.u.bf16.f32 v21  }
0x465: {  	v22 =	vld [tilespmem:s24+$0xBDF0];
	v19 =	vunpack.i.l.bf16.f32 v21;
	v21 =	vunpack.i.u.bf16.f32 v20;
	v20 =	vunpack.i.l.bf16.f32 v20  }
0x466: {  	v24 =	vunpack.i.l.bf16.f32 v25;
	v19 =	vmul.f32 v20, v19;
	v17 =	vmul.f32 v21, v17;
	v21 =	vld [tilespmem:s24+$0xDDF0]  }
0x467: {  	v20 =	vunpack.i.u.bf16.f32 v25;
	v25 =	vunpack.i.u.bf16.f32 v23;
	v23 =	vunpack.i.l.bf16.f32 v23  }
0x468: {  	v23 =	vmul.f32 v23, v24;
	v20 =	vmul.f32 v25, v20  }
0x469: {  	v26 =	vld [tilespmem:s24+$0xBCC0];
	v24 =	vunpack.i.u.bf16.f32 v14;
	v14 =	vunpack.i.l.bf16.f32 v14;
	v25 =	vunpack.i.u.bf16.f32 v18  }
0x46a: {  	v27 =	vld [tilespmem:s24+$0xDCC0];
	v18 =	vunpack.i.l.bf16.f32 v18;
	v24 =	vmul.f32 v25, v24;
	v25 =	vunpack.i.u.bf16.f32 v22  }
0x46b: {  	v29 =	vld [tilespmem:s24+$0xBCD0];
	v22 =	vunpack.i.l.bf16.f32 v22;
	v28 =	vunpack.i.u.bf16.f32 v21;
	v21 =	vunpack.i.l.bf16.f32 v21  }
0x46c: {  	v18 =	vmul.f32 v18, v14;
	v14 =	vadd.f32 v16, v15;
	v15 =	vmul.f32 v21, v22;
	v21 =	vld [tilespmem:s24+$0xDCD0]  }
0x46d: {  	v17 =	vadd.f32 v19, v17;
	v16 =	vmul.f32 v28, v25;
	v22 =	vld [tilespmem:s24+$0xDCE0]  }
0x46e: {  	v30 =	vld [tilespmem:s24+$0xBEC0];
	v19 =	vadd.f32 v23, v20;
	v23 =	vunpack.i.l.bf16.f32 v26;
	v18 =	vadd.f32 v18, v24  }
0x46f: {  	v20 =	vld [tilespmem:s24+$0xBCE0];
	v24 =	vunpack.i.u.bf16.f32 v27;
	v25 =	vunpack.i.l.bf16.f32 v27;
	v16 =	vadd.f32 v15, v16  }
0x470: {  	v31 =	vld [tilespmem:s24+$0xDEC0];
	v23 =	vmul.f32 v25, v23;
	v25 =	vunpack.i.l.bf16.f32 v29;
	v15 =	vunpack.i.u.bf16.f32 v26  }
0x471: {  	v27 =	vld [tilespmem:s24+$0xBCF0];
	v24 =	vmul.f32 v24, v15;
	v15 =	vunpack.i.u.bf16.f32 v29;
	v16 =	vadd.f32 v16, v18  }
0x472: {  	v28 =	vld [tilespmem:s24+$0xDCF0];
	v26 =	vunpack.i.u.bf16.f32 v21;
	v21 =	vunpack.i.l.bf16.f32 v21;
	v29 =	vunpack.i.u.bf16.f32 v22  }
0x473: {  	v22 =	vunpack.i.l.bf16.f32 v22;
	v21 =	vmul.f32 v21, v25;
	v25 =	vmul.f32 v26, v15  }
0x474: {  	v26 =	vunpack.i.u.bf16.f32 v20;
	v20 =	vunpack.i.l.bf16.f32 v20;
	v15 =	vadd.f32 v19, v17  }
0x475: {  	v17 =	vadd.f32 v23, v24;
	v19 =	vmul.f32 v22, v20;
	v20 =	vmul.f32 v29, v26;
	v22 =	vld [tilespmem:s24+$0xBED0]  }
0x476: {  	v24 =	vld [tilespmem:s24+$0xDED0];
	v26 =	vunpack.i.u.bf16.f32 v27;
	v29 =	vunpack.i.u.bf16.f32 v31;
	v18 =	vadd.f32 v21, v25  }
0x477: {  	v23 =	vld [tilespmem:s24+$0xBEE0];
	v21 =	vunpack.i.u.bf16.f32 v28;
	v25 =	vunpack.i.l.bf16.f32 v28;
	v28 =	vunpack.i.l.bf16.f32 v30  }
0x478: {  	v19 =	vadd.f32 v19, v20;
	v20 =	vunpack.i.l.bf16.f32 v27;
	v21 =	vmul.f32 v21, v26;
	v26 =	vld [tilespmem:s24+$0xDEE0]  }
0x479: {  	s26 =	simm.s32 $0x2000;
	s25 =	smov.u32 s22;
	v27 =	vunpack.i.u.bf16.f32 v30;
	v30 =	vunpack.i.l.bf16.f32 v31;
	v20 =	vmul.f32 v25, v20;
	v25 =	vld [tilespmem:s24+$0xBEF0]  }
.LBB2_7:
0x47a: {  	p0 =	sne.s32 s26, $0x7000;
	v28 =	vmul.f32 v30, v28;
	v27 =	vmul.f32 v29, v27;
	v29 =	vunpack.i.u.bf16.f32 v22;
	v30 =	vld [tilespmem:s24+$0xDEF0]  }
0x47b: {  	v22 =	vunpack.i.l.bf16.f32 v22;
	v31 =	vunpack.i.u.bf16.f32 v24;
	v24 =	vunpack.i.l.bf16.f32 v24  }
0x47c: {  	v22 =	vmul.f32 v24, v22;
	v24 =	vmul.f32 v31, v29;
	v29 =	vunpack.i.u.bf16.f32 v23  }
0x47d: {  	v23 =	vunpack.i.l.bf16.f32 v23;
	v31 =	vunpack.i.u.bf16.f32 v26;
	v26 =	vunpack.i.l.bf16.f32 v26  }
0x47e: {  	v23 =	vmul.f32 v26, v23;
	v26 =	vmul.f32 v31, v29;
	v29 =	vunpack.i.u.bf16.f32 v25  }
0x47f: {  	v25 =	vunpack.i.l.bf16.f32 v25;
	v31 =	vunpack.i.u.bf16.f32 v30;
	v30 =	vunpack.i.l.bf16.f32 v30  }
0x480: {  	v20 =	vadd.f32 v20, v21;
	v21 =	vmul.f32 v30, v25;
	v25 =	vmul.f32 v31, v29  }
0x481: {  	v27 =	vadd.f32 v28, v27;
	v22 =	vadd.f32 v22, v24  }
0x482: {  	v23 =	vadd.f32 v23, v26;
	v21 =	vadd.f32 v21, v25  }
0x483: {  	v17 =	vadd.f32 v18, v17;
	v18 =	vadd.f32 v20, v19  }
0x484: {  	v19 =	vadd.f32 v22, v27;
	v20 =	vadd.f32 v21, v23  }
0x485: {  	v13 =	vadd.f32 v14, v13;
	v14 =	vadd.f32 v16, v15;
	v15 =	vperm.xlane v11, v0  }
0x486: {  	v16 =	vadd.f32 v18, v17;
	v18 =	vperm.xlane v12, v0;
	v17 =	vadd.f32 v20, v19  }
0x487: {  	v11 =	vadd.f32 v15, v11;
	v15 =	vperm.xlane v13, v0;
	v19 =	vperm.xlane v14, v0  }
0x488: {  	v12 =	vadd.f32 v18, v12;
	v18 =	vperm.xlane v16, v0;
	v20 =	vperm.xlane v17, v0  }
0x489: {  	v7 =	vsel vm2, v7, v8;
	v8 =	vadd.f32 v15, v13;
	v13 =	vadd.f32 v19, v14  }
0x48a: {  	v9 =	vsel vm2, v9, v10;
	v10 =	vadd.f32 v18, v16;
	v14 =	vadd.f32 v20, v17  }
0x48b: {  	v15 =	vperm.xlane v9, v1;
	v11 =	vsel vm2, v11, v12;
	v12 =	vperm.xlane v7, v1  }
0x48c: {  	v8 =	vsel vm2, v8, v13;
	v13 =	vperm.xlane v11, v1;
	v10 =	vsel vm2, v10, v14  }
0x48d: {  	v7 =	vadd.f32 v12, v7;
	v12 =	vperm.xlane v8, v1;
	v14 =	vperm.xlane v10, v1  }
0x48e: {  	v9 =	vadd.f32 v15, v9;
	v11 =	vadd.f32 v13, v11  }
0x48f: {  	v4 =	vsel vm0, v4, v6;
	v6 =	vadd.f32 v12, v8;
	v8 =	vadd.f32 v14, v10  }
0x490: {  	v5 =	vsel vm0, v5, v7;
	v7 =	vperm.xlane v4, v2  }
0x491: {  	v9 =	vsel vm0, v9, v11;
	v6 =	vsel vm0, v6, v8;
	v8 =	vperm.xlane v5, v2  }
0x492: {  	v10 =	vperm.xlane v9, v2;
	v11 =	vperm.xlane v6, v2  }
0x493: {  	v4 =	vadd.f32 v7, v4;
	v5 =	vadd.f32 v8, v5  }
0x494: {  	v7 =	vadd.f32 v10, v9;
	v6 =	vadd.f32 v11, v6;
	_ =	sdelay $0x1  }
0x495: {  	v4 =	vsel vm1, v4, v5;
	v5 =	vsel vm1, v7, v6  }
0x496: {  	v6 =	vperm.xlane v4, v3;
	v7 =	vperm.xlane v5, v3;
	_ =	sdelay $0x1  }
0x497: {  	v4 =	vadd.f32 v6, v4;
	v5 =	vadd.f32 v7, v5;
	_ =	sdelay $0x1  }
0x498: {  	s25 =	sadd.s32 $0x10, s25;
	v4 =	vsel vm3, v4, v5  }
0x499: {  	s24 =	sshra.s32 s26, $0x2;
	[tilespmem:s25+$0x0] =	vst v4  }
0x49a: {  	v4 =	vld [tilespmem:s24+$0xBB00]  }
0x49b: {  	v5 =	vld [tilespmem:s24+$0xDB00]  }
0x49c: {  	v6 =	vld [tilespmem:s24+$0xBB10]  }
0x49d: {  	v7 =	vld [tilespmem:s24+$0xDB10]  }
0x49e: {  	v8 =	vld [tilespmem:s24+$0xBB20]  }
0x49f: {  	v9 =	vunpack.i.u.bf16.f32 v4;
	v10 =	vld [tilespmem:s24+$0xDB20]  }
0x4a0: {  	v4 =	vunpack.i.l.bf16.f32 v4;
	v11 =	vunpack.i.u.bf16.f32 v5;
	v5 =	vunpack.i.l.bf16.f32 v5  }
0x4a1: {  	v4 =	vmul.f32 v5, v4;
	v5 =	vmul.f32 v11, v9;
	v9 =	vunpack.i.u.bf16.f32 v6  }
0x4a2: {  	v6 =	vunpack.i.l.bf16.f32 v6;
	v11 =	vunpack.i.u.bf16.f32 v7;
	v7 =	vunpack.i.l.bf16.f32 v7;
	v12 =	vld [tilespmem:s24+$0xBB30]  }
0x4a3: {  	v6 =	vmul.f32 v7, v6;
	v7 =	vmul.f32 v11, v9;
	v9 =	vunpack.i.u.bf16.f32 v8;
	v11 =	vld [tilespmem:s24+$0xDB30]  }
0x4a4: {  	v8 =	vunpack.i.l.bf16.f32 v8;
	v13 =	vunpack.i.u.bf16.f32 v10;
	v10 =	vunpack.i.l.bf16.f32 v10;
	v14 =	vld [tilespmem:s24+$0xBD00]  }
0x4a5: {  	v8 =	vmul.f32 v10, v8;
	v9 =	vmul.f32 v13, v9;
	v10 =	vld [tilespmem:s24+$0xDD00]  }
0x4a6: {  	v4 =	vadd.f32 v4, v5;
	v5 =	vld [tilespmem:s24+$0xBD10]  }
0x4a7: {  	v6 =	vadd.f32 v6, v7;
	v13 =	vunpack.i.u.bf16.f32 v12;
	v7 =	vadd.f32 v8, v9;
	v8 =	vld [tilespmem:s24+$0xDD10]  }
0x4a8: {  	v9 =	vunpack.i.l.bf16.f32 v12;
	v12 =	vunpack.i.u.bf16.f32 v11;
	v11 =	vunpack.i.l.bf16.f32 v11;
	v15 =	vld [tilespmem:s24+$0xBD20]  }
0x4a9: {  	v9 =	vmul.f32 v11, v9;
	v11 =	vmul.f32 v12, v13;
	v12 =	vunpack.i.u.bf16.f32 v14;
	v13 =	vld [tilespmem:s24+$0xDD20]  }
0x4aa: {  	v14 =	vunpack.i.l.bf16.f32 v14;
	v16 =	vunpack.i.u.bf16.f32 v10;
	v10 =	vunpack.i.l.bf16.f32 v10;
	v17 =	vld [tilespmem:s24+$0xBD30]  }
0x4ab: {  	v10 =	vmul.f32 v10, v14;
	v12 =	vmul.f32 v16, v12;
	v14 =	vunpack.i.u.bf16.f32 v5;
	v16 =	vld [tilespmem:s24+$0xDD30]  }
0x4ac: {  	v5 =	vunpack.i.l.bf16.f32 v5;
	v18 =	vunpack.i.u.bf16.f32 v8;
	v8 =	vunpack.i.l.bf16.f32 v8  }
0x4ad: {  	v5 =	vmul.f32 v8, v5;
	v8 =	vmul.f32 v18, v14;
	v14 =	vunpack.i.u.bf16.f32 v15  }
0x4ae: {  	v15 =	vunpack.i.l.bf16.f32 v15;
	v18 =	vunpack.i.u.bf16.f32 v13;
	v13 =	vunpack.i.l.bf16.f32 v13  }
0x4af: {  	v13 =	vmul.f32 v13, v15;
	v14 =	vmul.f32 v18, v14;
	v15 =	vunpack.i.u.bf16.f32 v17  }
0x4b0: {  	v17 =	vunpack.i.l.bf16.f32 v17;
	v18 =	vunpack.i.u.bf16.f32 v16;
	v16 =	vunpack.i.l.bf16.f32 v16  }
0x4b1: {  	v9 =	vadd.f32 v9, v11;
	v11 =	vmul.f32 v16, v17;
	v15 =	vmul.f32 v18, v15  }
0x4b2: {  	v10 =	vadd.f32 v10, v12;
	v5 =	vadd.f32 v5, v8;
	v8 =	vld [tilespmem:s24+$0xBC00]  }
0x4b3: {  	v12 =	vadd.f32 v13, v14;
	v11 =	vadd.f32 v11, v15;
	v13 =	vld [tilespmem:s24+$0xDC00]  }
0x4b4: {  	v4 =	vadd.f32 v6, v4;
	v6 =	vadd.f32 v9, v7;
	v7 =	vld [tilespmem:s24+$0xBC10]  }
0x4b5: {  	v5 =	vadd.f32 v5, v10;
	v9 =	vadd.f32 v11, v12;
	v10 =	vld [tilespmem:s24+$0xDC10];
	_ =	sdelay $0x1  }
0x4b6: {  	v4 =	vadd.f32 v6, v4;
	v5 =	vadd.f32 v9, v5;
	v6 =	vunpack.i.u.bf16.f32 v8  }
0x4b7: {  	v8 =	vunpack.i.l.bf16.f32 v8;
	v9 =	vunpack.i.u.bf16.f32 v13;
	v11 =	vunpack.i.l.bf16.f32 v13;
	v12 =	vld [tilespmem:s24+$0xBC20]  }
0x4b8: {  	v8 =	vmul.f32 v11, v8;
	v6 =	vmul.f32 v9, v6;
	v9 =	vunpack.i.u.bf16.f32 v7;
	v11 =	vld [tilespmem:s24+$0xDC20]  }
0x4b9: {  	v7 =	vunpack.i.l.bf16.f32 v7;
	v13 =	vunpack.i.u.bf16.f32 v10;
	v10 =	vunpack.i.l.bf16.f32 v10;
	v14 =	vld [tilespmem:s24+$0xBC30]  }
0x4ba: {  	v7 =	vmul.f32 v10, v7;
	v9 =	vmul.f32 v13, v9;
	v10 =	vld [tilespmem:s24+$0xDC30]  }
0x4bb: {  	v15 =	vperm.xlane v5, v0;
	v13 =	vperm.xlane v4, v0  }
0x4bc: {  	v6 =	vadd.f32 v8, v6;
	v16 =	vunpack.i.u.bf16.f32 v12;
	v7 =	vadd.f32 v7, v9  }
0x4bd: {  	v8 =	vunpack.i.l.bf16.f32 v12;
	v9 =	vunpack.i.u.bf16.f32 v11;
	v11 =	vunpack.i.l.bf16.f32 v11;
	v12 =	vld [tilespmem:s24+$0xBE00]  }
0x4be: {  	v8 =	vmul.f32 v11, v8;
	v9 =	vmul.f32 v9, v16;
	v11 =	vunpack.i.u.bf16.f32 v14;
	v16 =	vld [tilespmem:s24+$0xDE00]  }
0x4bf: {  	v14 =	vunpack.i.l.bf16.f32 v14;
	v17 =	vunpack.i.u.bf16.f32 v10;
	v10 =	vunpack.i.l.bf16.f32 v10;
	v18 =	vld [tilespmem:s24+$0xBE10]  }
0x4c0: {  	v4 =	vadd.f32 v13, v4;
	v10 =	vmul.f32 v10, v14;
	v11 =	vmul.f32 v17, v11;
	v14 =	vld [tilespmem:s24+$0xDE10]  }
0x4c1: {  	v5 =	vadd.f32 v15, v5;
	v6 =	vadd.f32 v7, v6;
	v7 =	vld [tilespmem:s24+$0xBE20]  }
0x4c2: {  	v8 =	vadd.f32 v8, v9;
	v9 =	vadd.f32 v10, v11;
	v10 =	vunpack.i.u.bf16.f32 v12;
	v11 =	vld [tilespmem:s24+$0xDE20]  }
0x4c3: {  	v12 =	vunpack.i.l.bf16.f32 v12;
	v13 =	vunpack.i.u.bf16.f32 v16;
	v15 =	vunpack.i.l.bf16.f32 v16;
	v16 =	vld [tilespmem:s24+$0xBE30]  }
0x4c4: {  	v12 =	vmul.f32 v15, v12;
	v10 =	vmul.f32 v13, v10;
	v13 =	vunpack.i.u.bf16.f32 v18;
	v15 =	vld [tilespmem:s24+$0xDE30]  }
0x4c5: {  	v17 =	vunpack.i.l.bf16.f32 v18;
	v18 =	vunpack.i.u.bf16.f32 v14;
	v14 =	vunpack.i.l.bf16.f32 v14  }
0x4c6: {  	v14 =	vmul.f32 v14, v17;
	v13 =	vmul.f32 v18, v13;
	v17 =	vunpack.i.u.bf16.f32 v7  }
0x4c7: {  	v7 =	vunpack.i.l.bf16.f32 v7;
	v18 =	vunpack.i.u.bf16.f32 v11;
	v11 =	vunpack.i.l.bf16.f32 v11;
	v19 =	vld [tilespmem:s24+$0xBB80]  }
0x4c8: {  	v7 =	vmul.f32 v11, v7;
	v11 =	vmul.f32 v18, v17;
	v17 =	vunpack.i.u.bf16.f32 v16;
	v18 =	vld [tilespmem:s24+$0xDB80]  }
0x4c9: {  	v16 =	vunpack.i.l.bf16.f32 v16;
	v20 =	vunpack.i.u.bf16.f32 v15;
	v15 =	vunpack.i.l.bf16.f32 v15;
	v21 =	vld [tilespmem:s24+$0xBB90]  }
0x4ca: {  	v8 =	vadd.f32 v9, v8;
	v9 =	vmul.f32 v15, v16;
	v15 =	vmul.f32 v20, v17;
	v16 =	vld [tilespmem:s24+$0xDB90]  }
0x4cb: {  	v10 =	vadd.f32 v12, v10;
	v12 =	vadd.f32 v14, v13;
	v13 =	vld [tilespmem:s24+$0xBBA0]  }
0x4cc: {  	v7 =	vadd.f32 v7, v11;
	v9 =	vadd.f32 v9, v15;
	v11 =	vunpack.i.u.bf16.f32 v19;
	v14 =	vld [tilespmem:s24+$0xDBA0]  }
0x4cd: {  	v15 =	vunpack.i.l.bf16.f32 v19;
	v17 =	vunpack.i.u.bf16.f32 v18;
	v18 =	vunpack.i.l.bf16.f32 v18  }
0x4ce: {  	v15 =	vmul.f32 v18, v15;
	v11 =	vmul.f32 v17, v11;
	v17 =	vunpack.i.u.bf16.f32 v21  }
0x4cf: {  	v18 =	vunpack.i.l.bf16.f32 v21;
	v19 =	vunpack.i.u.bf16.f32 v16;
	v16 =	vunpack.i.l.bf16.f32 v16;
	v20 =	vld [tilespmem:s24+$0xBBB0]  }
0x4d0: {  	v16 =	vmul.f32 v16, v18;
	v17 =	vmul.f32 v19, v17;
	v18 =	vunpack.i.u.bf16.f32 v13;
	v19 =	vld [tilespmem:s24+$0xDBB0]  }
0x4d1: {  	v13 =	vunpack.i.l.bf16.f32 v13;
	v21 =	vunpack.i.u.bf16.f32 v14;
	v14 =	vunpack.i.l.bf16.f32 v14;
	v22 =	vld [tilespmem:s24+$0xBD80]  }
0x4d2: {  	v10 =	vadd.f32 v12, v10;
	v12 =	vmul.f32 v14, v13;
	v13 =	vmul.f32 v21, v18;
	v14 =	vld [tilespmem:s24+$0xDD80]  }
0x4d3: {  	v7 =	vadd.f32 v9, v7;
	v9 =	vadd.f32 v15, v11;
	v11 =	vld [tilespmem:s24+$0xBD90]  }
0x4d4: {  	v16 =	vadd.f32 v16, v17;
	v15 =	vunpack.i.u.bf16.f32 v20;
	v12 =	vadd.f32 v12, v13;
	v13 =	vld [tilespmem:s24+$0xDD90]  }
0x4d5: {  	v17 =	vunpack.i.l.bf16.f32 v20;
	v18 =	vunpack.i.u.bf16.f32 v19;
	v19 =	vunpack.i.l.bf16.f32 v19;
	v20 =	vld [tilespmem:s24+$0xBDA0]  }
0x4d6: {  	v17 =	vmul.f32 v19, v17;
	v15 =	vmul.f32 v18, v15;
	v18 =	vunpack.i.u.bf16.f32 v22;
	v19 =	vld [tilespmem:s24+$0xDDA0]  }
0x4d7: {  	v21 =	vunpack.i.l.bf16.f32 v22;
	v22 =	vunpack.i.u.bf16.f32 v14;
	v14 =	vunpack.i.l.bf16.f32 v14;
	v23 =	vld [tilespmem:s24+$0xBDB0]  }
0x4d8: {  	v14 =	vmul.f32 v14, v21;
	v18 =	vmul.f32 v22, v18;
	v21 =	vunpack.i.u.bf16.f32 v11;
	v22 =	vld [tilespmem:s24+$0xDDB0]  }
0x4d9: {  	v11 =	vunpack.i.l.bf16.f32 v11;
	v24 =	vunpack.i.u.bf16.f32 v13;
	v13 =	vunpack.i.l.bf16.f32 v13  }
0x4da: {  	v11 =	vmul.f32 v13, v11;
	v13 =	vmul.f32 v24, v21;
	v21 =	vunpack.i.u.bf16.f32 v20  }
0x4db: {  	v20 =	vunpack.i.l.bf16.f32 v20;
	v24 =	vunpack.i.u.bf16.f32 v19;
	v19 =	vunpack.i.l.bf16.f32 v19  }
0x4dc: {  	v19 =	vmul.f32 v19, v20;
	v20 =	vmul.f32 v24, v21;
	v21 =	vunpack.i.u.bf16.f32 v23  }
0x4dd: {  	v23 =	vunpack.i.l.bf16.f32 v23;
	v24 =	vunpack.i.u.bf16.f32 v22;
	v22 =	vunpack.i.l.bf16.f32 v22  }
0x4de: {  	v15 =	vadd.f32 v17, v15;
	v17 =	vmul.f32 v22, v23;
	v21 =	vmul.f32 v24, v21  }
0x4df: {  	v14 =	vadd.f32 v14, v18;
	v11 =	vadd.f32 v11, v13  }
0x4e0: {  	v13 =	vadd.f32 v19, v20;
	v17 =	vadd.f32 v17, v21  }
0x4e1: {  	v9 =	vadd.f32 v16, v9;
	v12 =	vadd.f32 v15, v12  }
0x4e2: {  	v11 =	vadd.f32 v11, v14;
	v13 =	vadd.f32 v17, v13  }
0x4e3: {  	v6 =	vadd.f32 v8, v6;
	v7 =	vadd.f32 v7, v10;
	v8 =	vld [tilespmem:s24+$0xBC80]  }
0x4e4: {  	v9 =	vadd.f32 v12, v9;
	v10 =	vadd.f32 v13, v11;
	v11 =	vld [tilespmem:s24+$0xDC80]  }
0x4e5: {  	v12 =	vperm.xlane v6, v0;
	v13 =	vperm.xlane v7, v0  }
0x4e6: {  	v4 =	vsel vm2, v4, v5;
	v5 =	vperm.xlane v9, v0;
	v14 =	vperm.xlane v10, v0  }
0x4e7: {  	v6 =	vadd.f32 v12, v6;
	v12 =	vperm.xlane v4, v1;
	v7 =	vadd.f32 v13, v7;
	v15 =	vld [tilespmem:s24+$0xBC90]  }
0x4e8: {  	v5 =	vadd.f32 v5, v9;
	v13 =	vunpack.i.u.bf16.f32 v8;
	v16 =	vld [tilespmem:s24+$0xDC90];
	v9 =	vadd.f32 v14, v10  }
0x4e9: {  	v8 =	vunpack.i.l.bf16.f32 v8;
	v10 =	vunpack.i.u.bf16.f32 v11;
	v11 =	vunpack.i.l.bf16.f32 v11;
	v14 =	vld [tilespmem:s24+$0xBCA0]  }
0x4ea: {  	v6 =	vsel vm2, v6, v7;
	v8 =	vmul.f32 v11, v8;
	v10 =	vmul.f32 v10, v13;
	v11 =	vld [tilespmem:s24+$0xDCA0]  }
0x4eb: {  	v4 =	vadd.f32 v12, v4;
	v7 =	vperm.xlane v6, v1;
	v5 =	vsel vm2, v5, v9  }
0x4ec: {  	v9 =	vunpack.i.u.bf16.f32 v15;
	v8 =	vadd.f32 v8, v10;
	v10 =	vperm.xlane v5, v1  }
0x4ed: {  	v12 =	vunpack.i.l.bf16.f32 v15;
	v13 =	vunpack.i.u.bf16.f32 v16;
	v15 =	vunpack.i.l.bf16.f32 v16;
	v16 =	vld [tilespmem:s24+$0xBCB0]  }
0x4ee: {  	v12 =	vmul.f32 v15, v12;
	v9 =	vmul.f32 v13, v9;
	v13 =	vunpack.i.u.bf16.f32 v14;
	v15 =	vld [tilespmem:s24+$0xDCB0]  }
0x4ef: {  	v14 =	vunpack.i.l.bf16.f32 v14;
	v17 =	vunpack.i.u.bf16.f32 v11;
	v11 =	vunpack.i.l.bf16.f32 v11;
	v18 =	vld [tilespmem:s24+$0xBE80]  }
0x4f0: {  	v11 =	vmul.f32 v11, v14;
	v13 =	vmul.f32 v17, v13;
	v9 =	vadd.f32 v12, v9;
	v12 =	vld [tilespmem:s24+$0xDE80]  }
0x4f1: {  	v6 =	vadd.f32 v7, v6;
	v5 =	vadd.f32 v10, v5;
	v14 =	vld [tilespmem:s24+$0xBE90]  }
0x4f2: {  	v7 =	vunpack.i.u.bf16.f32 v16;
	v10 =	vadd.f32 v11, v13;
	v8 =	vadd.f32 v9, v8;
	v9 =	vld [tilespmem:s24+$0xDE90]  }
0x4f3: {  	v11 =	vunpack.i.l.bf16.f32 v16;
	v13 =	vunpack.i.u.bf16.f32 v15;
	v15 =	vunpack.i.l.bf16.f32 v15;
	v16 =	vld [tilespmem:s24+$0xBEA0]  }
0x4f4: {  	v11 =	vmul.f32 v15, v11;
	v7 =	vmul.f32 v13, v7;
	v13 =	vunpack.i.u.bf16.f32 v18;
	v15 =	vld [tilespmem:s24+$0xDEA0]  }
0x4f5: {  	v17 =	vunpack.i.l.bf16.f32 v18;
	v18 =	vunpack.i.u.bf16.f32 v12;
	v12 =	vunpack.i.l.bf16.f32 v12;
	v19 =	vld [tilespmem:s24+$0xBEB0]  }
0x4f6: {  	v12 =	vmul.f32 v12, v17;
	v13 =	vmul.f32 v18, v13;
	v17 =	vunpack.i.u.bf16.f32 v14;
	v18 =	vld [tilespmem:s24+$0xDEB0]  }
0x4f7: {  	v14 =	vunpack.i.l.bf16.f32 v14;
	v20 =	vunpack.i.u.bf16.f32 v9;
	v9 =	vunpack.i.l.bf16.f32 v9  }
0x4f8: {  	v9 =	vmul.f32 v9, v14;
	v14 =	vmul.f32 v20, v17;
	v17 =	vunpack.i.u.bf16.f32 v16  }
0x4f9: {  	v16 =	vunpack.i.l.bf16.f32 v16;
	v20 =	vunpack.i.u.bf16.f32 v15;
	v15 =	vunpack.i.l.bf16.f32 v15;
	v21 =	vld [tilespmem:s24+$0xBB40]  }
0x4fa: {  	v15 =	vmul.f32 v15, v16;
	v16 =	vmul.f32 v20, v17;
	v17 =	vunpack.i.u.bf16.f32 v19;
	v20 =	vld [tilespmem:s24+$0xDB40]  }
0x4fb: {  	v19 =	vunpack.i.l.bf16.f32 v19;
	v22 =	vunpack.i.u.bf16.f32 v18;
	v18 =	vunpack.i.l.bf16.f32 v18;
	v23 =	vld [tilespmem:s24+$0xBB50]  }
0x4fc: {  	v7 =	vadd.f32 v11, v7;
	v11 =	vmul.f32 v18, v19;
	v17 =	vmul.f32 v22, v17;
	v18 =	vld [tilespmem:s24+$0xDB50]  }
0x4fd: {  	v12 =	vadd.f32 v12, v13;
	v9 =	vadd.f32 v9, v14  }
0x4fe: {  	v13 =	vadd.f32 v15, v16;
	v11 =	vadd.f32 v11, v17;
	v14 =	vunpack.i.u.bf16.f32 v21  }
0x4ff: {  	v15 =	vunpack.i.l.bf16.f32 v21;
	v16 =	vunpack.i.u.bf16.f32 v20;
	v17 =	vunpack.i.l.bf16.f32 v20;
	v19 =	vld [tilespmem:s24+$0xBB60]  }
0x500: {  	v15 =	vmul.f32 v17, v15;
	v14 =	vmul.f32 v16, v14;
	v16 =	vunpack.i.u.bf16.f32 v23;
	v17 =	vld [tilespmem:s24+$0xDB60]  }
0x501: {  	v20 =	vunpack.i.l.bf16.f32 v23;
	v21 =	vunpack.i.u.bf16.f32 v18;
	v18 =	vunpack.i.l.bf16.f32 v18;
	v22 =	vld [tilespmem:s24+$0xBB70]  }
0x502: {  	v7 =	vadd.f32 v7, v10;
	v10 =	vmul.f32 v18, v20;
	v16 =	vmul.f32 v21, v16;
	v18 =	vld [tilespmem:s24+$0xDB70]  }
0x503: {  	v9 =	vadd.f32 v9, v12;
	v11 =	vadd.f32 v11, v13  }
0x504: {  	v13 =	vadd.f32 v15, v14;
	v12 =	vunpack.i.u.bf16.f32 v19;
	v10 =	vadd.f32 v10, v16  }
0x505: {  	v14 =	vunpack.i.l.bf16.f32 v19;
	v15 =	vunpack.i.u.bf16.f32 v17;
	v16 =	vunpack.i.l.bf16.f32 v17;
	v17 =	vld [tilespmem:s24+$0xBD40]  }
0x506: {  	v14 =	vmul.f32 v16, v14;
	v12 =	vmul.f32 v15, v12;
	v15 =	vunpack.i.u.bf16.f32 v22;
	v16 =	vld [tilespmem:s24+$0xDD40]  }
0x507: {  	v19 =	vunpack.i.l.bf16.f32 v22;
	v20 =	vunpack.i.u.bf16.f32 v18;
	v18 =	vunpack.i.l.bf16.f32 v18;
	v21 =	vld [tilespmem:s24+$0xBD50]  }
0x508: {  	v7 =	vadd.f32 v7, v8;
	v8 =	vmul.f32 v18, v19;
	v15 =	vmul.f32 v20, v15;
	v18 =	vld [tilespmem:s24+$0xDD50]  }
0x509: {  	v9 =	vadd.f32 v11, v9;
	v10 =	vadd.f32 v10, v13;
	v11 =	vld [tilespmem:s24+$0xBD60]  }
0x50a: {  	v12 =	vadd.f32 v14, v12;
	v8 =	vadd.f32 v8, v15;
	v13 =	vunpack.i.u.bf16.f32 v17;
	v14 =	vld [tilespmem:s24+$0xDD60]  }
0x50b: {  	v15 =	vunpack.i.l.bf16.f32 v17;
	v17 =	vunpack.i.u.bf16.f32 v16;
	v16 =	vunpack.i.l.bf16.f32 v16;
	v19 =	vld [tilespmem:s24+$0xBD70]  }
0x50c: {  	v15 =	vmul.f32 v16, v15;
	v13 =	vmul.f32 v17, v13;
	v16 =	vunpack.i.u.bf16.f32 v21;
	v17 =	vld [tilespmem:s24+$0xDD70]  }
0x50d: {  	v20 =	vunpack.i.l.bf16.f32 v21;
	v21 =	vunpack.i.u.bf16.f32 v18;
	v18 =	vunpack.i.l.bf16.f32 v18  }
0x50e: {  	v18 =	vmul.f32 v18, v20;
	v16 =	vmul.f32 v21, v16;
	v20 =	vunpack.i.u.bf16.f32 v11  }
0x50f: {  	v11 =	vunpack.i.l.bf16.f32 v11;
	v21 =	vunpack.i.u.bf16.f32 v14;
	v14 =	vunpack.i.l.bf16.f32 v14  }
0x510: {  	v11 =	vmul.f32 v14, v11;
	v14 =	vmul.f32 v21, v20;
	v20 =	vunpack.i.u.bf16.f32 v19  }
0x511: {  	v19 =	vunpack.i.l.bf16.f32 v19;
	v21 =	vunpack.i.u.bf16.f32 v17;
	v17 =	vunpack.i.l.bf16.f32 v17;
	v22 =	vld [tilespmem:s24+$0xBC40]  }
0x512: {  	v8 =	vadd.f32 v8, v12;
	v12 =	vmul.f32 v17, v19;
	v17 =	vmul.f32 v21, v20;
	v19 =	vld [tilespmem:s24+$0xDC40]  }
0x513: {  	v13 =	vadd.f32 v15, v13;
	v15 =	vadd.f32 v18, v16  }
0x514: {  	v11 =	vadd.f32 v11, v14;
	v12 =	vadd.f32 v12, v17  }
0x515: {  	v10 =	vadd.f32 v8, v10;
	v8 =	vperm.xlane v7, v0;
	v16 =	vperm.xlane v9, v0;
	v14 =	vld [tilespmem:s24+$0xBC50]  }
0x516: {  	v13 =	vadd.f32 v15, v13;
	v11 =	vadd.f32 v12, v11;
	v12 =	vunpack.i.u.bf16.f32 v22;
	v15 =	vld [tilespmem:s24+$0xDC50]  }
0x517: {  	v17 =	vunpack.i.l.bf16.f32 v22;
	v18 =	vunpack.i.u.bf16.f32 v19;
	v19 =	vunpack.i.l.bf16.f32 v19;
	v20 =	vld [tilespmem:s24+$0xBC60]  }
0x518: {  	v11 =	vadd.f32 v11, v13;
	v13 =	vmul.f32 v19, v17;
	v12 =	vmul.f32 v18, v12;
	v17 =	vld [tilespmem:s24+$0xDC60]  }
0x519: {  	v7 =	vadd.f32 v8, v7;
	v8 =	vadd.f32 v16, v9;
	v9 =	vperm.xlane v10, v0  }
0x51a: {  	v16 =	vunpack.i.u.bf16.f32 v14;
	v12 =	vadd.f32 v13, v12;
	v13 =	vperm.xlane v11, v0  }
0x51b: {  	v14 =	vunpack.i.l.bf16.f32 v14;
	v18 =	vunpack.i.u.bf16.f32 v15;
	v15 =	vunpack.i.l.bf16.f32 v15;
	v19 =	vld [tilespmem:s24+$0xBC70]  }
0x51c: {  	v14 =	vmul.f32 v15, v14;
	v15 =	vmul.f32 v18, v16;
	v16 =	vunpack.i.u.bf16.f32 v20;
	v18 =	vld [tilespmem:s24+$0xDC70]  }
0x51d: {  	v20 =	vunpack.i.l.bf16.f32 v20;
	v21 =	vunpack.i.u.bf16.f32 v17;
	v17 =	vunpack.i.l.bf16.f32 v17;
	v22 =	vld [tilespmem:s24+$0xBE40]  }
0x51e: {  	v17 =	vmul.f32 v17, v20;
	v16 =	vmul.f32 v21, v16;
	v14 =	vadd.f32 v14, v15;
	v15 =	vld [tilespmem:s24+$0xDE40]  }
0x51f: {  	v9 =	vadd.f32 v9, v10;
	v10 =	vadd.f32 v13, v11;
	v20 =	vld [tilespmem:s24+$0xBE50]  }
0x520: {  	v11 =	vunpack.i.u.bf16.f32 v19;
	v13 =	vadd.f32 v17, v16;
	v12 =	vadd.f32 v14, v12;
	v14 =	vld [tilespmem:s24+$0xDE50]  }
0x521: {  	v16 =	vunpack.i.l.bf16.f32 v19;
	v17 =	vunpack.i.u.bf16.f32 v18;
	v18 =	vunpack.i.l.bf16.f32 v18;
	v19 =	vld [tilespmem:s24+$0xBE60]  }
0x522: {  	v16 =	vmul.f32 v18, v16;
	v11 =	vmul.f32 v17, v11;
	v17 =	vunpack.i.u.bf16.f32 v22;
	v18 =	vld [tilespmem:s24+$0xDE60]  }
0x523: {  	v21 =	vunpack.i.l.bf16.f32 v22;
	v22 =	vunpack.i.u.bf16.f32 v15;
	v15 =	vunpack.i.l.bf16.f32 v15;
	v23 =	vld [tilespmem:s24+$0xBE70]  }
0x524: {  	v15 =	vmul.f32 v15, v21;
	v17 =	vmul.f32 v22, v17;
	v21 =	vunpack.i.u.bf16.f32 v20;
	v22 =	vld [tilespmem:s24+$0xDE70]  }
0x525: {  	v20 =	vunpack.i.l.bf16.f32 v20;
	v24 =	vunpack.i.u.bf16.f32 v14;
	v14 =	vunpack.i.l.bf16.f32 v14  }
0x526: {  	v14 =	vmul.f32 v14, v20;
	v20 =	vmul.f32 v24, v21;
	v21 =	vunpack.i.u.bf16.f32 v19  }
0x527: {  	v19 =	vunpack.i.l.bf16.f32 v19;
	v24 =	vunpack.i.u.bf16.f32 v18;
	v18 =	vunpack.i.l.bf16.f32 v18;
	v25 =	vld [tilespmem:s24+$0xBBC0]  }
0x528: {  	v18 =	vmul.f32 v18, v19;
	v19 =	vmul.f32 v24, v21;
	v21 =	vunpack.i.u.bf16.f32 v23;
	v24 =	vld [tilespmem:s24+$0xDBC0]  }
0x529: {  	v23 =	vunpack.i.l.bf16.f32 v23;
	v26 =	vunpack.i.u.bf16.f32 v22;
	v22 =	vunpack.i.l.bf16.f32 v22;
	v27 =	vld [tilespmem:s24+$0xBBD0]  }
0x52a: {  	v11 =	vadd.f32 v16, v11;
	v16 =	vmul.f32 v22, v23;
	v21 =	vmul.f32 v26, v21;
	v22 =	vld [tilespmem:s24+$0xDBD0]  }
0x52b: {  	v15 =	vadd.f32 v15, v17;
	v14 =	vadd.f32 v14, v20  }
0x52c: {  	v17 =	vadd.f32 v18, v19;
	v16 =	vadd.f32 v16, v21;
	v18 =	vunpack.i.u.bf16.f32 v25  }
0x52d: {  	v19 =	vunpack.i.l.bf16.f32 v25;
	v20 =	vunpack.i.u.bf16.f32 v24;
	v21 =	vunpack.i.l.bf16.f32 v24;
	v23 =	vld [tilespmem:s24+$0xBBE0]  }
0x52e: {  	v19 =	vmul.f32 v21, v19;
	v18 =	vmul.f32 v20, v18;
	v20 =	vunpack.i.u.bf16.f32 v27;
	v21 =	vld [tilespmem:s24+$0xDBE0]  }
0x52f: {  	v24 =	vunpack.i.l.bf16.f32 v27;
	v25 =	vunpack.i.u.bf16.f32 v22;
	v22 =	vunpack.i.l.bf16.f32 v22;
	v26 =	vld [tilespmem:s24+$0xBBF0]  }
0x530: {  	v11 =	vadd.f32 v11, v13;
	v13 =	vmul.f32 v22, v24;
	v20 =	vmul.f32 v25, v20;
	v22 =	vld [tilespmem:s24+$0xDBF0]  }
0x531: {  	v14 =	vadd.f32 v14, v15;
	v15 =	vadd.f32 v16, v17  }
0x532: {  	v17 =	vadd.f32 v19, v18;
	v16 =	vunpack.i.u.bf16.f32 v23;
	v13 =	vadd.f32 v13, v20  }
0x533: {  	v18 =	vunpack.i.l.bf16.f32 v23;
	v19 =	vunpack.i.u.bf16.f32 v21;
	v20 =	vunpack.i.l.bf16.f32 v21;
	v21 =	vld [tilespmem:s24+$0xBDC0]  }
0x534: {  	v18 =	vmul.f32 v20, v18;
	v16 =	vmul.f32 v19, v16;
	v19 =	vunpack.i.u.bf16.f32 v26;
	v20 =	vld [tilespmem:s24+$0xDDC0]  }
0x535: {  	v23 =	vunpack.i.l.bf16.f32 v26;
	v24 =	vunpack.i.u.bf16.f32 v22;
	v22 =	vunpack.i.l.bf16.f32 v22;
	v25 =	vld [tilespmem:s24+$0xBDD0]  }
0x536: {  	v11 =	vadd.f32 v11, v12;
	v22 =	vmul.f32 v22, v23;
	v19 =	vmul.f32 v24, v19;
	v23 =	vld [tilespmem:s24+$0xDDD0]  }
0x537: {  	v12 =	vadd.f32 v15, v14;
	v13 =	vadd.f32 v13, v17;
	v14 =	vld [tilespmem:s24+$0xBDE0]  }
0x538: {  	v15 =	vadd.f32 v18, v16;
	v16 =	vadd.f32 v22, v19;
	v17 =	vunpack.i.u.bf16.f32 v21;
	v18 =	vld [tilespmem:s24+$0xDDE0]  }
0x539: {  	v19 =	vunpack.i.l.bf16.f32 v21;
	v21 =	vunpack.i.u.bf16.f32 v20;
	v20 =	vunpack.i.l.bf16.f32 v20;
	v22 =	vld [tilespmem:s24+$0xBDF0]  }
0x53a: {  	v19 =	vmul.f32 v20, v19;
	v17 =	vmul.f32 v21, v17;
	v20 =	vunpack.i.u.bf16.f32 v25;
	v21 =	vld [tilespmem:s24+$0xDDF0]  }
0x53b: {  	v24 =	vunpack.i.l.bf16.f32 v25;
	v25 =	vunpack.i.u.bf16.f32 v23;
	v23 =	vunpack.i.l.bf16.f32 v23  }
0x53c: {  	v23 =	vmul.f32 v23, v24;
	v20 =	vmul.f32 v25, v20;
	v24 =	vunpack.i.u.bf16.f32 v14  }
0x53d: {  	v14 =	vunpack.i.l.bf16.f32 v14;
	v25 =	vunpack.i.u.bf16.f32 v18;
	v18 =	vunpack.i.l.bf16.f32 v18;
	v26 =	vld [tilespmem:s24+$0xBCC0]  }
0x53e: {  	v18 =	vmul.f32 v18, v14;
	v24 =	vmul.f32 v25, v24;
	v25 =	vunpack.i.u.bf16.f32 v22;
	v27 =	vld [tilespmem:s24+$0xDCC0]  }
0x53f: {  	v22 =	vunpack.i.l.bf16.f32 v22;
	v28 =	vunpack.i.u.bf16.f32 v21;
	v21 =	vunpack.i.l.bf16.f32 v21;
	v29 =	vld [tilespmem:s24+$0xBCD0]  }
0x540: {  	v14 =	vadd.f32 v16, v15;
	v15 =	vmul.f32 v21, v22;
	v16 =	vmul.f32 v28, v25;
	v21 =	vld [tilespmem:s24+$0xDCD0]  }
0x541: {  	v17 =	vadd.f32 v19, v17;
	v19 =	vadd.f32 v23, v20;
	v20 =	vld [tilespmem:s24+$0xBCE0]  }
0x542: {  	v18 =	vadd.f32 v18, v24;
	v16 =	vadd.f32 v15, v16;
	v15 =	vunpack.i.u.bf16.f32 v26;
	v22 =	vld [tilespmem:s24+$0xDCE0]  }
0x543: {  	v23 =	vunpack.i.l.bf16.f32 v26;
	v24 =	vunpack.i.u.bf16.f32 v27;
	v25 =	vunpack.i.l.bf16.f32 v27  }
0x544: {  	v23 =	vmul.f32 v25, v23;
	v24 =	vmul.f32 v24, v15;
	v15 =	vunpack.i.u.bf16.f32 v29  }
0x545: {  	v25 =	vunpack.i.l.bf16.f32 v29;
	v26 =	vunpack.i.u.bf16.f32 v21;
	v21 =	vunpack.i.l.bf16.f32 v21;
	v27 =	vld [tilespmem:s24+$0xBCF0]  }
0x546: {  	v21 =	vmul.f32 v21, v25;
	v25 =	vmul.f32 v26, v15;
	v26 =	vunpack.i.u.bf16.f32 v20;
	v28 =	vld [tilespmem:s24+$0xDCF0]  }
0x547: {  	v20 =	vunpack.i.l.bf16.f32 v20;
	v29 =	vunpack.i.u.bf16.f32 v22;
	v22 =	vunpack.i.l.bf16.f32 v22;
	v30 =	vld [tilespmem:s24+$0xBEC0]  }
0x548: {  	v15 =	vadd.f32 v19, v17;
	v19 =	vmul.f32 v22, v20;
	v20 =	vmul.f32 v29, v26;
	v31 =	vld [tilespmem:s24+$0xDEC0]  }
.Ltmp7:
0x549: {  	v16 =	vadd.f32 v16, v18;
	v17 =	vadd.f32 v23, v24;
	v22 =	vld [tilespmem:s24+$0xBED0];
	(pc) =	sbr.rel @p0 .LBB2_7-.Ltmp7, $4  }
0x54a: {  	v18 =	vadd.f32 v21, v25;
	v26 =	vunpack.i.u.bf16.f32 v27;
	v19 =	vadd.f32 v19, v20;
	v24 =	vld [tilespmem:s24+$0xDED0]  }
0x54b: {  	v20 =	vunpack.i.l.bf16.f32 v27;
	v21 =	vunpack.i.u.bf16.f32 v28;
	v25 =	vunpack.i.l.bf16.f32 v28;
	v23 =	vld [tilespmem:s24+$0xBEE0]  }
0x54c: {  	v20 =	vmul.f32 v25, v20;
	v21 =	vmul.f32 v21, v26;
	v27 =	vunpack.i.u.bf16.f32 v30;
	v26 =	vld [tilespmem:s24+$0xDEE0]  }
0x54d: {  	s26 =	sadd.s32 $0x1000, s26;
	v28 =	vunpack.i.l.bf16.f32 v30;
	v29 =	vunpack.i.u.bf16.f32 v31;
	v30 =	vunpack.i.l.bf16.f32 v31;
	v25 =	vld [tilespmem:s24+$0xBEF0]  }
.Ltmp8:
0x54e: {  	_ = 	snop;
	(pc) =	sbr.rel .LBB2_8-.Ltmp8, $1  }
0x54f: {  	_ =	sdelay $0x3  }
.LBB2_11:
0x550: {  	_ =	sfence.sel $0x180000  }
0x551: {  	[bflag:$0x0] =	sbarrier.arrive $0xFFFF  }
0x552: {  	p0 =	sne.s32 s0, $0x0;
	_ =	strace $0x90000047  }
0x553: {  	s0 =	sadd.s32 @!p0 $0x100000, s1;
	[bflag:$0x2] =	sbarrier.arrive $0xFFFF  }
0x554: {  	[sflag:s0] =	ssyncadd.tile.s32 @!p0 $0x1;
	_ =	shalt  }
.Lfunc_end2:
_tile_overlayer_lowered:
.L_overlay_start_2:
0x555: {  	(tag) =	ssettag $0x2  }
0x556: {  	s0 =	rddreg [dreg:$0x0];
	s2 =	stileid.u32  }
0x557: {  	s1 =	rddreg [dreg:$0x1];
	p0 =	sne.s32 s2, $0x0  }
0x558: {  	s3 =	rddreg [dreg:$0x2];
	[bflag:$0x3] =	sbarrier.arrive $0xFFFF;
	s2 =	simm.s32 @!p0 $0x1C05  }
0x559: {  	[timem:s3], [sflag:s2] =	dma.local @!p0 [hbm:s0], s1  }
0x55a: {  	s0 =	simm.s32 @!p0 $0x5  }
0x55b: {  	_ =	swait.ge @!p0 [sflag:s0], s1  }
0x55c: {  	s1 =	ssub.s32 @!p0 $0x0, s1;
	[sflag:s0] =	ssyncset.done @!p0 $0x0  }
0x55d: {  	[sflag:s0] =	ssyncadd.s32 @!p0 s1  }
0x55e: {  	[bflag:$0x3] =	sbarrier.arrive $0xFFFF  }
0x55f: {  	_ =	shalt  }

</sc_bundles>
